<compile_context>
chip_gen: v7x
topology: tpu7x:2x2x1
jax: 0.10.2.dev20260603
libtpu: 0.0.44.dev20260713+nightly
codegen_flags: <defaults>
</compile_context>

<pallas_src>
import functools

import jax
import jax.numpy as jnp
from jax import lax
from jax.experimental import pallas as pl
from jax.experimental.pallas import tpu as pltpu
from jax.experimental.pallas import tpu_sc as plsc

B = 16384
K = 128
NC = 2
NS = 16
L = 16
NW = NC * NS
BPW = B // NW
CH = 128
NCH = BPW // CH
GPC = CH // L

_mesh = plsc.VectorSubcoreMesh(core_axis_name="c", subcore_axis_name="s")


@functools.partial(
    pl.kernel,
    out_type=jax.ShapeDtypeStruct((B,), jnp.float32),
    mesh=_mesh,
    compiler_params=pltpu.CompilerParams(needs_layout_passes=False),
    scratch_types=[
        pltpu.VMEM((BPW,), jnp.int32),
        pltpu.VMEM((BPW,), jnp.int32),
        pltpu.VMEM((NCH, CH, K), jnp.float32),
        pltpu.VMEM((2, CH, K), jnp.float32),
        pltpu.VMEM((GPC * L * L,), jnp.float32),
        pltpu.VMEM((BPW,), jnp.float32),
        pltpu.SemaphoreType.DMA,
        pltpu.SemaphoreType.DMA,
    ],
)
def _mf_kernel(stock_hbm, field_hbm, sw_hbm, fw_hbm, out_hbm,
               sidx, fidx, srows, frows, colbuf, outv, sem0, sem1):
    wid = lax.axis_index("s") * NC + lax.axis_index("c")
    base = wid * BPW

    sems = (sem0, sem1)
    iota = lax.iota(jnp.int32, L)

    di1 = pltpu.async_copy(stock_hbm.at[pl.ds(base, BPW)], sidx, sem0)
    di2 = pltpu.async_copy(field_hbm.at[pl.ds(base, BPW)], fidx, sem1)
    di1.wait()
    di2.wait()

    for c in range(NCH):
        pltpu.async_copy(sw_hbm.at[sidx.at[pl.ds(c * CH, CH)]],
                         srows.at[c], sems[0])

    def start_field(c, buf):
        pltpu.async_copy(fw_hbm.at[fidx.at[pl.ds(c * CH, CH)]],
                         frows.at[buf], sems[1])

    def wait_chunk(buf):
        pltpu.make_async_copy(sw_hbm.at[pl.ds(0, CH)], srows.at[0],
                              sems[0]).wait()
        pltpu.make_async_copy(fw_hbm.at[pl.ds(0, CH)], frows.at[buf],
                              sems[1]).wait()

    def compute_chunk(c, buf):
        sb = srows.at[c]
        fb = frows.at[buf]

        @plsc.parallel_loop(0, GPC, 1, unroll=1)
        def gbody(g):
            gb = g * L
            cb = g * (L * L)
            for j in range(L):
                bj = gb + j
                acc0 = sb[bj, pl.ds(0, L)] * fb[bj, pl.ds(0, L)]
                acc1 = sb[bj, pl.ds(L, L)] * fb[bj, pl.ds(L, L)]
                for k in range(2, K // L, 2):
                    acc0 = acc0 + (sb[bj, pl.ds(k * L, L)]
                                   * fb[bj, pl.ds(k * L, L)])
                    acc1 = acc1 + (sb[bj, pl.ds((k + 1) * L, L)]
                                   * fb[bj, pl.ds((k + 1) * L, L)])
                colbuf[pl.ds(cb + j * L, L)] = acc0 + acc1
            col = cb + iota * L
            tot0 = plsc.load_gather(colbuf, [col])
            tot1 = plsc.load_gather(colbuf, [col + 1])
            for i in range(2, L, 2):
                tot0 = tot0 + plsc.load_gather(colbuf, [col + i])
                tot1 = tot1 + plsc.load_gather(colbuf, [col + i + 1])
            tot = tot0 + tot1
            outv[pl.ds(c * CH + gb, L)] = tot

    start_field(0, 0)

    def chunk_body(c, carry):
        s = lax.rem(c, 2)
        wait_chunk(s)

        @pl.when(c + 1 < NCH)
        def _prefetch():
            start_field(c + 1, 1 - s)

        compute_chunk(c, s)
        return carry

    lax.fori_loop(0, NCH, chunk_body, 0)

    pltpu.sync_copy(outv, out_hbm.at[pl.ds(base, BPW)])


def kernel(stock, field, stock_intr_weight, field_corr_weight):
    return _mf_kernel(stock.astype(jnp.int32), field.astype(jnp.int32),
                      stock_intr_weight, field_corr_weight)

# --- scband reference (transcript-rebuilt; emitter-appended) ---
"""Pipeline reference for scband-matrix-factorization-57552561766719 (READ-ONLY COPY).

The authoritative reference and input builder live on the scoring server;
editing this copy changes nothing except your own understanding.
"""

import jax, jax.numpy as jnp
import numpy as np

STOCK_N = 100000
FIELD_N = 1000
K = 128
BATCH = 16384


def setup_inputs(seed: int = 0) -> dict:
    key = jax.random.key(seed)
    k1, k2, k3, k4 = jax.random.split(key, 4)
    stock = jax.random.randint(k1, (BATCH,), 0, STOCK_N, dtype=jnp.int64) if jax.config.jax_enable_x64 else jax.random.randint(k1, (BATCH,), 0, STOCK_N, dtype=jnp.int32)
    field = jax.random.randint(k2, (BATCH,), 0, FIELD_N, dtype=jnp.int32)
    stock_intr_weight = jax.random.normal(k3, (STOCK_N, K), dtype=jnp.float32)
    field_corr_weight = jax.random.normal(k4, (FIELD_N, K), dtype=jnp.float32)
    return {
        "stock": stock,
        "field": field,
        "stock_intr_weight": stock_intr_weight,
        "field_corr_weight": field_corr_weight,
    }


def reference(stock, field, stock_intr_weight, field_corr_weight):
    # nn.Embedding lookup -> jnp.take along axis 0
    stock_vecs = jnp.take(stock_intr_weight, stock, axis=0)   # [B, K]
    field_vecs = jnp.take(field_corr_weight, field, axis=0)   # [B, K]
    # (stock_intr(stock) * field_corr(field)).sum(1)
    return (stock_vecs * field_vecs).sum(axis=1)               # [B]

if __name__ == "__main__":
    import jax
    _d = setup_inputs()
    print(jax.jit(kernel)(*tuple(_d.values())))

</pallas_src>

<mosaic_0001>
#map = affine_map<(d0, d1) -> (0)>
#map1 = affine_map<(d0, d1) -> (0, 0)>
module attributes {stable_mosaic.version = 14 : i64} {
  func.func @_mf_kernel(%arg0: i32, %arg1: i32, %arg2: memref<16384xi32, #tpu.memory_space<hbm>>, %arg3: memref<16384xi32, #tpu.memory_space<hbm>>, %arg4: memref<100000x128xf32, #tpu.memory_space<hbm>>, %arg5: memref<1000x128xf32, #tpu.memory_space<hbm>>, %arg6: memref<16384xf32, #tpu.memory_space<hbm>>, %arg7: memref<512xi32, #tpu.memory_space<vmem>>, %arg8: memref<512xi32, #tpu.memory_space<vmem>>, %arg9: memref<4x128x128xf32, #tpu.memory_space<vmem>>, %arg10: memref<2x128x128xf32, #tpu.memory_space<vmem>>, %arg11: memref<2048xf32, #tpu.memory_space<vmem>>, %arg12: memref<512xf32, #tpu.memory_space<vmem>>, %arg13: memref<!tpu.dma_semaphore, #tpu.memory_space<semaphore_mem>>, %arg14: memref<!tpu.dma_semaphore, #tpu.memory_space<semaphore_mem>>) attributes {dimension_semantics = [#tpu.dimension_semantics<core_parallel>, #tpu.dimension_semantics<subcore_parallel>], iteration_bounds = array<i64: 2, 16>, scalar_prefetch = 0 : i64, scratch_operands = 8 : i64, tpu.core_type = #tpu.core_type<sc_vector_subcore>, window_params = [{transform_indices = #map}, {transform_indices = #map}, {transform_indices = #map1}, {transform_indices = #map1}, {transform_indices = #map}]} {
    %mul3A = arith.constant 2 : i32
    %mul3A_0 = arith.muli %arg1, %mul3A : i32
    %add3A = arith.addi %mul3A_0, %arg0 : i32
    %mul3A_1 = arith.constant 512 : i32
    %mul3A_2 = arith.muli %add3A, %mul3A_1 : i32
    %iota3A = tpu.iota {dimensions = array<i32: 0>} : vector<16xi32>
    %dma_start3A = tpu.memref_slice %arg2[%mul3A_2] : memref<16384xi32, #tpu.memory_space<hbm>> -> memref<512xi32, #tpu.memory_space<hbm>>
    %dma_start3A_3 = tpu.memref_slice %arg2[%mul3A_2] : memref<16384xi32, #tpu.memory_space<hbm>> -> memref<512xi32, #tpu.memory_space<hbm>>
    tpu.enqueue_dma source(%dma_start3A_3 : memref<512xi32, #tpu.memory_space<hbm>>) target(%arg7 : memref<512xi32, #tpu.memory_space<vmem>>) target_semaphore(%arg13 : memref<!tpu.dma_semaphore, #tpu.memory_space<semaphore_mem>>)
    %dma_start3A_4 = tpu.memref_slice %arg3[%mul3A_2] : memref<16384xi32, #tpu.memory_space<hbm>> -> memref<512xi32, #tpu.memory_space<hbm>>
    %dma_start3A_5 = tpu.memref_slice %arg3[%mul3A_2] : memref<16384xi32, #tpu.memory_space<hbm>> -> memref<512xi32, #tpu.memory_space<hbm>>
    tpu.enqueue_dma source(%dma_start3A_5 : memref<512xi32, #tpu.memory_space<hbm>>) target(%arg8 : memref<512xi32, #tpu.memory_space<vmem>>) target_semaphore(%arg14 : memref<!tpu.dma_semaphore, #tpu.memory_space<semaphore_mem>>)
    %dma_wait3A = tpu.memref_slice %arg2[%mul3A_2] : memref<16384xi32, #tpu.memory_space<hbm>> -> memref<512xi32, #tpu.memory_space<hbm>>
    %dma_wait3A_6 = tpu.memref_slice %arg2[%mul3A_2] : memref<16384xi32, #tpu.memory_space<hbm>> -> memref<512xi32, #tpu.memory_space<hbm>>
    tpu.wait_dma2 semaphore(%arg13 : memref<!tpu.dma_semaphore, #tpu.memory_space<semaphore_mem>>) src(%dma_wait3A_6 : memref<512xi32, #tpu.memory_space<hbm>>) dst(%arg7 : memref<512xi32, #tpu.memory_space<vmem>>)
    %dma_wait3A_7 = tpu.memref_slice %arg3[%mul3A_2] : memref<16384xi32, #tpu.memory_space<hbm>> -> memref<512xi32, #tpu.memory_space<hbm>>
    %dma_wait3A_8 = tpu.memref_slice %arg3[%mul3A_2] : memref<16384xi32, #tpu.memory_space<hbm>> -> memref<512xi32, #tpu.memory_space<hbm>>
    tpu.wait_dma2 semaphore(%arg14 : memref<!tpu.dma_semaphore, #tpu.memory_space<semaphore_mem>>) src(%dma_wait3A_8 : memref<512xi32, #tpu.memory_space<hbm>>) dst(%arg8 : memref<512xi32, #tpu.memory_space<vmem>>)
    %dma_start3A_9 = arith.constant 0 : i32
    %dma_start3A_10 = arith.constant 0 : i32
    %dma_start3A_11 = arith.constant 0 : i32
    %dma_start3A_12 = tpu.memref_slice %arg9[%dma_start3A_9, %dma_start3A_10, %dma_start3A_11] : memref<4x128x128xf32, #tpu.memory_space<vmem>> -> memref<1x128x128xf32, #tpu.memory_space<vmem>>
    %dma_start3A_13 = tpu.memref_squeeze %dma_start3A_12 : memref<1x128x128xf32, #tpu.memory_space<vmem>> -> memref<128x128xf32, #tpu.memory_space<vmem>>
    %dma_start3A_14 = arith.constant 0 : i32
    %dma_start3A_15 = tpu.memref_slice %arg7[%dma_start3A_14] : memref<512xi32, #tpu.memory_space<vmem>> -> memref<128xi32, #tpu.memory_space<vmem>>
    %dma_start3A_16 = arith.constant 0 : i32
    %dma_start3A_17 = arith.constant 0 : i32
    %dma_start3A_18 = tpu.memref_slice %arg4[%dma_start3A_16, %dma_start3A_17] : memref<100000x128xf32, #tpu.memory_space<hbm>> -> memref<100000x128xf32, #tpu.memory_space<hbm>>
    tpu.enqueue_indirect_dma source(%dma_start3A_18 : memref<100000x128xf32, #tpu.memory_space<hbm>>) target(%dma_start3A_13 : memref<128x128xf32, #tpu.memory_space<vmem>>) offsets(%dma_start3A_15 : memref<128xi32, #tpu.memory_space<vmem>>) semaphore(%arg13 : memref<!tpu.dma_semaphore, #tpu.memory_space<semaphore_mem>>)
    %dma_start3A_19 = arith.constant 1 : i32
    %dma_start3A_20 = arith.constant 0 : i32
    %dma_start3A_21 = arith.constant 0 : i32
    %dma_start3A_22 = tpu.memref_slice %arg9[%dma_start3A_19, %dma_start3A_20, %dma_start3A_21] : memref<4x128x128xf32, #tpu.memory_space<vmem>> -> memref<1x128x128xf32, #tpu.memory_space<vmem>>
    %dma_start3A_23 = tpu.memref_squeeze %dma_start3A_22 : memref<1x128x128xf32, #tpu.memory_space<vmem>> -> memref<128x128xf32, #tpu.memory_space<vmem>>
    %dma_start3A_24 = arith.constant 128 : i32
    %dma_start3A_25 = tpu.memref_slice %arg7[%dma_start3A_24] : memref<512xi32, #tpu.memory_space<vmem>> -> memref<128xi32, #tpu.memory_space<vmem>>
    %dma_start3A_26 = arith.constant 0 : i32
    %dma_start3A_27 = arith.constant 0 : i32
    %dma_start3A_28 = tpu.memref_slice %arg4[%dma_start3A_26, %dma_start3A_27] : memref<100000x128xf32, #tpu.memory_space<hbm>> -> memref<100000x128xf32, #tpu.memory_space<hbm>>
    tpu.enqueue_indirect_dma source(%dma_start3A_28 : memref<100000x128xf32, #tpu.memory_space<hbm>>) target(%dma_start3A_23 : memref<128x128xf32, #tpu.memory_space<vmem>>) offsets(%dma_start3A_25 : memref<128xi32, #tpu.memory_space<vmem>>) semaphore(%arg13 : memref<!tpu.dma_semaphore, #tpu.memory_space<semaphore_mem>>)
    %dma_start3A_29 = arith.constant 2 : i32
    %dma_start3A_30 = arith.constant 0 : i32
    %dma_start3A_31 = arith.constant 0 : i32
    %dma_start3A_32 = tpu.memref_slice %arg9[%dma_start3A_29, %dma_start3A_30, %dma_start3A_31] : memref<4x128x128xf32, #tpu.memory_space<vmem>> -> memref<1x128x128xf32, #tpu.memory_space<vmem>>
    %dma_start3A_33 = tpu.memref_squeeze %dma_start3A_32 : memref<1x128x128xf32, #tpu.memory_space<vmem>> -> memref<128x128xf32, #tpu.memory_space<vmem>>
    %dma_start3A_34 = arith.constant 256 : i32
    %dma_start3A_35 = tpu.memref_slice %arg7[%dma_start3A_34] : memref<512xi32, #tpu.memory_space<vmem>> -> memref<128xi32, #tpu.memory_space<vmem>>
    %dma_start3A_36 = arith.constant 0 : i32
    %dma_start3A_37 = arith.constant 0 : i32
    %dma_start3A_38 = tpu.memref_slice %arg4[%dma_start3A_36, %dma_start3A_37] : memref<100000x128xf32, #tpu.memory_space<hbm>> -> memref<100000x128xf32, #tpu.memory_space<hbm>>
    tpu.enqueue_indirect_dma source(%dma_start3A_38 : memref<100000x128xf32, #tpu.memory_space<hbm>>) target(%dma_start3A_33 : memref<128x128xf32, #tpu.memory_space<vmem>>) offsets(%dma_start3A_35 : memref<128xi32, #tpu.memory_space<vmem>>) semaphore(%arg13 : memref<!tpu.dma_semaphore, #tpu.memory_space<semaphore_mem>>)
    %dma_start3A_39 = arith.constant 3 : i32
    %dma_start3A_40 = arith.constant 0 : i32
    %dma_start3A_41 = arith.constant 0 : i32
    %dma_start3A_42 = tpu.memref_slice %arg9[%dma_start3A_39, %dma_start3A_40, %dma_start3A_41] : memref<4x128x128xf32, #tpu.memory_space<vmem>> -> memref<1x128x128xf32, #tpu.memory_space<vmem>>
    %dma_start3A_43 = tpu.memref_squeeze %dma_start3A_42 : memref<1x128x128xf32, #tpu.memory_space<vmem>> -> memref<128x128xf32, #tpu.memory_space<vmem>>
    %dma_start3A_44 = arith.constant 384 : i32
    %dma_start3A_45 = tpu.memref_slice %arg7[%dma_start3A_44] : memref<512xi32, #tpu.memory_space<vmem>> -> memref<128xi32, #tpu.memory_space<vmem>>
    %dma_start3A_46 = arith.constant 0 : i32
    %dma_start3A_47 = arith.constant 0 : i32
    %dma_start3A_48 = tpu.memref_slice %arg4[%dma_start3A_46, %dma_start3A_47] : memref<100000x128xf32, #tpu.memory_space<hbm>> -> memref<100000x128xf32, #tpu.memory_space<hbm>>
    tpu.enqueue_indirect_dma source(%dma_start3A_48 : memref<100000x128xf32, #tpu.memory_space<hbm>>) target(%dma_start3A_43 : memref<128x128xf32, #tpu.memory_space<vmem>>) offsets(%dma_start3A_45 : memref<128xi32, #tpu.memory_space<vmem>>) semaphore(%arg13 : memref<!tpu.dma_semaphore, #tpu.memory_space<semaphore_mem>>)
    %dma_start3A_49 = arith.constant 0 : i32
    %dma_start3A_50 = arith.constant 0 : i32
    %dma_start3A_51 = arith.constant 0 : i32
    %dma_start3A_52 = tpu.memref_slice %arg10[%dma_start3A_49, %dma_start3A_50, %dma_start3A_51] : memref<2x128x128xf32, #tpu.memory_space<vmem>> -> memref<1x128x128xf32, #tpu.memory_space<vmem>>
    %dma_start3A_53 = tpu.memref_squeeze %dma_start3A_52 : memref<1x128x128xf32, #tpu.memory_space<vmem>> -> memref<128x128xf32, #tpu.memory_space<vmem>>
    %dma_start3A_54 = arith.constant 0 : i32
    %dma_start3A_55 = tpu.memref_slice %arg8[%dma_start3A_54] : memref<512xi32, #tpu.memory_space<vmem>> -> memref<128xi32, #tpu.memory_space<vmem>>
    %dma_start3A_56 = arith.constant 0 : i32
    %dma_start3A_57 = arith.constant 0 : i32
    %dma_start3A_58 = tpu.memref_slice %arg5[%dma_start3A_56, %dma_start3A_57] : memref<1000x128xf32, #tpu.memory_space<hbm>> -> memref<1000x128xf32, #tpu.memory_space<hbm>>
    tpu.enqueue_indirect_dma source(%dma_start3A_58 : memref<1000x128xf32, #tpu.memory_space<hbm>>) target(%dma_start3A_53 : memref<128x128xf32, #tpu.memory_space<vmem>>) offsets(%dma_start3A_55 : memref<128xi32, #tpu.memory_space<vmem>>) semaphore(%arg14 : memref<!tpu.dma_semaphore, #tpu.memory_space<semaphore_mem>>)
    %scan3A = arith.constant 0 : i32
    %scan3A_59 = arith.constant 0 : i32
    %scan3A_60 = arith.constant 4 : i32
    %scan3A_61 = arith.addi %scan3A_59, %scan3A_60 : i32
    %scan3A_62 = arith.constant 1 : i32
    scf.for %scan3A_64 = %scan3A_59 to %scan3A_61 step %scan3A_62  : i32 {
      %rem3A = arith.constant 2 : i32
      %rem3A_65 = arith.remsi %scan3A_64, %rem3A : i32
      %dma_wait3A_66 = arith.constant 0 : i32
      %dma_wait3A_67 = arith.constant 0 : i32
      %dma_wait3A_68 = arith.constant 0 : i32
      %dma_wait3A_69 = tpu.memref_slice %arg9[%dma_wait3A_66, %dma_wait3A_67, %dma_wait3A_68] : memref<4x128x128xf32, #tpu.memory_space<vmem>> -> memref<1x128x128xf32, #tpu.memory_space<vmem>>
      %dma_wait3A_70 = tpu.memref_squeeze %dma_wait3A_69 : memref<1x128x128xf32, #tpu.memory_space<vmem>> -> memref<128x128xf32, #tpu.memory_space<vmem>>
      %dma_wait3A_71 = arith.constant 0 : i32
      %dma_wait3A_72 = arith.constant 0 : i32
      %dma_wait3A_73 = tpu.memref_slice %arg4[%dma_wait3A_71, %dma_wait3A_72] : memref<100000x128xf32, #tpu.memory_space<hbm>> -> memref<128x128xf32, #tpu.memory_space<hbm>>
      %dma_wait3A_74 = arith.constant 0 : i32
      %dma_wait3A_75 = arith.constant 0 : i32
      %dma_wait3A_76 = tpu.memref_slice %arg9[%dma_wait3A_66, %dma_wait3A_74, %dma_wait3A_75] : memref<4x128x128xf32, #tpu.memory_space<vmem>> -> memref<1x128x128xf32, #tpu.memory_space<vmem>>
      %dma_wait3A_77 = tpu.memref_squeeze %dma_wait3A_76 : memref<1x128x128xf32, #tpu.memory_space<vmem>> -> memref<128x128xf32, #tpu.memory_space<vmem>>
      %dma_wait3A_78 = arith.constant 0 : i32
      %dma_wait3A_79 = arith.constant 0 : i32
      %dma_wait3A_80 = tpu.memref_slice %arg4[%dma_wait3A_78, %dma_wait3A_79] : memref<100000x128xf32, #tpu.memory_space<hbm>> -> memref<128x128xf32, #tpu.memory_space<hbm>>
      tpu.wait_dma2 semaphore(%arg13 : memref<!tpu.dma_semaphore, #tpu.memory_space<semaphore_mem>>) src(%dma_wait3A_80 : memref<128x128xf32, #tpu.memory_space<hbm>>) dst(%dma_wait3A_77 : memref<128x128xf32, #tpu.memory_space<vmem>>)
      %dma_wait3A_81 = arith.constant 0 : i32
      %dma_wait3A_82 = arith.constant 0 : i32
      %dma_wait3A_83 = tpu.memref_slice %arg10[%rem3A_65, %dma_wait3A_81, %dma_wait3A_82] : memref<2x128x128xf32, #tpu.memory_space<vmem>> -> memref<1x128x128xf32, #tpu.memory_space<vmem>>
      %dma_wait3A_84 = tpu.memref_squeeze %dma_wait3A_83 : memref<1x128x128xf32, #tpu.memory_space<vmem>> -> memref<128x128xf32, #tpu.memory_space<vmem>>
      %dma_wait3A_85 = arith.constant 0 : i32
      %dma_wait3A_86 = arith.constant 0 : i32
      %dma_wait3A_87 = tpu.memref_slice %arg5[%dma_wait3A_85, %dma_wait3A_86] : memref<1000x128xf32, #tpu.memory_space<hbm>> -> memref<128x128xf32, #tpu.memory_space<hbm>>
      %dma_wait3A_88 = arith.constant 0 : i32
      %dma_wait3A_89 = arith.constant 0 : i32
      %dma_wait3A_90 = tpu.memref_slice %arg10[%rem3A_65, %dma_wait3A_88, %dma_wait3A_89] : memref<2x128x128xf32, #tpu.memory_space<vmem>> -> memref<1x128x128xf32, #tpu.memory_space<vmem>>
      %dma_wait3A_91 = tpu.memref_squeeze %dma_wait3A_90 : memref<1x128x128xf32, #tpu.memory_space<vmem>> -> memref<128x128xf32, #tpu.memory_space<vmem>>
      %dma_wait3A_92 = arith.constant 0 : i32
      %dma_wait3A_93 = arith.constant 0 : i32
      %dma_wait3A_94 = tpu.memref_slice %arg5[%dma_wait3A_92, %dma_wait3A_93] : memref<1000x128xf32, #tpu.memory_space<hbm>> -> memref<128x128xf32, #tpu.memory_space<hbm>>
      tpu.wait_dma2 semaphore(%arg14 : memref<!tpu.dma_semaphore, #tpu.memory_space<semaphore_mem>>) src(%dma_wait3A_94 : memref<128x128xf32, #tpu.memory_space<hbm>>) dst(%dma_wait3A_91 : memref<128x128xf32, #tpu.memory_space<vmem>>)
      %add3A_95 = arith.constant 1 : i32
      %add3A_96 = arith.addi %scan3A_64, %add3A_95 : i32
      %lt3A = arith.constant 4 : i32
      %lt3A_97 = arith.cmpi slt, %add3A_96, %lt3A : i32
      %convert_element_type3A = arith.extui %lt3A_97 : i1 to i32
      %cond3A = arith.constant 0 : i32
      %cond3A_98 = arith.cmpi ne, %convert_element_type3A, %cond3A : i32
      scf.if %cond3A_98 {
        %add3A_101 = arith.constant 1 : i32
        %add3A_102 = arith.addi %scan3A_64, %add3A_101 : i32
        %sub3A = arith.constant 1 : i32
        %sub3A_103 = arith.subi %sub3A, %rem3A_65 : i32
        %mul3A_104 = arith.constant 128 : i32
        %mul3A_105 = arith.muli %add3A_102, %mul3A_104 : i32
        %dma_start3A_106 = arith.constant 0 : i32
        %dma_start3A_107 = arith.constant 0 : i32
        %dma_start3A_108 = tpu.memref_slice %arg10[%sub3A_103, %dma_start3A_106, %dma_start3A_107] : memref<2x128x128xf32, #tpu.memory_space<vmem>> -> memref<1x128x128xf32, #tpu.memory_space<vmem>>
        %dma_start3A_109 = tpu.memref_squeeze %dma_start3A_108 : memref<1x128x128xf32, #tpu.memory_space<vmem>> -> memref<128x128xf32, #tpu.memory_space<vmem>>
        %dma_start3A_110 = tpu.memref_slice %arg8[%mul3A_105] : memref<512xi32, #tpu.memory_space<vmem>> -> memref<128xi32, #tpu.memory_space<vmem>>
        %dma_start3A_111 = arith.constant 0 : i32
        %dma_start3A_112 = arith.constant 0 : i32
        %dma_start3A_113 = tpu.memref_slice %arg5[%dma_start3A_111, %dma_start3A_112] : memref<1000x128xf32, #tpu.memory_space<hbm>> -> memref<1000x128xf32, #tpu.memory_space<hbm>>
        tpu.enqueue_indirect_dma source(%dma_start3A_113 : memref<1000x128xf32, #tpu.memory_space<hbm>>) target(%dma_start3A_109 : memref<128x128xf32, #tpu.memory_space<vmem>>) offsets(%dma_start3A_110 : memref<128xi32, #tpu.memory_space<vmem>>) semaphore(%arg14 : memref<!tpu.dma_semaphore, #tpu.memory_space<semaphore_mem>>)
      } else {
      }
      %parallel_loop3A = arith.constant 0 : i32
      %parallel_loop3A_99 = arith.constant 8 : i32
      %parallel_loop3A_100 = arith.constant 1 : i32
      scf.for %parallel_loop3A_101 = %parallel_loop3A to %parallel_loop3A_99 step %parallel_loop3A_100  : i32 {
        %parallel_loop3A_102 = arith.constant 16 : i32
        %parallel_loop3A_103 = arith.muli %parallel_loop3A_101, %parallel_loop3A_102 : i32
        %parallel_loop3A_104 = arith.constant 256 : i32
        %parallel_loop3A_105 = arith.muli %parallel_loop3A_101, %parallel_loop3A_104 : i32
        %parallel_loop3A_106 = arith.constant 0 : i32
        %parallel_loop3A_107 = arith.addi %parallel_loop3A_103, %parallel_loop3A_106 : i32
        %parallel_loop3A_108 = arith.constant 0 : i32
        %parallel_loop3A_109 = arith.constant 0 : i32
        %parallel_loop3A_110 = tpu.memref_slice %arg9[%scan3A_64, %parallel_loop3A_108, %parallel_loop3A_109] : memref<4x128x128xf32, #tpu.memory_space<vmem>> -> memref<1x128x128xf32, #tpu.memory_space<vmem>>
        %parallel_loop3A_111 = tpu.memref_squeeze %parallel_loop3A_110 : memref<1x128x128xf32, #tpu.memory_space<vmem>> -> memref<128x128xf32, #tpu.memory_space<vmem>>
        %parallel_loop3A_112 = arith.index_cast %parallel_loop3A_107 : i32 to index
        %parallel_loop3A_113 = arith.constant 0 : index
        %parallel_loop3A_114 = tpu.vector_load %parallel_loop3A_111[%parallel_loop3A_112, %parallel_loop3A_113] {strides = array<i32>} : memref<128x128xf32, #tpu.memory_space<vmem>>, vector<16xf32>,
        %parallel_loop3A_115 = arith.constant 0 : i32
        %parallel_loop3A_116 = arith.constant 0 : i32
        %parallel_loop3A_117 = tpu.memref_slice %arg10[%rem3A_65, %parallel_loop3A_115, %parallel_loop3A_116] : memref<2x128x128xf32, #tpu.memory_space<vmem>> -> memref<1x128x128xf32, #tpu.memory_space<vmem>>
        %parallel_loop3A_118 = tpu.memref_squeeze %parallel_loop3A_117 : memref<1x128x128xf32, #tpu.memory_space<vmem>> -> memref<128x128xf32, #tpu.memory_space<vmem>>
        %parallel_loop3A_119 = arith.index_cast %parallel_loop3A_107 : i32 to index
        %parallel_loop3A_120 = arith.constant 0 : index
        %parallel_loop3A_121 = tpu.vector_load %parallel_loop3A_118[%parallel_loop3A_119, %parallel_loop3A_120] {strides = array<i32>} : memref<128x128xf32, #tpu.memory_space<vmem>>, vector<16xf32>,
        %parallel_loop3A_122 = arith.mulf %parallel_loop3A_114, %parallel_loop3A_121 : vector<16xf32>
        %parallel_loop3A_123 = arith.constant 0 : i32
        %parallel_loop3A_124 = arith.constant 0 : i32
        %parallel_loop3A_125 = tpu.memref_slice %arg9[%scan3A_64, %parallel_loop3A_123, %parallel_loop3A_124] : memref<4x128x128xf32, #tpu.memory_space<vmem>> -> memref<1x128x128xf32, #tpu.memory_space<vmem>>
        %parallel_loop3A_126 = tpu.memref_squeeze %parallel_loop3A_125 : memref<1x128x128xf32, #tpu.memory_space<vmem>> -> memref<128x128xf32, #tpu.memory_space<vmem>>
        %parallel_loop3A_127 = arith.index_cast %parallel_loop3A_107 : i32 to index
        %parallel_loop3A_128 = arith.constant 16 : index
        %parallel_loop3A_129 = tpu.vector_load %parallel_loop3A_126[%parallel_loop3A_127, %parallel_loop3A_128] {strides = array<i32>} : memref<128x128xf32, #tpu.memory_space<vmem>>, vector<16xf32>,
        %parallel_loop3A_130 = arith.constant 0 : i32
        %parallel_loop3A_131 = arith.constant 0 : i32
        %parallel_loop3A_132 = tpu.memref_slice %arg10[%rem3A_65, %parallel_loop3A_130, %parallel_loop3A_131] : memref<2x128x128xf32, #tpu.memory_space<vmem>> -> memref<1x128x128xf32, #tpu.memory_space<vmem>>
        %parallel_loop3A_133 = tpu.memref_squeeze %parallel_loop3A_132 : memref<1x128x128xf32, #tpu.memory_space<vmem>> -> memref<128x128xf32, #tpu.memory_space<vmem>>
        %parallel_loop3A_134 = arith.index_cast %parallel_loop3A_107 : i32 to index
        %parallel_loop3A_135 = arith.constant 16 : index
        %parallel_loop3A_136 = tpu.vector_load %parallel_loop3A_133[%parallel_loop3A_134, %parallel_loop3A_135] {strides = array<i32>} : memref<128x128xf32, #tpu.memory_space<vmem>>, vector<16xf32>,
        %parallel_loop3A_137 = arith.mulf %parallel_loop3A_129, %parallel_loop3A_136 : vector<16xf32>
        %parallel_loop3A_138 = arith.constant 0 : i32
        %parallel_loop3A_139 = arith.constant 0 : i32
        %parallel_loop3A_140 = tpu.memref_slice %arg9[%scan3A_64, %parallel_loop3A_138, %parallel_loop3A_139] : memref<4x128x128xf32, #tpu.memory_space<vmem>> -> memref<1x128x128xf32, #tpu.memory_space<vmem>>
        %parallel_loop3A_141 = tpu.memref_squeeze %parallel_loop3A_140 : memref<1x128x128xf32, #tpu.memory_space<vmem>> -> memref<128x128xf32, #tpu.memory_space<vmem>>
        %parallel_loop3A_142 = arith.index_cast %parallel_loop3A_107 : i32 to index
        %parallel_loop3A_143 = arith.constant 32 : index
        %parallel_loop3A_144 = tpu.vector_load %parallel_loop3A_141[%parallel_loop3A_142, %parallel_loop3A_143] {strides = array<i32>} : memref<128x128xf32, #tpu.memory_space<vmem>>, vector<16xf32>,
        %parallel_loop3A_145 = arith.constant 0 : i32
        %parallel_loop3A_146 = arith.constant 0 : i32
        %parallel_loop3A_147 = tpu.memref_slice %arg10[%rem3A_65, %parallel_loop3A_145, %parallel_loop3A_146] : memref<2x128x128xf32, #tpu.memory_space<vmem>> -> memref<1x128x128xf32, #tpu.memory_space<vmem>>
        %parallel_loop3A_148 = tpu.memref_squeeze %parallel_loop3A_147 : memref<1x128x128xf32, #tpu.memory_space<vmem>> -> memref<128x128xf32, #tpu.memory_space<vmem>>
        %parallel_loop3A_149 = arith.index_cast %parallel_loop3A_107 : i32 to index
        %parallel_loop3A_150 = arith.constant 32 : index
        %parallel_loop3A_151 = tpu.vector_load %parallel_loop3A_148[%parallel_loop3A_149, %parallel_loop3A_150] {strides = array<i32>} : memref<128x128xf32, #tpu.memory_space<vmem>>, vector<16xf32>,
        %parallel_loop3A_152 = arith.mulf %parallel_loop3A_144, %parallel_loop3A_151 : vector<16xf32>
        %parallel_loop3A_153 = arith.addf %parallel_loop3A_122, %parallel_loop3A_152 : vector<16xf32>
        %parallel_loop3A_154 = arith.constant 0 : i32
        %parallel_loop3A_155 = arith.constant 0 : i32
        %parallel_loop3A_156 = tpu.memref_slice %arg9[%scan3A_64, %parallel_loop3A_154, %parallel_loop3A_155] : memref<4x128x128xf32, #tpu.memory_space<vmem>> -> memref<1x128x128xf32, #tpu.memory_space<vmem>>
        %parallel_loop3A_157 = tpu.memref_squeeze %parallel_loop3A_156 : memref<1x128x128xf32, #tpu.memory_space<vmem>> -> memref<128x128xf32, #tpu.memory_space<vmem>>
        %parallel_loop3A_158 = arith.index_cast %parallel_loop3A_107 : i32 to index
        %parallel_loop3A_159 = arith.constant 48 : index
        %parallel_loop3A_160 = tpu.vector_load %parallel_loop3A_157[%parallel_loop3A_158, %parallel_loop3A_159] {strides = array<i32>} : memref<128x128xf32, #tpu.memory_space<vmem>>, vector<16xf32>,
        %parallel_loop3A_161 = arith.constant 0 : i32
        %parallel_loop3A_162 = arith.constant 0 : i32
        %parallel_loop3A_163 = tpu.memref_slice %arg10[%rem3A_65, %parallel_loop3A_161, %parallel_loop3A_162] : memref<2x128x128xf32, #tpu.memory_space<vmem>> -> memref<1x128x128xf32, #tpu.memory_space<vmem>>
        %parallel_loop3A_164 = tpu.memref_squeeze %parallel_loop3A_163 : memref<1x128x128xf32, #tpu.memory_space<vmem>> -> memref<128x128xf32, #tpu.memory_space<vmem>>
        %parallel_loop3A_165 = arith.index_cast %parallel_loop3A_107 : i32 to index
        %parallel_loop3A_166 = arith.constant 48 : index
        %parallel_loop3A_167 = tpu.vector_load %parallel_loop3A_164[%parallel_loop3A_165, %parallel_loop3A_166] {strides = array<i32>} : memref<128x128xf32, #tpu.memory_space<vmem>>, vector<16xf32>,
        %parallel_loop3A_168 = arith.mulf %parallel_loop3A_160, %parallel_loop3A_167 : vector<16xf32>
        %parallel_loop3A_169 = arith.addf %parallel_loop3A_137, %parallel_loop3A_168 : vector<16xf32>
        %parallel_loop3A_170 = arith.constant 0 : i32
        %parallel_loop3A_171 = arith.constant 0 : i32
        %parallel_loop3A_172 = tpu.memref_slice %arg9[%scan3A_64, %parallel_loop3A_170, %parallel_loop3A_171] : memref<4x128x128xf32, #tpu.memory_space<vmem>> -> memref<1x128x128xf32, #tpu.memory_space<vmem>>
        %parallel_loop3A_173 = tpu.memref_squeeze %parallel_loop3A_172 : memref<1x128x128xf32, #tpu.memory_space<vmem>> -> memref<128x128xf32, #tpu.memory_space<vmem>>
        %parallel_loop3A_174 = arith.index_cast %parallel_loop3A_107 : i32 to index
        %parallel_loop3A_175 = arith.constant 64 : index
        %parallel_loop3A_176 = tpu.vector_load %parallel_loop3A_173[%parallel_loop3A_174, %parallel_loop3A_175] {strides = array<i32>} : memref<128x128xf32, #tpu.memory_space<vmem>>, vector<16xf32>,
        %parallel_loop3A_177 = arith.constant 0 : i32
        %parallel_loop3A_178 = arith.constant 0 : i32
        %parallel_loop3A_179 = tpu.memref_slice %arg10[%rem3A_65, %parallel_loop3A_177, %parallel_loop3A_178] : memref<2x128x128xf32, #tpu.memory_space<vmem>> -> memref<1x128x128xf32, #tpu.memory_space<vmem>>
        %parallel_loop3A_180 = tpu.memref_squeeze %parallel_loop3A_179 : memref<1x128x128xf32, #tpu.memory_space<vmem>> -> memref<128x128xf32, #tpu.memory_space<vmem>>
        %parallel_loop3A_181 = arith.index_cast %parallel_loop3A_107 : i32 to index
        %parallel_loop3A_182 = arith.constant 64 : index
        %parallel_loop3A_183 = tpu.vector_load %parallel_loop3A_180[%parallel_loop3A_181, %parallel_loop3A_182] {strides = array<i32>} : memref<128x128xf32, #tpu.memory_space<vmem>>, vector<16xf32>,
        %parallel_loop3A_184 = arith.mulf %parallel_loop3A_176, %parallel_loop3A_183 : vector<16xf32>
        %parallel_loop3A_185 = arith.addf %parallel_loop3A_153, %parallel_loop3A_184 : vector<16xf32>
        %parallel_loop3A_186 = arith.constant 0 : i32
        %parallel_loop3A_187 = arith.constant 0 : i32
        %parallel_loop3A_188 = tpu.memref_slice %arg9[%scan3A_64, %parallel_loop3A_186, %parallel_loop3A_187] : memref<4x128x128xf32, #tpu.memory_space<vmem>> -> memref<1x128x128xf32, #tpu.memory_space<vmem>>
        %parallel_loop3A_189 = tpu.memref_squeeze %parallel_loop3A_188 : memref<1x128x128xf32, #tpu.memory_space<vmem>> -> memref<128x128xf32, #tpu.memory_space<vmem>>
        %parallel_loop3A_190 = arith.index_cast %parallel_loop3A_107 : i32 to index
        %parallel_loop3A_191 = arith.constant 80 : index
        %parallel_loop3A_192 = tpu.vector_load %parallel_loop3A_189[%parallel_loop3A_190, %parallel_loop3A_191] {strides = array<i32>} : memref<128x128xf32, #tpu.memory_space<vmem>>, vector<16xf32>,
        %parallel_loop3A_193 = arith.constant 0 : i32
        %parallel_loop3A_194 = arith.constant 0 : i32
        %parallel_loop3A_195 = tpu.memref_slice %arg10[%rem3A_65, %parallel_loop3A_193, %parallel_loop3A_194] : memref<2x128x128xf32, #tpu.memory_space<vmem>> -> memref<1x128x128xf32, #tpu.memory_space<vmem>>
        %parallel_loop3A_196 = tpu.memref_squeeze %parallel_loop3A_195 : memref<1x128x128xf32, #tpu.memory_space<vmem>> -> memref<128x128xf32, #tpu.memory_space<vmem>>
        %parallel_loop3A_197 = arith.index_cast %parallel_loop3A_107 : i32 to index
        %parallel_loop3A_198 = arith.constant 80 : index
        %parallel_loop3A_199 = tpu.vector_load %parallel_loop3A_196[%parallel_loop3A_197, %parallel_loop3A_198] {strides = array<i32>} : memref<128x128xf32, #tpu.memory_space<vmem>>, vector<16xf32>,
        %parallel_loop3A_200 = arith.mulf %parallel_loop3A_192, %parallel_loop3A_199 : vector<16xf32>
        %parallel_loop3A_201 = arith.addf %parallel_loop3A_169, %parallel_loop3A_200 : vector<16xf32>
        %parallel_loop3A_202 = arith.constant 0 : i32
        %parallel_loop3A_203 = arith.constant 0 : i32
        %parallel_loop3A_204 = tpu.memref_slice %arg9[%scan3A_64, %parallel_loop3A_202, %parallel_loop3A_203] : memref<4x128x128xf32, #tpu.memory_space<vmem>> -> memref<1x128x128xf32, #tpu.memory_space<vmem>>
        %parallel_loop3A_205 = tpu.memref_squeeze %parallel_loop3A_204 : memref<1x128x128xf32, #tpu.memory_space<vmem>> -> memref<128x128xf32, #tpu.memory_space<vmem>>
        %parallel_loop3A_206 = arith.index_cast %parallel_loop3A_107 : i32 to index
        %parallel_loop3A_207 = arith.constant 96 : index
        %parallel_loop3A_208 = tpu.vector_load %parallel_loop3A_205[%parallel_loop3A_206, %parallel_loop3A_207] {strides = array<i32>} : memref<128x128xf32, #tpu.memory_space<vmem>>, vector<16xf32>,
        %parallel_loop3A_209 = arith.constant 0 : i32
        %parallel_loop3A_210 = arith.constant 0 : i32
        %parallel_loop3A_211 = tpu.memref_slice %arg10[%rem3A_65, %parallel_loop3A_209, %parallel_loop3A_210] : memref<2x128x128xf32, #tpu.memory_space<vmem>> -> memref<1x128x128xf32, #tpu.memory_space<vmem>>
        %parallel_loop3A_212 = tpu.memref_squeeze %parallel_loop3A_211 : memref<1x128x128xf32, #tpu.memory_space<vmem>> -> memref<128x128xf32, #tpu.memory_space<vmem>>
        %parallel_loop3A_213 = arith.index_cast %parallel_loop3A_107 : i32 to index
        %parallel_loop3A_214 = arith.constant 96 : index
        %parallel_loop3A_215 = tpu.vector_load %parallel_loop3A_212[%parallel_loop3A_213, %parallel_loop3A_214] {strides = array<i32>} : memref<128x128xf32, #tpu.memory_space<vmem>>, vector<16xf32>,
        %parallel_loop3A_216 = arith.mulf %parallel_loop3A_208, %parallel_loop3A_215 : vector<16xf32>
        %parallel_loop3A_217 = arith.addf %parallel_loop3A_185, %parallel_loop3A_216 : vector<16xf32>
        %parallel_loop3A_218 = arith.constant 0 : i32
        %parallel_loop3A_219 = arith.constant 0 : i32
        %parallel_loop3A_220 = tpu.memref_slice %arg9[%scan3A_64, %parallel_loop3A_218, %parallel_loop3A_219] : memref<4x128x128xf32, #tpu.memory_space<vmem>> -> memref<1x128x128xf32, #tpu.memory_space<vmem>>
        %parallel_loop3A_221 = tpu.memref_squeeze %parallel_loop3A_220 : memref<1x128x128xf32, #tpu.memory_space<vmem>> -> memref<128x128xf32, #tpu.memory_space<vmem>>
        %parallel_loop3A_222 = arith.index_cast %parallel_loop3A_107 : i32 to index
        %parallel_loop3A_223 = arith.constant 112 : index
        %parallel_loop3A_224 = tpu.vector_load %parallel_loop3A_221[%parallel_loop3A_222, %parallel_loop3A_223] {strides = array<i32>} : memref<128x128xf32, #tpu.memory_space<vmem>>, vector<16xf32>,
        %parallel_loop3A_225 = arith.constant 0 : i32
        %parallel_loop3A_226 = arith.constant 0 : i32
        %parallel_loop3A_227 = tpu.memref_slice %arg10[%rem3A_65, %parallel_loop3A_225, %parallel_loop3A_226] : memref<2x128x128xf32, #tpu.memory_space<vmem>> -> memref<1x128x128xf32, #tpu.memory_space<vmem>>
        %parallel_loop3A_228 = tpu.memref_squeeze %parallel_loop3A_227 : memref<1x128x128xf32, #tpu.memory_space<vmem>> -> memref<128x128xf32, #tpu.memory_space<vmem>>
        %parallel_loop3A_229 = arith.index_cast %parallel_loop3A_107 : i32 to index
        %parallel_loop3A_230 = arith.constant 112 : index
        %parallel_loop3A_231 = tpu.vector_load %parallel_loop3A_228[%parallel_loop3A_229, %parallel_loop3A_230] {strides = array<i32>} : memref<128x128xf32, #tpu.memory_space<vmem>>, vector<16xf32>,
        %parallel_loop3A_232 = arith.mulf %parallel_loop3A_224, %parallel_loop3A_231 : vector<16xf32>
        %parallel_loop3A_233 = arith.addf %parallel_loop3A_201, %parallel_loop3A_232 : vector<16xf32>
        %parallel_loop3A_234 = arith.addf %parallel_loop3A_217, %parallel_loop3A_233 : vector<16xf32>
        %parallel_loop3A_235 = arith.constant 0 : i32
        %parallel_loop3A_236 = arith.addi %parallel_loop3A_105, %parallel_loop3A_235 : i32
        %parallel_loop3A_237 = arith.index_cast %parallel_loop3A_236 : i32 to index
        %parallel_loop3A_238 = tpu.vector_load %arg11[%parallel_loop3A_237] {strides = array<i32>} : memref<2048xf32, #tpu.memory_space<vmem>>, vector<16xf32>,
        tpu.vector_store %arg11[%parallel_loop3A_237], %parallel_loop3A_234 {strides = array<i32>} : memref<2048xf32, #tpu.memory_space<vmem>>, vector<16xf32>,
        %parallel_loop3A_239 = arith.constant 1 : i32
        %parallel_loop3A_240 = arith.addi %parallel_loop3A_103, %parallel_loop3A_239 : i32
        %parallel_loop3A_241 = arith.constant 0 : i32
        %parallel_loop3A_242 = arith.constant 0 : i32
        %parallel_loop3A_243 = tpu.memref_slice %arg9[%scan3A_64, %parallel_loop3A_241, %parallel_loop3A_242] : memref<4x128x128xf32, #tpu.memory_space<vmem>> -> memref<1x128x128xf32, #tpu.memory_space<vmem>>
        %parallel_loop3A_244 = tpu.memref_squeeze %parallel_loop3A_243 : memref<1x128x128xf32, #tpu.memory_space<vmem>> -> memref<128x128xf32, #tpu.memory_space<vmem>>
        %parallel_loop3A_245 = arith.index_cast %parallel_loop3A_240 : i32 to index
        %parallel_loop3A_246 = arith.constant 0 : index
        %parallel_loop3A_247 = tpu.vector_load %parallel_loop3A_244[%parallel_loop3A_245, %parallel_loop3A_246] {strides = array<i32>} : memref<128x128xf32, #tpu.memory_space<vmem>>, vector<16xf32>,
        %parallel_loop3A_248 = arith.constant 0 : i32
        %parallel_loop3A_249 = arith.constant 0 : i32
        %parallel_loop3A_250 = tpu.memref_slice %arg10[%rem3A_65, %parallel_loop3A_248, %parallel_loop3A_249] : memref<2x128x128xf32, #tpu.memory_space<vmem>> -> memref<1x128x128xf32, #tpu.memory_space<vmem>>
        %parallel_loop3A_251 = tpu.memref_squeeze %parallel_loop3A_250 : memref<1x128x128xf32, #tpu.memory_space<vmem>> -> memref<128x128xf32, #tpu.memory_space<vmem>>
        %parallel_loop3A_252 = arith.index_cast %parallel_loop3A_240 : i32 to index
        %parallel_loop3A_253 = arith.constant 0 : index
        %parallel_loop3A_254 = tpu.vector_load %parallel_loop3A_251[%parallel_loop3A_252, %parallel_loop3A_253] {strides = array<i32>} : memref<128x128xf32, #tpu.memory_space<vmem>>, vector<16xf32>,
        %parallel_loop3A_255 = arith.mulf %parallel_loop3A_247, %parallel_loop3A_254 : vector<16xf32>
        %parallel_loop3A_256 = arith.constant 0 : i32
        %parallel_loop3A_257 = arith.constant 0 : i32
        %parallel_loop3A_258 = tpu.memref_slice %arg9[%scan3A_64, %parallel_loop3A_256, %parallel_loop3A_257] : memref<4x128x128xf32, #tpu.memory_space<vmem>> -> memref<1x128x128xf32, #tpu.memory_space<vmem>>
        %parallel_loop3A_259 = tpu.memref_squeeze %parallel_loop3A_258 : memref<1x128x128xf32, #tpu.memory_space<vmem>> -> memref<128x128xf32, #tpu.memory_space<vmem>>
        %parallel_loop3A_260 = arith.index_cast %parallel_loop3A_240 : i32 to index
        %parallel_loop3A_261 = arith.constant 16 : index
        %parallel_loop3A_262 = tpu.vector_load %parallel_loop3A_259[%parallel_loop3A_260, %parallel_loop3A_261] {strides = array<i32>} : memref<128x128xf32, #tpu.memory_space<vmem>>, vector<16xf32>,
        %parallel_loop3A_263 = arith.constant 0 : i32
        %parallel_loop3A_264 = arith.constant 0 : i32
        %parallel_loop3A_265 = tpu.memref_slice %arg10[%rem3A_65, %parallel_loop3A_263, %parallel_loop3A_264] : memref<2x128x128xf32, #tpu.memory_space<vmem>> -> memref<1x128x128xf32, #tpu.memory_space<vmem>>
        %parallel_loop3A_266 = tpu.memref_squeeze %parallel_loop3A_265 : memref<1x128x128xf32, #tpu.memory_space<vmem>> -> memref<128x128xf32, #tpu.memory_space<vmem>>
        %parallel_loop3A_267 = arith.index_cast %parallel_loop3A_240 : i32 to index
        %parallel_loop3A_268 = arith.constant 16 : index
        %parallel_loop3A_269 = tpu.vector_load %parallel_loop3A_266[%parallel_loop3A_267, %parallel_loop3A_268] {strides = array<i32>} : memref<128x128xf32, #tpu.memory_space<vmem>>, vector<16xf32>,
        %parallel_loop3A_270 = arith.mulf %parallel_loop3A_262, %parallel_loop3A_269 : vector<16xf32>
        %parallel_loop3A_271 = arith.constant 0 : i32
        %parallel_loop3A_272 = arith.constant 0 : i32
        %parallel_loop3A_273 = tpu.memref_slice %arg9[%scan3A_64, %parallel_loop3A_271, %parallel_loop3A_272] : memref<4x128x128xf32, #tpu.memory_space<vmem>> -> memref<1x128x128xf32, #tpu.memory_space<vmem>>
        %parallel_loop3A_274 = tpu.memref_squeeze %parallel_loop3A_273 : memref<1x128x128xf32, #tpu.memory_space<vmem>> -> memref<128x128xf32, #tpu.memory_space<vmem>>
        %parallel_loop3A_275 = arith.index_cast %parallel_loop3A_240 : i32 to index
        %parallel_loop3A_276 = arith.constant 32 : index
        %parallel_loop3A_277 = tpu.vector_load %parallel_loop3A_274[%parallel_loop3A_275, %parallel_loop3A_276] {strides = array<i32>} : memref<128x128xf32, #tpu.memory_space<vmem>>, vector<16xf32>,
        %parallel_loop3A_278 = arith.constant 0 : i32
        %parallel_loop3A_279 = arith.constant 0 : i32
        %parallel_loop3A_280 = tpu.memref_slice %arg10[%rem3A_65, %parallel_loop3A_278, %parallel_loop3A_279] : memref<2x128x128xf32, #tpu.memory_space<vmem>> -> memref<1x128x128xf32, #tpu.memory_space<vmem>>
        %parallel_loop3A_281 = tpu.memref_squeeze %parallel_loop3A_280 : memref<1x128x128xf32, #tpu.memory_space<vmem>> -> memref<128x128xf32, #tpu.memory_space<vmem>>
        %parallel_loop3A_282 = arith.index_cast %parallel_loop3A_240 : i32 to index
        %parallel_loop3A_283 = arith.constant 32 : index
        %parallel_loop3A_284 = tpu.vector_load %parallel_loop3A_281[%parallel_loop3A_282, %parallel_loop3A_283] {strides = array<i32>} : memref<128x128xf32, #tpu.memory_space<vmem>>, vector<16xf32>,
        %parallel_loop3A_285 = arith.mulf %parallel_loop3A_277, %parallel_loop3A_284 : vector<16xf32>
        %parallel_loop3A_286 = arith.addf %parallel_loop3A_255, %parallel_loop3A_285 : vector<16xf32>
        %parallel_loop3A_287 = arith.constant 0 : i32
        %parallel_loop3A_288 = arith.constant 0 : i32
        %parallel_loop3A_289 = tpu.memref_slice %arg9[%scan3A_64, %parallel_loop3A_287, %parallel_loop3A_288] : memref<4x128x128xf32, #tpu.memory_space<vmem>> -> memref<1x128x128xf32, #tpu.memory_space<vmem>>
        %parallel_loop3A_290 = tpu.memref_squeeze %parallel_loop3A_289 : memref<1x128x128xf32, #tpu.memory_space<vmem>> -> memref<128x128xf32, #tpu.memory_space<vmem>>
        %parallel_loop3A_291 = arith.index_cast %parallel_loop3A_240 : i32 to index
        %parallel_loop3A_292 = arith.constant 48 : index
        %parallel_loop3A_293 = tpu.vector_load %parallel_loop3A_290[%parallel_loop3A_291, %parallel_loop3A_292] {strides = array<i32>} : memref<128x128xf32, #tpu.memory_space<vmem>>, vector<16xf32>,
        %parallel_loop3A_294 = arith.constant 0 : i32
        %parallel_loop3A_295 = arith.constant 0 : i32
        %parallel_loop3A_296 = tpu.memref_slice %arg10[%rem3A_65, %parallel_loop3A_294, %parallel_loop3A_295] : memref<2x128x128xf32, #tpu.memory_space<vmem>> -> memref<1x128x128xf32, #tpu.memory_space<vmem>>
        %parallel_loop3A_297 = tpu.memref_squeeze %parallel_loop3A_296 : memref<1x128x128xf32, #tpu.memory_space<vmem>> -> memref<128x128xf32, #tpu.memory_space<vmem>>
        %parallel_loop3A_298 = arith.index_cast %parallel_loop3A_240 : i32 to index
        %parallel_loop3A_299 = arith.constant 48 : index
        %parallel_loop3A_300 = tpu.vector_load %parallel_loop3A_297[%parallel_loop3A_298, %parallel_loop3A_299] {strides = array<i32>} : memref<128x128xf32, #tpu.memory_space<vmem>>, vector<16xf32>,
        %parallel_loop3A_301 = arith.mulf %parallel_loop3A_293, %parallel_loop3A_300 : vector<16xf32>
        %parallel_loop3A_302 = arith.addf %parallel_loop3A_270, %parallel_loop3A_301 : vector<16xf32>
        %parallel_loop3A_303 = arith.constant 0 : i32
        %parallel_loop3A_304 = arith.constant 0 : i32
        %parallel_loop3A_305 = tpu.memref_slice %arg9[%scan3A_64, %parallel_loop3A_303, %parallel_loop3A_304] : memref<4x128x128xf32, #tpu.memory_space<vmem>> -> memref<1x128x128xf32, #tpu.memory_space<vmem>>
        %parallel_loop3A_306 = tpu.memref_squeeze %parallel_loop3A_305 : memref<1x128x128xf32, #tpu.memory_space<vmem>> -> memref<128x128xf32, #tpu.memory_space<vmem>>
        %parallel_loop3A_307 = arith.index_cast %parallel_loop3A_240 : i32 to index
        %parallel_loop3A_308 = arith.constant 64 : index
        %parallel_loop3A_309 = tpu.vector_load %parallel_loop3A_306[%parallel_loop3A_307, %parallel_loop3A_308] {strides = array<i32>} : memref<128x128xf32, #tpu.memory_space<vmem>>, vector<16xf32>,
        %parallel_loop3A_310 = arith.constant 0 : i32
        %parallel_loop3A_311 = arith.constant 0 : i32
        %parallel_loop3A_312 = tpu.memref_slice %arg10[%rem3A_65, %parallel_loop3A_310, %parallel_loop3A_311] : memref<2x128x128xf32, #tpu.memory_space<vmem>> -> memref<1x128x128xf32, #tpu.memory_space<vmem>>
        %parallel_loop3A_313 = tpu.memref_squeeze %parallel_loop3A_312 : memref<1x128x128xf32, #tpu.memory_space<vmem>> -> memref<128x128xf32, #tpu.memory_space<vmem>>
        %parallel_loop3A_314 = arith.index_cast %parallel_loop3A_240 : i32 to index
        %parallel_loop3A_315 = arith.constant 64 : index
        %parallel_loop3A_316 = tpu.vector_load %parallel_loop3A_313[%parallel_loop3A_314, %parallel_loop3A_315] {strides = array<i32>} : memref<128x128xf32, #tpu.memory_space<vmem>>, vector<16xf32>,
        %parallel_loop3A_317 = arith.mulf %parallel_loop3A_309, %parallel_loop3A_316 : vector<16xf32>
        %parallel_loop3A_318 = arith.addf %parallel_loop3A_286, %parallel_loop3A_317 : vector<16xf32>
        %parallel_loop3A_319 = arith.constant 0 : i32
        %parallel_loop3A_320 = arith.constant 0 : i32
        %parallel_loop3A_321 = tpu.memref_slice %arg9[%scan3A_64, %parallel_loop3A_319, %parallel_loop3A_320] : memref<4x128x128xf32, #tpu.memory_space<vmem>> -> memref<1x128x128xf32, #tpu.memory_space<vmem>>
        %parallel_loop3A_322 = tpu.memref_squeeze %parallel_loop3A_321 : memref<1x128x128xf32, #tpu.memory_space<vmem>> -> memref<128x128xf32, #tpu.memory_space<vmem>>
        %parallel_loop3A_323 = arith.index_cast %parallel_loop3A_240 : i32 to index
        %parallel_loop3A_324 = arith.constant 80 : index
        %parallel_loop3A_325 = tpu.vector_load %parallel_loop3A_322[%parallel_loop3A_323, %parallel_loop3A_324] {strides = array<i32>} : memref<128x128xf32, #tpu.memory_space<vmem>>, vector<16xf32>,
        %parallel_loop3A_326 = arith.constant 0 : i32
        %parallel_loop3A_327 = arith.constant 0 : i32
        %parallel_loop3A_328 = tpu.memref_slice %arg10[%rem3A_65, %parallel_loop3A_326, %parallel_loop3A_327] : memref<2x128x128xf32, #tpu.memory_space<vmem>> -> memref<1x128x128xf32, #tpu.memory_space<vmem>>
        %parallel_loop3A_329 = tpu.memref_squeeze %parallel_loop3A_328 : memref<1x128x128xf32, #tpu.memory_space<vmem>> -> memref<128x128xf32, #tpu.memory_space<vmem>>
        %parallel_loop3A_330 = arith.index_cast %parallel_loop3A_240 : i32 to index
        %parallel_loop3A_331 = arith.constant 80 : index
        %parallel_loop3A_332 = tpu.vector_load %parallel_loop3A_329[%parallel_loop3A_330, %parallel_loop3A_331] {strides = array<i32>} : memref<128x128xf32, #tpu.memory_space<vmem>>, vector<16xf32>,
        %parallel_loop3A_333 = arith.mulf %parallel_loop3A_325, %parallel_loop3A_332 : vector<16xf32>
        %parallel_loop3A_334 = arith.addf %parallel_loop3A_302, %parallel_loop3A_333 : vector<16xf32>
        %parallel_loop3A_335 = arith.constant 0 : i32
        %parallel_loop3A_336 = arith.constant 0 : i32
        %parallel_loop3A_337 = tpu.memref_slice %arg9[%scan3A_64, %parallel_loop3A_335, %parallel_loop3A_336] : memref<4x128x128xf32, #tpu.memory_space<vmem>> -> memref<1x128x128xf32, #tpu.memory_space<vmem>>
        %parallel_loop3A_338 = tpu.memref_squeeze %parallel_loop3A_337 : memref<1x128x128xf32, #tpu.memory_space<vmem>> -> memref<128x128xf32, #tpu.memory_space<vmem>>
        %parallel_loop3A_339 = arith.index_cast %parallel_loop3A_240 : i32 to index
        %parallel_loop3A_340 = arith.constant 96 : index
        %parallel_loop3A_341 = tpu.vector_load %parallel_loop3A_338[%parallel_loop3A_339, %parallel_loop3A_340] {strides = array<i32>} : memref<128x128xf32, #tpu.memory_space<vmem>>, vector<16xf32>,
        %parallel_loop3A_342 = arith.constant 0 : i32
        %parallel_loop3A_343 = arith.constant 0 : i32
        %parallel_loop3A_344 = tpu.memref_slice %arg10[%rem3A_65, %parallel_loop3A_342, %parallel_loop3A_343] : memref<2x128x128xf32, #tpu.memory_space<vmem>> -> memref<1x128x128xf32, #tpu.memory_space<vmem>>
        %parallel_loop3A_345 = tpu.memref_squeeze %parallel_loop3A_344 : memref<1x128x128xf32, #tpu.memory_space<vmem>> -> memref<128x128xf32, #tpu.memory_space<vmem>>
        %parallel_loop3A_346 = arith.index_cast %parallel_loop3A_240 : i32 to index
        %parallel_loop3A_347 = arith.constant 96 : index
        %parallel_loop3A_348 = tpu.vector_load %parallel_loop3A_345[%parallel_loop3A_346, %parallel_loop3A_347] {strides = array<i32>} : memref<128x128xf32, #tpu.memory_space<vmem>>, vector<16xf32>,
        %parallel_loop3A_349 = arith.mulf %parallel_loop3A_341, %parallel_loop3A_348 : vector<16xf32>
        %parallel_loop3A_350 = arith.addf %parallel_loop3A_318, %parallel_loop3A_349 : vector<16xf32>
        %parallel_loop3A_351 = arith.constant 0 : i32
        %parallel_loop3A_352 = arith.constant 0 : i32
        %parallel_loop3A_353 = tpu.memref_slice %arg9[%scan3A_64, %parallel_loop3A_351, %parallel_loop3A_352] : memref<4x128x128xf32, #tpu.memory_space<vmem>> -> memref<1x128x128xf32, #tpu.memory_space<vmem>>
        %parallel_loop3A_354 = tpu.memref_squeeze %parallel_loop3A_353 : memref<1x128x128xf32, #tpu.memory_space<vmem>> -> memref<128x128xf32, #tpu.memory_space<vmem>>
        %parallel_loop3A_355 = arith.index_cast %parallel_loop3A_240 : i32 to index
        %parallel_loop3A_356 = arith.constant 112 : index
        %parallel_loop3A_357 = tpu.vector_load %parallel_loop3A_354[%parallel_loop3A_355, %parallel_loop3A_356] {strides = array<i32>} : memref<128x128xf32, #tpu.memory_space<vmem>>, vector<16xf32>,
        %parallel_loop3A_358 = arith.constant 0 : i32
        %parallel_loop3A_359 = arith.constant 0 : i32
        %parallel_loop3A_360 = tpu.memref_slice %arg10[%rem3A_65, %parallel_loop3A_358, %parallel_loop3A_359] : memref<2x128x128xf32, #tpu.memory_space<vmem>> -> memref<1x128x128xf32, #tpu.memory_space<vmem>>
        %parallel_loop3A_361 = tpu.memref_squeeze %parallel_loop3A_360 : memref<1x128x128xf32, #tpu.memory_space<vmem>> -> memref<128x128xf32, #tpu.memory_space<vmem>>
        %parallel_loop3A_362 = arith.index_cast %parallel_loop3A_240 : i32 to index
        %parallel_loop3A_363 = arith.constant 112 : index
        %parallel_loop3A_364 = tpu.vector_load %parallel_loop3A_361[%parallel_loop3A_362, %parallel_loop3A_363] {strides = array<i32>} : memref<128x128xf32, #tpu.memory_space<vmem>>, vector<16xf32>,
        %parallel_loop3A_365 = arith.mulf %parallel_loop3A_357, %parallel_loop3A_364 : vector<16xf32>
        %parallel_loop3A_366 = arith.addf %parallel_loop3A_334, %parallel_loop3A_365 : vector<16xf32>
        %parallel_loop3A_367 = arith.addf %parallel_loop3A_350, %parallel_loop3A_366 : vector<16xf32>
        %parallel_loop3A_368 = arith.constant 16 : i32
        %parallel_loop3A_369 = arith.addi %parallel_loop3A_105, %parallel_loop3A_368 : i32
        %parallel_loop3A_370 = arith.index_cast %parallel_loop3A_369 : i32 to index
        %parallel_loop3A_371 = tpu.vector_load %arg11[%parallel_loop3A_370] {strides = array<i32>} : memref<2048xf32, #tpu.memory_space<vmem>>, vector<16xf32>,
        tpu.vector_store %arg11[%parallel_loop3A_370], %parallel_loop3A_367 {strides = array<i32>} : memref<2048xf32, #tpu.memory_space<vmem>>, vector<16xf32>,
        %parallel_loop3A_372 = arith.constant 2 : i32
        %parallel_loop3A_373 = arith.addi %parallel_loop3A_103, %parallel_loop3A_372 : i32
        %parallel_loop3A_374 = arith.constant 0 : i32
        %parallel_loop3A_375 = arith.constant 0 : i32
        %parallel_loop3A_376 = tpu.memref_slice %arg9[%scan3A_64, %parallel_loop3A_374, %parallel_loop3A_375] : memref<4x128x128xf32, #tpu.memory_space<vmem>> -> memref<1x128x128xf32, #tpu.memory_space<vmem>>
        %parallel_loop3A_377 = tpu.memref_squeeze %parallel_loop3A_376 : memref<1x128x128xf32, #tpu.memory_space<vmem>> -> memref<128x128xf32, #tpu.memory_space<vmem>>
        %parallel_loop3A_378 = arith.index_cast %parallel_loop3A_373 : i32 to index
        %parallel_loop3A_379 = arith.constant 0 : index
        %parallel_loop3A_380 = tpu.vector_load %parallel_loop3A_377[%parallel_loop3A_378, %parallel_loop3A_379] {strides = array<i32>} : memref<128x128xf32, #tpu.memory_space<vmem>>, vector<16xf32>,
        %parallel_loop3A_381 = arith.constant 0 : i32
        %parallel_loop3A_382 = arith.constant 0 : i32
        %parallel_loop3A_383 = tpu.memref_slice %arg10[%rem3A_65, %parallel_loop3A_381, %parallel_loop3A_382] : memref<2x128x128xf32, #tpu.memory_space<vmem>> -> memref<1x128x128xf32, #tpu.memory_space<vmem>>
        %parallel_loop3A_384 = tpu.memref_squeeze %parallel_loop3A_383 : memref<1x128x128xf32, #tpu.memory_space<vmem>> -> memref<128x128xf32, #tpu.memory_space<vmem>>
        %parallel_loop3A_385 = arith.index_cast %parallel_loop3A_373 : i32 to index
        %parallel_loop3A_386 = arith.constant 0 : index
        %parallel_loop3A_387 = tpu.vector_load %parallel_loop3A_384[%parallel_loop3A_385, %parallel_loop3A_386] {strides = array<i32>} : memref<128x128xf32, #tpu.memory_space<vmem>>, vector<16xf32>,
        %parallel_loop3A_388 = arith.mulf %parallel_loop3A_380, %parallel_loop3A_387 : vector<16xf32>
        %parallel_loop3A_389 = arith.constant 0 : i32
        %parallel_loop3A_390 = arith.constant 0 : i32
        %parallel_loop3A_391 = tpu.memref_slice %arg9[%scan3A_64, %parallel_loop3A_389, %parallel_loop3A_390] : memref<4x128x128xf32, #tpu.memory_space<vmem>> -> memref<1x128x128xf32, #tpu.memory_space<vmem>>
        %parallel_loop3A_392 = tpu.memref_squeeze %parallel_loop3A_391 : memref<1x128x128xf32, #tpu.memory_space<vmem>> -> memref<128x128xf32, #tpu.memory_space<vmem>>
        %parallel_loop3A_393 = arith.index_cast %parallel_loop3A_373 : i32 to index
        %parallel_loop3A_394 = arith.constant 16 : index
        %parallel_loop3A_395 = tpu.vector_load %parallel_loop3A_392[%parallel_loop3A_393, %parallel_loop3A_394] {strides = array<i32>} : memref<128x128xf32, #tpu.memory_space<vmem>>, vector<16xf32>,
        %parallel_loop3A_396 = arith.constant 0 : i32
        %parallel_loop3A_397 = arith.constant 0 : i32
        %parallel_loop3A_398 = tpu.memref_slice %arg10[%rem3A_65, %parallel_loop3A_396, %parallel_loop3A_397] : memref<2x128x128xf32, #tpu.memory_space<vmem>> -> memref<1x128x128xf32, #tpu.memory_space<vmem>>
        %parallel_loop3A_399 = tpu.memref_squeeze %parallel_loop3A_398 : memref<1x128x128xf32, #tpu.memory_space<vmem>> -> memref<128x128xf32, #tpu.memory_space<vmem>>
        %parallel_loop3A_400 = arith.index_cast %parallel_loop3A_373 : i32 to index
        %parallel_loop3A_401 = arith.constant 16 : index
        %parallel_loop3A_402 = tpu.vector_load %parallel_loop3A_399[%parallel_loop3A_400, %parallel_loop3A_401] {strides = array<i32>} : memref<128x128xf32, #tpu.memory_space<vmem>>, vector<16xf32>,
        %parallel_loop3A_403 = arith.mulf %parallel_loop3A_395, %parallel_loop3A_402 : vector<16xf32>
        %parallel_loop3A_404 = arith.constant 0 : i32
        %parallel_loop3A_405 = arith.constant 0 : i32
        %parallel_loop3A_406 = tpu.memref_slice %arg9[%scan3A_64, %parallel_loop3A_404, %parallel_loop3A_405] : memref<4x128x128xf32, #tpu.memory_space<vmem>> -> memref<1x128x128xf32, #tpu.memory_space<vmem>>
        %parallel_loop3A_407 = tpu.memref_squeeze %parallel_loop3A_406 : memref<1x128x128xf32, #tpu.memory_space<vmem>> -> memref<128x128xf32, #tpu.memory_space<vmem>>
        %parallel_loop3A_408 = arith.index_cast %parallel_loop3A_373 : i32 to index
        %parallel_loop3A_409 = arith.constant 32 : index
        %parallel_loop3A_410 = tpu.vector_load %parallel_loop3A_407[%parallel_loop3A_408, %parallel_loop3A_409] {strides = array<i32>} : memref<128x128xf32, #tpu.memory_space<vmem>>, vector<16xf32>,
        %parallel_loop3A_411 = arith.constant 0 : i32
        %parallel_loop3A_412 = arith.constant 0 : i32
        %parallel_loop3A_413 = tpu.memref_slice %arg10[%rem3A_65, %parallel_loop3A_411, %parallel_loop3A_412] : memref<2x128x128xf32, #tpu.memory_space<vmem>> -> memref<1x128x128xf32, #tpu.memory_space<vmem>>
        %parallel_loop3A_414 = tpu.memref_squeeze %parallel_loop3A_413 : memref<1x128x128xf32, #tpu.memory_space<vmem>> -> memref<128x128xf32, #tpu.memory_space<vmem>>
        %parallel_loop3A_415 = arith.index_cast %parallel_loop3A_373 : i32 to index
        %parallel_loop3A_416 = arith.constant 32 : index
        %parallel_loop3A_417 = tpu.vector_load %parallel_loop3A_414[%parallel_loop3A_415, %parallel_loop3A_416] {strides = array<i32>} : memref<128x128xf32, #tpu.memory_space<vmem>>, vector<16xf32>,
        %parallel_loop3A_418 = arith.mulf %parallel_loop3A_410, %parallel_loop3A_417 : vector<16xf32>
        %parallel_loop3A_419 = arith.addf %parallel_loop3A_388, %parallel_loop3A_418 : vector<16xf32>
        %parallel_loop3A_420 = arith.constant 0 : i32
        %parallel_loop3A_421 = arith.constant 0 : i32
        %parallel_loop3A_422 = tpu.memref_slice %arg9[%scan3A_64, %parallel_loop3A_420, %parallel_loop3A_421] : memref<4x128x128xf32, #tpu.memory_space<vmem>> -> memref<1x128x128xf32, #tpu.memory_space<vmem>>
        %parallel_loop3A_423 = tpu.memref_squeeze %parallel_loop3A_422 : memref<1x128x128xf32, #tpu.memory_space<vmem>> -> memref<128x128xf32, #tpu.memory_space<vmem>>
        %parallel_loop3A_424 = arith.index_cast %parallel_loop3A_373 : i32 to index
        %parallel_loop3A_425 = arith.constant 48 : index
        %parallel_loop3A_426 = tpu.vector_load %parallel_loop3A_423[%parallel_loop3A_424, %parallel_loop3A_425] {strides = array<i32>} : memref<128x128xf32, #tpu.memory_space<vmem>>, vector<16xf32>,
        %parallel_loop3A_427 = arith.constant 0 : i32
        %parallel_loop3A_428 = arith.constant 0 : i32
        %parallel_loop3A_429 = tpu.memref_slice %arg10[%rem3A_65, %parallel_loop3A_427, %parallel_loop3A_428] : memref<2x128x128xf32, #tpu.memory_space<vmem>> -> memref<1x128x128xf32, #tpu.memory_space<vmem>>
        %parallel_loop3A_430 = tpu.memref_squeeze %parallel_loop3A_429 : memref<1x128x128xf32, #tpu.memory_space<vmem>> -> memref<128x128xf32, #tpu.memory_space<vmem>>
        %parallel_loop3A_431 = arith.index_cast %parallel_loop3A_373 : i32 to index
        %parallel_loop3A_432 = arith.constant 48 : index
        %parallel_loop3A_433 = tpu.vector_load %parallel_loop3A_430[%parallel_loop3A_431, %parallel_loop3A_432] {strides = array<i32>} : memref<128x128xf32, #tpu.memory_space<vmem>>, vector<16xf32>,
        %parallel_loop3A_434 = arith.mulf %parallel_loop3A_426, %parallel_loop3A_433 : vector<16xf32>
        %parallel_loop3A_435 = arith.addf %parallel_loop3A_403, %parallel_loop3A_434 : vector<16xf32>
        %parallel_loop3A_436 = arith.constant 0 : i32
        %parallel_loop3A_437 = arith.constant 0 : i32
        %parallel_loop3A_438 = tpu.memref_slice %arg9[%scan3A_64, %parallel_loop3A_436, %parallel_loop3A_437] : memref<4x128x128xf32, #tpu.memory_space<vmem>> -> memref<1x128x128xf32, #tpu.memory_space<vmem>>
        %parallel_loop3A_439 = tpu.memref_squeeze %parallel_loop3A_438 : memref<1x128x128xf32, #tpu.memory_space<vmem>> -> memref<128x128xf32, #tpu.memory_space<vmem>>
        %parallel_loop3A_440 = arith.index_cast %parallel_loop3A_373 : i32 to index
        %parallel_loop3A_441 = arith.constant 64 : index
        %parallel_loop3A_442 = tpu.vector_load %parallel_loop3A_439[%parallel_loop3A_440, %parallel_loop3A_441] {strides = array<i32>} : memref<128x128xf32, #tpu.memory_space<vmem>>, vector<16xf32>,
        %parallel_loop3A_443 = arith.constant 0 : i32
        %parallel_loop3A_444 = arith.constant 0 : i32
        %parallel_loop3A_445 = tpu.memref_slice %arg10[%rem3A_65, %parallel_loop3A_443, %parallel_loop3A_444] : memref<2x128x128xf32, #tpu.memory_space<vmem>> -> memref<1x128x128xf32, #tpu.memory_space<vmem>>
        %parallel_loop3A_446 = tpu.memref_squeeze %parallel_loop3A_445 : memref<1x128x128xf32, #tpu.memory_space<vmem>> -> memref<128x128xf32, #tpu.memory_space<vmem>>
        %parallel_loop3A_447 = arith.index_cast %parallel_loop3A_373 : i32 to index
        %parallel_loop3A_448 = arith.constant 64 : index
        %parallel_loop3A_449 = tpu.vector_load %parallel_loop3A_446[%parallel_loop3A_447, %parallel_loop3A_448] {strides = array<i32>} : memref<128x128xf32, #tpu.memory_space<vmem>>, vector<16xf32>,
        %parallel_loop3A_450 = arith.mulf %parallel_loop3A_442, %parallel_loop3A_449 : vector<16xf32>
        %parallel_loop3A_451 = arith.addf %parallel_loop3A_419, %parallel_loop3A_450 : vector<16xf32>
        %parallel_loop3A_452 = arith.constant 0 : i32
        %parallel_loop3A_453 = arith.constant 0 : i32
        %parallel_loop3A_454 = tpu.memref_slice %arg9[%scan3A_64, %parallel_loop3A_452, %parallel_loop3A_453] : memref<4x128x128xf32, #tpu.memory_space<vmem>> -> memref<1x128x128xf32, #tpu.memory_space<vmem>>
        %parallel_loop3A_455 = tpu.memref_squeeze %parallel_loop3A_454 : memref<1x128x128xf32, #tpu.memory_space<vmem>> -> memref<128x128xf32, #tpu.memory_space<vmem>>
        %parallel_loop3A_456 = arith.index_cast %parallel_loop3A_373 : i32 to index
        %parallel_loop3A_457 = arith.constant 80 : index
        %parallel_loop3A_458 = tpu.vector_load %parallel_loop3A_455[%parallel_loop3A_456, %parallel_loop3A_457] {strides = array<i32>} : memref<128x128xf32, #tpu.memory_space<vmem>>, vector<16xf32>,
        %parallel_loop3A_459 = arith.constant 0 : i32
        %parallel_loop3A_460 = arith.constant 0 : i32
        %parallel_loop3A_461 = tpu.memref_slice %arg10[%rem3A_65, %parallel_loop3A_459, %parallel_loop3A_460] : memref<2x128x128xf32, #tpu.memory_space<vmem>> -> memref<1x128x128xf32, #tpu.memory_space<vmem>>
        %parallel_loop3A_462 = tpu.memref_squeeze %parallel_loop3A_461 : memref<1x128x128xf32, #tpu.memory_space<vmem>> -> memref<128x128xf32, #tpu.memory_space<vmem>>
        %parallel_loop3A_463 = arith.index_cast %parallel_loop3A_373 : i32 to index
        %parallel_loop3A_464 = arith.constant 80 : index
        %parallel_loop3A_465 = tpu.vector_load %parallel_loop3A_462[%parallel_loop3A_463, %parallel_loop3A_464] {strides = array<i32>} : memref<128x128xf32, #tpu.memory_space<vmem>>, vector<16xf32>,
        %parallel_loop3A_466 = arith.mulf %parallel_loop3A_458, %parallel_loop3A_465 : vector<16xf32>
        %parallel_loop3A_467 = arith.addf %parallel_loop3A_435, %parallel_loop3A_466 : vector<16xf32>
        %parallel_loop3A_468 = arith.constant 0 : i32
        %parallel_loop3A_469 = arith.constant 0 : i32
        %parallel_loop3A_470 = tpu.memref_slice %arg9[%scan3A_64, %parallel_loop3A_468, %parallel_loop3A_469] : memref<4x128x128xf32, #tpu.memory_space<vmem>> -> memref<1x128x128xf32, #tpu.memory_space<vmem>>
        %parallel_loop3A_471 = tpu.memref_squeeze %parallel_loop3A_470 : memref<1x128x128xf32, #tpu.memory_space<vmem>> -> memref<128x128xf32, #tpu.memory_space<vmem>>
        %parallel_loop3A_472 = arith.index_cast %parallel_loop3A_373 : i32 to index
        %parallel_loop3A_473 = arith.constant 96 : index
        %parallel_loop3A_474 = tpu.vector_load %parallel_loop3A_471[%parallel_loop3A_472, %parallel_loop3A_473] {strides = array<i32>} : memref<128x128xf32, #tpu.memory_space<vmem>>, vector<16xf32>,
        %parallel_loop3A_475 = arith.constant 0 : i32
        %parallel_loop3A_476 = arith.constant 0 : i32
        %parallel_loop3A_477 = tpu.memref_slice %arg10[%rem3A_65, %parallel_loop3A_475, %parallel_loop3A_476] : memref<2x128x128xf32, #tpu.memory_space<vmem>> -> memref<1x128x128xf32, #tpu.memory_space<vmem>>
        %parallel_loop3A_478 = tpu.memref_squeeze %parallel_loop3A_477 : memref<1x128x128xf32, #tpu.memory_space<vmem>> -> memref<128x128xf32, #tpu.memory_space<vmem>>
        %parallel_loop3A_479 = arith.index_cast %parallel_loop3A_373 : i32 to index
        %parallel_loop3A_480 = arith.constant 96 : index
        %parallel_loop3A_481 = tpu.vector_load %parallel_loop3A_478[%parallel_loop3A_479, %parallel_loop3A_480] {strides = array<i32>} : memref<128x128xf32, #tpu.memory_space<vmem>>, vector<16xf32>,
        %parallel_loop3A_482 = arith.mulf %parallel_loop3A_474, %parallel_loop3A_481 : vector<16xf32>
        %parallel_loop3A_483 = arith.addf %parallel_loop3A_451, %parallel_loop3A_482 : vector<16xf32>
        %parallel_loop3A_484 = arith.constant 0 : i32
        %parallel_loop3A_485 = arith.constant 0 : i32
        %parallel_loop3A_486 = tpu.memref_slice %arg9[%scan3A_64, %parallel_loop3A_484, %parallel_loop3A_485] : memref<4x128x128xf32, #tpu.memory_space<vmem>> -> memref<1x128x128xf32, #tpu.memory_space<vmem>>
        %parallel_loop3A_487 = tpu.memref_squeeze %parallel_loop3A_486 : memref<1x128x128xf32, #tpu.memory_space<vmem>> -> memref<128x128xf32, #tpu.memory_space<vmem>>
        %parallel_loop3A_488 = arith.index_cast %parallel_loop3A_373 : i32 to index
        %parallel_loop3A_489 = arith.constant 112 : index
        %parallel_loop3A_490 = tpu.vector_load %parallel_loop3A_487[%parallel_loop3A_488, %parallel_loop3A_489] {strides = array<i32>} : memref<128x128xf32, #tpu.memory_space<vmem>>, vector<16xf32>,
        %parallel_loop3A_491 = arith.constant 0 : i32
        %parallel_loop3A_492 = arith.constant 0 : i32
        %parallel_loop3A_493 = tpu.memref_slice %arg10[%rem3A_65, %parallel_loop3A_491, %parallel_loop3A_492] : memref<2x128x128xf32, #tpu.memory_space<vmem>> -> memref<1x128x128xf32, #tpu.memory_space<vmem>>
        %parallel_loop3A_494 = tpu.memref_squeeze %parallel_loop3A_493 : memref<1x128x128xf32, #tpu.memory_space<vmem>> -> memref<128x128xf32, #tpu.memory_space<vmem>>
        %parallel_loop3A_495 = arith.index_cast %parallel_loop3A_373 : i32 to index
        %parallel_loop3A_496 = arith.constant 112 : index
        %parallel_loop3A_497 = tpu.vector_load %parallel_loop3A_494[%parallel_loop3A_495, %parallel_loop3A_496] {strides = array<i32>} : memref<128x128xf32, #tpu.memory_space<vmem>>, vector<16xf32>,
        %parallel_loop3A_498 = arith.mulf %parallel_loop3A_490, %parallel_loop3A_497 : vector<16xf32>
        %parallel_loop3A_499 = arith.addf %parallel_loop3A_467, %parallel_loop3A_498 : vector<16xf32>
        %parallel_loop3A_500 = arith.addf %parallel_loop3A_483, %parallel_loop3A_499 : vector<16xf32>
        %parallel_loop3A_501 = arith.constant 32 : i32
        %parallel_loop3A_502 = arith.addi %parallel_loop3A_105, %parallel_loop3A_501 : i32
        %parallel_loop3A_503 = arith.index_cast %parallel_loop3A_502 : i32 to index
        %parallel_loop3A_504 = tpu.vector_load %arg11[%parallel_loop3A_503] {strides = array<i32>} : memref<2048xf32, #tpu.memory_space<vmem>>, vector<16xf32>,
        tpu.vector_store %arg11[%parallel_loop3A_503], %parallel_loop3A_500 {strides = array<i32>} : memref<2048xf32, #tpu.memory_space<vmem>>, vector<16xf32>,
        %parallel_loop3A_505 = arith.constant 3 : i32
        %parallel_loop3A_506 = arith.addi %parallel_loop3A_103, %parallel_loop3A_505 : i32
        %parallel_loop3A_507 = arith.constant 0 : i32
        %parallel_loop3A_508 = arith.constant 0 : i32
        %parallel_loop3A_509 = tpu.memref_slice %arg9[%scan3A_64, %parallel_loop3A_507, %parallel_loop3A_508] : memref<4x128x128xf32, #tpu.memory_space<vmem>> -> memref<1x128x128xf32, #tpu.memory_space<vmem>>
        %parallel_loop3A_510 = tpu.memref_squeeze %parallel_loop3A_509 : memref<1x128x128xf32, #tpu.memory_space<vmem>> -> memref<128x128xf32, #tpu.memory_space<vmem>>
        %parallel_loop3A_511 = arith.index_cast %parallel_loop3A_506 : i32 to index
        %parallel_loop3A_512 = arith.constant 0 : index
        %parallel_loop3A_513 = tpu.vector_load %parallel_loop3A_510[%parallel_loop3A_511, %parallel_loop3A_512] {strides = array<i32>} : memref<128x128xf32, #tpu.memory_space<vmem>>, vector<16xf32>,
        %parallel_loop3A_514 = arith.constant 0 : i32
        %parallel_loop3A_515 = arith.constant 0 : i32
        %parallel_loop3A_516 = tpu.memref_slice %arg10[%rem3A_65, %parallel_loop3A_514, %parallel_loop3A_515] : memref<2x128x128xf32, #tpu.memory_space<vmem>> -> memref<1x128x128xf32, #tpu.memory_space<vmem>>
        %parallel_loop3A_517 = tpu.memref_squeeze %parallel_loop3A_516 : memref<1x128x128xf32, #tpu.memory_space<vmem>> -> memref<128x128xf32, #tpu.memory_space<vmem>>
        %parallel_loop3A_518 = arith.index_cast %parallel_loop3A_506 : i32 to index
        %parallel_loop3A_519 = arith.constant 0 : index
        %parallel_loop3A_520 = tpu.vector_load %parallel_loop3A_517[%parallel_loop3A_518, %parallel_loop3A_519] {strides = array<i32>} : memref<128x128xf32, #tpu.memory_space<vmem>>, vector<16xf32>,
        %parallel_loop3A_521 = arith.mulf %parallel_loop3A_513, %parallel_loop3A_520 : vector<16xf32>
        %parallel_loop3A_522 = arith.constant 0 : i32
        %parallel_loop3A_523 = arith.constant 0 : i32
        %parallel_loop3A_524 = tpu.memref_slice %arg9[%scan3A_64, %parallel_loop3A_522, %parallel_loop3A_523] : memref<4x128x128xf32, #tpu.memory_space<vmem>> -> memref<1x128x128xf32, #tpu.memory_space<vmem>>
        %parallel_loop3A_525 = tpu.memref_squeeze %parallel_loop3A_524 : memref<1x128x128xf32, #tpu.memory_space<vmem>> -> memref<128x128xf32, #tpu.memory_space<vmem>>
        %parallel_loop3A_526 = arith.index_cast %parallel_loop3A_506 : i32 to index
        %parallel_loop3A_527 = arith.constant 16 : index
        %parallel_loop3A_528 = tpu.vector_load %parallel_loop3A_525[%parallel_loop3A_526, %parallel_loop3A_527] {strides = array<i32>} : memref<128x128xf32, #tpu.memory_space<vmem>>, vector<16xf32>,
        %parallel_loop3A_529 = arith.constant 0 : i32
        %parallel_loop3A_530 = arith.constant 0 : i32
        %parallel_loop3A_531 = tpu.memref_slice %arg10[%rem3A_65, %parallel_loop3A_529, %parallel_loop3A_530] : memref<2x128x128xf32, #tpu.memory_space<vmem>> -> memref<1x128x128xf32, #tpu.memory_space<vmem>>
        %parallel_loop3A_532 = tpu.memref_squeeze %parallel_loop3A_531 : memref<1x128x128xf32, #tpu.memory_space<vmem>> -> memref<128x128xf32, #tpu.memory_space<vmem>>
        %parallel_loop3A_533 = arith.index_cast %parallel_loop3A_506 : i32 to index
        %parallel_loop3A_534 = arith.constant 16 : index
        %parallel_loop3A_535 = tpu.vector_load %parallel_loop3A_532[%parallel_loop3A_533, %parallel_loop3A_534] {strides = array<i32>} : memref<128x128xf32, #tpu.memory_space<vmem>>, vector<16xf32>,
        %parallel_loop3A_536 = arith.mulf %parallel_loop3A_528, %parallel_loop3A_535 : vector<16xf32>
        %parallel_loop3A_537 = arith.constant 0 : i32
        %parallel_loop3A_538 = arith.constant 0 : i32
        %parallel_loop3A_539 = tpu.memref_slice %arg9[%scan3A_64, %parallel_loop3A_537, %parallel_loop3A_538] : memref<4x128x128xf32, #tpu.memory_space<vmem>> -> memref<1x128x128xf32, #tpu.memory_space<vmem>>
        %parallel_loop3A_540 = tpu.memref_squeeze %parallel_loop3A_539 : memref<1x128x128xf32, #tpu.memory_space<vmem>> -> memref<128x128xf32, #tpu.memory_space<vmem>>
        %parallel_loop3A_541 = arith.index_cast %parallel_loop3A_506 : i32 to index
        %parallel_loop3A_542 = arith.constant 32 : index
        %parallel_loop3A_543 = tpu.vector_load %parallel_loop3A_540[%parallel_loop3A_541, %parallel_loop3A_542] {strides = array<i32>} : memref<128x128xf32, #tpu.memory_space<vmem>>, vector<16xf32>,
        %parallel_loop3A_544 = arith.constant 0 : i32
        %parallel_loop3A_545 = arith.constant 0 : i32
        %parallel_loop3A_546 = tpu.memref_slice %arg10[%rem3A_65, %parallel_loop3A_544, %parallel_loop3A_545] : memref<2x128x128xf32, #tpu.memory_space<vmem>> -> memref<1x128x128xf32, #tpu.memory_space<vmem>>
        %parallel_loop3A_547 = tpu.memref_squeeze %parallel_loop3A_546 : memref<1x128x128xf32, #tpu.memory_space<vmem>> -> memref<128x128xf32, #tpu.memory_space<vmem>>
        %parallel_loop3A_548 = arith.index_cast %parallel_loop3A_506 : i32 to index
        %parallel_loop3A_549 = arith.constant 32 : index
        %parallel_loop3A_550 = tpu.vector_load %parallel_loop3A_547[%parallel_loop3A_548, %parallel_loop3A_549] {strides = array<i32>} : memref<128x128xf32, #tpu.memory_space<vmem>>, vector<16xf32>,
        %parallel_loop3A_551 = arith.mulf %parallel_loop3A_543, %parallel_loop3A_550 : vector<16xf32>
        %parallel_loop3A_552 = arith.addf %parallel_loop3A_521, %parallel_loop3A_551 : vector<16xf32>
        %parallel_loop3A_553 = arith.constant 0 : i32
        %parallel_loop3A_554 = arith.constant 0 : i32
        %parallel_loop3A_555 = tpu.memref_slice %arg9[%scan3A_64, %parallel_loop3A_553, %parallel_loop3A_554] : memref<4x128x128xf32, #tpu.memory_space<vmem>> -> memref<1x128x128xf32, #tpu.memory_space<vmem>>
        %parallel_loop3A_556 = tpu.memref_squeeze %parallel_loop3A_555 : memref<1x128x128xf32, #tpu.memory_space<vmem>> -> memref<128x128xf32, #tpu.memory_space<vmem>>
        %parallel_loop3A_557 = arith.index_cast %parallel_loop3A_506 : i32 to index
        %parallel_loop3A_558 = arith.constant 48 : index
        %parallel_loop3A_559 = tpu.vector_load %parallel_loop3A_556[%parallel_loop3A_557, %parallel_loop3A_558] {strides = array<i32>} : memref<128x128xf32, #tpu.memory_space<vmem>>, vector<16xf32>,
        %parallel_loop3A_560 = arith.constant 0 : i32
        %parallel_loop3A_561 = arith.constant 0 : i32
        %parallel_loop3A_562 = tpu.memref_slice %arg10[%rem3A_65, %parallel_loop3A_560, %parallel_loop3A_561] : memref<2x128x128xf32, #tpu.memory_space<vmem>> -> memref<1x128x128xf32, #tpu.memory_space<vmem>>
        %parallel_loop3A_563 = tpu.memref_squeeze %parallel_loop3A_562 : memref<1x128x128xf32, #tpu.memory_space<vmem>> -> memref<128x128xf32, #tpu.memory_space<vmem>>
        %parallel_loop3A_564 = arith.index_cast %parallel_loop3A_506 : i32 to index
        %parallel_loop3A_565 = arith.constant 48 : index
        %parallel_loop3A_566 = tpu.vector_load %parallel_loop3A_563[%parallel_loop3A_564, %parallel_loop3A_565] {strides = array<i32>} : memref<128x128xf32, #tpu.memory_space<vmem>>, vector<16xf32>,
        %parallel_loop3A_567 = arith.mulf %parallel_loop3A_559, %parallel_loop3A_566 : vector<16xf32>
        %parallel_loop3A_568 = arith.addf %parallel_loop3A_536, %parallel_loop3A_567 : vector<16xf32>
        %parallel_loop3A_569 = arith.constant 0 : i32
        %parallel_loop3A_570 = arith.constant 0 : i32
        %parallel_loop3A_571 = tpu.memref_slice %arg9[%scan3A_64, %parallel_loop3A_569, %parallel_loop3A_570] : memref<4x128x128xf32, #tpu.memory_space<vmem>> -> memref<1x128x128xf32, #tpu.memory_space<vmem>>
        %parallel_loop3A_572 = tpu.memref_squeeze %parallel_loop3A_571 : memref<1x128x128xf32, #tpu.memory_space<vmem>> -> memref<128x128xf32, #tpu.memory_space<vmem>>
        %parallel_loop3A_573 = arith.index_cast %parallel_loop3A_506 : i32 to index
        %parallel_loop3A_574 = arith.constant 64 : index
        %parallel_loop3A_575 = tpu.vector_load %parallel_loop3A_572[%parallel_loop3A_573, %parallel_loop3A_574] {strides = array<i32>} : memref<128x128xf32, #tpu.memory_space<vmem>>, vector<16xf32>,
        %parallel_loop3A_576 = arith.constant 0 : i32
        %parallel_loop3A_577 = arith.constant 0 : i32
        %parallel_loop3A_578 = tpu.memref_slice %arg10[%rem3A_65, %parallel_loop3A_576, %parallel_loop3A_577] : memref<2x128x128xf32, #tpu.memory_space<vmem>> -> memref<1x128x128xf32, #tpu.memory_space<vmem>>
        %parallel_loop3A_579 = tpu.memref_squeeze %parallel_loop3A_578 : memref<1x128x128xf32, #tpu.memory_space<vmem>> -> memref<128x128xf32, #tpu.memory_space<vmem>>
        %parallel_loop3A_580 = arith.index_cast %parallel_loop3A_506 : i32 to index
        %parallel_loop3A_581 = arith.constant 64 : index
        %parallel_loop3A_582 = tpu.vector_load %parallel_loop3A_579[%parallel_loop3A_580, %parallel_loop3A_581] {strides = array<i32>} : memref<128x128xf32, #tpu.memory_space<vmem>>, vector<16xf32>,
        %parallel_loop3A_583 = arith.mulf %parallel_loop3A_575, %parallel_loop3A_582 : vector<16xf32>
        %parallel_loop3A_584 = arith.addf %parallel_loop3A_552, %parallel_loop3A_583 : vector<16xf32>
        %parallel_loop3A_585 = arith.constant 0 : i32
        %parallel_loop3A_586 = arith.constant 0 : i32
        %parallel_loop3A_587 = tpu.memref_slice %arg9[%scan3A_64, %parallel_loop3A_585, %parallel_loop3A_586] : memref<4x128x128xf32, #tpu.memory_space<vmem>> -> memref<1x128x128xf32, #tpu.memory_space<vmem>>
        %parallel_loop3A_588 = tpu.memref_squeeze %parallel_loop3A_587 : memref<1x128x128xf32, #tpu.memory_space<vmem>> -> memref<128x128xf32, #tpu.memory_space<vmem>>
        %parallel_loop3A_589 = arith.index_cast %parallel_loop3A_506 : i32 to index
        %parallel_loop3A_590 = arith.constant 80 : index
        %parallel_loop3A_591 = tpu.vector_load %parallel_loop3A_588[%parallel_loop3A_589, %parallel_loop3A_590] {strides = array<i32>} : memref<128x128xf32, #tpu.memory_space<vmem>>, vector<16xf32>,
        %parallel_loop3A_592 = arith.constant 0 : i32
        %parallel_loop3A_593 = arith.constant 0 : i32
        %parallel_loop3A_594 = tpu.memref_slice %arg10[%rem3A_65, %parallel_loop3A_592, %parallel_loop3A_593] : memref<2x128x128xf32, #tpu.memory_space<vmem>> -> memref<1x128x128xf32, #tpu.memory_space<vmem>>
        %parallel_loop3A_595 = tpu.memref_squeeze %parallel_loop3A_594 : memref<1x128x128xf32, #tpu.memory_space<vmem>> -> memref<128x128xf32, #tpu.memory_space<vmem>>
        %parallel_loop3A_596 = arith.index_cast %parallel_loop3A_506 : i32 to index
        %parallel_loop3A_597 = arith.constant 80 : index
        %parallel_loop3A_598 = tpu.vector_load %parallel_loop3A_595[%parallel_loop3A_596, %parallel_loop3A_597] {strides = array<i32>} : memref<128x128xf32, #tpu.memory_space<vmem>>, vector<16xf32>,
        %parallel_loop3A_599 = arith.mulf %parallel_loop3A_591, %parallel_loop3A_598 : vector<16xf32>
        %parallel_loop3A_600 = arith.addf %parallel_loop3A_568, %parallel_loop3A_599 : vector<16xf32>
        %parallel_loop3A_601 = arith.constant 0 : i32
        %parallel_loop3A_602 = arith.constant 0 : i32
        %parallel_loop3A_603 = tpu.memref_slice %arg9[%scan3A_64, %parallel_loop3A_601, %parallel_loop3A_602] : memref<4x128x128xf32, #tpu.memory_space<vmem>> -> memref<1x128x128xf32, #tpu.memory_space<vmem>>
        %parallel_loop3A_604 = tpu.memref_squeeze %parallel_loop3A_603 : memref<1x128x128xf32, #tpu.memory_space<vmem>> -> memref<128x128xf32, #tpu.memory_space<vmem>>
        %parallel_loop3A_605 = arith.index_cast %parallel_loop3A_506 : i32 to index
        %parallel_loop3A_606 = arith.constant 96 : index
        %parallel_loop3A_607 = tpu.vector_load %parallel_loop3A_604[%parallel_loop3A_605, %parallel_loop3A_606] {strides = array<i32>} : memref<128x128xf32, #tpu.memory_space<vmem>>, vector<16xf32>,
        %parallel_loop3A_608 = arith.constant 0 : i32
        %parallel_loop3A_609 = arith.constant 0 : i32
        %parallel_loop3A_610 = tpu.memref_slice %arg10[%rem3A_65, %parallel_loop3A_608, %parallel_loop3A_609] : memref<2x128x128xf32, #tpu.memory_space<vmem>> -> memref<1x128x128xf32, #tpu.memory_space<vmem>>
        %parallel_loop3A_611 = tpu.memref_squeeze %parallel_loop3A_610 : memref<1x128x128xf32, #tpu.memory_space<vmem>> -> memref<128x128xf32, #tpu.memory_space<vmem>>
        %parallel_loop3A_612 = arith.index_cast %parallel_loop3A_506 : i32 to index
        %parallel_loop3A_613 = arith.constant 96 : index
        %parallel_loop3A_614 = tpu.vector_load %parallel_loop3A_611[%parallel_loop3A_612, %parallel_loop3A_613] {strides = array<i32>} : memref<128x128xf32, #tpu.memory_space<vmem>>, vector<16xf32>,
        %parallel_loop3A_615 = arith.mulf %parallel_loop3A_607, %parallel_loop3A_614 : vector<16xf32>
        %parallel_loop3A_616 = arith.addf %parallel_loop3A_584, %parallel_loop3A_615 : vector<16xf32>
        %parallel_loop3A_617 = arith.constant 0 : i32
        %parallel_loop3A_618 = arith.constant 0 : i32
        %parallel_loop3A_619 = tpu.memref_slice %arg9[%scan3A_64, %parallel_loop3A_617, %parallel_loop3A_618] : memref<4x128x128xf32, #tpu.memory_space<vmem>> -> memref<1x128x128xf32, #tpu.memory_space<vmem>>
        %parallel_loop3A_620 = tpu.memref_squeeze %parallel_loop3A_619 : memref<1x128x128xf32, #tpu.memory_space<vmem>> -> memref<128x128xf32, #tpu.memory_space<vmem>>
        %parallel_loop3A_621 = arith.index_cast %parallel_loop3A_506 : i32 to index
        %parallel_loop3A_622 = arith.constant 112 : index
        %parallel_loop3A_623 = tpu.vector_load %parallel_loop3A_620[%parallel_loop3A_621, %parallel_loop3A_622] {strides = array<i32>} : memref<128x128xf32, #tpu.memory_space<vmem>>, vector<16xf32>,
        %parallel_loop3A_624 = arith.constant 0 : i32
        %parallel_loop3A_625 = arith.constant 0 : i32
        %parallel_loop3A_626 = tpu.memref_slice %arg10[%rem3A_65, %parallel_loop3A_624, %parallel_loop3A_625] : memref<2x128x128xf32, #tpu.memory_space<vmem>> -> memref<1x128x128xf32, #tpu.memory_space<vmem>>
        %parallel_loop3A_627 = tpu.memref_squeeze %parallel_loop3A_626 : memref<1x128x128xf32, #tpu.memory_space<vmem>> -> memref<128x128xf32, #tpu.memory_space<vmem>>
        %parallel_loop3A_628 = arith.index_cast %parallel_loop3A_506 : i32 to index
        %parallel_loop3A_629 = arith.constant 112 : index
        %parallel_loop3A_630 = tpu.vector_load %parallel_loop3A_627[%parallel_loop3A_628, %parallel_loop3A_629] {strides = array<i32>} : memref<128x128xf32, #tpu.memory_space<vmem>>, vector<16xf32>,
        %parallel_loop3A_631 = arith.mulf %parallel_loop3A_623, %parallel_loop3A_630 : vector<16xf32>
        %parallel_loop3A_632 = arith.addf %parallel_loop3A_600, %parallel_loop3A_631 : vector<16xf32>
        %parallel_loop3A_633 = arith.addf %parallel_loop3A_616, %parallel_loop3A_632 : vector<16xf32>
        %parallel_loop3A_634 = arith.constant 48 : i32
        %parallel_loop3A_635 = arith.addi %parallel_loop3A_105, %parallel_loop3A_634 : i32
        %parallel_loop3A_636 = arith.index_cast %parallel_loop3A_635 : i32 to index
        %parallel_loop3A_637 = tpu.vector_load %arg11[%parallel_loop3A_636] {strides = array<i32>} : memref<2048xf32, #tpu.memory_space<vmem>>, vector<16xf32>,
        tpu.vector_store %arg11[%parallel_loop3A_636], %parallel_loop3A_633 {strides = array<i32>} : memref<2048xf32, #tpu.memory_space<vmem>>, vector<16xf32>,
        %parallel_loop3A_638 = arith.constant 4 : i32
        %parallel_loop3A_639 = arith.addi %parallel_loop3A_103, %parallel_loop3A_638 : i32
        %parallel_loop3A_640 = arith.constant 0 : i32
        %parallel_loop3A_641 = arith.constant 0 : i32
        %parallel_loop3A_642 = tpu.memref_slice %arg9[%scan3A_64, %parallel_loop3A_640, %parallel_loop3A_641] : memref<4x128x128xf32, #tpu.memory_space<vmem>> -> memref<1x128x128xf32, #tpu.memory_space<vmem>>
        %parallel_loop3A_643 = tpu.memref_squeeze %parallel_loop3A_642 : memref<1x128x128xf32, #tpu.memory_space<vmem>> -> memref<128x128xf32, #tpu.memory_space<vmem>>
        %parallel_loop3A_644 = arith.index_cast %parallel_loop3A_639 : i32 to index
        %parallel_loop3A_645 = arith.constant 0 : index
        %parallel_loop3A_646 = tpu.vector_load %parallel_loop3A_643[%parallel_loop3A_644, %parallel_loop3A_645] {strides = array<i32>} : memref<128x128xf32, #tpu.memory_space<vmem>>, vector<16xf32>,
        %parallel_loop3A_647 = arith.constant 0 : i32
        %parallel_loop3A_648 = arith.constant 0 : i32
        %parallel_loop3A_649 = tpu.memref_slice %arg10[%rem3A_65, %parallel_loop3A_647, %parallel_loop3A_648] : memref<2x128x128xf32, #tpu.memory_space<vmem>> -> memref<1x128x128xf32, #tpu.memory_space<vmem>>
        %parallel_loop3A_650 = tpu.memref_squeeze %parallel_loop3A_649 : memref<1x128x128xf32, #tpu.memory_space<vmem>> -> memref<128x128xf32, #tpu.memory_space<vmem>>
        %parallel_loop3A_651 = arith.index_cast %parallel_loop3A_639 : i32 to index
        %parallel_loop3A_652 = arith.constant 0 : index
        %parallel_loop3A_653 = tpu.vector_load %parallel_loop3A_650[%parallel_loop3A_651, %parallel_loop3A_652] {strides = array<i32>} : memref<128x128xf32, #tpu.memory_space<vmem>>, vector<16xf32>,
        %parallel_loop3A_654 = arith.mulf %parallel_loop3A_646, %parallel_loop3A_653 : vector<16xf32>
        %parallel_loop3A_655 = arith.constant 0 : i32
        %parallel_loop3A_656 = arith.constant 0 : i32
        %parallel_loop3A_657 = tpu.memref_slice %arg9[%scan3A_64, %parallel_loop3A_655, %parallel_loop3A_656] : memref<4x128x128xf32, #tpu.memory_space<vmem>> -> memref<1x128x128xf32, #tpu.memory_space<vmem>>
        %parallel_loop3A_658 = tpu.memref_squeeze %parallel_loop3A_657 : memref<1x128x128xf32, #tpu.memory_space<vmem>> -> memref<128x128xf32, #tpu.memory_space<vmem>>
        %parallel_loop3A_659 = arith.index_cast %parallel_loop3A_639 : i32 to index
        %parallel_loop3A_660 = arith.constant 16 : index
        %parallel_loop3A_661 = tpu.vector_load %parallel_loop3A_658[%parallel_loop3A_659, %parallel_loop3A_660] {strides = array<i32>} : memref<128x128xf32, #tpu.memory_space<vmem>>, vector<16xf32>,
        %parallel_loop3A_662 = arith.constant 0 : i32
        %parallel_loop3A_663 = arith.constant 0 : i32
        %parallel_loop3A_664 = tpu.memref_slice %arg10[%rem3A_65, %parallel_loop3A_662, %parallel_loop3A_663] : memref<2x128x128xf32, #tpu.memory_space<vmem>> -> memref<1x128x128xf32, #tpu.memory_space<vmem>>
        %parallel_loop3A_665 = tpu.memref_squeeze %parallel_loop3A_664 : memref<1x128x128xf32, #tpu.memory_space<vmem>> -> memref<128x128xf32, #tpu.memory_space<vmem>>
        %parallel_loop3A_666 = arith.index_cast %parallel_loop3A_639 : i32 to index
        %parallel_loop3A_667 = arith.constant 16 : index
        %parallel_loop3A_668 = tpu.vector_load %parallel_loop3A_665[%parallel_loop3A_666, %parallel_loop3A_667] {strides = array<i32>} : memref<128x128xf32, #tpu.memory_space<vmem>>, vector<16xf32>,
        %parallel_loop3A_669 = arith.mulf %parallel_loop3A_661, %parallel_loop3A_668 : vector<16xf32>
        %parallel_loop3A_670 = arith.constant 0 : i32
        %parallel_loop3A_671 = arith.constant 0 : i32
        %parallel_loop3A_672 = tpu.memref_slice %arg9[%scan3A_64, %parallel_loop3A_670, %parallel_loop3A_671] : memref<4x128x128xf32, #tpu.memory_space<vmem>> -> memref<1x128x128xf32, #tpu.memory_space<vmem>>
        %parallel_loop3A_673 = tpu.memref_squeeze %parallel_loop3A_672 : memref<1x128x128xf32, #tpu.memory_space<vmem>> -> memref<128x128xf32, #tpu.memory_space<vmem>>
        %parallel_loop3A_674 = arith.index_cast %parallel_loop3A_639 : i32 to index
        %parallel_loop3A_675 = arith.constant 32 : index
        %parallel_loop3A_676 = tpu.vector_load %parallel_loop3A_673[%parallel_loop3A_674, %parallel_loop3A_675] {strides = array<i32>} : memref<128x128xf32, #tpu.memory_space<vmem>>, vector<16xf32>,
        %parallel_loop3A_677 = arith.constant 0 : i32
        %parallel_loop3A_678 = arith.constant 0 : i32
        %parallel_loop3A_679 = tpu.memref_slice %arg10[%rem3A_65, %parallel_loop3A_677, %parallel_loop3A_678] : memref<2x128x128xf32, #tpu.memory_space<vmem>> -> memref<1x128x128xf32, #tpu.memory_space<vmem>>
        %parallel_loop3A_680 = tpu.memref_squeeze %parallel_loop3A_679 : memref<1x128x128xf32, #tpu.memory_space<vmem>> -> memref<128x128xf32, #tpu.memory_space<vmem>>
        %parallel_loop3A_681 = arith.index_cast %parallel_loop3A_639 : i32 to index
        %parallel_loop3A_682 = arith.constant 32 : index
        %parallel_loop3A_683 = tpu.vector_load %parallel_loop3A_680[%parallel_loop3A_681, %parallel_loop3A_682] {strides = array<i32>} : memref<128x128xf32, #tpu.memory_space<vmem>>, vector<16xf32>,
        %parallel_loop3A_684 = arith.mulf %parallel_loop3A_676, %parallel_loop3A_683 : vector<16xf32>
        %parallel_loop3A_685 = arith.addf %parallel_loop3A_654, %parallel_loop3A_684 : vector<16xf32>
        %parallel_loop3A_686 = arith.constant 0 : i32
        %parallel_loop3A_687 = arith.constant 0 : i32
        %parallel_loop3A_688 = tpu.memref_slice %arg9[%scan3A_64, %parallel_loop3A_686, %parallel_loop3A_687] : memref<4x128x128xf32, #tpu.memory_space<vmem>> -> memref<1x128x128xf32, #tpu.memory_space<vmem>>
        %parallel_loop3A_689 = tpu.memref_squeeze %parallel_loop3A_688 : memref<1x128x128xf32, #tpu.memory_space<vmem>> -> memref<128x128xf32, #tpu.memory_space<vmem>>
        %parallel_loop3A_690 = arith.index_cast %parallel_loop3A_639 : i32 to index
        %parallel_loop3A_691 = arith.constant 48 : index
        %parallel_loop3A_692 = tpu.vector_load %parallel_loop3A_689[%parallel_loop3A_690, %parallel_loop3A_691] {strides = array<i32>} : memref<128x128xf32, #tpu.memory_space<vmem>>, vector<16xf32>,
        %parallel_loop3A_693 = arith.constant 0 : i32
        %parallel_loop3A_694 = arith.constant 0 : i32
        %parallel_loop3A_695 = tpu.memref_slice %arg10[%rem3A_65, %parallel_loop3A_693, %parallel_loop3A_694] : memref<2x128x128xf32, #tpu.memory_space<vmem>> -> memref<1x128x128xf32, #tpu.memory_space<vmem>>
        %parallel_loop3A_696 = tpu.memref_squeeze %parallel_loop3A_695 : memref<1x128x128xf32, #tpu.memory_space<vmem>> -> memref<128x128xf32, #tpu.memory_space<vmem>>
        %parallel_loop3A_697 = arith.index_cast %parallel_loop3A_639 : i32 to index
        %parallel_loop3A_698 = arith.constant 48 : index
        %parallel_loop3A_699 = tpu.vector_load %parallel_loop3A_696[%parallel_loop3A_697, %parallel_loop3A_698] {strides = array<i32>} : memref<128x128xf32, #tpu.memory_space<vmem>>, vector<16xf32>,
        %parallel_loop3A_700 = arith.mulf %parallel_loop3A_692, %parallel_loop3A_699 : vector<16xf32>
        %parallel_loop3A_701 = arith.addf %parallel_loop3A_669, %parallel_loop3A_700 : vector<16xf32>
        %parallel_loop3A_702 = arith.constant 0 : i32
        %parallel_loop3A_703 = arith.constant 0 : i32
        %parallel_loop3A_704 = tpu.memref_slice %arg9[%scan3A_64, %parallel_loop3A_702, %parallel_loop3A_703] : memref<4x128x128xf32, #tpu.memory_space<vmem>> -> memref<1x128x128xf32, #tpu.memory_space<vmem>>
        %parallel_loop3A_705 = tpu.memref_squeeze %parallel_loop3A_704 : memref<1x128x128xf32, #tpu.memory_space<vmem>> -> memref<128x128xf32, #tpu.memory_space<vmem>>
        %parallel_loop3A_706 = arith.index_cast %parallel_loop3A_639 : i32 to index
        %parallel_loop3A_707 = arith.constant 64 : index
        %parallel_loop3A_708 = tpu.vector_load %parallel_loop3A_705[%parallel_loop3A_706, %parallel_loop3A_707] {strides = array<i32>} : memref<128x128xf32, #tpu.memory_space<vmem>>, vector<16xf32>,
        %parallel_loop3A_709 = arith.constant 0 : i32
        %parallel_loop3A_710 = arith.constant 0 : i32
        %parallel_loop3A_711 = tpu.memref_slice %arg10[%rem3A_65, %parallel_loop3A_709, %parallel_loop3A_710] : memref<2x128x128xf32, #tpu.memory_space<vmem>> -> memref<1x128x128xf32, #tpu.memory_space<vmem>>
        %parallel_loop3A_712 = tpu.memref_squeeze %parallel_loop3A_711 : memref<1x128x128xf32, #tpu.memory_space<vmem>> -> memref<128x128xf32, #tpu.memory_space<vmem>>
        %parallel_loop3A_713 = arith.index_cast %parallel_loop3A_639 : i32 to index
        %parallel_loop3A_714 = arith.constant 64 : index
        %parallel_loop3A_715 = tpu.vector_load %parallel_loop3A_712[%parallel_loop3A_713, %parallel_loop3A_714] {strides = array<i32>} : memref<128x128xf32, #tpu.memory_space<vmem>>, vector<16xf32>,
        %parallel_loop3A_716 = arith.mulf %parallel_loop3A_708, %parallel_loop3A_715 : vector<16xf32>
        %parallel_loop3A_717 = arith.addf %parallel_loop3A_685, %parallel_loop3A_716 : vector<16xf32>
        %parallel_loop3A_718 = arith.constant 0 : i32
        %parallel_loop3A_719 = arith.constant 0 : i32
        %parallel_loop3A_720 = tpu.memref_slice %arg9[%scan3A_64, %parallel_loop3A_718, %parallel_loop3A_719] : memref<4x128x128xf32, #tpu.memory_space<vmem>> -> memref<1x128x128xf32, #tpu.memory_space<vmem>>
        %parallel_loop3A_721 = tpu.memref_squeeze %parallel_loop3A_720 : memref<1x128x128xf32, #tpu.memory_space<vmem>> -> memref<128x128xf32, #tpu.memory_space<vmem>>
        %parallel_loop3A_722 = arith.index_cast %parallel_loop3A_639 : i32 to index
        %parallel_loop3A_723 = arith.constant 80 : index
        %parallel_loop3A_724 = tpu.vector_load %parallel_loop3A_721[%parallel_loop3A_722, %parallel_loop3A_723] {strides = array<i32>} : memref<128x128xf32, #tpu.memory_space<vmem>>, vector<16xf32>,
        %parallel_loop3A_725 = arith.constant 0 : i32
        %parallel_loop3A_726 = arith.constant 0 : i32
        %parallel_loop3A_727 = tpu.memref_slice %arg10[%rem3A_65, %parallel_loop3A_725, %parallel_loop3A_726] : memref<2x128x128xf32, #tpu.memory_space<vmem>> -> memref<1x128x128xf32, #tpu.memory_space<vmem>>
        %parallel_loop3A_728 = tpu.memref_squeeze %parallel_loop3A_727 : memref<1x128x128xf32, #tpu.memory_space<vmem>> -> memref<128x128xf32, #tpu.memory_space<vmem>>
        %parallel_loop3A_729 = arith.index_cast %parallel_loop3A_639 : i32 to index
        %parallel_loop3A_730 = arith.constant 80 : index
        %parallel_loop3A_731 = tpu.vector_load %parallel_loop3A_728[%parallel_loop3A_729, %parallel_loop3A_730] {strides = array<i32>} : memref<128x128xf32, #tpu.memory_space<vmem>>, vector<16xf32>,
        %parallel_loop3A_732 = arith.mulf %parallel_loop3A_724, %parallel_loop3A_731 : vector<16xf32>
        %parallel_loop3A_733 = arith.addf %parallel_loop3A_701, %parallel_loop3A_732 : vector<16xf32>
        %parallel_loop3A_734 = arith.constant 0 : i32
        %parallel_loop3A_735 = arith.constant 0 : i32
        %parallel_loop3A_736 = tpu.memref_slice %arg9[%scan3A_64, %parallel_loop3A_734, %parallel_loop3A_735] : memref<4x128x128xf32, #tpu.memory_space<vmem>> -> memref<1x128x128xf32, #tpu.memory_space<vmem>>
        %parallel_loop3A_737 = tpu.memref_squeeze %parallel_loop3A_736 : memref<1x128x128xf32, #tpu.memory_space<vmem>> -> memref<128x128xf32, #tpu.memory_space<vmem>>
        %parallel_loop3A_738 = arith.index_cast %parallel_loop3A_639 : i32 to index
        %parallel_loop3A_739 = arith.constant 96 : index
        %parallel_loop3A_740 = tpu.vector_load %parallel_loop3A_737[%parallel_loop3A_738, %parallel_loop3A_739] {strides = array<i32>} : memref<128x128xf32, #tpu.memory_space<vmem>>, vector<16xf32>,
        %parallel_loop3A_741 = arith.constant 0 : i32
        %parallel_loop3A_742 = arith.constant 0 : i32
        %parallel_loop3A_743 = tpu.memref_slice %arg10[%rem3A_65, %parallel_loop3A_741, %parallel_loop3A_742] : memref<2x128x128xf32, #tpu.memory_space<vmem>> -> memref<1x128x128xf32, #tpu.memory_space<vmem>>
        %parallel_loop3A_744 = tpu.memref_squeeze %parallel_loop3A_743 : memref<1x128x128xf32, #tpu.memory_space<vmem>> -> memref<128x128xf32, #tpu.memory_space<vmem>>
        %parallel_loop3A_745 = arith.index_cast %parallel_loop3A_639 : i32 to index
        %parallel_loop3A_746 = arith.constant 96 : index
        %parallel_loop3A_747 = tpu.vector_load %parallel_loop3A_744[%parallel_loop3A_745, %parallel_loop3A_746] {strides = array<i32>} : memref<128x128xf32, #tpu.memory_space<vmem>>, vector<16xf32>,
        %parallel_loop3A_748 = arith.mulf %parallel_loop3A_740, %parallel_loop3A_747 : vector<16xf32>
        %parallel_loop3A_749 = arith.addf %parallel_loop3A_717, %parallel_loop3A_748 : vector<16xf32>
        %parallel_loop3A_750 = arith.constant 0 : i32
        %parallel_loop3A_751 = arith.constant 0 : i32
        %parallel_loop3A_752 = tpu.memref_slice %arg9[%scan3A_64, %parallel_loop3A_750, %parallel_loop3A_751] : memref<4x128x128xf32, #tpu.memory_space<vmem>> -> memref<1x128x128xf32, #tpu.memory_space<vmem>>
        %parallel_loop3A_753 = tpu.memref_squeeze %parallel_loop3A_752 : memref<1x128x128xf32, #tpu.memory_space<vmem>> -> memref<128x128xf32, #tpu.memory_space<vmem>>
        %parallel_loop3A_754 = arith.index_cast %parallel_loop3A_639 : i32 to index
        %parallel_loop3A_755 = arith.constant 112 : index
        %parallel_loop3A_756 = tpu.vector_load %parallel_loop3A_753[%parallel_loop3A_754, %parallel_loop3A_755] {strides = array<i32>} : memref<128x128xf32, #tpu.memory_space<vmem>>, vector<16xf32>,
        %parallel_loop3A_757 = arith.constant 0 : i32
        %parallel_loop3A_758 = arith.constant 0 : i32
        %parallel_loop3A_759 = tpu.memref_slice %arg10[%rem3A_65, %parallel_loop3A_757, %parallel_loop3A_758] : memref<2x128x128xf32, #tpu.memory_space<vmem>> -> memref<1x128x128xf32, #tpu.memory_space<vmem>>
        %parallel_loop3A_760 = tpu.memref_squeeze %parallel_loop3A_759 : memref<1x128x128xf32, #tpu.memory_space<vmem>> -> memref<128x128xf32, #tpu.memory_space<vmem>>
        %parallel_loop3A_761 = arith.index_cast %parallel_loop3A_639 : i32 to index
        %parallel_loop3A_762 = arith.constant 112 : index
        %parallel_loop3A_763 = tpu.vector_load %parallel_loop3A_760[%parallel_loop3A_761, %parallel_loop3A_762] {strides = array<i32>} : memref<128x128xf32, #tpu.memory_space<vmem>>, vector<16xf32>,
        %parallel_loop3A_764 = arith.mulf %parallel_loop3A_756, %parallel_loop3A_763 : vector<16xf32>
        %parallel_loop3A_765 = arith.addf %parallel_loop3A_733, %parallel_loop3A_764 : vector<16xf32>
        %parallel_loop3A_766 = arith.addf %parallel_loop3A_749, %parallel_loop3A_765 : vector<16xf32>
        %parallel_loop3A_767 = arith.constant 64 : i32
        %parallel_loop3A_768 = arith.addi %parallel_loop3A_105, %parallel_loop3A_767 : i32
        %parallel_loop3A_769 = arith.index_cast %parallel_loop3A_768 : i32 to index
        %parallel_loop3A_770 = tpu.vector_load %arg11[%parallel_loop3A_769] {strides = array<i32>} : memref<2048xf32, #tpu.memory_space<vmem>>, vector<16xf32>,
        tpu.vector_store %arg11[%parallel_loop3A_769], %parallel_loop3A_766 {strides = array<i32>} : memref<2048xf32, #tpu.memory_space<vmem>>, vector<16xf32>,
        %parallel_loop3A_771 = arith.constant 5 : i32
        %parallel_loop3A_772 = arith.addi %parallel_loop3A_103, %parallel_loop3A_771 : i32
        %parallel_loop3A_773 = arith.constant 0 : i32
        %parallel_loop3A_774 = arith.constant 0 : i32
        %parallel_loop3A_775 = tpu.memref_slice %arg9[%scan3A_64, %parallel_loop3A_773, %parallel_loop3A_774] : memref<4x128x128xf32, #tpu.memory_space<vmem>> -> memref<1x128x128xf32, #tpu.memory_space<vmem>>
        %parallel_loop3A_776 = tpu.memref_squeeze %parallel_loop3A_775 : memref<1x128x128xf32, #tpu.memory_space<vmem>> -> memref<128x128xf32, #tpu.memory_space<vmem>>
        %parallel_loop3A_777 = arith.index_cast %parallel_loop3A_772 : i32 to index
        %parallel_loop3A_778 = arith.constant 0 : index
        %parallel_loop3A_779 = tpu.vector_load %parallel_loop3A_776[%parallel_loop3A_777, %parallel_loop3A_778] {strides = array<i32>} : memref<128x128xf32, #tpu.memory_space<vmem>>, vector<16xf32>,
        %parallel_loop3A_780 = arith.constant 0 : i32
        %parallel_loop3A_781 = arith.constant 0 : i32
        %parallel_loop3A_782 = tpu.memref_slice %arg10[%rem3A_65, %parallel_loop3A_780, %parallel_loop3A_781] : memref<2x128x128xf32, #tpu.memory_space<vmem>> -> memref<1x128x128xf32, #tpu.memory_space<vmem>>
        %parallel_loop3A_783 = tpu.memref_squeeze %parallel_loop3A_782 : memref<1x128x128xf32, #tpu.memory_space<vmem>> -> memref<128x128xf32, #tpu.memory_space<vmem>>
        %parallel_loop3A_784 = arith.index_cast %parallel_loop3A_772 : i32 to index
        %parallel_loop3A_785 = arith.constant 0 : index
        %parallel_loop3A_786 = tpu.vector_load %parallel_loop3A_783[%parallel_loop3A_784, %parallel_loop3A_785] {strides = array<i32>} : memref<128x128xf32, #tpu.memory_space<vmem>>, vector<16xf32>,
        %parallel_loop3A_787 = arith.mulf %parallel_loop3A_779, %parallel_loop3A_786 : vector<16xf32>
        %parallel_loop3A_788 = arith.constant 0 : i32
        %parallel_loop3A_789 = arith.constant 0 : i32
        %parallel_loop3A_790 = tpu.memref_slice %arg9[%scan3A_64, %parallel_loop3A_788, %parallel_loop3A_789] : memref<4x128x128xf32, #tpu.memory_space<vmem>> -> memref<1x128x128xf32, #tpu.memory_space<vmem>>
        %parallel_loop3A_791 = tpu.memref_squeeze %parallel_loop3A_790 : memref<1x128x128xf32, #tpu.memory_space<vmem>> -> memref<128x128xf32, #tpu.memory_space<vmem>>
        %parallel_loop3A_792 = arith.index_cast %parallel_loop3A_772 : i32 to index
        %parallel_loop3A_793 = arith.constant 16 : index
        %parallel_loop3A_794 = tpu.vector_load %parallel_loop3A_791[%parallel_loop3A_792, %parallel_loop3A_793] {strides = array<i32>} : memref<128x128xf32, #tpu.memory_space<vmem>>, vector<16xf32>,
        %parallel_loop3A_795 = arith.constant 0 : i32
        %parallel_loop3A_796 = arith.constant 0 : i32
        %parallel_loop3A_797 = tpu.memref_slice %arg10[%rem3A_65, %parallel_loop3A_795, %parallel_loop3A_796] : memref<2x128x128xf32, #tpu.memory_space<vmem>> -> memref<1x128x128xf32, #tpu.memory_space<vmem>>
        %parallel_loop3A_798 = tpu.memref_squeeze %parallel_loop3A_797 : memref<1x128x128xf32, #tpu.memory_space<vmem>> -> memref<128x128xf32, #tpu.memory_space<vmem>>
        %parallel_loop3A_799 = arith.index_cast %parallel_loop3A_772 : i32 to index
        %parallel_loop3A_800 = arith.constant 16 : index
        %parallel_loop3A_801 = tpu.vector_load %parallel_loop3A_798[%parallel_loop3A_799, %parallel_loop3A_800] {strides = array<i32>} : memref<128x128xf32, #tpu.memory_space<vmem>>, vector<16xf32>,
        %parallel_loop3A_802 = arith.mulf %parallel_loop3A_794, %parallel_loop3A_801 : vector<16xf32>
        %parallel_loop3A_803 = arith.constant 0 : i32
        %parallel_loop3A_804 = arith.constant 0 : i32
        %parallel_loop3A_805 = tpu.memref_slice %arg9[%scan3A_64, %parallel_loop3A_803, %parallel_loop3A_804] : memref<4x128x128xf32, #tpu.memory_space<vmem>> -> memref<1x128x128xf32, #tpu.memory_space<vmem>>
        %parallel_loop3A_806 = tpu.memref_squeeze %parallel_loop3A_805 : memref<1x128x128xf32, #tpu.memory_space<vmem>> -> memref<128x128xf32, #tpu.memory_space<vmem>>
        %parallel_loop3A_807 = arith.index_cast %parallel_loop3A_772 : i32 to index
        %parallel_loop3A_808 = arith.constant 32 : index
        %parallel_loop3A_809 = tpu.vector_load %parallel_loop3A_806[%parallel_loop3A_807, %parallel_loop3A_808] {strides = array<i32>} : memref<128x128xf32, #tpu.memory_space<vmem>>, vector<16xf32>,
        %parallel_loop3A_810 = arith.constant 0 : i32
        %parallel_loop3A_811 = arith.constant 0 : i32
        %parallel_loop3A_812 = tpu.memref_slice %arg10[%rem3A_65, %parallel_loop3A_810, %parallel_loop3A_811] : memref<2x128x128xf32, #tpu.memory_space<vmem>> -> memref<1x128x128xf32, #tpu.memory_space<vmem>>
        %parallel_loop3A_813 = tpu.memref_squeeze %parallel_loop3A_812 : memref<1x128x128xf32, #tpu.memory_space<vmem>> -> memref<128x128xf32, #tpu.memory_space<vmem>>
        %parallel_loop3A_814 = arith.index_cast %parallel_loop3A_772 : i32 to index
        %parallel_loop3A_815 = arith.constant 32 : index
        %parallel_loop3A_816 = tpu.vector_load %parallel_loop3A_813[%parallel_loop3A_814, %parallel_loop3A_815] {strides = array<i32>} : memref<128x128xf32, #tpu.memory_space<vmem>>, vector<16xf32>,
        %parallel_loop3A_817 = arith.mulf %parallel_loop3A_809, %parallel_loop3A_816 : vector<16xf32>
        %parallel_loop3A_818 = arith.addf %parallel_loop3A_787, %parallel_loop3A_817 : vector<16xf32>
        %parallel_loop3A_819 = arith.constant 0 : i32
        %parallel_loop3A_820 = arith.constant 0 : i32
        %parallel_loop3A_821 = tpu.memref_slice %arg9[%scan3A_64, %parallel_loop3A_819, %parallel_loop3A_820] : memref<4x128x128xf32, #tpu.memory_space<vmem>> -> memref<1x128x128xf32, #tpu.memory_space<vmem>>
        %parallel_loop3A_822 = tpu.memref_squeeze %parallel_loop3A_821 : memref<1x128x128xf32, #tpu.memory_space<vmem>> -> memref<128x128xf32, #tpu.memory_space<vmem>>
        %parallel_loop3A_823 = arith.index_cast %parallel_loop3A_772 : i32 to index
        %parallel_loop3A_824 = arith.constant 48 : index
        %parallel_loop3A_825 = tpu.vector_load %parallel_loop3A_822[%parallel_loop3A_823, %parallel_loop3A_824] {strides = array<i32>} : memref<128x128xf32, #tpu.memory_space<vmem>>, vector<16xf32>,
        %parallel_loop3A_826 = arith.constant 0 : i32
        %parallel_loop3A_827 = arith.constant 0 : i32
        %parallel_loop3A_828 = tpu.memref_slice %arg10[%rem3A_65, %parallel_loop3A_826, %parallel_loop3A_827] : memref<2x128x128xf32, #tpu.memory_space<vmem>> -> memref<1x128x128xf32, #tpu.memory_space<vmem>>
        %parallel_loop3A_829 = tpu.memref_squeeze %parallel_loop3A_828 : memref<1x128x128xf32, #tpu.memory_space<vmem>> -> memref<128x128xf32, #tpu.memory_space<vmem>>
        %parallel_loop3A_830 = arith.index_cast %parallel_loop3A_772 : i32 to index
        %parallel_loop3A_831 = arith.constant 48 : index
        %parallel_loop3A_832 = tpu.vector_load %parallel_loop3A_829[%parallel_loop3A_830, %parallel_loop3A_831] {strides = array<i32>} : memref<128x128xf32, #tpu.memory_space<vmem>>, vector<16xf32>,
        %parallel_loop3A_833 = arith.mulf %parallel_loop3A_825, %parallel_loop3A_832 : vector<16xf32>
        %parallel_loop3A_834 = arith.addf %parallel_loop3A_802, %parallel_loop3A_833 : vector<16xf32>
        %parallel_loop3A_835 = arith.constant 0 : i32
        %parallel_loop3A_836 = arith.constant 0 : i32
        %parallel_loop3A_837 = tpu.memref_slice %arg9[%scan3A_64, %parallel_loop3A_835, %parallel_loop3A_836] : memref<4x128x128xf32, #tpu.memory_space<vmem>> -> memref<1x128x128xf32, #tpu.memory_space<vmem>>
        %parallel_loop3A_838 = tpu.memref_squeeze %parallel_loop3A_837 : memref<1x128x128xf32, #tpu.memory_space<vmem>> -> memref<128x128xf32, #tpu.memory_space<vmem>>
        %parallel_loop3A_839 = arith.index_cast %parallel_loop3A_772 : i32 to index
        %parallel_loop3A_840 = arith.constant 64 : index
        %parallel_loop3A_841 = tpu.vector_load %parallel_loop3A_838[%parallel_loop3A_839, %parallel_loop3A_840] {strides = array<i32>} : memref<128x128xf32, #tpu.memory_space<vmem>>, vector<16xf32>,
        %parallel_loop3A_842 = arith.constant 0 : i32
        %parallel_loop3A_843 = arith.constant 0 : i32
        %parallel_loop3A_844 = tpu.memref_slice %arg10[%rem3A_65, %parallel_loop3A_842, %parallel_loop3A_843] : memref<2x128x128xf32, #tpu.memory_space<vmem>> -> memref<1x128x128xf32, #tpu.memory_space<vmem>>
        %parallel_loop3A_845 = tpu.memref_squeeze %parallel_loop3A_844 : memref<1x128x128xf32, #tpu.memory_space<vmem>> -> memref<128x128xf32, #tpu.memory_space<vmem>>
        %parallel_loop3A_846 = arith.index_cast %parallel_loop3A_772 : i32 to index
        %parallel_loop3A_847 = arith.constant 64 : index
        %parallel_loop3A_848 = tpu.vector_load %parallel_loop3A_845[%parallel_loop3A_846, %parallel_loop3A_847] {strides = array<i32>} : memref<128x128xf32, #tpu.memory_space<vmem>>, vector<16xf32>,
        %parallel_loop3A_849 = arith.mulf %parallel_loop3A_841, %parallel_loop3A_848 : vector<16xf32>
        %parallel_loop3A_850 = arith.addf %parallel_loop3A_818, %parallel_loop3A_849 : vector<16xf32>
        %parallel_loop3A_851 = arith.constant 0 : i32
        %parallel_loop3A_852 = arith.constant 0 : i32
        %parallel_loop3A_853 = tpu.memref_slice %arg9[%scan3A_64, %parallel_loop3A_851, %parallel_loop3A_852] : memref<4x128x128xf32, #tpu.memory_space<vmem>> -> memref<1x128x128xf32, #tpu.memory_space<vmem>>
        %parallel_loop3A_854 = tpu.memref_squeeze %parallel_loop3A_853 : memref<1x128x128xf32, #tpu.memory_space<vmem>> -> memref<128x128xf32, #tpu.memory_space<vmem>>
        %parallel_loop3A_855 = arith.index_cast %parallel_loop3A_772 : i32 to index
        %parallel_loop3A_856 = arith.constant 80 : index
        %parallel_loop3A_857 = tpu.vector_load %parallel_loop3A_854[%parallel_loop3A_855, %parallel_loop3A_856] {strides = array<i32>} : memref<128x128xf32, #tpu.memory_space<vmem>>, vector<16xf32>,
        %parallel_loop3A_858 = arith.constant 0 : i32
        %parallel_loop3A_859 = arith.constant 0 : i32
        %parallel_loop3A_860 = tpu.memref_slice %arg10[%rem3A_65, %parallel_loop3A_858, %parallel_loop3A_859] : memref<2x128x128xf32, #tpu.memory_space<vmem>> -> memref<1x128x128xf32, #tpu.memory_space<vmem>>
        %parallel_loop3A_861 = tpu.memref_squeeze %parallel_loop3A_860 : memref<1x128x128xf32, #tpu.memory_space<vmem>> -> memref<128x128xf32, #tpu.memory_space<vmem>>
        %parallel_loop3A_862 = arith.index_cast %parallel_loop3A_772 : i32 to index
        %parallel_loop3A_863 = arith.constant 80 : index
        %parallel_loop3A_864 = tpu.vector_load %parallel_loop3A_861[%parallel_loop3A_862, %parallel_loop3A_863] {strides = array<i32>} : memref<128x128xf32, #tpu.memory_space<vmem>>, vector<16xf32>,
        %parallel_loop3A_865 = arith.mulf %parallel_loop3A_857, %parallel_loop3A_864 : vector<16xf32>
        %parallel_loop3A_866 = arith.addf %parallel_loop3A_834, %parallel_loop3A_865 : vector<16xf32>
        %parallel_loop3A_867 = arith.constant 0 : i32
        %parallel_loop3A_868 = arith.constant 0 : i32
        %parallel_loop3A_869 = tpu.memref_slice %arg9[%scan3A_64, %parallel_loop3A_867, %parallel_loop3A_868] : memref<4x128x128xf32, #tpu.memory_space<vmem>> -> memref<1x128x128xf32, #tpu.memory_space<vmem>>
        %parallel_loop3A_870 = tpu.memref_squeeze %parallel_loop3A_869 : memref<1x128x128xf32, #tpu.memory_space<vmem>> -> memref<128x128xf32, #tpu.memory_space<vmem>>
        %parallel_loop3A_871 = arith.index_cast %parallel_loop3A_772 : i32 to index
        %parallel_loop3A_872 = arith.constant 96 : index
        %parallel_loop3A_873 = tpu.vector_load %parallel_loop3A_870[%parallel_loop3A_871, %parallel_loop3A_872] {strides = array<i32>} : memref<128x128xf32, #tpu.memory_space<vmem>>, vector<16xf32>,
        %parallel_loop3A_874 = arith.constant 0 : i32
        %parallel_loop3A_875 = arith.constant 0 : i32
        %parallel_loop3A_876 = tpu.memref_slice %arg10[%rem3A_65, %parallel_loop3A_874, %parallel_loop3A_875] : memref<2x128x128xf32, #tpu.memory_space<vmem>> -> memref<1x128x128xf32, #tpu.memory_space<vmem>>
        %parallel_loop3A_877 = tpu.memref_squeeze %parallel_loop3A_876 : memref<1x128x128xf32, #tpu.memory_space<vmem>> -> memref<128x128xf32, #tpu.memory_space<vmem>>
        %parallel_loop3A_878 = arith.index_cast %parallel_loop3A_772 : i32 to index
        %parallel_loop3A_879 = arith.constant 96 : index
        %parallel_loop3A_880 = tpu.vector_load %parallel_loop3A_877[%parallel_loop3A_878, %parallel_loop3A_879] {strides = array<i32>} : memref<128x128xf32, #tpu.memory_space<vmem>>, vector<16xf32>,
        %parallel_loop3A_881 = arith.mulf %parallel_loop3A_873, %parallel_loop3A_880 : vector<16xf32>
        %parallel_loop3A_882 = arith.addf %parallel_loop3A_850, %parallel_loop3A_881 : vector<16xf32>
        %parallel_loop3A_883 = arith.constant 0 : i32
        %parallel_loop3A_884 = arith.constant 0 : i32
        %parallel_loop3A_885 = tpu.memref_slice %arg9[%scan3A_64, %parallel_loop3A_883, %parallel_loop3A_884] : memref<4x128x128xf32, #tpu.memory_space<vmem>> -> memref<1x128x128xf32, #tpu.memory_space<vmem>>
        %parallel_loop3A_886 = tpu.memref_squeeze %parallel_loop3A_885 : memref<1x128x128xf32, #tpu.memory_space<vmem>> -> memref<128x128xf32, #tpu.memory_space<vmem>>
        %parallel_loop3A_887 = arith.index_cast %parallel_loop3A_772 : i32 to index
        %parallel_loop3A_888 = arith.constant 112 : index
        %parallel_loop3A_889 = tpu.vector_load %parallel_loop3A_886[%parallel_loop3A_887, %parallel_loop3A_888] {strides = array<i32>} : memref<128x128xf32, #tpu.memory_space<vmem>>, vector<16xf32>,
        %parallel_loop3A_890 = arith.constant 0 : i32
        %parallel_loop3A_891 = arith.constant 0 : i32
        %parallel_loop3A_892 = tpu.memref_slice %arg10[%rem3A_65, %parallel_loop3A_890, %parallel_loop3A_891] : memref<2x128x128xf32, #tpu.memory_space<vmem>> -> memref<1x128x128xf32, #tpu.memory_space<vmem>>
        %parallel_loop3A_893 = tpu.memref_squeeze %parallel_loop3A_892 : memref<1x128x128xf32, #tpu.memory_space<vmem>> -> memref<128x128xf32, #tpu.memory_space<vmem>>
        %parallel_loop3A_894 = arith.index_cast %parallel_loop3A_772 : i32 to index
        %parallel_loop3A_895 = arith.constant 112 : index
        %parallel_loop3A_896 = tpu.vector_load %parallel_loop3A_893[%parallel_loop3A_894, %parallel_loop3A_895] {strides = array<i32>} : memref<128x128xf32, #tpu.memory_space<vmem>>, vector<16xf32>,
        %parallel_loop3A_897 = arith.mulf %parallel_loop3A_889, %parallel_loop3A_896 : vector<16xf32>
        %parallel_loop3A_898 = arith.addf %parallel_loop3A_866, %parallel_loop3A_897 : vector<16xf32>
        %parallel_loop3A_899 = arith.addf %parallel_loop3A_882, %parallel_loop3A_898 : vector<16xf32>
        %parallel_loop3A_900 = arith.constant 80 : i32
        %parallel_loop3A_901 = arith.addi %parallel_loop3A_105, %parallel_loop3A_900 : i32
        %parallel_loop3A_902 = arith.index_cast %parallel_loop3A_901 : i32 to index
        %parallel_loop3A_903 = tpu.vector_load %arg11[%parallel_loop3A_902] {strides = array<i32>} : memref<2048xf32, #tpu.memory_space<vmem>>, vector<16xf32>,
        tpu.vector_store %arg11[%parallel_loop3A_902], %parallel_loop3A_899 {strides = array<i32>} : memref<2048xf32, #tpu.memory_space<vmem>>, vector<16xf32>,
        %parallel_loop3A_904 = arith.constant 6 : i32
        %parallel_loop3A_905 = arith.addi %parallel_loop3A_103, %parallel_loop3A_904 : i32
        %parallel_loop3A_906 = arith.constant 0 : i32
        %parallel_loop3A_907 = arith.constant 0 : i32
        %parallel_loop3A_908 = tpu.memref_slice %arg9[%scan3A_64, %parallel_loop3A_906, %parallel_loop3A_907] : memref<4x128x128xf32, #tpu.memory_space<vmem>> -> memref<1x128x128xf32, #tpu.memory_space<vmem>>
        %parallel_loop3A_909 = tpu.memref_squeeze %parallel_loop3A_908 : memref<1x128x128xf32, #tpu.memory_space<vmem>> -> memref<128x128xf32, #tpu.memory_space<vmem>>
        %parallel_loop3A_910 = arith.index_cast %parallel_loop3A_905 : i32 to index
        %parallel_loop3A_911 = arith.constant 0 : index
        %parallel_loop3A_912 = tpu.vector_load %parallel_loop3A_909[%parallel_loop3A_910, %parallel_loop3A_911] {strides = array<i32>} : memref<128x128xf32, #tpu.memory_space<vmem>>, vector<16xf32>,
        %parallel_loop3A_913 = arith.constant 0 : i32
        %parallel_loop3A_914 = arith.constant 0 : i32
        %parallel_loop3A_915 = tpu.memref_slice %arg10[%rem3A_65, %parallel_loop3A_913, %parallel_loop3A_914] : memref<2x128x128xf32, #tpu.memory_space<vmem>> -> memref<1x128x128xf32, #tpu.memory_space<vmem>>
        %parallel_loop3A_916 = tpu.memref_squeeze %parallel_loop3A_915 : memref<1x128x128xf32, #tpu.memory_space<vmem>> -> memref<128x128xf32, #tpu.memory_space<vmem>>
        %parallel_loop3A_917 = arith.index_cast %parallel_loop3A_905 : i32 to index
        %parallel_loop3A_918 = arith.constant 0 : index
        %parallel_loop3A_919 = tpu.vector_load %parallel_loop3A_916[%parallel_loop3A_917, %parallel_loop3A_918] {strides = array<i32>} : memref<128x128xf32, #tpu.memory_space<vmem>>, vector<16xf32>,
        %parallel_loop3A_920 = arith.mulf %parallel_loop3A_912, %parallel_loop3A_919 : vector<16xf32>
        %parallel_loop3A_921 = arith.constant 0 : i32
        %parallel_loop3A_922 = arith.constant 0 : i32
        %parallel_loop3A_923 = tpu.memref_slice %arg9[%scan3A_64, %parallel_loop3A_921, %parallel_loop3A_922] : memref<4x128x128xf32, #tpu.memory_space<vmem>> -> memref<1x128x128xf32, #tpu.memory_space<vmem>>
        %parallel_loop3A_924 = tpu.memref_squeeze %parallel_loop3A_923 : memref<1x128x128xf32, #tpu.memory_space<vmem>> -> memref<128x128xf32, #tpu.memory_space<vmem>>
        %parallel_loop3A_925 = arith.index_cast %parallel_loop3A_905 : i32 to index
        %parallel_loop3A_926 = arith.constant 16 : index
        %parallel_loop3A_927 = tpu.vector_load %parallel_loop3A_924[%parallel_loop3A_925, %parallel_loop3A_926] {strides = array<i32>} : memref<128x128xf32, #tpu.memory_space<vmem>>, vector<16xf32>,
        %parallel_loop3A_928 = arith.constant 0 : i32
        %parallel_loop3A_929 = arith.constant 0 : i32
        %parallel_loop3A_930 = tpu.memref_slice %arg10[%rem3A_65, %parallel_loop3A_928, %parallel_loop3A_929] : memref<2x128x128xf32, #tpu.memory_space<vmem>> -> memref<1x128x128xf32, #tpu.memory_space<vmem>>
        %parallel_loop3A_931 = tpu.memref_squeeze %parallel_loop3A_930 : memref<1x128x128xf32, #tpu.memory_space<vmem>> -> memref<128x128xf32, #tpu.memory_space<vmem>>
        %parallel_loop3A_932 = arith.index_cast %parallel_loop3A_905 : i32 to index
        %parallel_loop3A_933 = arith.constant 16 : index
        %parallel_loop3A_934 = tpu.vector_load %parallel_loop3A_931[%parallel_loop3A_932, %parallel_loop3A_933] {strides = array<i32>} : memref<128x128xf32, #tpu.memory_space<vmem>>, vector<16xf32>,
        %parallel_loop3A_935 = arith.mulf %parallel_loop3A_927, %parallel_loop3A_934 : vector<16xf32>
        %parallel_loop3A_936 = arith.constant 0 : i32
        %parallel_loop3A_937 = arith.constant 0 : i32
        %parallel_loop3A_938 = tpu.memref_slice %arg9[%scan3A_64, %parallel_loop3A_936, %parallel_loop3A_937] : memref<4x128x128xf32, #tpu.memory_space<vmem>> -> memref<1x128x128xf32, #tpu.memory_space<vmem>>
        %parallel_loop3A_939 = tpu.memref_squeeze %parallel_loop3A_938 : memref<1x128x128xf32, #tpu.memory_space<vmem>> -> memref<128x128xf32, #tpu.memory_space<vmem>>
        %parallel_loop3A_940 = arith.index_cast %parallel_loop3A_905 : i32 to index
        %parallel_loop3A_941 = arith.constant 32 : index
        %parallel_loop3A_942 = tpu.vector_load %parallel_loop3A_939[%parallel_loop3A_940, %parallel_loop3A_941] {strides = array<i32>} : memref<128x128xf32, #tpu.memory_space<vmem>>, vector<16xf32>,
        %parallel_loop3A_943 = arith.constant 0 : i32
        %parallel_loop3A_944 = arith.constant 0 : i32
        %parallel_loop3A_945 = tpu.memref_slice %arg10[%rem3A_65, %parallel_loop3A_943, %parallel_loop3A_944] : memref<2x128x128xf32, #tpu.memory_space<vmem>> -> memref<1x128x128xf32, #tpu.memory_space<vmem>>
        %parallel_loop3A_946 = tpu.memref_squeeze %parallel_loop3A_945 : memref<1x128x128xf32, #tpu.memory_space<vmem>> -> memref<128x128xf32, #tpu.memory_space<vmem>>
        %parallel_loop3A_947 = arith.index_cast %parallel_loop3A_905 : i32 to index
        %parallel_loop3A_948 = arith.constant 32 : index
        %parallel_loop3A_949 = tpu.vector_load %parallel_loop3A_946[%parallel_loop3A_947, %parallel_loop3A_948] {strides = array<i32>} : memref<128x128xf32, #tpu.memory_space<vmem>>, vector<16xf32>,
        %parallel_loop3A_950 = arith.mulf %parallel_loop3A_942, %parallel_loop3A_949 : vector<16xf32>
        %parallel_loop3A_951 = arith.addf %parallel_loop3A_920, %parallel_loop3A_950 : vector<16xf32>
        %parallel_loop3A_952 = arith.constant 0 : i32
        %parallel_loop3A_953 = arith.constant 0 : i32
        %parallel_loop3A_954 = tpu.memref_slice %arg9[%scan3A_64, %parallel_loop3A_952, %parallel_loop3A_953] : memref<4x128x128xf32, #tpu.memory_space<vmem>> -> memref<1x128x128xf32, #tpu.memory_space<vmem>>
        %parallel_loop3A_955 = tpu.memref_squeeze %parallel_loop3A_954 : memref<1x128x128xf32, #tpu.memory_space<vmem>> -> memref<128x128xf32, #tpu.memory_space<vmem>>
        %parallel_loop3A_956 = arith.index_cast %parallel_loop3A_905 : i32 to index
        %parallel_loop3A_957 = arith.constant 48 : index
        %parallel_loop3A_958 = tpu.vector_load %parallel_loop3A_955[%parallel_loop3A_956, %parallel_loop3A_957] {strides = array<i32>} : memref<128x128xf32, #tpu.memory_space<vmem>>, vector<16xf32>,
        %parallel_loop3A_959 = arith.constant 0 : i32
        %parallel_loop3A_960 = arith.constant 0 : i32
        %parallel_loop3A_961 = tpu.memref_slice %arg10[%rem3A_65, %parallel_loop3A_959, %parallel_loop3A_960] : memref<2x128x128xf32, #tpu.memory_space<vmem>> -> memref<1x128x128xf32, #tpu.memory_space<vmem>>
        %parallel_loop3A_962 = tpu.memref_squeeze %parallel_loop3A_961 : memref<1x128x128xf32, #tpu.memory_space<vmem>> -> memref<128x128xf32, #tpu.memory_space<vmem>>
        %parallel_loop3A_963 = arith.index_cast %parallel_loop3A_905 : i32 to index
        %parallel_loop3A_964 = arith.constant 48 : index
        %parallel_loop3A_965 = tpu.vector_load %parallel_loop3A_962[%parallel_loop3A_963, %parallel_loop3A_964] {strides = array<i32>} : memref<128x128xf32, #tpu.memory_space<vmem>>, vector<16xf32>,
        %parallel_loop3A_966 = arith.mulf %parallel_loop3A_958, %parallel_loop3A_965 : vector<16xf32>
        %parallel_loop3A_967 = arith.addf %parallel_loop3A_935, %parallel_loop3A_966 : vector<16xf32>
        %parallel_loop3A_968 = arith.constant 0 : i32
        %parallel_loop3A_969 = arith.constant 0 : i32
        %parallel_loop3A_970 = tpu.memref_slice %arg9[%scan3A_64, %parallel_loop3A_968, %parallel_loop3A_969] : memref<4x128x128xf32, #tpu.memory_space<vmem>> -> memref<1x128x128xf32, #tpu.memory_space<vmem>>
        %parallel_loop3A_971 = tpu.memref_squeeze %parallel_loop3A_970 : memref<1x128x128xf32, #tpu.memory_space<vmem>> -> memref<128x128xf32, #tpu.memory_space<vmem>>
        %parallel_loop3A_972 = arith.index_cast %parallel_loop3A_905 : i32 to index
        %parallel_loop3A_973 = arith.constant 64 : index
        %parallel_loop3A_974 = tpu.vector_load %parallel_loop3A_971[%parallel_loop3A_972, %parallel_loop3A_973] {strides = array<i32>} : memref<128x128xf32, #tpu.memory_space<vmem>>, vector<16xf32>,
        %parallel_loop3A_975 = arith.constant 0 : i32
        %parallel_loop3A_976 = arith.constant 0 : i32
        %parallel_loop3A_977 = tpu.memref_slice %arg10[%rem3A_65, %parallel_loop3A_975, %parallel_loop3A_976] : memref<2x128x128xf32, #tpu.memory_space<vmem>> -> memref<1x128x128xf32, #tpu.memory_space<vmem>>
        %parallel_loop3A_978 = tpu.memref_squeeze %parallel_loop3A_977 : memref<1x128x128xf32, #tpu.memory_space<vmem>> -> memref<128x128xf32, #tpu.memory_space<vmem>>
        %parallel_loop3A_979 = arith.index_cast %parallel_loop3A_905 : i32 to index
        %parallel_loop3A_980 = arith.constant 64 : index
        %parallel_loop3A_981 = tpu.vector_load %parallel_loop3A_978[%parallel_loop3A_979, %parallel_loop3A_980] {strides = array<i32>} : memref<128x128xf32, #tpu.memory_space<vmem>>, vector<16xf32>,
        %parallel_loop3A_982 = arith.mulf %parallel_loop3A_974, %parallel_loop3A_981 : vector<16xf32>
        %parallel_loop3A_983 = arith.addf %parallel_loop3A_951, %parallel_loop3A_982 : vector<16xf32>
        %parallel_loop3A_984 = arith.constant 0 : i32
        %parallel_loop3A_985 = arith.constant 0 : i32
        %parallel_loop3A_986 = tpu.memref_slice %arg9[%scan3A_64, %parallel_loop3A_984, %parallel_loop3A_985] : memref<4x128x128xf32, #tpu.memory_space<vmem>> -> memref<1x128x128xf32, #tpu.memory_space<vmem>>
        %parallel_loop3A_987 = tpu.memref_squeeze %parallel_loop3A_986 : memref<1x128x128xf32, #tpu.memory_space<vmem>> -> memref<128x128xf32, #tpu.memory_space<vmem>>
        %parallel_loop3A_988 = arith.index_cast %parallel_loop3A_905 : i32 to index
        %parallel_loop3A_989 = arith.constant 80 : index
        %parallel_loop3A_990 = tpu.vector_load %parallel_loop3A_987[%parallel_loop3A_988, %parallel_loop3A_989] {strides = array<i32>} : memref<128x128xf32, #tpu.memory_space<vmem>>, vector<16xf32>,
        %parallel_loop3A_991 = arith.constant 0 : i32
        %parallel_loop3A_992 = arith.constant 0 : i32
        %parallel_loop3A_993 = tpu.memref_slice %arg10[%rem3A_65, %parallel_loop3A_991, %parallel_loop3A_992] : memref<2x128x128xf32, #tpu.memory_space<vmem>> -> memref<1x128x128xf32, #tpu.memory_space<vmem>>
        %parallel_loop3A_994 = tpu.memref_squeeze %parallel_loop3A_993 : memref<1x128x128xf32, #tpu.memory_space<vmem>> -> memref<128x128xf32, #tpu.memory_space<vmem>>
        %parallel_loop3A_995 = arith.index_cast %parallel_loop3A_905 : i32 to index
        %parallel_loop3A_996 = arith.constant 80 : index
        %parallel_loop3A_997 = tpu.vector_load %parallel_loop3A_994[%parallel_loop3A_995, %parallel_loop3A_996] {strides = array<i32>} : memref<128x128xf32, #tpu.memory_space<vmem>>, vector<16xf32>,
        %parallel_loop3A_998 = arith.mulf %parallel_loop3A_990, %parallel_loop3A_997 : vector<16xf32>
        %parallel_loop3A_999 = arith.addf %parallel_loop3A_967, %parallel_loop3A_998 : vector<16xf32>
        %parallel_loop3A_1000 = arith.constant 0 : i32
        %parallel_loop3A_1001 = arith.constant 0 : i32
        %parallel_loop3A_1002 = tpu.memref_slice %arg9[%scan3A_64, %parallel_loop3A_1000, %parallel_loop3A_1001] : memref<4x128x128xf32, #tpu.memory_space<vmem>> -> memref<1x128x128xf32, #tpu.memory_space<vmem>>
        %parallel_loop3A_1003 = tpu.memref_squeeze %parallel_loop3A_1002 : memref<1x128x128xf32, #tpu.memory_space<vmem>> -> memref<128x128xf32, #tpu.memory_space<vmem>>
        %parallel_loop3A_1004 = arith.index_cast %parallel_loop3A_905 : i32 to index
        %parallel_loop3A_1005 = arith.constant 96 : index
        %parallel_loop3A_1006 = tpu.vector_load %parallel_loop3A_1003[%parallel_loop3A_1004, %parallel_loop3A_1005] {strides = array<i32>} : memref<128x128xf32, #tpu.memory_space<vmem>>, vector<16xf32>,
        %parallel_loop3A_1007 = arith.constant 0 : i32
        %parallel_loop3A_1008 = arith.constant 0 : i32
        %parallel_loop3A_1009 = tpu.memref_slice %arg10[%rem3A_65, %parallel_loop3A_1007, %parallel_loop3A_1008] : memref<2x128x128xf32, #tpu.memory_space<vmem>> -> memref<1x128x128xf32, #tpu.memory_space<vmem>>
        %parallel_loop3A_1010 = tpu.memref_squeeze %parallel_loop3A_1009 : memref<1x128x128xf32, #tpu.memory_space<vmem>> -> memref<128x128xf32, #tpu.memory_space<vmem>>
        %parallel_loop3A_1011 = arith.index_cast %parallel_loop3A_905 : i32 to index
        %parallel_loop3A_1012 = arith.constant 96 : index
        %parallel_loop3A_1013 = tpu.vector_load %parallel_loop3A_1010[%parallel_loop3A_1011, %parallel_loop3A_1012] {strides = array<i32>} : memref<128x128xf32, #tpu.memory_space<vmem>>, vector<16xf32>,
        %parallel_loop3A_1014 = arith.mulf %parallel_loop3A_1006, %parallel_loop3A_1013 : vector<16xf32>
        %parallel_loop3A_1015 = arith.addf %parallel_loop3A_983, %parallel_loop3A_1014 : vector<16xf32>
        %parallel_loop3A_1016 = arith.constant 0 : i32
        %parallel_loop3A_1017 = arith.constant 0 : i32
        %parallel_loop3A_1018 = tpu.memref_slice %arg9[%scan3A_64, %parallel_loop3A_1016, %parallel_loop3A_1017] : memref<4x128x128xf32, #tpu.memory_space<vmem>> -> memref<1x128x128xf32, #tpu.memory_space<vmem>>
        %parallel_loop3A_1019 = tpu.memref_squeeze %parallel_loop3A_1018 : memref<1x128x128xf32, #tpu.memory_space<vmem>> -> memref<128x128xf32, #tpu.memory_space<vmem>>
        %parallel_loop3A_1020 = arith.index_cast %parallel_loop3A_905 : i32 to index
        %parallel_loop3A_1021 = arith.constant 112 : index
        %parallel_loop3A_1022 = tpu.vector_load %parallel_loop3A_1019[%parallel_loop3A_1020, %parallel_loop3A_1021] {strides = array<i32>} : memref<128x128xf32, #tpu.memory_space<vmem>>, vector<16xf32>,
        %parallel_loop3A_1023 = arith.constant 0 : i32
        %parallel_loop3A_1024 = arith.constant 0 : i32
        %parallel_loop3A_1025 = tpu.memref_slice %arg10[%rem3A_65, %parallel_loop3A_1023, %parallel_loop3A_1024] : memref<2x128x128xf32, #tpu.memory_space<vmem>> -> memref<1x128x128xf32, #tpu.memory_space<vmem>>
        %parallel_loop3A_1026 = tpu.memref_squeeze %parallel_loop3A_1025 : memref<1x128x128xf32, #tpu.memory_space<vmem>> -> memref<128x128xf32, #tpu.memory_space<vmem>>
        %parallel_loop3A_1027 = arith.index_cast %parallel_loop3A_905 : i32 to index
        %parallel_loop3A_1028 = arith.constant 112 : index
        %parallel_loop3A_1029 = tpu.vector_load %parallel_loop3A_1026[%parallel_loop3A_1027, %parallel_loop3A_1028] {strides = array<i32>} : memref<128x128xf32, #tpu.memory_space<vmem>>, vector<16xf32>,
        %parallel_loop3A_1030 = arith.mulf %parallel_loop3A_1022, %parallel_loop3A_1029 : vector<16xf32>
        %parallel_loop3A_1031 = arith.addf %parallel_loop3A_999, %parallel_loop3A_1030 : vector<16xf32>
        %parallel_loop3A_1032 = arith.addf %parallel_loop3A_1015, %parallel_loop3A_1031 : vector<16xf32>
        %parallel_loop3A_1033 = arith.constant 96 : i32
        %parallel_loop3A_1034 = arith.addi %parallel_loop3A_105, %parallel_loop3A_1033 : i32
        %parallel_loop3A_1035 = arith.index_cast %parallel_loop3A_1034 : i32 to index
        %parallel_loop3A_1036 = tpu.vector_load %arg11[%parallel_loop3A_1035] {strides = array<i32>} : memref<2048xf32, #tpu.memory_space<vmem>>, vector<16xf32>,
        tpu.vector_store %arg11[%parallel_loop3A_1035], %parallel_loop3A_1032 {strides = array<i32>} : memref<2048xf32, #tpu.memory_space<vmem>>, vector<16xf32>,
        %parallel_loop3A_1037 = arith.constant 7 : i32
        %parallel_loop3A_1038 = arith.addi %parallel_loop3A_103, %parallel_loop3A_1037 : i32
        %parallel_loop3A_1039 = arith.constant 0 : i32
        %parallel_loop3A_1040 = arith.constant 0 : i32
        %parallel_loop3A_1041 = tpu.memref_slice %arg9[%scan3A_64, %parallel_loop3A_1039, %parallel_loop3A_1040] : memref<4x128x128xf32, #tpu.memory_space<vmem>> -> memref<1x128x128xf32, #tpu.memory_space<vmem>>
        %parallel_loop3A_1042 = tpu.memref_squeeze %parallel_loop3A_1041 : memref<1x128x128xf32, #tpu.memory_space<vmem>> -> memref<128x128xf32, #tpu.memory_space<vmem>>
        %parallel_loop3A_1043 = arith.index_cast %parallel_loop3A_1038 : i32 to index
        %parallel_loop3A_1044 = arith.constant 0 : index
        %parallel_loop3A_1045 = tpu.vector_load %parallel_loop3A_1042[%parallel_loop3A_1043, %parallel_loop3A_1044] {strides = array<i32>} : memref<128x128xf32, #tpu.memory_space<vmem>>, vector<16xf32>,
        %parallel_loop3A_1046 = arith.constant 0 : i32
        %parallel_loop3A_1047 = arith.constant 0 : i32
        %parallel_loop3A_1048 = tpu.memref_slice %arg10[%rem3A_65, %parallel_loop3A_1046, %parallel_loop3A_1047] : memref<2x128x128xf32, #tpu.memory_space<vmem>> -> memref<1x128x128xf32, #tpu.memory_space<vmem>>
        %parallel_loop3A_1049 = tpu.memref_squeeze %parallel_loop3A_1048 : memref<1x128x128xf32, #tpu.memory_space<vmem>> -> memref<128x128xf32, #tpu.memory_space<vmem>>
        %parallel_loop3A_1050 = arith.index_cast %parallel_loop3A_1038 : i32 to index
        %parallel_loop3A_1051 = arith.constant 0 : index
        %parallel_loop3A_1052 = tpu.vector_load %parallel_loop3A_1049[%parallel_loop3A_1050, %parallel_loop3A_1051] {strides = array<i32>} : memref<128x128xf32, #tpu.memory_space<vmem>>, vector<16xf32>,
        %parallel_loop3A_1053 = arith.mulf %parallel_loop3A_1045, %parallel_loop3A_1052 : vector<16xf32>
        %parallel_loop3A_1054 = arith.constant 0 : i32
        %parallel_loop3A_1055 = arith.constant 0 : i32
        %parallel_loop3A_1056 = tpu.memref_slice %arg9[%scan3A_64, %parallel_loop3A_1054, %parallel_loop3A_1055] : memref<4x128x128xf32, #tpu.memory_space<vmem>> -> memref<1x128x128xf32, #tpu.memory_space<vmem>>
        %parallel_loop3A_1057 = tpu.memref_squeeze %parallel_loop3A_1056 : memref<1x128x128xf32, #tpu.memory_space<vmem>> -> memref<128x128xf32, #tpu.memory_space<vmem>>
        %parallel_loop3A_1058 = arith.index_cast %parallel_loop3A_1038 : i32 to index
        %parallel_loop3A_1059 = arith.constant 16 : index
        %parallel_loop3A_1060 = tpu.vector_load %parallel_loop3A_1057[%parallel_loop3A_1058, %parallel_loop3A_1059] {strides = array<i32>} : memref<128x128xf32, #tpu.memory_space<vmem>>, vector<16xf32>,
        %parallel_loop3A_1061 = arith.constant 0 : i32
        %parallel_loop3A_1062 = arith.constant 0 : i32
        %parallel_loop3A_1063 = tpu.memref_slice %arg10[%rem3A_65, %parallel_loop3A_1061, %parallel_loop3A_1062] : memref<2x128x128xf32, #tpu.memory_space<vmem>> -> memref<1x128x128xf32, #tpu.memory_space<vmem>>
        %parallel_loop3A_1064 = tpu.memref_squeeze %parallel_loop3A_1063 : memref<1x128x128xf32, #tpu.memory_space<vmem>> -> memref<128x128xf32, #tpu.memory_space<vmem>>
        %parallel_loop3A_1065 = arith.index_cast %parallel_loop3A_1038 : i32 to index
        %parallel_loop3A_1066 = arith.constant 16 : index
        %parallel_loop3A_1067 = tpu.vector_load %parallel_loop3A_1064[%parallel_loop3A_1065, %parallel_loop3A_1066] {strides = array<i32>} : memref<128x128xf32, #tpu.memory_space<vmem>>, vector<16xf32>,
        %parallel_loop3A_1068 = arith.mulf %parallel_loop3A_1060, %parallel_loop3A_1067 : vector<16xf32>
        %parallel_loop3A_1069 = arith.constant 0 : i32
        %parallel_loop3A_1070 = arith.constant 0 : i32
        %parallel_loop3A_1071 = tpu.memref_slice %arg9[%scan3A_64, %parallel_loop3A_1069, %parallel_loop3A_1070] : memref<4x128x128xf32, #tpu.memory_space<vmem>> -> memref<1x128x128xf32, #tpu.memory_space<vmem>>
        %parallel_loop3A_1072 = tpu.memref_squeeze %parallel_loop3A_1071 : memref<1x128x128xf32, #tpu.memory_space<vmem>> -> memref<128x128xf32, #tpu.memory_space<vmem>>
        %parallel_loop3A_1073 = arith.index_cast %parallel_loop3A_1038 : i32 to index
        %parallel_loop3A_1074 = arith.constant 32 : index
        %parallel_loop3A_1075 = tpu.vector_load %parallel_loop3A_1072[%parallel_loop3A_1073, %parallel_loop3A_1074] {strides = array<i32>} : memref<128x128xf32, #tpu.memory_space<vmem>>, vector<16xf32>,
        %parallel_loop3A_1076 = arith.constant 0 : i32
        %parallel_loop3A_1077 = arith.constant 0 : i32
        %parallel_loop3A_1078 = tpu.memref_slice %arg10[%rem3A_65, %parallel_loop3A_1076, %parallel_loop3A_1077] : memref<2x128x128xf32, #tpu.memory_space<vmem>> -> memref<1x128x128xf32, #tpu.memory_space<vmem>>
        %parallel_loop3A_1079 = tpu.memref_squeeze %parallel_loop3A_1078 : memref<1x128x128xf32, #tpu.memory_space<vmem>> -> memref<128x128xf32, #tpu.memory_space<vmem>>
        %parallel_loop3A_1080 = arith.index_cast %parallel_loop3A_1038 : i32 to index
        %parallel_loop3A_1081 = arith.constant 32 : index
        %parallel_loop3A_1082 = tpu.vector_load %parallel_loop3A_1079[%parallel_loop3A_1080, %parallel_loop3A_1081] {strides = array<i32>} : memref<128x128xf32, #tpu.memory_space<vmem>>, vector<16xf32>,
        %parallel_loop3A_1083 = arith.mulf %parallel_loop3A_1075, %parallel_loop3A_1082 : vector<16xf32>
        %parallel_loop3A_1084 = arith.addf %parallel_loop3A_1053, %parallel_loop3A_1083 : vector<16xf32>
        %parallel_loop3A_1085 = arith.constant 0 : i32
        %parallel_loop3A_1086 = arith.constant 0 : i32
        %parallel_loop3A_1087 = tpu.memref_slice %arg9[%scan3A_64, %parallel_loop3A_1085, %parallel_loop3A_1086] : memref<4x128x128xf32, #tpu.memory_space<vmem>> -> memref<1x128x128xf32, #tpu.memory_space<vmem>>
        %parallel_loop3A_1088 = tpu.memref_squeeze %parallel_loop3A_1087 : memref<1x128x128xf32, #tpu.memory_space<vmem>> -> memref<128x128xf32, #tpu.memory_space<vmem>>
        %parallel_loop3A_1089 = arith.index_cast %parallel_loop3A_1038 : i32 to index
        %parallel_loop3A_1090 = arith.constant 48 : index
        %parallel_loop3A_1091 = tpu.vector_load %parallel_loop3A_1088[%parallel_loop3A_1089, %parallel_loop3A_1090] {strides = array<i32>} : memref<128x128xf32, #tpu.memory_space<vmem>>, vector<16xf32>,
        %parallel_loop3A_1092 = arith.constant 0 : i32
        %parallel_loop3A_1093 = arith.constant 0 : i32
        %parallel_loop3A_1094 = tpu.memref_slice %arg10[%rem3A_65, %parallel_loop3A_1092, %parallel_loop3A_1093] : memref<2x128x128xf32, #tpu.memory_space<vmem>> -> memref<1x128x128xf32, #tpu.memory_space<vmem>>
        %parallel_loop3A_1095 = tpu.memref_squeeze %parallel_loop3A_1094 : memref<1x128x128xf32, #tpu.memory_space<vmem>> -> memref<128x128xf32, #tpu.memory_space<vmem>>
        %parallel_loop3A_1096 = arith.index_cast %parallel_loop3A_1038 : i32 to index
        %parallel_loop3A_1097 = arith.constant 48 : index
        %parallel_loop3A_1098 = tpu.vector_load %parallel_loop3A_1095[%parallel_loop3A_1096, %parallel_loop3A_1097] {strides = array<i32>} : memref<128x128xf32, #tpu.memory_space<vmem>>, vector<16xf32>,
        %parallel_loop3A_1099 = arith.mulf %parallel_loop3A_1091, %parallel_loop3A_1098 : vector<16xf32>
        %parallel_loop3A_1100 = arith.addf %parallel_loop3A_1068, %parallel_loop3A_1099 : vector<16xf32>
        %parallel_loop3A_1101 = arith.constant 0 : i32
        %parallel_loop3A_1102 = arith.constant 0 : i32
        %parallel_loop3A_1103 = tpu.memref_slice %arg9[%scan3A_64, %parallel_loop3A_1101, %parallel_loop3A_1102] : memref<4x128x128xf32, #tpu.memory_space<vmem>> -> memref<1x128x128xf32, #tpu.memory_space<vmem>>
        %parallel_loop3A_1104 = tpu.memref_squeeze %parallel_loop3A_1103 : memref<1x128x128xf32, #tpu.memory_space<vmem>> -> memref<128x128xf32, #tpu.memory_space<vmem>>
        %parallel_loop3A_1105 = arith.index_cast %parallel_loop3A_1038 : i32 to index
        %parallel_loop3A_1106 = arith.constant 64 : index
        %parallel_loop3A_1107 = tpu.vector_load %parallel_loop3A_1104[%parallel_loop3A_1105, %parallel_loop3A_1106] {strides = array<i32>} : memref<128x128xf32, #tpu.memory_space<vmem>>, vector<16xf32>,
        %parallel_loop3A_1108 = arith.constant 0 : i32
        %parallel_loop3A_1109 = arith.constant 0 : i32
        %parallel_loop3A_1110 = tpu.memref_slice %arg10[%rem3A_65, %parallel_loop3A_1108, %parallel_loop3A_1109] : memref<2x128x128xf32, #tpu.memory_space<vmem>> -> memref<1x128x128xf32, #tpu.memory_space<vmem>>
        %parallel_loop3A_1111 = tpu.memref_squeeze %parallel_loop3A_1110 : memref<1x128x128xf32, #tpu.memory_space<vmem>> -> memref<128x128xf32, #tpu.memory_space<vmem>>
        %parallel_loop3A_1112 = arith.index_cast %parallel_loop3A_1038 : i32 to index
        %parallel_loop3A_1113 = arith.constant 64 : index
        %parallel_loop3A_1114 = tpu.vector_load %parallel_loop3A_1111[%parallel_loop3A_1112, %parallel_loop3A_1113] {strides = array<i32>} : memref<128x128xf32, #tpu.memory_space<vmem>>, vector<16xf32>,
        %parallel_loop3A_1115 = arith.mulf %parallel_loop3A_1107, %parallel_loop3A_1114 : vector<16xf32>
        %parallel_loop3A_1116 = arith.addf %parallel_loop3A_1084, %parallel_loop3A_1115 : vector<16xf32>
        %parallel_loop3A_1117 = arith.constant 0 : i32
        %parallel_loop3A_1118 = arith.constant 0 : i32
        %parallel_loop3A_1119 = tpu.memref_slice %arg9[%scan3A_64, %parallel_loop3A_1117, %parallel_loop3A_1118] : memref<4x128x128xf32, #tpu.memory_space<vmem>> -> memref<1x128x128xf32, #tpu.memory_space<vmem>>
        %parallel_loop3A_1120 = tpu.memref_squeeze %parallel_loop3A_1119 : memref<1x128x128xf32, #tpu.memory_space<vmem>> -> memref<128x128xf32, #tpu.memory_space<vmem>>
        %parallel_loop3A_1121 = arith.index_cast %parallel_loop3A_1038 : i32 to index
        %parallel_loop3A_1122 = arith.constant 80 : index
        %parallel_loop3A_1123 = tpu.vector_load %parallel_loop3A_1120[%parallel_loop3A_1121, %parallel_loop3A_1122] {strides = array<i32>} : memref<128x128xf32, #tpu.memory_space<vmem>>, vector<16xf32>,
        %parallel_loop3A_1124 = arith.constant 0 : i32
        %parallel_loop3A_1125 = arith.constant 0 : i32
        %parallel_loop3A_1126 = tpu.memref_slice %arg10[%rem3A_65, %parallel_loop3A_1124, %parallel_loop3A_1125] : memref<2x128x128xf32, #tpu.memory_space<vmem>> -> memref<1x128x128xf32, #tpu.memory_space<vmem>>
        %parallel_loop3A_1127 = tpu.memref_squeeze %parallel_loop3A_1126 : memref<1x128x128xf32, #tpu.memory_space<vmem>> -> memref<128x128xf32, #tpu.memory_space<vmem>>
        %parallel_loop3A_1128 = arith.index_cast %parallel_loop3A_1038 : i32 to index
        %parallel_loop3A_1129 = arith.constant 80 : index
        %parallel_loop3A_1130 = tpu.vector_load %parallel_loop3A_1127[%parallel_loop3A_1128, %parallel_loop3A_1129] {strides = array<i32>} : memref<128x128xf32, #tpu.memory_space<vmem>>, vector<16xf32>,
        %parallel_loop3A_1131 = arith.mulf %parallel_loop3A_1123, %parallel_loop3A_1130 : vector<16xf32>
        %parallel_loop3A_1132 = arith.addf %parallel_loop3A_1100, %parallel_loop3A_1131 : vector<16xf32>
        %parallel_loop3A_1133 = arith.constant 0 : i32
        %parallel_loop3A_1134 = arith.constant 0 : i32
        %parallel_loop3A_1135 = tpu.memref_slice %arg9[%scan3A_64, %parallel_loop3A_1133, %parallel_loop3A_1134] : memref<4x128x128xf32, #tpu.memory_space<vmem>> -> memref<1x128x128xf32, #tpu.memory_space<vmem>>
        %parallel_loop3A_1136 = tpu.memref_squeeze %parallel_loop3A_1135 : memref<1x128x128xf32, #tpu.memory_space<vmem>> -> memref<128x128xf32, #tpu.memory_space<vmem>>
        %parallel_loop3A_1137 = arith.index_cast %parallel_loop3A_1038 : i32 to index
        %parallel_loop3A_1138 = arith.constant 96 : index
        %parallel_loop3A_1139 = tpu.vector_load %parallel_loop3A_1136[%parallel_loop3A_1137, %parallel_loop3A_1138] {strides = array<i32>} : memref<128x128xf32, #tpu.memory_space<vmem>>, vector<16xf32>,
        %parallel_loop3A_1140 = arith.constant 0 : i32
        %parallel_loop3A_1141 = arith.constant 0 : i32
        %parallel_loop3A_1142 = tpu.memref_slice %arg10[%rem3A_65, %parallel_loop3A_1140, %parallel_loop3A_1141] : memref<2x128x128xf32, #tpu.memory_space<vmem>> -> memref<1x128x128xf32, #tpu.memory_space<vmem>>
        %parallel_loop3A_1143 = tpu.memref_squeeze %parallel_loop3A_1142 : memref<1x128x128xf32, #tpu.memory_space<vmem>> -> memref<128x128xf32, #tpu.memory_space<vmem>>
        %parallel_loop3A_1144 = arith.index_cast %parallel_loop3A_1038 : i32 to index
        %parallel_loop3A_1145 = arith.constant 96 : index
        %parallel_loop3A_1146 = tpu.vector_load %parallel_loop3A_1143[%parallel_loop3A_1144, %parallel_loop3A_1145] {strides = array<i32>} : memref<128x128xf32, #tpu.memory_space<vmem>>, vector<16xf32>,
        %parallel_loop3A_1147 = arith.mulf %parallel_loop3A_1139, %parallel_loop3A_1146 : vector<16xf32>
        %parallel_loop3A_1148 = arith.addf %parallel_loop3A_1116, %parallel_loop3A_1147 : vector<16xf32>
        %parallel_loop3A_1149 = arith.constant 0 : i32
        %parallel_loop3A_1150 = arith.constant 0 : i32
        %parallel_loop3A_1151 = tpu.memref_slice %arg9[%scan3A_64, %parallel_loop3A_1149, %parallel_loop3A_1150] : memref<4x128x128xf32, #tpu.memory_space<vmem>> -> memref<1x128x128xf32, #tpu.memory_space<vmem>>
        %parallel_loop3A_1152 = tpu.memref_squeeze %parallel_loop3A_1151 : memref<1x128x128xf32, #tpu.memory_space<vmem>> -> memref<128x128xf32, #tpu.memory_space<vmem>>
        %parallel_loop3A_1153 = arith.index_cast %parallel_loop3A_1038 : i32 to index
        %parallel_loop3A_1154 = arith.constant 112 : index
        %parallel_loop3A_1155 = tpu.vector_load %parallel_loop3A_1152[%parallel_loop3A_1153, %parallel_loop3A_1154] {strides = array<i32>} : memref<128x128xf32, #tpu.memory_space<vmem>>, vector<16xf32>,
        %parallel_loop3A_1156 = arith.constant 0 : i32
        %parallel_loop3A_1157 = arith.constant 0 : i32
        %parallel_loop3A_1158 = tpu.memref_slice %arg10[%rem3A_65, %parallel_loop3A_1156, %parallel_loop3A_1157] : memref<2x128x128xf32, #tpu.memory_space<vmem>> -> memref<1x128x128xf32, #tpu.memory_space<vmem>>
        %parallel_loop3A_1159 = tpu.memref_squeeze %parallel_loop3A_1158 : memref<1x128x128xf32, #tpu.memory_space<vmem>> -> memref<128x128xf32, #tpu.memory_space<vmem>>
        %parallel_loop3A_1160 = arith.index_cast %parallel_loop3A_1038 : i32 to index
        %parallel_loop3A_1161 = arith.constant 112 : index
        %parallel_loop3A_1162 = tpu.vector_load %parallel_loop3A_1159[%parallel_loop3A_1160, %parallel_loop3A_1161] {strides = array<i32>} : memref<128x128xf32, #tpu.memory_space<vmem>>, vector<16xf32>,
        %parallel_loop3A_1163 = arith.mulf %parallel_loop3A_1155, %parallel_loop3A_1162 : vector<16xf32>
        %parallel_loop3A_1164 = arith.addf %parallel_loop3A_1132, %parallel_loop3A_1163 : vector<16xf32>
        %parallel_loop3A_1165 = arith.addf %parallel_loop3A_1148, %parallel_loop3A_1164 : vector<16xf32>
        %parallel_loop3A_1166 = arith.constant 112 : i32
        %parallel_loop3A_1167 = arith.addi %parallel_loop3A_105, %parallel_loop3A_1166 : i32
        %parallel_loop3A_1168 = arith.index_cast %parallel_loop3A_1167 : i32 to index
        %parallel_loop3A_1169 = tpu.vector_load %arg11[%parallel_loop3A_1168] {strides = array<i32>} : memref<2048xf32, #tpu.memory_space<vmem>>, vector<16xf32>,
        tpu.vector_store %arg11[%parallel_loop3A_1168], %parallel_loop3A_1165 {strides = array<i32>} : memref<2048xf32, #tpu.memory_space<vmem>>, vector<16xf32>,
        %parallel_loop3A_1170 = arith.constant 8 : i32
        %parallel_loop3A_1171 = arith.addi %parallel_loop3A_103, %parallel_loop3A_1170 : i32
        %parallel_loop3A_1172 = arith.constant 0 : i32
        %parallel_loop3A_1173 = arith.constant 0 : i32
        %parallel_loop3A_1174 = tpu.memref_slice %arg9[%scan3A_64, %parallel_loop3A_1172, %parallel_loop3A_1173] : memref<4x128x128xf32, #tpu.memory_space<vmem>> -> memref<1x128x128xf32, #tpu.memory_space<vmem>>
        %parallel_loop3A_1175 = tpu.memref_squeeze %parallel_loop3A_1174 : memref<1x128x128xf32, #tpu.memory_space<vmem>> -> memref<128x128xf32, #tpu.memory_space<vmem>>
        %parallel_loop3A_1176 = arith.index_cast %parallel_loop3A_1171 : i32 to index
        %parallel_loop3A_1177 = arith.constant 0 : index
        %parallel_loop3A_1178 = tpu.vector_load %parallel_loop3A_1175[%parallel_loop3A_1176, %parallel_loop3A_1177] {strides = array<i32>} : memref<128x128xf32, #tpu.memory_space<vmem>>, vector<16xf32>,
        %parallel_loop3A_1179 = arith.constant 0 : i32
        %parallel_loop3A_1180 = arith.constant 0 : i32
        %parallel_loop3A_1181 = tpu.memref_slice %arg10[%rem3A_65, %parallel_loop3A_1179, %parallel_loop3A_1180] : memref<2x128x128xf32, #tpu.memory_space<vmem>> -> memref<1x128x128xf32, #tpu.memory_space<vmem>>
        %parallel_loop3A_1182 = tpu.memref_squeeze %parallel_loop3A_1181 : memref<1x128x128xf32, #tpu.memory_space<vmem>> -> memref<128x128xf32, #tpu.memory_space<vmem>>
        %parallel_loop3A_1183 = arith.index_cast %parallel_loop3A_1171 : i32 to index
        %parallel_loop3A_1184 = arith.constant 0 : index
        %parallel_loop3A_1185 = tpu.vector_load %parallel_loop3A_1182[%parallel_loop3A_1183, %parallel_loop3A_1184] {strides = array<i32>} : memref<128x128xf32, #tpu.memory_space<vmem>>, vector<16xf32>,
        %parallel_loop3A_1186 = arith.mulf %parallel_loop3A_1178, %parallel_loop3A_1185 : vector<16xf32>
        %parallel_loop3A_1187 = arith.constant 0 : i32
        %parallel_loop3A_1188 = arith.constant 0 : i32
        %parallel_loop3A_1189 = tpu.memref_slice %arg9[%scan3A_64, %parallel_loop3A_1187, %parallel_loop3A_1188] : memref<4x128x128xf32, #tpu.memory_space<vmem>> -> memref<1x128x128xf32, #tpu.memory_space<vmem>>
        %parallel_loop3A_1190 = tpu.memref_squeeze %parallel_loop3A_1189 : memref<1x128x128xf32, #tpu.memory_space<vmem>> -> memref<128x128xf32, #tpu.memory_space<vmem>>
        %parallel_loop3A_1191 = arith.index_cast %parallel_loop3A_1171 : i32 to index
        %parallel_loop3A_1192 = arith.constant 16 : index
        %parallel_loop3A_1193 = tpu.vector_load %parallel_loop3A_1190[%parallel_loop3A_1191, %parallel_loop3A_1192] {strides = array<i32>} : memref<128x128xf32, #tpu.memory_space<vmem>>, vector<16xf32>,
        %parallel_loop3A_1194 = arith.constant 0 : i32
        %parallel_loop3A_1195 = arith.constant 0 : i32
        %parallel_loop3A_1196 = tpu.memref_slice %arg10[%rem3A_65, %parallel_loop3A_1194, %parallel_loop3A_1195] : memref<2x128x128xf32, #tpu.memory_space<vmem>> -> memref<1x128x128xf32, #tpu.memory_space<vmem>>
        %parallel_loop3A_1197 = tpu.memref_squeeze %parallel_loop3A_1196 : memref<1x128x128xf32, #tpu.memory_space<vmem>> -> memref<128x128xf32, #tpu.memory_space<vmem>>
        %parallel_loop3A_1198 = arith.index_cast %parallel_loop3A_1171 : i32 to index
        %parallel_loop3A_1199 = arith.constant 16 : index
        %parallel_loop3A_1200 = tpu.vector_load %parallel_loop3A_1197[%parallel_loop3A_1198, %parallel_loop3A_1199] {strides = array<i32>} : memref<128x128xf32, #tpu.memory_space<vmem>>, vector<16xf32>,
        %parallel_loop3A_1201 = arith.mulf %parallel_loop3A_1193, %parallel_loop3A_1200 : vector<16xf32>
        %parallel_loop3A_1202 = arith.constant 0 : i32
        %parallel_loop3A_1203 = arith.constant 0 : i32
        %parallel_loop3A_1204 = tpu.memref_slice %arg9[%scan3A_64, %parallel_loop3A_1202, %parallel_loop3A_1203] : memref<4x128x128xf32, #tpu.memory_space<vmem>> -> memref<1x128x128xf32, #tpu.memory_space<vmem>>
        %parallel_loop3A_1205 = tpu.memref_squeeze %parallel_loop3A_1204 : memref<1x128x128xf32, #tpu.memory_space<vmem>> -> memref<128x128xf32, #tpu.memory_space<vmem>>
        %parallel_loop3A_1206 = arith.index_cast %parallel_loop3A_1171 : i32 to index
        %parallel_loop3A_1207 = arith.constant 32 : index
        %parallel_loop3A_1208 = tpu.vector_load %parallel_loop3A_1205[%parallel_loop3A_1206, %parallel_loop3A_1207] {strides = array<i32>} : memref<128x128xf32, #tpu.memory_space<vmem>>, vector<16xf32>,
        %parallel_loop3A_1209 = arith.constant 0 : i32
        %parallel_loop3A_1210 = arith.constant 0 : i32
        %parallel_loop3A_1211 = tpu.memref_slice %arg10[%rem3A_65, %parallel_loop3A_1209, %parallel_loop3A_1210] : memref<2x128x128xf32, #tpu.memory_space<vmem>> -> memref<1x128x128xf32, #tpu.memory_space<vmem>>
        %parallel_loop3A_1212 = tpu.memref_squeeze %parallel_loop3A_1211 : memref<1x128x128xf32, #tpu.memory_space<vmem>> -> memref<128x128xf32, #tpu.memory_space<vmem>>
        %parallel_loop3A_1213 = arith.index_cast %parallel_loop3A_1171 : i32 to index
        %parallel_loop3A_1214 = arith.constant 32 : index
        %parallel_loop3A_1215 = tpu.vector_load %parallel_loop3A_1212[%parallel_loop3A_1213, %parallel_loop3A_1214] {strides = array<i32>} : memref<128x128xf32, #tpu.memory_space<vmem>>, vector<16xf32>,
        %parallel_loop3A_1216 = arith.mulf %parallel_loop3A_1208, %parallel_loop3A_1215 : vector<16xf32>
        %parallel_loop3A_1217 = arith.addf %parallel_loop3A_1186, %parallel_loop3A_1216 : vector<16xf32>
        %parallel_loop3A_1218 = arith.constant 0 : i32
        %parallel_loop3A_1219 = arith.constant 0 : i32
        %parallel_loop3A_1220 = tpu.memref_slice %arg9[%scan3A_64, %parallel_loop3A_1218, %parallel_loop3A_1219] : memref<4x128x128xf32, #tpu.memory_space<vmem>> -> memref<1x128x128xf32, #tpu.memory_space<vmem>>
        %parallel_loop3A_1221 = tpu.memref_squeeze %parallel_loop3A_1220 : memref<1x128x128xf32, #tpu.memory_space<vmem>> -> memref<128x128xf32, #tpu.memory_space<vmem>>
        %parallel_loop3A_1222 = arith.index_cast %parallel_loop3A_1171 : i32 to index
        %parallel_loop3A_1223 = arith.constant 48 : index
        %parallel_loop3A_1224 = tpu.vector_load %parallel_loop3A_1221[%parallel_loop3A_1222, %parallel_loop3A_1223] {strides = array<i32>} : memref<128x128xf32, #tpu.memory_space<vmem>>, vector<16xf32>,
        %parallel_loop3A_1225 = arith.constant 0 : i32
        %parallel_loop3A_1226 = arith.constant 0 : i32
        %parallel_loop3A_1227 = tpu.memref_slice %arg10[%rem3A_65, %parallel_loop3A_1225, %parallel_loop3A_1226] : memref<2x128x128xf32, #tpu.memory_space<vmem>> -> memref<1x128x128xf32, #tpu.memory_space<vmem>>
        %parallel_loop3A_1228 = tpu.memref_squeeze %parallel_loop3A_1227 : memref<1x128x128xf32, #tpu.memory_space<vmem>> -> memref<128x128xf32, #tpu.memory_space<vmem>>
        %parallel_loop3A_1229 = arith.index_cast %parallel_loop3A_1171 : i32 to index
        %parallel_loop3A_1230 = arith.constant 48 : index
        %parallel_loop3A_1231 = tpu.vector_load %parallel_loop3A_1228[%parallel_loop3A_1229, %parallel_loop3A_1230] {strides = array<i32>} : memref<128x128xf32, #tpu.memory_space<vmem>>, vector<16xf32>,
        %parallel_loop3A_1232 = arith.mulf %parallel_loop3A_1224, %parallel_loop3A_1231 : vector<16xf32>
        %parallel_loop3A_1233 = arith.addf %parallel_loop3A_1201, %parallel_loop3A_1232 : vector<16xf32>
        %parallel_loop3A_1234 = arith.constant 0 : i32
        %parallel_loop3A_1235 = arith.constant 0 : i32
        %parallel_loop3A_1236 = tpu.memref_slice %arg9[%scan3A_64, %parallel_loop3A_1234, %parallel_loop3A_1235] : memref<4x128x128xf32, #tpu.memory_space<vmem>> -> memref<1x128x128xf32, #tpu.memory_space<vmem>>
        %parallel_loop3A_1237 = tpu.memref_squeeze %parallel_loop3A_1236 : memref<1x128x128xf32, #tpu.memory_space<vmem>> -> memref<128x128xf32, #tpu.memory_space<vmem>>
        %parallel_loop3A_1238 = arith.index_cast %parallel_loop3A_1171 : i32 to index
        %parallel_loop3A_1239 = arith.constant 64 : index
        %parallel_loop3A_1240 = tpu.vector_load %parallel_loop3A_1237[%parallel_loop3A_1238, %parallel_loop3A_1239] {strides = array<i32>} : memref<128x128xf32, #tpu.memory_space<vmem>>, vector<16xf32>,
        %parallel_loop3A_1241 = arith.constant 0 : i32
        %parallel_loop3A_1242 = arith.constant 0 : i32
        %parallel_loop3A_1243 = tpu.memref_slice %arg10[%rem3A_65, %parallel_loop3A_1241, %parallel_loop3A_1242] : memref<2x128x128xf32, #tpu.memory_space<vmem>> -> memref<1x128x128xf32, #tpu.memory_space<vmem>>
        %parallel_loop3A_1244 = tpu.memref_squeeze %parallel_loop3A_1243 : memref<1x128x128xf32, #tpu.memory_space<vmem>> -> memref<128x128xf32, #tpu.memory_space<vmem>>
        %parallel_loop3A_1245 = arith.index_cast %parallel_loop3A_1171 : i32 to index
        %parallel_loop3A_1246 = arith.constant 64 : index
        %parallel_loop3A_1247 = tpu.vector_load %parallel_loop3A_1244[%parallel_loop3A_1245, %parallel_loop3A_1246] {strides = array<i32>} : memref<128x128xf32, #tpu.memory_space<vmem>>, vector<16xf32>,
        %parallel_loop3A_1248 = arith.mulf %parallel_loop3A_1240, %parallel_loop3A_1247 : vector<16xf32>
        %parallel_loop3A_1249 = arith.addf %parallel_loop3A_1217, %parallel_loop3A_1248 : vector<16xf32>
        %parallel_loop3A_1250 = arith.constant 0 : i32
        %parallel_loop3A_1251 = arith.constant 0 : i32
        %parallel_loop3A_1252 = tpu.memref_slice %arg9[%scan3A_64, %parallel_loop3A_1250, %parallel_loop3A_1251] : memref<4x128x128xf32, #tpu.memory_space<vmem>> -> memref<1x128x128xf32, #tpu.memory_space<vmem>>
        %parallel_loop3A_1253 = tpu.memref_squeeze %parallel_loop3A_1252 : memref<1x128x128xf32, #tpu.memory_space<vmem>> -> memref<128x128xf32, #tpu.memory_space<vmem>>
        %parallel_loop3A_1254 = arith.index_cast %parallel_loop3A_1171 : i32 to index
        %parallel_loop3A_1255 = arith.constant 80 : index
        %parallel_loop3A_1256 = tpu.vector_load %parallel_loop3A_1253[%parallel_loop3A_1254, %parallel_loop3A_1255] {strides = array<i32>} : memref<128x128xf32, #tpu.memory_space<vmem>>, vector<16xf32>,
        %parallel_loop3A_1257 = arith.constant 0 : i32
        %parallel_loop3A_1258 = arith.constant 0 : i32
        %parallel_loop3A_1259 = tpu.memref_slice %arg10[%rem3A_65, %parallel_loop3A_1257, %parallel_loop3A_1258] : memref<2x128x128xf32, #tpu.memory_space<vmem>> -> memref<1x128x128xf32, #tpu.memory_space<vmem>>
        %parallel_loop3A_1260 = tpu.memref_squeeze %parallel_loop3A_1259 : memref<1x128x128xf32, #tpu.memory_space<vmem>> -> memref<128x128xf32, #tpu.memory_space<vmem>>
        %parallel_loop3A_1261 = arith.index_cast %parallel_loop3A_1171 : i32 to index
        %parallel_loop3A_1262 = arith.constant 80 : index
        %parallel_loop3A_1263 = tpu.vector_load %parallel_loop3A_1260[%parallel_loop3A_1261, %parallel_loop3A_1262] {strides = array<i32>} : memref<128x128xf32, #tpu.memory_space<vmem>>, vector<16xf32>,
        %parallel_loop3A_1264 = arith.mulf %parallel_loop3A_1256, %parallel_loop3A_1263 : vector<16xf32>
        %parallel_loop3A_1265 = arith.addf %parallel_loop3A_1233, %parallel_loop3A_1264 : vector<16xf32>
        %parallel_loop3A_1266 = arith.constant 0 : i32
        %parallel_loop3A_1267 = arith.constant 0 : i32
        %parallel_loop3A_1268 = tpu.memref_slice %arg9[%scan3A_64, %parallel_loop3A_1266, %parallel_loop3A_1267] : memref<4x128x128xf32, #tpu.memory_space<vmem>> -> memref<1x128x128xf32, #tpu.memory_space<vmem>>
        %parallel_loop3A_1269 = tpu.memref_squeeze %parallel_loop3A_1268 : memref<1x128x128xf32, #tpu.memory_space<vmem>> -> memref<128x128xf32, #tpu.memory_space<vmem>>
        %parallel_loop3A_1270 = arith.index_cast %parallel_loop3A_1171 : i32 to index
        %parallel_loop3A_1271 = arith.constant 96 : index
        %parallel_loop3A_1272 = tpu.vector_load %parallel_loop3A_1269[%parallel_loop3A_1270, %parallel_loop3A_1271] {strides = array<i32>} : memref<128x128xf32, #tpu.memory_space<vmem>>, vector<16xf32>,
        %parallel_loop3A_1273 = arith.constant 0 : i32
        %parallel_loop3A_1274 = arith.constant 0 : i32
        %parallel_loop3A_1275 = tpu.memref_slice %arg10[%rem3A_65, %parallel_loop3A_1273, %parallel_loop3A_1274] : memref<2x128x128xf32, #tpu.memory_space<vmem>> -> memref<1x128x128xf32, #tpu.memory_space<vmem>>
        %parallel_loop3A_1276 = tpu.memref_squeeze %parallel_loop3A_1275 : memref<1x128x128xf32, #tpu.memory_space<vmem>> -> memref<128x128xf32, #tpu.memory_space<vmem>>
        %parallel_loop3A_1277 = arith.index_cast %parallel_loop3A_1171 : i32 to index
        %parallel_loop3A_1278 = arith.constant 96 : index
        %parallel_loop3A_1279 = tpu.vector_load %parallel_loop3A_1276[%parallel_loop3A_1277, %parallel_loop3A_1278] {strides = array<i32>} : memref<128x128xf32, #tpu.memory_space<vmem>>, vector<16xf32>,
        %parallel_loop3A_1280 = arith.mulf %parallel_loop3A_1272, %parallel_loop3A_1279 : vector<16xf32>
        %parallel_loop3A_1281 = arith.addf %parallel_loop3A_1249, %parallel_loop3A_1280 : vector<16xf32>
        %parallel_loop3A_1282 = arith.constant 0 : i32
        %parallel_loop3A_1283 = arith.constant 0 : i32
        %parallel_loop3A_1284 = tpu.memref_slice %arg9[%scan3A_64, %parallel_loop3A_1282, %parallel_loop3A_1283] : memref<4x128x128xf32, #tpu.memory_space<vmem>> -> memref<1x128x128xf32, #tpu.memory_space<vmem>>
        %parallel_loop3A_1285 = tpu.memref_squeeze %parallel_loop3A_1284 : memref<1x128x128xf32, #tpu.memory_space<vmem>> -> memref<128x128xf32, #tpu.memory_space<vmem>>
        %parallel_loop3A_1286 = arith.index_cast %parallel_loop3A_1171 : i32 to index
        %parallel_loop3A_1287 = arith.constant 112 : index
        %parallel_loop3A_1288 = tpu.vector_load %parallel_loop3A_1285[%parallel_loop3A_1286, %parallel_loop3A_1287] {strides = array<i32>} : memref<128x128xf32, #tpu.memory_space<vmem>>, vector<16xf32>,
        %parallel_loop3A_1289 = arith.constant 0 : i32
        %parallel_loop3A_1290 = arith.constant 0 : i32
        %parallel_loop3A_1291 = tpu.memref_slice %arg10[%rem3A_65, %parallel_loop3A_1289, %parallel_loop3A_1290] : memref<2x128x128xf32, #tpu.memory_space<vmem>> -> memref<1x128x128xf32, #tpu.memory_space<vmem>>
        %parallel_loop3A_1292 = tpu.memref_squeeze %parallel_loop3A_1291 : memref<1x128x128xf32, #tpu.memory_space<vmem>> -> memref<128x128xf32, #tpu.memory_space<vmem>>
        %parallel_loop3A_1293 = arith.index_cast %parallel_loop3A_1171 : i32 to index
        %parallel_loop3A_1294 = arith.constant 112 : index
        %parallel_loop3A_1295 = tpu.vector_load %parallel_loop3A_1292[%parallel_loop3A_1293, %parallel_loop3A_1294] {strides = array<i32>} : memref<128x128xf32, #tpu.memory_space<vmem>>, vector<16xf32>,
        %parallel_loop3A_1296 = arith.mulf %parallel_loop3A_1288, %parallel_loop3A_1295 : vector<16xf32>
        %parallel_loop3A_1297 = arith.addf %parallel_loop3A_1265, %parallel_loop3A_1296 : vector<16xf32>
        %parallel_loop3A_1298 = arith.addf %parallel_loop3A_1281, %parallel_loop3A_1297 : vector<16xf32>
        %parallel_loop3A_1299 = arith.constant 128 : i32
        %parallel_loop3A_1300 = arith.addi %parallel_loop3A_105, %parallel_loop3A_1299 : i32
        %parallel_loop3A_1301 = arith.index_cast %parallel_loop3A_1300 : i32 to index
        %parallel_loop3A_1302 = tpu.vector_load %arg11[%parallel_loop3A_1301] {strides = array<i32>} : memref<2048xf32, #tpu.memory_space<vmem>>, vector<16xf32>,
        tpu.vector_store %arg11[%parallel_loop3A_1301], %parallel_loop3A_1298 {strides = array<i32>} : memref<2048xf32, #tpu.memory_space<vmem>>, vector<16xf32>,
        %parallel_loop3A_1303 = arith.constant 9 : i32
        %parallel_loop3A_1304 = arith.addi %parallel_loop3A_103, %parallel_loop3A_1303 : i32
        %parallel_loop3A_1305 = arith.constant 0 : i32
        %parallel_loop3A_1306 = arith.constant 0 : i32
        %parallel_loop3A_1307 = tpu.memref_slice %arg9[%scan3A_64, %parallel_loop3A_1305, %parallel_loop3A_1306] : memref<4x128x128xf32, #tpu.memory_space<vmem>> -> memref<1x128x128xf32, #tpu.memory_space<vmem>>
        %parallel_loop3A_1308 = tpu.memref_squeeze %parallel_loop3A_1307 : memref<1x128x128xf32, #tpu.memory_space<vmem>> -> memref<128x128xf32, #tpu.memory_space<vmem>>
        %parallel_loop3A_1309 = arith.index_cast %parallel_loop3A_1304 : i32 to index
        %parallel_loop3A_1310 = arith.constant 0 : index
        %parallel_loop3A_1311 = tpu.vector_load %parallel_loop3A_1308[%parallel_loop3A_1309, %parallel_loop3A_1310] {strides = array<i32>} : memref<128x128xf32, #tpu.memory_space<vmem>>, vector<16xf32>,
        %parallel_loop3A_1312 = arith.constant 0 : i32
        %parallel_loop3A_1313 = arith.constant 0 : i32
        %parallel_loop3A_1314 = tpu.memref_slice %arg10[%rem3A_65, %parallel_loop3A_1312, %parallel_loop3A_1313] : memref<2x128x128xf32, #tpu.memory_space<vmem>> -> memref<1x128x128xf32, #tpu.memory_space<vmem>>
        %parallel_loop3A_1315 = tpu.memref_squeeze %parallel_loop3A_1314 : memref<1x128x128xf32, #tpu.memory_space<vmem>> -> memref<128x128xf32, #tpu.memory_space<vmem>>
        %parallel_loop3A_1316 = arith.index_cast %parallel_loop3A_1304 : i32 to index
        %parallel_loop3A_1317 = arith.constant 0 : index
        %parallel_loop3A_1318 = tpu.vector_load %parallel_loop3A_1315[%parallel_loop3A_1316, %parallel_loop3A_1317] {strides = array<i32>} : memref<128x128xf32, #tpu.memory_space<vmem>>, vector<16xf32>,
        %parallel_loop3A_1319 = arith.mulf %parallel_loop3A_1311, %parallel_loop3A_1318 : vector<16xf32>
        %parallel_loop3A_1320 = arith.constant 0 : i32
        %parallel_loop3A_1321 = arith.constant 0 : i32
        %parallel_loop3A_1322 = tpu.memref_slice %arg9[%scan3A_64, %parallel_loop3A_1320, %parallel_loop3A_1321] : memref<4x128x128xf32, #tpu.memory_space<vmem>> -> memref<1x128x128xf32, #tpu.memory_space<vmem>>
        %parallel_loop3A_1323 = tpu.memref_squeeze %parallel_loop3A_1322 : memref<1x128x128xf32, #tpu.memory_space<vmem>> -> memref<128x128xf32, #tpu.memory_space<vmem>>
        %parallel_loop3A_1324 = arith.index_cast %parallel_loop3A_1304 : i32 to index
        %parallel_loop3A_1325 = arith.constant 16 : index
        %parallel_loop3A_1326 = tpu.vector_load %parallel_loop3A_1323[%parallel_loop3A_1324, %parallel_loop3A_1325] {strides = array<i32>} : memref<128x128xf32, #tpu.memory_space<vmem>>, vector<16xf32>,
        %parallel_loop3A_1327 = arith.constant 0 : i32
        %parallel_loop3A_1328 = arith.constant 0 : i32
        %parallel_loop3A_1329 = tpu.memref_slice %arg10[%rem3A_65, %parallel_loop3A_1327, %parallel_loop3A_1328] : memref<2x128x128xf32, #tpu.memory_space<vmem>> -> memref<1x128x128xf32, #tpu.memory_space<vmem>>
        %parallel_loop3A_1330 = tpu.memref_squeeze %parallel_loop3A_1329 : memref<1x128x128xf32, #tpu.memory_space<vmem>> -> memref<128x128xf32, #tpu.memory_space<vmem>>
        %parallel_loop3A_1331 = arith.index_cast %parallel_loop3A_1304 : i32 to index
        %parallel_loop3A_1332 = arith.constant 16 : index
        %parallel_loop3A_1333 = tpu.vector_load %parallel_loop3A_1330[%parallel_loop3A_1331, %parallel_loop3A_1332] {strides = array<i32>} : memref<128x128xf32, #tpu.memory_space<vmem>>, vector<16xf32>,
        %parallel_loop3A_1334 = arith.mulf %parallel_loop3A_1326, %parallel_loop3A_1333 : vector<16xf32>
        %parallel_loop3A_1335 = arith.constant 0 : i32
        %parallel_loop3A_1336 = arith.constant 0 : i32
        %parallel_loop3A_1337 = tpu.memref_slice %arg9[%scan3A_64, %parallel_loop3A_1335, %parallel_loop3A_1336] : memref<4x128x128xf32, #tpu.memory_space<vmem>> -> memref<1x128x128xf32, #tpu.memory_space<vmem>>
        %parallel_loop3A_1338 = tpu.memref_squeeze %parallel_loop3A_1337 : memref<1x128x128xf32, #tpu.memory_space<vmem>> -> memref<128x128xf32, #tpu.memory_space<vmem>>
        %parallel_loop3A_1339 = arith.index_cast %parallel_loop3A_1304 : i32 to index
        %parallel_loop3A_1340 = arith.constant 32 : index
        %parallel_loop3A_1341 = tpu.vector_load %parallel_loop3A_1338[%parallel_loop3A_1339, %parallel_loop3A_1340] {strides = array<i32>} : memref<128x128xf32, #tpu.memory_space<vmem>>, vector<16xf32>,
        %parallel_loop3A_1342 = arith.constant 0 : i32
        %parallel_loop3A_1343 = arith.constant 0 : i32
        %parallel_loop3A_1344 = tpu.memref_slice %arg10[%rem3A_65, %parallel_loop3A_1342, %parallel_loop3A_1343] : memref<2x128x128xf32, #tpu.memory_space<vmem>> -> memref<1x128x128xf32, #tpu.memory_space<vmem>>
        %parallel_loop3A_1345 = tpu.memref_squeeze %parallel_loop3A_1344 : memref<1x128x128xf32, #tpu.memory_space<vmem>> -> memref<128x128xf32, #tpu.memory_space<vmem>>
        %parallel_loop3A_1346 = arith.index_cast %parallel_loop3A_1304 : i32 to index
        %parallel_loop3A_1347 = arith.constant 32 : index
        %parallel_loop3A_1348 = tpu.vector_load %parallel_loop3A_1345[%parallel_loop3A_1346, %parallel_loop3A_1347] {strides = array<i32>} : memref<128x128xf32, #tpu.memory_space<vmem>>, vector<16xf32>,
        %parallel_loop3A_1349 = arith.mulf %parallel_loop3A_1341, %parallel_loop3A_1348 : vector<16xf32>
        %parallel_loop3A_1350 = arith.addf %parallel_loop3A_1319, %parallel_loop3A_1349 : vector<16xf32>
        %parallel_loop3A_1351 = arith.constant 0 : i32
        %parallel_loop3A_1352 = arith.constant 0 : i32
        %parallel_loop3A_1353 = tpu.memref_slice %arg9[%scan3A_64, %parallel_loop3A_1351, %parallel_loop3A_1352] : memref<4x128x128xf32, #tpu.memory_space<vmem>> -> memref<1x128x128xf32, #tpu.memory_space<vmem>>
        %parallel_loop3A_1354 = tpu.memref_squeeze %parallel_loop3A_1353 : memref<1x128x128xf32, #tpu.memory_space<vmem>> -> memref<128x128xf32, #tpu.memory_space<vmem>>
        %parallel_loop3A_1355 = arith.index_cast %parallel_loop3A_1304 : i32 to index
        %parallel_loop3A_1356 = arith.constant 48 : index
        %parallel_loop3A_1357 = tpu.vector_load %parallel_loop3A_1354[%parallel_loop3A_1355, %parallel_loop3A_1356] {strides = array<i32>} : memref<128x128xf32, #tpu.memory_space<vmem>>, vector<16xf32>,
        %parallel_loop3A_1358 = arith.constant 0 : i32
        %parallel_loop3A_1359 = arith.constant 0 : i32
        %parallel_loop3A_1360 = tpu.memref_slice %arg10[%rem3A_65, %parallel_loop3A_1358, %parallel_loop3A_1359] : memref<2x128x128xf32, #tpu.memory_space<vmem>> -> memref<1x128x128xf32, #tpu.memory_space<vmem>>
        %parallel_loop3A_1361 = tpu.memref_squeeze %parallel_loop3A_1360 : memref<1x128x128xf32, #tpu.memory_space<vmem>> -> memref<128x128xf32, #tpu.memory_space<vmem>>
        %parallel_loop3A_1362 = arith.index_cast %parallel_loop3A_1304 : i32 to index
        %parallel_loop3A_1363 = arith.constant 48 : index
        %parallel_loop3A_1364 = tpu.vector_load %parallel_loop3A_1361[%parallel_loop3A_1362, %parallel_loop3A_1363] {strides = array<i32>} : memref<128x128xf32, #tpu.memory_space<vmem>>, vector<16xf32>,
        %parallel_loop3A_1365 = arith.mulf %parallel_loop3A_1357, %parallel_loop3A_1364 : vector<16xf32>
        %parallel_loop3A_1366 = arith.addf %parallel_loop3A_1334, %parallel_loop3A_1365 : vector<16xf32>
        %parallel_loop3A_1367 = arith.constant 0 : i32
        %parallel_loop3A_1368 = arith.constant 0 : i32
        %parallel_loop3A_1369 = tpu.memref_slice %arg9[%scan3A_64, %parallel_loop3A_1367, %parallel_loop3A_1368] : memref<4x128x128xf32, #tpu.memory_space<vmem>> -> memref<1x128x128xf32, #tpu.memory_space<vmem>>
        %parallel_loop3A_1370 = tpu.memref_squeeze %parallel_loop3A_1369 : memref<1x128x128xf32, #tpu.memory_space<vmem>> -> memref<128x128xf32, #tpu.memory_space<vmem>>
        %parallel_loop3A_1371 = arith.index_cast %parallel_loop3A_1304 : i32 to index
        %parallel_loop3A_1372 = arith.constant 64 : index
        %parallel_loop3A_1373 = tpu.vector_load %parallel_loop3A_1370[%parallel_loop3A_1371, %parallel_loop3A_1372] {strides = array<i32>} : memref<128x128xf32, #tpu.memory_space<vmem>>, vector<16xf32>,
        %parallel_loop3A_1374 = arith.constant 0 : i32
        %parallel_loop3A_1375 = arith.constant 0 : i32
        %parallel_loop3A_1376 = tpu.memref_slice %arg10[%rem3A_65, %parallel_loop3A_1374, %parallel_loop3A_1375] : memref<2x128x128xf32, #tpu.memory_space<vmem>> -> memref<1x128x128xf32, #tpu.memory_space<vmem>>
        %parallel_loop3A_1377 = tpu.memref_squeeze %parallel_loop3A_1376 : memref<1x128x128xf32, #tpu.memory_space<vmem>> -> memref<128x128xf32, #tpu.memory_space<vmem>>
        %parallel_loop3A_1378 = arith.index_cast %parallel_loop3A_1304 : i32 to index
        %parallel_loop3A_1379 = arith.constant 64 : index
        %parallel_loop3A_1380 = tpu.vector_load %parallel_loop3A_1377[%parallel_loop3A_1378, %parallel_loop3A_1379] {strides = array<i32>} : memref<128x128xf32, #tpu.memory_space<vmem>>, vector<16xf32>,
        %parallel_loop3A_1381 = arith.mulf %parallel_loop3A_1373, %parallel_loop3A_1380 : vector<16xf32>
        %parallel_loop3A_1382 = arith.addf %parallel_loop3A_1350, %parallel_loop3A_1381 : vector<16xf32>
        %parallel_loop3A_1383 = arith.constant 0 : i32
        %parallel_loop3A_1384 = arith.constant 0 : i32
        %parallel_loop3A_1385 = tpu.memref_slice %arg9[%scan3A_64, %parallel_loop3A_1383, %parallel_loop3A_1384] : memref<4x128x128xf32, #tpu.memory_space<vmem>> -> memref<1x128x128xf32, #tpu.memory_space<vmem>>
        %parallel_loop3A_1386 = tpu.memref_squeeze %parallel_loop3A_1385 : memref<1x128x128xf32, #tpu.memory_space<vmem>> -> memref<128x128xf32, #tpu.memory_space<vmem>>
        %parallel_loop3A_1387 = arith.index_cast %parallel_loop3A_1304 : i32 to index
        %parallel_loop3A_1388 = arith.constant 80 : index
        %parallel_loop3A_1389 = tpu.vector_load %parallel_loop3A_1386[%parallel_loop3A_1387, %parallel_loop3A_1388] {strides = array<i32>} : memref<128x128xf32, #tpu.memory_space<vmem>>, vector<16xf32>,
        %parallel_loop3A_1390 = arith.constant 0 : i32
        %parallel_loop3A_1391 = arith.constant 0 : i32
        %parallel_loop3A_1392 = tpu.memref_slice %arg10[%rem3A_65, %parallel_loop3A_1390, %parallel_loop3A_1391] : memref<2x128x128xf32, #tpu.memory_space<vmem>> -> memref<1x128x128xf32, #tpu.memory_space<vmem>>
        %parallel_loop3A_1393 = tpu.memref_squeeze %parallel_loop3A_1392 : memref<1x128x128xf32, #tpu.memory_space<vmem>> -> memref<128x128xf32, #tpu.memory_space<vmem>>
        %parallel_loop3A_1394 = arith.index_cast %parallel_loop3A_1304 : i32 to index
        %parallel_loop3A_1395 = arith.constant 80 : index
        %parallel_loop3A_1396 = tpu.vector_load %parallel_loop3A_1393[%parallel_loop3A_1394, %parallel_loop3A_1395] {strides = array<i32>} : memref<128x128xf32, #tpu.memory_space<vmem>>, vector<16xf32>,
        %parallel_loop3A_1397 = arith.mulf %parallel_loop3A_1389, %parallel_loop3A_1396 : vector<16xf32>
        %parallel_loop3A_1398 = arith.addf %parallel_loop3A_1366, %parallel_loop3A_1397 : vector<16xf32>
        %parallel_loop3A_1399 = arith.constant 0 : i32
        %parallel_loop3A_1400 = arith.constant 0 : i32
        %parallel_loop3A_1401 = tpu.memref_slice %arg9[%scan3A_64, %parallel_loop3A_1399, %parallel_loop3A_1400] : memref<4x128x128xf32, #tpu.memory_space<vmem>> -> memref<1x128x128xf32, #tpu.memory_space<vmem>>
        %parallel_loop3A_1402 = tpu.memref_squeeze %parallel_loop3A_1401 : memref<1x128x128xf32, #tpu.memory_space<vmem>> -> memref<128x128xf32, #tpu.memory_space<vmem>>
        %parallel_loop3A_1403 = arith.index_cast %parallel_loop3A_1304 : i32 to index
        %parallel_loop3A_1404 = arith.constant 96 : index
        %parallel_loop3A_1405 = tpu.vector_load %parallel_loop3A_1402[%parallel_loop3A_1403, %parallel_loop3A_1404] {strides = array<i32>} : memref<128x128xf32, #tpu.memory_space<vmem>>, vector<16xf32>,
        %parallel_loop3A_1406 = arith.constant 0 : i32
        %parallel_loop3A_1407 = arith.constant 0 : i32
        %parallel_loop3A_1408 = tpu.memref_slice %arg10[%rem3A_65, %parallel_loop3A_1406, %parallel_loop3A_1407] : memref<2x128x128xf32, #tpu.memory_space<vmem>> -> memref<1x128x128xf32, #tpu.memory_space<vmem>>
        %parallel_loop3A_1409 = tpu.memref_squeeze %parallel_loop3A_1408 : memref<1x128x128xf32, #tpu.memory_space<vmem>> -> memref<128x128xf32, #tpu.memory_space<vmem>>
        %parallel_loop3A_1410 = arith.index_cast %parallel_loop3A_1304 : i32 to index
        %parallel_loop3A_1411 = arith.constant 96 : index
        %parallel_loop3A_1412 = tpu.vector_load %parallel_loop3A_1409[%parallel_loop3A_1410, %parallel_loop3A_1411] {strides = array<i32>} : memref<128x128xf32, #tpu.memory_space<vmem>>, vector<16xf32>,
        %parallel_loop3A_1413 = arith.mulf %parallel_loop3A_1405, %parallel_loop3A_1412 : vector<16xf32>
        %parallel_loop3A_1414 = arith.addf %parallel_loop3A_1382, %parallel_loop3A_1413 : vector<16xf32>
        %parallel_loop3A_1415 = arith.constant 0 : i32
        %parallel_loop3A_1416 = arith.constant 0 : i32
        %parallel_loop3A_1417 = tpu.memref_slice %arg9[%scan3A_64, %parallel_loop3A_1415, %parallel_loop3A_1416] : memref<4x128x128xf32, #tpu.memory_space<vmem>> -> memref<1x128x128xf32, #tpu.memory_space<vmem>>
        %parallel_loop3A_1418 = tpu.memref_squeeze %parallel_loop3A_1417 : memref<1x128x128xf32, #tpu.memory_space<vmem>> -> memref<128x128xf32, #tpu.memory_space<vmem>>
        %parallel_loop3A_1419 = arith.index_cast %parallel_loop3A_1304 : i32 to index
        %parallel_loop3A_1420 = arith.constant 112 : index
        %parallel_loop3A_1421 = tpu.vector_load %parallel_loop3A_1418[%parallel_loop3A_1419, %parallel_loop3A_1420] {strides = array<i32>} : memref<128x128xf32, #tpu.memory_space<vmem>>, vector<16xf32>,
        %parallel_loop3A_1422 = arith.constant 0 : i32
        %parallel_loop3A_1423 = arith.constant 0 : i32
        %parallel_loop3A_1424 = tpu.memref_slice %arg10[%rem3A_65, %parallel_loop3A_1422, %parallel_loop3A_1423] : memref<2x128x128xf32, #tpu.memory_space<vmem>> -> memref<1x128x128xf32, #tpu.memory_space<vmem>>
        %parallel_loop3A_1425 = tpu.memref_squeeze %parallel_loop3A_1424 : memref<1x128x128xf32, #tpu.memory_space<vmem>> -> memref<128x128xf32, #tpu.memory_space<vmem>>
        %parallel_loop3A_1426 = arith.index_cast %parallel_loop3A_1304 : i32 to index
        %parallel_loop3A_1427 = arith.constant 112 : index
        %parallel_loop3A_1428 = tpu.vector_load %parallel_loop3A_1425[%parallel_loop3A_1426, %parallel_loop3A_1427] {strides = array<i32>} : memref<128x128xf32, #tpu.memory_space<vmem>>, vector<16xf32>,
        %parallel_loop3A_1429 = arith.mulf %parallel_loop3A_1421, %parallel_loop3A_1428 : vector<16xf32>
        %parallel_loop3A_1430 = arith.addf %parallel_loop3A_1398, %parallel_loop3A_1429 : vector<16xf32>
        %parallel_loop3A_1431 = arith.addf %parallel_loop3A_1414, %parallel_loop3A_1430 : vector<16xf32>
        %parallel_loop3A_1432 = arith.constant 144 : i32
        %parallel_loop3A_1433 = arith.addi %parallel_loop3A_105, %parallel_loop3A_1432 : i32
        %parallel_loop3A_1434 = arith.index_cast %parallel_loop3A_1433 : i32 to index
        %parallel_loop3A_1435 = tpu.vector_load %arg11[%parallel_loop3A_1434] {strides = array<i32>} : memref<2048xf32, #tpu.memory_space<vmem>>, vector<16xf32>,
        tpu.vector_store %arg11[%parallel_loop3A_1434], %parallel_loop3A_1431 {strides = array<i32>} : memref<2048xf32, #tpu.memory_space<vmem>>, vector<16xf32>,
        %parallel_loop3A_1436 = arith.constant 10 : i32
        %parallel_loop3A_1437 = arith.addi %parallel_loop3A_103, %parallel_loop3A_1436 : i32
        %parallel_loop3A_1438 = arith.constant 0 : i32
        %parallel_loop3A_1439 = arith.constant 0 : i32
        %parallel_loop3A_1440 = tpu.memref_slice %arg9[%scan3A_64, %parallel_loop3A_1438, %parallel_loop3A_1439] : memref<4x128x128xf32, #tpu.memory_space<vmem>> -> memref<1x128x128xf32, #tpu.memory_space<vmem>>
        %parallel_loop3A_1441 = tpu.memref_squeeze %parallel_loop3A_1440 : memref<1x128x128xf32, #tpu.memory_space<vmem>> -> memref<128x128xf32, #tpu.memory_space<vmem>>
        %parallel_loop3A_1442 = arith.index_cast %parallel_loop3A_1437 : i32 to index
        %parallel_loop3A_1443 = arith.constant 0 : index
        %parallel_loop3A_1444 = tpu.vector_load %parallel_loop3A_1441[%parallel_loop3A_1442, %parallel_loop3A_1443] {strides = array<i32>} : memref<128x128xf32, #tpu.memory_space<vmem>>, vector<16xf32>,
        %parallel_loop3A_1445 = arith.constant 0 : i32
        %parallel_loop3A_1446 = arith.constant 0 : i32
        %parallel_loop3A_1447 = tpu.memref_slice %arg10[%rem3A_65, %parallel_loop3A_1445, %parallel_loop3A_1446] : memref<2x128x128xf32, #tpu.memory_space<vmem>> -> memref<1x128x128xf32, #tpu.memory_space<vmem>>
        %parallel_loop3A_1448 = tpu.memref_squeeze %parallel_loop3A_1447 : memref<1x128x128xf32, #tpu.memory_space<vmem>> -> memref<128x128xf32, #tpu.memory_space<vmem>>
        %parallel_loop3A_1449 = arith.index_cast %parallel_loop3A_1437 : i32 to index
        %parallel_loop3A_1450 = arith.constant 0 : index
        %parallel_loop3A_1451 = tpu.vector_load %parallel_loop3A_1448[%parallel_loop3A_1449, %parallel_loop3A_1450] {strides = array<i32>} : memref<128x128xf32, #tpu.memory_space<vmem>>, vector<16xf32>,
        %parallel_loop3A_1452 = arith.mulf %parallel_loop3A_1444, %parallel_loop3A_1451 : vector<16xf32>
        %parallel_loop3A_1453 = arith.constant 0 : i32
        %parallel_loop3A_1454 = arith.constant 0 : i32
        %parallel_loop3A_1455 = tpu.memref_slice %arg9[%scan3A_64, %parallel_loop3A_1453, %parallel_loop3A_1454] : memref<4x128x128xf32, #tpu.memory_space<vmem>> -> memref<1x128x128xf32, #tpu.memory_space<vmem>>
        %parallel_loop3A_1456 = tpu.memref_squeeze %parallel_loop3A_1455 : memref<1x128x128xf32, #tpu.memory_space<vmem>> -> memref<128x128xf32, #tpu.memory_space<vmem>>
        %parallel_loop3A_1457 = arith.index_cast %parallel_loop3A_1437 : i32 to index
        %parallel_loop3A_1458 = arith.constant 16 : index
        %parallel_loop3A_1459 = tpu.vector_load %parallel_loop3A_1456[%parallel_loop3A_1457, %parallel_loop3A_1458] {strides = array<i32>} : memref<128x128xf32, #tpu.memory_space<vmem>>, vector<16xf32>,
        %parallel_loop3A_1460 = arith.constant 0 : i32
        %parallel_loop3A_1461 = arith.constant 0 : i32
        %parallel_loop3A_1462 = tpu.memref_slice %arg10[%rem3A_65, %parallel_loop3A_1460, %parallel_loop3A_1461] : memref<2x128x128xf32, #tpu.memory_space<vmem>> -> memref<1x128x128xf32, #tpu.memory_space<vmem>>
        %parallel_loop3A_1463 = tpu.memref_squeeze %parallel_loop3A_1462 : memref<1x128x128xf32, #tpu.memory_space<vmem>> -> memref<128x128xf32, #tpu.memory_space<vmem>>
        %parallel_loop3A_1464 = arith.index_cast %parallel_loop3A_1437 : i32 to index
        %parallel_loop3A_1465 = arith.constant 16 : index
        %parallel_loop3A_1466 = tpu.vector_load %parallel_loop3A_1463[%parallel_loop3A_1464, %parallel_loop3A_1465] {strides = array<i32>} : memref<128x128xf32, #tpu.memory_space<vmem>>, vector<16xf32>,
        %parallel_loop3A_1467 = arith.mulf %parallel_loop3A_1459, %parallel_loop3A_1466 : vector<16xf32>
        %parallel_loop3A_1468 = arith.constant 0 : i32
        %parallel_loop3A_1469 = arith.constant 0 : i32
        %parallel_loop3A_1470 = tpu.memref_slice %arg9[%scan3A_64, %parallel_loop3A_1468, %parallel_loop3A_1469] : memref<4x128x128xf32, #tpu.memory_space<vmem>> -> memref<1x128x128xf32, #tpu.memory_space<vmem>>
        %parallel_loop3A_1471 = tpu.memref_squeeze %parallel_loop3A_1470 : memref<1x128x128xf32, #tpu.memory_space<vmem>> -> memref<128x128xf32, #tpu.memory_space<vmem>>
        %parallel_loop3A_1472 = arith.index_cast %parallel_loop3A_1437 : i32 to index
        %parallel_loop3A_1473 = arith.constant 32 : index
        %parallel_loop3A_1474 = tpu.vector_load %parallel_loop3A_1471[%parallel_loop3A_1472, %parallel_loop3A_1473] {strides = array<i32>} : memref<128x128xf32, #tpu.memory_space<vmem>>, vector<16xf32>,
        %parallel_loop3A_1475 = arith.constant 0 : i32
        %parallel_loop3A_1476 = arith.constant 0 : i32
        %parallel_loop3A_1477 = tpu.memref_slice %arg10[%rem3A_65, %parallel_loop3A_1475, %parallel_loop3A_1476] : memref<2x128x128xf32, #tpu.memory_space<vmem>> -> memref<1x128x128xf32, #tpu.memory_space<vmem>>
        %parallel_loop3A_1478 = tpu.memref_squeeze %parallel_loop3A_1477 : memref<1x128x128xf32, #tpu.memory_space<vmem>> -> memref<128x128xf32, #tpu.memory_space<vmem>>
        %parallel_loop3A_1479 = arith.index_cast %parallel_loop3A_1437 : i32 to index
        %parallel_loop3A_1480 = arith.constant 32 : index
        %parallel_loop3A_1481 = tpu.vector_load %parallel_loop3A_1478[%parallel_loop3A_1479, %parallel_loop3A_1480] {strides = array<i32>} : memref<128x128xf32, #tpu.memory_space<vmem>>, vector<16xf32>,
        %parallel_loop3A_1482 = arith.mulf %parallel_loop3A_1474, %parallel_loop3A_1481 : vector<16xf32>
        %parallel_loop3A_1483 = arith.addf %parallel_loop3A_1452, %parallel_loop3A_1482 : vector<16xf32>
        %parallel_loop3A_1484 = arith.constant 0 : i32
        %parallel_loop3A_1485 = arith.constant 0 : i32
        %parallel_loop3A_1486 = tpu.memref_slice %arg9[%scan3A_64, %parallel_loop3A_1484, %parallel_loop3A_1485] : memref<4x128x128xf32, #tpu.memory_space<vmem>> -> memref<1x128x128xf32, #tpu.memory_space<vmem>>
        %parallel_loop3A_1487 = tpu.memref_squeeze %parallel_loop3A_1486 : memref<1x128x128xf32, #tpu.memory_space<vmem>> -> memref<128x128xf32, #tpu.memory_space<vmem>>
        %parallel_loop3A_1488 = arith.index_cast %parallel_loop3A_1437 : i32 to index
        %parallel_loop3A_1489 = arith.constant 48 : index
        %parallel_loop3A_1490 = tpu.vector_load %parallel_loop3A_1487[%parallel_loop3A_1488, %parallel_loop3A_1489] {strides = array<i32>} : memref<128x128xf32, #tpu.memory_space<vmem>>, vector<16xf32>,
        %parallel_loop3A_1491 = arith.constant 0 : i32
        %parallel_loop3A_1492 = arith.constant 0 : i32
        %parallel_loop3A_1493 = tpu.memref_slice %arg10[%rem3A_65, %parallel_loop3A_1491, %parallel_loop3A_1492] : memref<2x128x128xf32, #tpu.memory_space<vmem>> -> memref<1x128x128xf32, #tpu.memory_space<vmem>>
        %parallel_loop3A_1494 = tpu.memref_squeeze %parallel_loop3A_1493 : memref<1x128x128xf32, #tpu.memory_space<vmem>> -> memref<128x128xf32, #tpu.memory_space<vmem>>
        %parallel_loop3A_1495 = arith.index_cast %parallel_loop3A_1437 : i32 to index
        %parallel_loop3A_1496 = arith.constant 48 : index
        %parallel_loop3A_1497 = tpu.vector_load %parallel_loop3A_1494[%parallel_loop3A_1495, %parallel_loop3A_1496] {strides = array<i32>} : memref<128x128xf32, #tpu.memory_space<vmem>>, vector<16xf32>,
        %parallel_loop3A_1498 = arith.mulf %parallel_loop3A_1490, %parallel_loop3A_1497 : vector<16xf32>
        %parallel_loop3A_1499 = arith.addf %parallel_loop3A_1467, %parallel_loop3A_1498 : vector<16xf32>
        %parallel_loop3A_1500 = arith.constant 0 : i32
        %parallel_loop3A_1501 = arith.constant 0 : i32
        %parallel_loop3A_1502 = tpu.memref_slice %arg9[%scan3A_64, %parallel_loop3A_1500, %parallel_loop3A_1501] : memref<4x128x128xf32, #tpu.memory_space<vmem>> -> memref<1x128x128xf32, #tpu.memory_space<vmem>>
        %parallel_loop3A_1503 = tpu.memref_squeeze %parallel_loop3A_1502 : memref<1x128x128xf32, #tpu.memory_space<vmem>> -> memref<128x128xf32, #tpu.memory_space<vmem>>
        %parallel_loop3A_1504 = arith.index_cast %parallel_loop3A_1437 : i32 to index
        %parallel_loop3A_1505 = arith.constant 64 : index
        %parallel_loop3A_1506 = tpu.vector_load %parallel_loop3A_1503[%parallel_loop3A_1504, %parallel_loop3A_1505] {strides = array<i32>} : memref<128x128xf32, #tpu.memory_space<vmem>>, vector<16xf32>,
        %parallel_loop3A_1507 = arith.constant 0 : i32
        %parallel_loop3A_1508 = arith.constant 0 : i32
        %parallel_loop3A_1509 = tpu.memref_slice %arg10[%rem3A_65, %parallel_loop3A_1507, %parallel_loop3A_1508] : memref<2x128x128xf32, #tpu.memory_space<vmem>> -> memref<1x128x128xf32, #tpu.memory_space<vmem>>
        %parallel_loop3A_1510 = tpu.memref_squeeze %parallel_loop3A_1509 : memref<1x128x128xf32, #tpu.memory_space<vmem>> -> memref<128x128xf32, #tpu.memory_space<vmem>>
        %parallel_loop3A_1511 = arith.index_cast %parallel_loop3A_1437 : i32 to index
        %parallel_loop3A_1512 = arith.constant 64 : index
        %parallel_loop3A_1513 = tpu.vector_load %parallel_loop3A_1510[%parallel_loop3A_1511, %parallel_loop3A_1512] {strides = array<i32>} : memref<128x128xf32, #tpu.memory_space<vmem>>, vector<16xf32>,
        %parallel_loop3A_1514 = arith.mulf %parallel_loop3A_1506, %parallel_loop3A_1513 : vector<16xf32>
        %parallel_loop3A_1515 = arith.addf %parallel_loop3A_1483, %parallel_loop3A_1514 : vector<16xf32>
        %parallel_loop3A_1516 = arith.constant 0 : i32
        %parallel_loop3A_1517 = arith.constant 0 : i32
        %parallel_loop3A_1518 = tpu.memref_slice %arg9[%scan3A_64, %parallel_loop3A_1516, %parallel_loop3A_1517] : memref<4x128x128xf32, #tpu.memory_space<vmem>> -> memref<1x128x128xf32, #tpu.memory_space<vmem>>
        %parallel_loop3A_1519 = tpu.memref_squeeze %parallel_loop3A_1518 : memref<1x128x128xf32, #tpu.memory_space<vmem>> -> memref<128x128xf32, #tpu.memory_space<vmem>>
        %parallel_loop3A_1520 = arith.index_cast %parallel_loop3A_1437 : i32 to index
        %parallel_loop3A_1521 = arith.constant 80 : index
        %parallel_loop3A_1522 = tpu.vector_load %parallel_loop3A_1519[%parallel_loop3A_1520, %parallel_loop3A_1521] {strides = array<i32>} : memref<128x128xf32, #tpu.memory_space<vmem>>, vector<16xf32>,
        %parallel_loop3A_1523 = arith.constant 0 : i32
        %parallel_loop3A_1524 = arith.constant 0 : i32
        %parallel_loop3A_1525 = tpu.memref_slice %arg10[%rem3A_65, %parallel_loop3A_1523, %parallel_loop3A_1524] : memref<2x128x128xf32, #tpu.memory_space<vmem>> -> memref<1x128x128xf32, #tpu.memory_space<vmem>>
        %parallel_loop3A_1526 = tpu.memref_squeeze %parallel_loop3A_1525 : memref<1x128x128xf32, #tpu.memory_space<vmem>> -> memref<128x128xf32, #tpu.memory_space<vmem>>
        %parallel_loop3A_1527 = arith.index_cast %parallel_loop3A_1437 : i32 to index
        %parallel_loop3A_1528 = arith.constant 80 : index
        %parallel_loop3A_1529 = tpu.vector_load %parallel_loop3A_1526[%parallel_loop3A_1527, %parallel_loop3A_1528] {strides = array<i32>} : memref<128x128xf32, #tpu.memory_space<vmem>>, vector<16xf32>,
        %parallel_loop3A_1530 = arith.mulf %parallel_loop3A_1522, %parallel_loop3A_1529 : vector<16xf32>
        %parallel_loop3A_1531 = arith.addf %parallel_loop3A_1499, %parallel_loop3A_1530 : vector<16xf32>
        %parallel_loop3A_1532 = arith.constant 0 : i32
        %parallel_loop3A_1533 = arith.constant 0 : i32
        %parallel_loop3A_1534 = tpu.memref_slice %arg9[%scan3A_64, %parallel_loop3A_1532, %parallel_loop3A_1533] : memref<4x128x128xf32, #tpu.memory_space<vmem>> -> memref<1x128x128xf32, #tpu.memory_space<vmem>>
        %parallel_loop3A_1535 = tpu.memref_squeeze %parallel_loop3A_1534 : memref<1x128x128xf32, #tpu.memory_space<vmem>> -> memref<128x128xf32, #tpu.memory_space<vmem>>
        %parallel_loop3A_1536 = arith.index_cast %parallel_loop3A_1437 : i32 to index
        %parallel_loop3A_1537 = arith.constant 96 : index
        %parallel_loop3A_1538 = tpu.vector_load %parallel_loop3A_1535[%parallel_loop3A_1536, %parallel_loop3A_1537] {strides = array<i32>} : memref<128x128xf32, #tpu.memory_space<vmem>>, vector<16xf32>,
        %parallel_loop3A_1539 = arith.constant 0 : i32
        %parallel_loop3A_1540 = arith.constant 0 : i32
        %parallel_loop3A_1541 = tpu.memref_slice %arg10[%rem3A_65, %parallel_loop3A_1539, %parallel_loop3A_1540] : memref<2x128x128xf32, #tpu.memory_space<vmem>> -> memref<1x128x128xf32, #tpu.memory_space<vmem>>
        %parallel_loop3A_1542 = tpu.memref_squeeze %parallel_loop3A_1541 : memref<1x128x128xf32, #tpu.memory_space<vmem>> -> memref<128x128xf32, #tpu.memory_space<vmem>>
        %parallel_loop3A_1543 = arith.index_cast %parallel_loop3A_1437 : i32 to index
        %parallel_loop3A_1544 = arith.constant 96 : index
        %parallel_loop3A_1545 = tpu.vector_load %parallel_loop3A_1542[%parallel_loop3A_1543, %parallel_loop3A_1544] {strides = array<i32>} : memref<128x128xf32, #tpu.memory_space<vmem>>, vector<16xf32>,
        %parallel_loop3A_1546 = arith.mulf %parallel_loop3A_1538, %parallel_loop3A_1545 : vector<16xf32>
        %parallel_loop3A_1547 = arith.addf %parallel_loop3A_1515, %parallel_loop3A_1546 : vector<16xf32>
        %parallel_loop3A_1548 = arith.constant 0 : i32
        %parallel_loop3A_1549 = arith.constant 0 : i32
        %parallel_loop3A_1550 = tpu.memref_slice %arg9[%scan3A_64, %parallel_loop3A_1548, %parallel_loop3A_1549] : memref<4x128x128xf32, #tpu.memory_space<vmem>> -> memref<1x128x128xf32, #tpu.memory_space<vmem>>
        %parallel_loop3A_1551 = tpu.memref_squeeze %parallel_loop3A_1550 : memref<1x128x128xf32, #tpu.memory_space<vmem>> -> memref<128x128xf32, #tpu.memory_space<vmem>>
        %parallel_loop3A_1552 = arith.index_cast %parallel_loop3A_1437 : i32 to index
        %parallel_loop3A_1553 = arith.constant 112 : index
        %parallel_loop3A_1554 = tpu.vector_load %parallel_loop3A_1551[%parallel_loop3A_1552, %parallel_loop3A_1553] {strides = array<i32>} : memref<128x128xf32, #tpu.memory_space<vmem>>, vector<16xf32>,
        %parallel_loop3A_1555 = arith.constant 0 : i32
        %parallel_loop3A_1556 = arith.constant 0 : i32
        %parallel_loop3A_1557 = tpu.memref_slice %arg10[%rem3A_65, %parallel_loop3A_1555, %parallel_loop3A_1556] : memref<2x128x128xf32, #tpu.memory_space<vmem>> -> memref<1x128x128xf32, #tpu.memory_space<vmem>>
        %parallel_loop3A_1558 = tpu.memref_squeeze %parallel_loop3A_1557 : memref<1x128x128xf32, #tpu.memory_space<vmem>> -> memref<128x128xf32, #tpu.memory_space<vmem>>
        %parallel_loop3A_1559 = arith.index_cast %parallel_loop3A_1437 : i32 to index
        %parallel_loop3A_1560 = arith.constant 112 : index
        %parallel_loop3A_1561 = tpu.vector_load %parallel_loop3A_1558[%parallel_loop3A_1559, %parallel_loop3A_1560] {strides = array<i32>} : memref<128x128xf32, #tpu.memory_space<vmem>>, vector<16xf32>,
        %parallel_loop3A_1562 = arith.mulf %parallel_loop3A_1554, %parallel_loop3A_1561 : vector<16xf32>
        %parallel_loop3A_1563 = arith.addf %parallel_loop3A_1531, %parallel_loop3A_1562 : vector<16xf32>
        %parallel_loop3A_1564 = arith.addf %parallel_loop3A_1547, %parallel_loop3A_1563 : vector<16xf32>
        %parallel_loop3A_1565 = arith.constant 160 : i32
        %parallel_loop3A_1566 = arith.addi %parallel_loop3A_105, %parallel_loop3A_1565 : i32
        %parallel_loop3A_1567 = arith.index_cast %parallel_loop3A_1566 : i32 to index
        %parallel_loop3A_1568 = tpu.vector_load %arg11[%parallel_loop3A_1567] {strides = array<i32>} : memref<2048xf32, #tpu.memory_space<vmem>>, vector<16xf32>,
        tpu.vector_store %arg11[%parallel_loop3A_1567], %parallel_loop3A_1564 {strides = array<i32>} : memref<2048xf32, #tpu.memory_space<vmem>>, vector<16xf32>,
        %parallel_loop3A_1569 = arith.constant 11 : i32
        %parallel_loop3A_1570 = arith.addi %parallel_loop3A_103, %parallel_loop3A_1569 : i32
        %parallel_loop3A_1571 = arith.constant 0 : i32
        %parallel_loop3A_1572 = arith.constant 0 : i32
        %parallel_loop3A_1573 = tpu.memref_slice %arg9[%scan3A_64, %parallel_loop3A_1571, %parallel_loop3A_1572] : memref<4x128x128xf32, #tpu.memory_space<vmem>> -> memref<1x128x128xf32, #tpu.memory_space<vmem>>
        %parallel_loop3A_1574 = tpu.memref_squeeze %parallel_loop3A_1573 : memref<1x128x128xf32, #tpu.memory_space<vmem>> -> memref<128x128xf32, #tpu.memory_space<vmem>>
        %parallel_loop3A_1575 = arith.index_cast %parallel_loop3A_1570 : i32 to index
        %parallel_loop3A_1576 = arith.constant 0 : index
        %parallel_loop3A_1577 = tpu.vector_load %parallel_loop3A_1574[%parallel_loop3A_1575, %parallel_loop3A_1576] {strides = array<i32>} : memref<128x128xf32, #tpu.memory_space<vmem>>, vector<16xf32>,
        %parallel_loop3A_1578 = arith.constant 0 : i32
        %parallel_loop3A_1579 = arith.constant 0 : i32
        %parallel_loop3A_1580 = tpu.memref_slice %arg10[%rem3A_65, %parallel_loop3A_1578, %parallel_loop3A_1579] : memref<2x128x128xf32, #tpu.memory_space<vmem>> -> memref<1x128x128xf32, #tpu.memory_space<vmem>>
        %parallel_loop3A_1581 = tpu.memref_squeeze %parallel_loop3A_1580 : memref<1x128x128xf32, #tpu.memory_space<vmem>> -> memref<128x128xf32, #tpu.memory_space<vmem>>
        %parallel_loop3A_1582 = arith.index_cast %parallel_loop3A_1570 : i32 to index
        %parallel_loop3A_1583 = arith.constant 0 : index
        %parallel_loop3A_1584 = tpu.vector_load %parallel_loop3A_1581[%parallel_loop3A_1582, %parallel_loop3A_1583] {strides = array<i32>} : memref<128x128xf32, #tpu.memory_space<vmem>>, vector<16xf32>,
        %parallel_loop3A_1585 = arith.mulf %parallel_loop3A_1577, %parallel_loop3A_1584 : vector<16xf32>
        %parallel_loop3A_1586 = arith.constant 0 : i32
        %parallel_loop3A_1587 = arith.constant 0 : i32
        %parallel_loop3A_1588 = tpu.memref_slice %arg9[%scan3A_64, %parallel_loop3A_1586, %parallel_loop3A_1587] : memref<4x128x128xf32, #tpu.memory_space<vmem>> -> memref<1x128x128xf32, #tpu.memory_space<vmem>>
        %parallel_loop3A_1589 = tpu.memref_squeeze %parallel_loop3A_1588 : memref<1x128x128xf32, #tpu.memory_space<vmem>> -> memref<128x128xf32, #tpu.memory_space<vmem>>
        %parallel_loop3A_1590 = arith.index_cast %parallel_loop3A_1570 : i32 to index
        %parallel_loop3A_1591 = arith.constant 16 : index
        %parallel_loop3A_1592 = tpu.vector_load %parallel_loop3A_1589[%parallel_loop3A_1590, %parallel_loop3A_1591] {strides = array<i32>} : memref<128x128xf32, #tpu.memory_space<vmem>>, vector<16xf32>,
        %parallel_loop3A_1593 = arith.constant 0 : i32
        %parallel_loop3A_1594 = arith.constant 0 : i32
        %parallel_loop3A_1595 = tpu.memref_slice %arg10[%rem3A_65, %parallel_loop3A_1593, %parallel_loop3A_1594] : memref<2x128x128xf32, #tpu.memory_space<vmem>> -> memref<1x128x128xf32, #tpu.memory_space<vmem>>
        %parallel_loop3A_1596 = tpu.memref_squeeze %parallel_loop3A_1595 : memref<1x128x128xf32, #tpu.memory_space<vmem>> -> memref<128x128xf32, #tpu.memory_space<vmem>>
        %parallel_loop3A_1597 = arith.index_cast %parallel_loop3A_1570 : i32 to index
        %parallel_loop3A_1598 = arith.constant 16 : index
        %parallel_loop3A_1599 = tpu.vector_load %parallel_loop3A_1596[%parallel_loop3A_1597, %parallel_loop3A_1598] {strides = array<i32>} : memref<128x128xf32, #tpu.memory_space<vmem>>, vector<16xf32>,
        %parallel_loop3A_1600 = arith.mulf %parallel_loop3A_1592, %parallel_loop3A_1599 : vector<16xf32>
        %parallel_loop3A_1601 = arith.constant 0 : i32
        %parallel_loop3A_1602 = arith.constant 0 : i32
        %parallel_loop3A_1603 = tpu.memref_slice %arg9[%scan3A_64, %parallel_loop3A_1601, %parallel_loop3A_1602] : memref<4x128x128xf32, #tpu.memory_space<vmem>> -> memref<1x128x128xf32, #tpu.memory_space<vmem>>
        %parallel_loop3A_1604 = tpu.memref_squeeze %parallel_loop3A_1603 : memref<1x128x128xf32, #tpu.memory_space<vmem>> -> memref<128x128xf32, #tpu.memory_space<vmem>>
        %parallel_loop3A_1605 = arith.index_cast %parallel_loop3A_1570 : i32 to index
        %parallel_loop3A_1606 = arith.constant 32 : index
        %parallel_loop3A_1607 = tpu.vector_load %parallel_loop3A_1604[%parallel_loop3A_1605, %parallel_loop3A_1606] {strides = array<i32>} : memref<128x128xf32, #tpu.memory_space<vmem>>, vector<16xf32>,
        %parallel_loop3A_1608 = arith.constant 0 : i32
        %parallel_loop3A_1609 = arith.constant 0 : i32
        %parallel_loop3A_1610 = tpu.memref_slice %arg10[%rem3A_65, %parallel_loop3A_1608, %parallel_loop3A_1609] : memref<2x128x128xf32, #tpu.memory_space<vmem>> -> memref<1x128x128xf32, #tpu.memory_space<vmem>>
        %parallel_loop3A_1611 = tpu.memref_squeeze %parallel_loop3A_1610 : memref<1x128x128xf32, #tpu.memory_space<vmem>> -> memref<128x128xf32, #tpu.memory_space<vmem>>
        %parallel_loop3A_1612 = arith.index_cast %parallel_loop3A_1570 : i32 to index
        %parallel_loop3A_1613 = arith.constant 32 : index
        %parallel_loop3A_1614 = tpu.vector_load %parallel_loop3A_1611[%parallel_loop3A_1612, %parallel_loop3A_1613] {strides = array<i32>} : memref<128x128xf32, #tpu.memory_space<vmem>>, vector<16xf32>,
        %parallel_loop3A_1615 = arith.mulf %parallel_loop3A_1607, %parallel_loop3A_1614 : vector<16xf32>
        %parallel_loop3A_1616 = arith.addf %parallel_loop3A_1585, %parallel_loop3A_1615 : vector<16xf32>
        %parallel_loop3A_1617 = arith.constant 0 : i32
        %parallel_loop3A_1618 = arith.constant 0 : i32
        %parallel_loop3A_1619 = tpu.memref_slice %arg9[%scan3A_64, %parallel_loop3A_1617, %parallel_loop3A_1618] : memref<4x128x128xf32, #tpu.memory_space<vmem>> -> memref<1x128x128xf32, #tpu.memory_space<vmem>>
        %parallel_loop3A_1620 = tpu.memref_squeeze %parallel_loop3A_1619 : memref<1x128x128xf32, #tpu.memory_space<vmem>> -> memref<128x128xf32, #tpu.memory_space<vmem>>
        %parallel_loop3A_1621 = arith.index_cast %parallel_loop3A_1570 : i32 to index
        %parallel_loop3A_1622 = arith.constant 48 : index
        %parallel_loop3A_1623 = tpu.vector_load %parallel_loop3A_1620[%parallel_loop3A_1621, %parallel_loop3A_1622] {strides = array<i32>} : memref<128x128xf32, #tpu.memory_space<vmem>>, vector<16xf32>,
        %parallel_loop3A_1624 = arith.constant 0 : i32
        %parallel_loop3A_1625 = arith.constant 0 : i32
        %parallel_loop3A_1626 = tpu.memref_slice %arg10[%rem3A_65, %parallel_loop3A_1624, %parallel_loop3A_1625] : memref<2x128x128xf32, #tpu.memory_space<vmem>> -> memref<1x128x128xf32, #tpu.memory_space<vmem>>
        %parallel_loop3A_1627 = tpu.memref_squeeze %parallel_loop3A_1626 : memref<1x128x128xf32, #tpu.memory_space<vmem>> -> memref<128x128xf32, #tpu.memory_space<vmem>>
        %parallel_loop3A_1628 = arith.index_cast %parallel_loop3A_1570 : i32 to index
        %parallel_loop3A_1629 = arith.constant 48 : index
        %parallel_loop3A_1630 = tpu.vector_load %parallel_loop3A_1627[%parallel_loop3A_1628, %parallel_loop3A_1629] {strides = array<i32>} : memref<128x128xf32, #tpu.memory_space<vmem>>, vector<16xf32>,
        %parallel_loop3A_1631 = arith.mulf %parallel_loop3A_1623, %parallel_loop3A_1630 : vector<16xf32>
        %parallel_loop3A_1632 = arith.addf %parallel_loop3A_1600, %parallel_loop3A_1631 : vector<16xf32>
        %parallel_loop3A_1633 = arith.constant 0 : i32
        %parallel_loop3A_1634 = arith.constant 0 : i32
        %parallel_loop3A_1635 = tpu.memref_slice %arg9[%scan3A_64, %parallel_loop3A_1633, %parallel_loop3A_1634] : memref<4x128x128xf32, #tpu.memory_space<vmem>> -> memref<1x128x128xf32, #tpu.memory_space<vmem>>
        %parallel_loop3A_1636 = tpu.memref_squeeze %parallel_loop3A_1635 : memref<1x128x128xf32, #tpu.memory_space<vmem>> -> memref<128x128xf32, #tpu.memory_space<vmem>>
        %parallel_loop3A_1637 = arith.index_cast %parallel_loop3A_1570 : i32 to index
        %parallel_loop3A_1638 = arith.constant 64 : index
        %parallel_loop3A_1639 = tpu.vector_load %parallel_loop3A_1636[%parallel_loop3A_1637, %parallel_loop3A_1638] {strides = array<i32>} : memref<128x128xf32, #tpu.memory_space<vmem>>, vector<16xf32>,
        %parallel_loop3A_1640 = arith.constant 0 : i32
        %parallel_loop3A_1641 = arith.constant 0 : i32
        %parallel_loop3A_1642 = tpu.memref_slice %arg10[%rem3A_65, %parallel_loop3A_1640, %parallel_loop3A_1641] : memref<2x128x128xf32, #tpu.memory_space<vmem>> -> memref<1x128x128xf32, #tpu.memory_space<vmem>>
        %parallel_loop3A_1643 = tpu.memref_squeeze %parallel_loop3A_1642 : memref<1x128x128xf32, #tpu.memory_space<vmem>> -> memref<128x128xf32, #tpu.memory_space<vmem>>
        %parallel_loop3A_1644 = arith.index_cast %parallel_loop3A_1570 : i32 to index
        %parallel_loop3A_1645 = arith.constant 64 : index
        %parallel_loop3A_1646 = tpu.vector_load %parallel_loop3A_1643[%parallel_loop3A_1644, %parallel_loop3A_1645] {strides = array<i32>} : memref<128x128xf32, #tpu.memory_space<vmem>>, vector<16xf32>,
        %parallel_loop3A_1647 = arith.mulf %parallel_loop3A_1639, %parallel_loop3A_1646 : vector<16xf32>
        %parallel_loop3A_1648 = arith.addf %parallel_loop3A_1616, %parallel_loop3A_1647 : vector<16xf32>
        %parallel_loop3A_1649 = arith.constant 0 : i32
        %parallel_loop3A_1650 = arith.constant 0 : i32
        %parallel_loop3A_1651 = tpu.memref_slice %arg9[%scan3A_64, %parallel_loop3A_1649, %parallel_loop3A_1650] : memref<4x128x128xf32, #tpu.memory_space<vmem>> -> memref<1x128x128xf32, #tpu.memory_space<vmem>>
        %parallel_loop3A_1652 = tpu.memref_squeeze %parallel_loop3A_1651 : memref<1x128x128xf32, #tpu.memory_space<vmem>> -> memref<128x128xf32, #tpu.memory_space<vmem>>
        %parallel_loop3A_1653 = arith.index_cast %parallel_loop3A_1570 : i32 to index
        %parallel_loop3A_1654 = arith.constant 80 : index
        %parallel_loop3A_1655 = tpu.vector_load %parallel_loop3A_1652[%parallel_loop3A_1653, %parallel_loop3A_1654] {strides = array<i32>} : memref<128x128xf32, #tpu.memory_space<vmem>>, vector<16xf32>,
        %parallel_loop3A_1656 = arith.constant 0 : i32
        %parallel_loop3A_1657 = arith.constant 0 : i32
        %parallel_loop3A_1658 = tpu.memref_slice %arg10[%rem3A_65, %parallel_loop3A_1656, %parallel_loop3A_1657] : memref<2x128x128xf32, #tpu.memory_space<vmem>> -> memref<1x128x128xf32, #tpu.memory_space<vmem>>
        %parallel_loop3A_1659 = tpu.memref_squeeze %parallel_loop3A_1658 : memref<1x128x128xf32, #tpu.memory_space<vmem>> -> memref<128x128xf32, #tpu.memory_space<vmem>>
        %parallel_loop3A_1660 = arith.index_cast %parallel_loop3A_1570 : i32 to index
        %parallel_loop3A_1661 = arith.constant 80 : index
        %parallel_loop3A_1662 = tpu.vector_load %parallel_loop3A_1659[%parallel_loop3A_1660, %parallel_loop3A_1661] {strides = array<i32>} : memref<128x128xf32, #tpu.memory_space<vmem>>, vector<16xf32>,
        %parallel_loop3A_1663 = arith.mulf %parallel_loop3A_1655, %parallel_loop3A_1662 : vector<16xf32>
        %parallel_loop3A_1664 = arith.addf %parallel_loop3A_1632, %parallel_loop3A_1663 : vector<16xf32>
        %parallel_loop3A_1665 = arith.constant 0 : i32
        %parallel_loop3A_1666 = arith.constant 0 : i32
        %parallel_loop3A_1667 = tpu.memref_slice %arg9[%scan3A_64, %parallel_loop3A_1665, %parallel_loop3A_1666] : memref<4x128x128xf32, #tpu.memory_space<vmem>> -> memref<1x128x128xf32, #tpu.memory_space<vmem>>
        %parallel_loop3A_1668 = tpu.memref_squeeze %parallel_loop3A_1667 : memref<1x128x128xf32, #tpu.memory_space<vmem>> -> memref<128x128xf32, #tpu.memory_space<vmem>>
        %parallel_loop3A_1669 = arith.index_cast %parallel_loop3A_1570 : i32 to index
        %parallel_loop3A_1670 = arith.constant 96 : index
        %parallel_loop3A_1671 = tpu.vector_load %parallel_loop3A_1668[%parallel_loop3A_1669, %parallel_loop3A_1670] {strides = array<i32>} : memref<128x128xf32, #tpu.memory_space<vmem>>, vector<16xf32>,
        %parallel_loop3A_1672 = arith.constant 0 : i32
        %parallel_loop3A_1673 = arith.constant 0 : i32
        %parallel_loop3A_1674 = tpu.memref_slice %arg10[%rem3A_65, %parallel_loop3A_1672, %parallel_loop3A_1673] : memref<2x128x128xf32, #tpu.memory_space<vmem>> -> memref<1x128x128xf32, #tpu.memory_space<vmem>>
        %parallel_loop3A_1675 = tpu.memref_squeeze %parallel_loop3A_1674 : memref<1x128x128xf32, #tpu.memory_space<vmem>> -> memref<128x128xf32, #tpu.memory_space<vmem>>
        %parallel_loop3A_1676 = arith.index_cast %parallel_loop3A_1570 : i32 to index
        %parallel_loop3A_1677 = arith.constant 96 : index
        %parallel_loop3A_1678 = tpu.vector_load %parallel_loop3A_1675[%parallel_loop3A_1676, %parallel_loop3A_1677] {strides = array<i32>} : memref<128x128xf32, #tpu.memory_space<vmem>>, vector<16xf32>,
        %parallel_loop3A_1679 = arith.mulf %parallel_loop3A_1671, %parallel_loop3A_1678 : vector<16xf32>
        %parallel_loop3A_1680 = arith.addf %parallel_loop3A_1648, %parallel_loop3A_1679 : vector<16xf32>
        %parallel_loop3A_1681 = arith.constant 0 : i32
        %parallel_loop3A_1682 = arith.constant 0 : i32
        %parallel_loop3A_1683 = tpu.memref_slice %arg9[%scan3A_64, %parallel_loop3A_1681, %parallel_loop3A_1682] : memref<4x128x128xf32, #tpu.memory_space<vmem>> -> memref<1x128x128xf32, #tpu.memory_space<vmem>>
        %parallel_loop3A_1684 = tpu.memref_squeeze %parallel_loop3A_1683 : memref<1x128x128xf32, #tpu.memory_space<vmem>> -> memref<128x128xf32, #tpu.memory_space<vmem>>
        %parallel_loop3A_1685 = arith.index_cast %parallel_loop3A_1570 : i32 to index
        %parallel_loop3A_1686 = arith.constant 112 : index
        %parallel_loop3A_1687 = tpu.vector_load %parallel_loop3A_1684[%parallel_loop3A_1685, %parallel_loop3A_1686] {strides = array<i32>} : memref<128x128xf32, #tpu.memory_space<vmem>>, vector<16xf32>,
        %parallel_loop3A_1688 = arith.constant 0 : i32
        %parallel_loop3A_1689 = arith.constant 0 : i32
        %parallel_loop3A_1690 = tpu.memref_slice %arg10[%rem3A_65, %parallel_loop3A_1688, %parallel_loop3A_1689] : memref<2x128x128xf32, #tpu.memory_space<vmem>> -> memref<1x128x128xf32, #tpu.memory_space<vmem>>
        %parallel_loop3A_1691 = tpu.memref_squeeze %parallel_loop3A_1690 : memref<1x128x128xf32, #tpu.memory_space<vmem>> -> memref<128x128xf32, #tpu.memory_space<vmem>>
        %parallel_loop3A_1692 = arith.index_cast %parallel_loop3A_1570 : i32 to index
        %parallel_loop3A_1693 = arith.constant 112 : index
        %parallel_loop3A_1694 = tpu.vector_load %parallel_loop3A_1691[%parallel_loop3A_1692, %parallel_loop3A_1693] {strides = array<i32>} : memref<128x128xf32, #tpu.memory_space<vmem>>, vector<16xf32>,
        %parallel_loop3A_1695 = arith.mulf %parallel_loop3A_1687, %parallel_loop3A_1694 : vector<16xf32>
        %parallel_loop3A_1696 = arith.addf %parallel_loop3A_1664, %parallel_loop3A_1695 : vector<16xf32>
        %parallel_loop3A_1697 = arith.addf %parallel_loop3A_1680, %parallel_loop3A_1696 : vector<16xf32>
        %parallel_loop3A_1698 = arith.constant 176 : i32
        %parallel_loop3A_1699 = arith.addi %parallel_loop3A_105, %parallel_loop3A_1698 : i32
        %parallel_loop3A_1700 = arith.index_cast %parallel_loop3A_1699 : i32 to index
        %parallel_loop3A_1701 = tpu.vector_load %arg11[%parallel_loop3A_1700] {strides = array<i32>} : memref<2048xf32, #tpu.memory_space<vmem>>, vector<16xf32>,
        tpu.vector_store %arg11[%parallel_loop3A_1700], %parallel_loop3A_1697 {strides = array<i32>} : memref<2048xf32, #tpu.memory_space<vmem>>, vector<16xf32>,
        %parallel_loop3A_1702 = arith.constant 12 : i32
        %parallel_loop3A_1703 = arith.addi %parallel_loop3A_103, %parallel_loop3A_1702 : i32
        %parallel_loop3A_1704 = arith.constant 0 : i32
        %parallel_loop3A_1705 = arith.constant 0 : i32
        %parallel_loop3A_1706 = tpu.memref_slice %arg9[%scan3A_64, %parallel_loop3A_1704, %parallel_loop3A_1705] : memref<4x128x128xf32, #tpu.memory_space<vmem>> -> memref<1x128x128xf32, #tpu.memory_space<vmem>>
        %parallel_loop3A_1707 = tpu.memref_squeeze %parallel_loop3A_1706 : memref<1x128x128xf32, #tpu.memory_space<vmem>> -> memref<128x128xf32, #tpu.memory_space<vmem>>
        %parallel_loop3A_1708 = arith.index_cast %parallel_loop3A_1703 : i32 to index
        %parallel_loop3A_1709 = arith.constant 0 : index
        %parallel_loop3A_1710 = tpu.vector_load %parallel_loop3A_1707[%parallel_loop3A_1708, %parallel_loop3A_1709] {strides = array<i32>} : memref<128x128xf32, #tpu.memory_space<vmem>>, vector<16xf32>,
        %parallel_loop3A_1711 = arith.constant 0 : i32
        %parallel_loop3A_1712 = arith.constant 0 : i32
        %parallel_loop3A_1713 = tpu.memref_slice %arg10[%rem3A_65, %parallel_loop3A_1711, %parallel_loop3A_1712] : memref<2x128x128xf32, #tpu.memory_space<vmem>> -> memref<1x128x128xf32, #tpu.memory_space<vmem>>
        %parallel_loop3A_1714 = tpu.memref_squeeze %parallel_loop3A_1713 : memref<1x128x128xf32, #tpu.memory_space<vmem>> -> memref<128x128xf32, #tpu.memory_space<vmem>>
        %parallel_loop3A_1715 = arith.index_cast %parallel_loop3A_1703 : i32 to index
        %parallel_loop3A_1716 = arith.constant 0 : index
        %parallel_loop3A_1717 = tpu.vector_load %parallel_loop3A_1714[%parallel_loop3A_1715, %parallel_loop3A_1716] {strides = array<i32>} : memref<128x128xf32, #tpu.memory_space<vmem>>, vector<16xf32>,
        %parallel_loop3A_1718 = arith.mulf %parallel_loop3A_1710, %parallel_loop3A_1717 : vector<16xf32>
        %parallel_loop3A_1719 = arith.constant 0 : i32
        %parallel_loop3A_1720 = arith.constant 0 : i32
        %parallel_loop3A_1721 = tpu.memref_slice %arg9[%scan3A_64, %parallel_loop3A_1719, %parallel_loop3A_1720] : memref<4x128x128xf32, #tpu.memory_space<vmem>> -> memref<1x128x128xf32, #tpu.memory_space<vmem>>
        %parallel_loop3A_1722 = tpu.memref_squeeze %parallel_loop3A_1721 : memref<1x128x128xf32, #tpu.memory_space<vmem>> -> memref<128x128xf32, #tpu.memory_space<vmem>>
        %parallel_loop3A_1723 = arith.index_cast %parallel_loop3A_1703 : i32 to index
        %parallel_loop3A_1724 = arith.constant 16 : index
        %parallel_loop3A_1725 = tpu.vector_load %parallel_loop3A_1722[%parallel_loop3A_1723, %parallel_loop3A_1724] {strides = array<i32>} : memref<128x128xf32, #tpu.memory_space<vmem>>, vector<16xf32>,
        %parallel_loop3A_1726 = arith.constant 0 : i32
        %parallel_loop3A_1727 = arith.constant 0 : i32
        %parallel_loop3A_1728 = tpu.memref_slice %arg10[%rem3A_65, %parallel_loop3A_1726, %parallel_loop3A_1727] : memref<2x128x128xf32, #tpu.memory_space<vmem>> -> memref<1x128x128xf32, #tpu.memory_space<vmem>>
        %parallel_loop3A_1729 = tpu.memref_squeeze %parallel_loop3A_1728 : memref<1x128x128xf32, #tpu.memory_space<vmem>> -> memref<128x128xf32, #tpu.memory_space<vmem>>
        %parallel_loop3A_1730 = arith.index_cast %parallel_loop3A_1703 : i32 to index
        %parallel_loop3A_1731 = arith.constant 16 : index
        %parallel_loop3A_1732 = tpu.vector_load %parallel_loop3A_1729[%parallel_loop3A_1730, %parallel_loop3A_1731] {strides = array<i32>} : memref<128x128xf32, #tpu.memory_space<vmem>>, vector<16xf32>,
        %parallel_loop3A_1733 = arith.mulf %parallel_loop3A_1725, %parallel_loop3A_1732 : vector<16xf32>
        %parallel_loop3A_1734 = arith.constant 0 : i32
        %parallel_loop3A_1735 = arith.constant 0 : i32
        %parallel_loop3A_1736 = tpu.memref_slice %arg9[%scan3A_64, %parallel_loop3A_1734, %parallel_loop3A_1735] : memref<4x128x128xf32, #tpu.memory_space<vmem>> -> memref<1x128x128xf32, #tpu.memory_space<vmem>>
        %parallel_loop3A_1737 = tpu.memref_squeeze %parallel_loop3A_1736 : memref<1x128x128xf32, #tpu.memory_space<vmem>> -> memref<128x128xf32, #tpu.memory_space<vmem>>
        %parallel_loop3A_1738 = arith.index_cast %parallel_loop3A_1703 : i32 to index
        %parallel_loop3A_1739 = arith.constant 32 : index
        %parallel_loop3A_1740 = tpu.vector_load %parallel_loop3A_1737[%parallel_loop3A_1738, %parallel_loop3A_1739] {strides = array<i32>} : memref<128x128xf32, #tpu.memory_space<vmem>>, vector<16xf32>,
        %parallel_loop3A_1741 = arith.constant 0 : i32
        %parallel_loop3A_1742 = arith.constant 0 : i32
        %parallel_loop3A_1743 = tpu.memref_slice %arg10[%rem3A_65, %parallel_loop3A_1741, %parallel_loop3A_1742] : memref<2x128x128xf32, #tpu.memory_space<vmem>> -> memref<1x128x128xf32, #tpu.memory_space<vmem>>
        %parallel_loop3A_1744 = tpu.memref_squeeze %parallel_loop3A_1743 : memref<1x128x128xf32, #tpu.memory_space<vmem>> -> memref<128x128xf32, #tpu.memory_space<vmem>>
        %parallel_loop3A_1745 = arith.index_cast %parallel_loop3A_1703 : i32 to index
        %parallel_loop3A_1746 = arith.constant 32 : index
        %parallel_loop3A_1747 = tpu.vector_load %parallel_loop3A_1744[%parallel_loop3A_1745, %parallel_loop3A_1746] {strides = array<i32>} : memref<128x128xf32, #tpu.memory_space<vmem>>, vector<16xf32>,
        %parallel_loop3A_1748 = arith.mulf %parallel_loop3A_1740, %parallel_loop3A_1747 : vector<16xf32>
        %parallel_loop3A_1749 = arith.addf %parallel_loop3A_1718, %parallel_loop3A_1748 : vector<16xf32>
        %parallel_loop3A_1750 = arith.constant 0 : i32
        %parallel_loop3A_1751 = arith.constant 0 : i32
        %parallel_loop3A_1752 = tpu.memref_slice %arg9[%scan3A_64, %parallel_loop3A_1750, %parallel_loop3A_1751] : memref<4x128x128xf32, #tpu.memory_space<vmem>> -> memref<1x128x128xf32, #tpu.memory_space<vmem>>
        %parallel_loop3A_1753 = tpu.memref_squeeze %parallel_loop3A_1752 : memref<1x128x128xf32, #tpu.memory_space<vmem>> -> memref<128x128xf32, #tpu.memory_space<vmem>>
        %parallel_loop3A_1754 = arith.index_cast %parallel_loop3A_1703 : i32 to index
        %parallel_loop3A_1755 = arith.constant 48 : index
        %parallel_loop3A_1756 = tpu.vector_load %parallel_loop3A_1753[%parallel_loop3A_1754, %parallel_loop3A_1755] {strides = array<i32>} : memref<128x128xf32, #tpu.memory_space<vmem>>, vector<16xf32>,
        %parallel_loop3A_1757 = arith.constant 0 : i32
        %parallel_loop3A_1758 = arith.constant 0 : i32
        %parallel_loop3A_1759 = tpu.memref_slice %arg10[%rem3A_65, %parallel_loop3A_1757, %parallel_loop3A_1758] : memref<2x128x128xf32, #tpu.memory_space<vmem>> -> memref<1x128x128xf32, #tpu.memory_space<vmem>>
        %parallel_loop3A_1760 = tpu.memref_squeeze %parallel_loop3A_1759 : memref<1x128x128xf32, #tpu.memory_space<vmem>> -> memref<128x128xf32, #tpu.memory_space<vmem>>
        %parallel_loop3A_1761 = arith.index_cast %parallel_loop3A_1703 : i32 to index
        %parallel_loop3A_1762 = arith.constant 48 : index
        %parallel_loop3A_1763 = tpu.vector_load %parallel_loop3A_1760[%parallel_loop3A_1761, %parallel_loop3A_1762] {strides = array<i32>} : memref<128x128xf32, #tpu.memory_space<vmem>>, vector<16xf32>,
        %parallel_loop3A_1764 = arith.mulf %parallel_loop3A_1756, %parallel_loop3A_1763 : vector<16xf32>
        %parallel_loop3A_1765 = arith.addf %parallel_loop3A_1733, %parallel_loop3A_1764 : vector<16xf32>
        %parallel_loop3A_1766 = arith.constant 0 : i32
        %parallel_loop3A_1767 = arith.constant 0 : i32
        %parallel_loop3A_1768 = tpu.memref_slice %arg9[%scan3A_64, %parallel_loop3A_1766, %parallel_loop3A_1767] : memref<4x128x128xf32, #tpu.memory_space<vmem>> -> memref<1x128x128xf32, #tpu.memory_space<vmem>>
        %parallel_loop3A_1769 = tpu.memref_squeeze %parallel_loop3A_1768 : memref<1x128x128xf32, #tpu.memory_space<vmem>> -> memref<128x128xf32, #tpu.memory_space<vmem>>
        %parallel_loop3A_1770 = arith.index_cast %parallel_loop3A_1703 : i32 to index
        %parallel_loop3A_1771 = arith.constant 64 : index
        %parallel_loop3A_1772 = tpu.vector_load %parallel_loop3A_1769[%parallel_loop3A_1770, %parallel_loop3A_1771] {strides = array<i32>} : memref<128x128xf32, #tpu.memory_space<vmem>>, vector<16xf32>,
        %parallel_loop3A_1773 = arith.constant 0 : i32
        %parallel_loop3A_1774 = arith.constant 0 : i32
        %parallel_loop3A_1775 = tpu.memref_slice %arg10[%rem3A_65, %parallel_loop3A_1773, %parallel_loop3A_1774] : memref<2x128x128xf32, #tpu.memory_space<vmem>> -> memref<1x128x128xf32, #tpu.memory_space<vmem>>
        %parallel_loop3A_1776 = tpu.memref_squeeze %parallel_loop3A_1775 : memref<1x128x128xf32, #tpu.memory_space<vmem>> -> memref<128x128xf32, #tpu.memory_space<vmem>>
        %parallel_loop3A_1777 = arith.index_cast %parallel_loop3A_1703 : i32 to index
        %parallel_loop3A_1778 = arith.constant 64 : index
        %parallel_loop3A_1779 = tpu.vector_load %parallel_loop3A_1776[%parallel_loop3A_1777, %parallel_loop3A_1778] {strides = array<i32>} : memref<128x128xf32, #tpu.memory_space<vmem>>, vector<16xf32>,
        %parallel_loop3A_1780 = arith.mulf %parallel_loop3A_1772, %parallel_loop3A_1779 : vector<16xf32>
        %parallel_loop3A_1781 = arith.addf %parallel_loop3A_1749, %parallel_loop3A_1780 : vector<16xf32>
        %parallel_loop3A_1782 = arith.constant 0 : i32
        %parallel_loop3A_1783 = arith.constant 0 : i32
        %parallel_loop3A_1784 = tpu.memref_slice %arg9[%scan3A_64, %parallel_loop3A_1782, %parallel_loop3A_1783] : memref<4x128x128xf32, #tpu.memory_space<vmem>> -> memref<1x128x128xf32, #tpu.memory_space<vmem>>
        %parallel_loop3A_1785 = tpu.memref_squeeze %parallel_loop3A_1784 : memref<1x128x128xf32, #tpu.memory_space<vmem>> -> memref<128x128xf32, #tpu.memory_space<vmem>>
        %parallel_loop3A_1786 = arith.index_cast %parallel_loop3A_1703 : i32 to index
        %parallel_loop3A_1787 = arith.constant 80 : index
        %parallel_loop3A_1788 = tpu.vector_load %parallel_loop3A_1785[%parallel_loop3A_1786, %parallel_loop3A_1787] {strides = array<i32>} : memref<128x128xf32, #tpu.memory_space<vmem>>, vector<16xf32>,
        %parallel_loop3A_1789 = arith.constant 0 : i32
        %parallel_loop3A_1790 = arith.constant 0 : i32
        %parallel_loop3A_1791 = tpu.memref_slice %arg10[%rem3A_65, %parallel_loop3A_1789, %parallel_loop3A_1790] : memref<2x128x128xf32, #tpu.memory_space<vmem>> -> memref<1x128x128xf32, #tpu.memory_space<vmem>>
        %parallel_loop3A_1792 = tpu.memref_squeeze %parallel_loop3A_1791 : memref<1x128x128xf32, #tpu.memory_space<vmem>> -> memref<128x128xf32, #tpu.memory_space<vmem>>
        %parallel_loop3A_1793 = arith.index_cast %parallel_loop3A_1703 : i32 to index
        %parallel_loop3A_1794 = arith.constant 80 : index
        %parallel_loop3A_1795 = tpu.vector_load %parallel_loop3A_1792[%parallel_loop3A_1793, %parallel_loop3A_1794] {strides = array<i32>} : memref<128x128xf32, #tpu.memory_space<vmem>>, vector<16xf32>,
        %parallel_loop3A_1796 = arith.mulf %parallel_loop3A_1788, %parallel_loop3A_1795 : vector<16xf32>
        %parallel_loop3A_1797 = arith.addf %parallel_loop3A_1765, %parallel_loop3A_1796 : vector<16xf32>
        %parallel_loop3A_1798 = arith.constant 0 : i32
        %parallel_loop3A_1799 = arith.constant 0 : i32
        %parallel_loop3A_1800 = tpu.memref_slice %arg9[%scan3A_64, %parallel_loop3A_1798, %parallel_loop3A_1799] : memref<4x128x128xf32, #tpu.memory_space<vmem>> -> memref<1x128x128xf32, #tpu.memory_space<vmem>>
        %parallel_loop3A_1801 = tpu.memref_squeeze %parallel_loop3A_1800 : memref<1x128x128xf32, #tpu.memory_space<vmem>> -> memref<128x128xf32, #tpu.memory_space<vmem>>
        %parallel_loop3A_1802 = arith.index_cast %parallel_loop3A_1703 : i32 to index
        %parallel_loop3A_1803 = arith.constant 96 : index
        %parallel_loop3A_1804 = tpu.vector_load %parallel_loop3A_1801[%parallel_loop3A_1802, %parallel_loop3A_1803] {strides = array<i32>} : memref<128x128xf32, #tpu.memory_space<vmem>>, vector<16xf32>,
        %parallel_loop3A_1805 = arith.constant 0 : i32
        %parallel_loop3A_1806 = arith.constant 0 : i32
        %parallel_loop3A_1807 = tpu.memref_slice %arg10[%rem3A_65, %parallel_loop3A_1805, %parallel_loop3A_1806] : memref<2x128x128xf32, #tpu.memory_space<vmem>> -> memref<1x128x128xf32, #tpu.memory_space<vmem>>
        %parallel_loop3A_1808 = tpu.memref_squeeze %parallel_loop3A_1807 : memref<1x128x128xf32, #tpu.memory_space<vmem>> -> memref<128x128xf32, #tpu.memory_space<vmem>>
        %parallel_loop3A_1809 = arith.index_cast %parallel_loop3A_1703 : i32 to index
        %parallel_loop3A_1810 = arith.constant 96 : index
        %parallel_loop3A_1811 = tpu.vector_load %parallel_loop3A_1808[%parallel_loop3A_1809, %parallel_loop3A_1810] {strides = array<i32>} : memref<128x128xf32, #tpu.memory_space<vmem>>, vector<16xf32>,
        %parallel_loop3A_1812 = arith.mulf %parallel_loop3A_1804, %parallel_loop3A_1811 : vector<16xf32>
        %parallel_loop3A_1813 = arith.addf %parallel_loop3A_1781, %parallel_loop3A_1812 : vector<16xf32>
        %parallel_loop3A_1814 = arith.constant 0 : i32
        %parallel_loop3A_1815 = arith.constant 0 : i32
        %parallel_loop3A_1816 = tpu.memref_slice %arg9[%scan3A_64, %parallel_loop3A_1814, %parallel_loop3A_1815] : memref<4x128x128xf32, #tpu.memory_space<vmem>> -> memref<1x128x128xf32, #tpu.memory_space<vmem>>
        %parallel_loop3A_1817 = tpu.memref_squeeze %parallel_loop3A_1816 : memref<1x128x128xf32, #tpu.memory_space<vmem>> -> memref<128x128xf32, #tpu.memory_space<vmem>>
        %parallel_loop3A_1818 = arith.index_cast %parallel_loop3A_1703 : i32 to index
        %parallel_loop3A_1819 = arith.constant 112 : index
        %parallel_loop3A_1820 = tpu.vector_load %parallel_loop3A_1817[%parallel_loop3A_1818, %parallel_loop3A_1819] {strides = array<i32>} : memref<128x128xf32, #tpu.memory_space<vmem>>, vector<16xf32>,
        %parallel_loop3A_1821 = arith.constant 0 : i32
        %parallel_loop3A_1822 = arith.constant 0 : i32
        %parallel_loop3A_1823 = tpu.memref_slice %arg10[%rem3A_65, %parallel_loop3A_1821, %parallel_loop3A_1822] : memref<2x128x128xf32, #tpu.memory_space<vmem>> -> memref<1x128x128xf32, #tpu.memory_space<vmem>>
        %parallel_loop3A_1824 = tpu.memref_squeeze %parallel_loop3A_1823 : memref<1x128x128xf32, #tpu.memory_space<vmem>> -> memref<128x128xf32, #tpu.memory_space<vmem>>
        %parallel_loop3A_1825 = arith.index_cast %parallel_loop3A_1703 : i32 to index
        %parallel_loop3A_1826 = arith.constant 112 : index
        %parallel_loop3A_1827 = tpu.vector_load %parallel_loop3A_1824[%parallel_loop3A_1825, %parallel_loop3A_1826] {strides = array<i32>} : memref<128x128xf32, #tpu.memory_space<vmem>>, vector<16xf32>,
        %parallel_loop3A_1828 = arith.mulf %parallel_loop3A_1820, %parallel_loop3A_1827 : vector<16xf32>
        %parallel_loop3A_1829 = arith.addf %parallel_loop3A_1797, %parallel_loop3A_1828 : vector<16xf32>
        %parallel_loop3A_1830 = arith.addf %parallel_loop3A_1813, %parallel_loop3A_1829 : vector<16xf32>
        %parallel_loop3A_1831 = arith.constant 192 : i32
        %parallel_loop3A_1832 = arith.addi %parallel_loop3A_105, %parallel_loop3A_1831 : i32
        %parallel_loop3A_1833 = arith.index_cast %parallel_loop3A_1832 : i32 to index
        %parallel_loop3A_1834 = tpu.vector_load %arg11[%parallel_loop3A_1833] {strides = array<i32>} : memref<2048xf32, #tpu.memory_space<vmem>>, vector<16xf32>,
        tpu.vector_store %arg11[%parallel_loop3A_1833], %parallel_loop3A_1830 {strides = array<i32>} : memref<2048xf32, #tpu.memory_space<vmem>>, vector<16xf32>,
        %parallel_loop3A_1835 = arith.constant 13 : i32
        %parallel_loop3A_1836 = arith.addi %parallel_loop3A_103, %parallel_loop3A_1835 : i32
        %parallel_loop3A_1837 = arith.constant 0 : i32
        %parallel_loop3A_1838 = arith.constant 0 : i32
        %parallel_loop3A_1839 = tpu.memref_slice %arg9[%scan3A_64, %parallel_loop3A_1837, %parallel_loop3A_1838] : memref<4x128x128xf32, #tpu.memory_space<vmem>> -> memref<1x128x128xf32, #tpu.memory_space<vmem>>
        %parallel_loop3A_1840 = tpu.memref_squeeze %parallel_loop3A_1839 : memref<1x128x128xf32, #tpu.memory_space<vmem>> -> memref<128x128xf32, #tpu.memory_space<vmem>>
        %parallel_loop3A_1841 = arith.index_cast %parallel_loop3A_1836 : i32 to index
        %parallel_loop3A_1842 = arith.constant 0 : index
        %parallel_loop3A_1843 = tpu.vector_load %parallel_loop3A_1840[%parallel_loop3A_1841, %parallel_loop3A_1842] {strides = array<i32>} : memref<128x128xf32, #tpu.memory_space<vmem>>, vector<16xf32>,
        %parallel_loop3A_1844 = arith.constant 0 : i32
        %parallel_loop3A_1845 = arith.constant 0 : i32
        %parallel_loop3A_1846 = tpu.memref_slice %arg10[%rem3A_65, %parallel_loop3A_1844, %parallel_loop3A_1845] : memref<2x128x128xf32, #tpu.memory_space<vmem>> -> memref<1x128x128xf32, #tpu.memory_space<vmem>>
        %parallel_loop3A_1847 = tpu.memref_squeeze %parallel_loop3A_1846 : memref<1x128x128xf32, #tpu.memory_space<vmem>> -> memref<128x128xf32, #tpu.memory_space<vmem>>
        %parallel_loop3A_1848 = arith.index_cast %parallel_loop3A_1836 : i32 to index
        %parallel_loop3A_1849 = arith.constant 0 : index
        %parallel_loop3A_1850 = tpu.vector_load %parallel_loop3A_1847[%parallel_loop3A_1848, %parallel_loop3A_1849] {strides = array<i32>} : memref<128x128xf32, #tpu.memory_space<vmem>>, vector<16xf32>,
        %parallel_loop3A_1851 = arith.mulf %parallel_loop3A_1843, %parallel_loop3A_1850 : vector<16xf32>
        %parallel_loop3A_1852 = arith.constant 0 : i32
        %parallel_loop3A_1853 = arith.constant 0 : i32
        %parallel_loop3A_1854 = tpu.memref_slice %arg9[%scan3A_64, %parallel_loop3A_1852, %parallel_loop3A_1853] : memref<4x128x128xf32, #tpu.memory_space<vmem>> -> memref<1x128x128xf32, #tpu.memory_space<vmem>>
        %parallel_loop3A_1855 = tpu.memref_squeeze %parallel_loop3A_1854 : memref<1x128x128xf32, #tpu.memory_space<vmem>> -> memref<128x128xf32, #tpu.memory_space<vmem>>
        %parallel_loop3A_1856 = arith.index_cast %parallel_loop3A_1836 : i32 to index
        %parallel_loop3A_1857 = arith.constant 16 : index
        %parallel_loop3A_1858 = tpu.vector_load %parallel_loop3A_1855[%parallel_loop3A_1856, %parallel_loop3A_1857] {strides = array<i32>} : memref<128x128xf32, #tpu.memory_space<vmem>>, vector<16xf32>,
        %parallel_loop3A_1859 = arith.constant 0 : i32
        %parallel_loop3A_1860 = arith.constant 0 : i32
        %parallel_loop3A_1861 = tpu.memref_slice %arg10[%rem3A_65, %parallel_loop3A_1859, %parallel_loop3A_1860] : memref<2x128x128xf32, #tpu.memory_space<vmem>> -> memref<1x128x128xf32, #tpu.memory_space<vmem>>
        %parallel_loop3A_1862 = tpu.memref_squeeze %parallel_loop3A_1861 : memref<1x128x128xf32, #tpu.memory_space<vmem>> -> memref<128x128xf32, #tpu.memory_space<vmem>>
        %parallel_loop3A_1863 = arith.index_cast %parallel_loop3A_1836 : i32 to index
        %parallel_loop3A_1864 = arith.constant 16 : index
        %parallel_loop3A_1865 = tpu.vector_load %parallel_loop3A_1862[%parallel_loop3A_1863, %parallel_loop3A_1864] {strides = array<i32>} : memref<128x128xf32, #tpu.memory_space<vmem>>, vector<16xf32>,
        %parallel_loop3A_1866 = arith.mulf %parallel_loop3A_1858, %parallel_loop3A_1865 : vector<16xf32>
        %parallel_loop3A_1867 = arith.constant 0 : i32
        %parallel_loop3A_1868 = arith.constant 0 : i32
        %parallel_loop3A_1869 = tpu.memref_slice %arg9[%scan3A_64, %parallel_loop3A_1867, %parallel_loop3A_1868] : memref<4x128x128xf32, #tpu.memory_space<vmem>> -> memref<1x128x128xf32, #tpu.memory_space<vmem>>
        %parallel_loop3A_1870 = tpu.memref_squeeze %parallel_loop3A_1869 : memref<1x128x128xf32, #tpu.memory_space<vmem>> -> memref<128x128xf32, #tpu.memory_space<vmem>>
        %parallel_loop3A_1871 = arith.index_cast %parallel_loop3A_1836 : i32 to index
        %parallel_loop3A_1872 = arith.constant 32 : index
        %parallel_loop3A_1873 = tpu.vector_load %parallel_loop3A_1870[%parallel_loop3A_1871, %parallel_loop3A_1872] {strides = array<i32>} : memref<128x128xf32, #tpu.memory_space<vmem>>, vector<16xf32>,
        %parallel_loop3A_1874 = arith.constant 0 : i32
        %parallel_loop3A_1875 = arith.constant 0 : i32
        %parallel_loop3A_1876 = tpu.memref_slice %arg10[%rem3A_65, %parallel_loop3A_1874, %parallel_loop3A_1875] : memref<2x128x128xf32, #tpu.memory_space<vmem>> -> memref<1x128x128xf32, #tpu.memory_space<vmem>>
        %parallel_loop3A_1877 = tpu.memref_squeeze %parallel_loop3A_1876 : memref<1x128x128xf32, #tpu.memory_space<vmem>> -> memref<128x128xf32, #tpu.memory_space<vmem>>
        %parallel_loop3A_1878 = arith.index_cast %parallel_loop3A_1836 : i32 to index
        %parallel_loop3A_1879 = arith.constant 32 : index
        %parallel_loop3A_1880 = tpu.vector_load %parallel_loop3A_1877[%parallel_loop3A_1878, %parallel_loop3A_1879] {strides = array<i32>} : memref<128x128xf32, #tpu.memory_space<vmem>>, vector<16xf32>,
        %parallel_loop3A_1881 = arith.mulf %parallel_loop3A_1873, %parallel_loop3A_1880 : vector<16xf32>
        %parallel_loop3A_1882 = arith.addf %parallel_loop3A_1851, %parallel_loop3A_1881 : vector<16xf32>
        %parallel_loop3A_1883 = arith.constant 0 : i32
        %parallel_loop3A_1884 = arith.constant 0 : i32
        %parallel_loop3A_1885 = tpu.memref_slice %arg9[%scan3A_64, %parallel_loop3A_1883, %parallel_loop3A_1884] : memref<4x128x128xf32, #tpu.memory_space<vmem>> -> memref<1x128x128xf32, #tpu.memory_space<vmem>>
        %parallel_loop3A_1886 = tpu.memref_squeeze %parallel_loop3A_1885 : memref<1x128x128xf32, #tpu.memory_space<vmem>> -> memref<128x128xf32, #tpu.memory_space<vmem>>
        %parallel_loop3A_1887 = arith.index_cast %parallel_loop3A_1836 : i32 to index
        %parallel_loop3A_1888 = arith.constant 48 : index
        %parallel_loop3A_1889 = tpu.vector_load %parallel_loop3A_1886[%parallel_loop3A_1887, %parallel_loop3A_1888] {strides = array<i32>} : memref<128x128xf32, #tpu.memory_space<vmem>>, vector<16xf32>,
        %parallel_loop3A_1890 = arith.constant 0 : i32
        %parallel_loop3A_1891 = arith.constant 0 : i32
        %parallel_loop3A_1892 = tpu.memref_slice %arg10[%rem3A_65, %parallel_loop3A_1890, %parallel_loop3A_1891] : memref<2x128x128xf32, #tpu.memory_space<vmem>> -> memref<1x128x128xf32, #tpu.memory_space<vmem>>
        %parallel_loop3A_1893 = tpu.memref_squeeze %parallel_loop3A_1892 : memref<1x128x128xf32, #tpu.memory_space<vmem>> -> memref<128x128xf32, #tpu.memory_space<vmem>>
        %parallel_loop3A_1894 = arith.index_cast %parallel_loop3A_1836 : i32 to index
        %parallel_loop3A_1895 = arith.constant 48 : index
        %parallel_loop3A_1896 = tpu.vector_load %parallel_loop3A_1893[%parallel_loop3A_1894, %parallel_loop3A_1895] {strides = array<i32>} : memref<128x128xf32, #tpu.memory_space<vmem>>, vector<16xf32>,
        %parallel_loop3A_1897 = arith.mulf %parallel_loop3A_1889, %parallel_loop3A_1896 : vector<16xf32>
        %parallel_loop3A_1898 = arith.addf %parallel_loop3A_1866, %parallel_loop3A_1897 : vector<16xf32>
        %parallel_loop3A_1899 = arith.constant 0 : i32
        %parallel_loop3A_1900 = arith.constant 0 : i32
        %parallel_loop3A_1901 = tpu.memref_slice %arg9[%scan3A_64, %parallel_loop3A_1899, %parallel_loop3A_1900] : memref<4x128x128xf32, #tpu.memory_space<vmem>> -> memref<1x128x128xf32, #tpu.memory_space<vmem>>
        %parallel_loop3A_1902 = tpu.memref_squeeze %parallel_loop3A_1901 : memref<1x128x128xf32, #tpu.memory_space<vmem>> -> memref<128x128xf32, #tpu.memory_space<vmem>>
        %parallel_loop3A_1903 = arith.index_cast %parallel_loop3A_1836 : i32 to index
        %parallel_loop3A_1904 = arith.constant 64 : index
        %parallel_loop3A_1905 = tpu.vector_load %parallel_loop3A_1902[%parallel_loop3A_1903, %parallel_loop3A_1904] {strides = array<i32>} : memref<128x128xf32, #tpu.memory_space<vmem>>, vector<16xf32>,
        %parallel_loop3A_1906 = arith.constant 0 : i32
        %parallel_loop3A_1907 = arith.constant 0 : i32
        %parallel_loop3A_1908 = tpu.memref_slice %arg10[%rem3A_65, %parallel_loop3A_1906, %parallel_loop3A_1907] : memref<2x128x128xf32, #tpu.memory_space<vmem>> -> memref<1x128x128xf32, #tpu.memory_space<vmem>>
        %parallel_loop3A_1909 = tpu.memref_squeeze %parallel_loop3A_1908 : memref<1x128x128xf32, #tpu.memory_space<vmem>> -> memref<128x128xf32, #tpu.memory_space<vmem>>
        %parallel_loop3A_1910 = arith.index_cast %parallel_loop3A_1836 : i32 to index
        %parallel_loop3A_1911 = arith.constant 64 : index
        %parallel_loop3A_1912 = tpu.vector_load %parallel_loop3A_1909[%parallel_loop3A_1910, %parallel_loop3A_1911] {strides = array<i32>} : memref<128x128xf32, #tpu.memory_space<vmem>>, vector<16xf32>,
        %parallel_loop3A_1913 = arith.mulf %parallel_loop3A_1905, %parallel_loop3A_1912 : vector<16xf32>
        %parallel_loop3A_1914 = arith.addf %parallel_loop3A_1882, %parallel_loop3A_1913 : vector<16xf32>
        %parallel_loop3A_1915 = arith.constant 0 : i32
        %parallel_loop3A_1916 = arith.constant 0 : i32
        %parallel_loop3A_1917 = tpu.memref_slice %arg9[%scan3A_64, %parallel_loop3A_1915, %parallel_loop3A_1916] : memref<4x128x128xf32, #tpu.memory_space<vmem>> -> memref<1x128x128xf32, #tpu.memory_space<vmem>>
        %parallel_loop3A_1918 = tpu.memref_squeeze %parallel_loop3A_1917 : memref<1x128x128xf32, #tpu.memory_space<vmem>> -> memref<128x128xf32, #tpu.memory_space<vmem>>
        %parallel_loop3A_1919 = arith.index_cast %parallel_loop3A_1836 : i32 to index
        %parallel_loop3A_1920 = arith.constant 80 : index
        %parallel_loop3A_1921 = tpu.vector_load %parallel_loop3A_1918[%parallel_loop3A_1919, %parallel_loop3A_1920] {strides = array<i32>} : memref<128x128xf32, #tpu.memory_space<vmem>>, vector<16xf32>,
        %parallel_loop3A_1922 = arith.constant 0 : i32
        %parallel_loop3A_1923 = arith.constant 0 : i32
        %parallel_loop3A_1924 = tpu.memref_slice %arg10[%rem3A_65, %parallel_loop3A_1922, %parallel_loop3A_1923] : memref<2x128x128xf32, #tpu.memory_space<vmem>> -> memref<1x128x128xf32, #tpu.memory_space<vmem>>
        %parallel_loop3A_1925 = tpu.memref_squeeze %parallel_loop3A_1924 : memref<1x128x128xf32, #tpu.memory_space<vmem>> -> memref<128x128xf32, #tpu.memory_space<vmem>>
        %parallel_loop3A_1926 = arith.index_cast %parallel_loop3A_1836 : i32 to index
        %parallel_loop3A_1927 = arith.constant 80 : index
        %parallel_loop3A_1928 = tpu.vector_load %parallel_loop3A_1925[%parallel_loop3A_1926, %parallel_loop3A_1927] {strides = array<i32>} : memref<128x128xf32, #tpu.memory_space<vmem>>, vector<16xf32>,
        %parallel_loop3A_1929 = arith.mulf %parallel_loop3A_1921, %parallel_loop3A_1928 : vector<16xf32>
        %parallel_loop3A_1930 = arith.addf %parallel_loop3A_1898, %parallel_loop3A_1929 : vector<16xf32>
        %parallel_loop3A_1931 = arith.constant 0 : i32
        %parallel_loop3A_1932 = arith.constant 0 : i32
        %parallel_loop3A_1933 = tpu.memref_slice %arg9[%scan3A_64, %parallel_loop3A_1931, %parallel_loop3A_1932] : memref<4x128x128xf32, #tpu.memory_space<vmem>> -> memref<1x128x128xf32, #tpu.memory_space<vmem>>
        %parallel_loop3A_1934 = tpu.memref_squeeze %parallel_loop3A_1933 : memref<1x128x128xf32, #tpu.memory_space<vmem>> -> memref<128x128xf32, #tpu.memory_space<vmem>>
        %parallel_loop3A_1935 = arith.index_cast %parallel_loop3A_1836 : i32 to index
        %parallel_loop3A_1936 = arith.constant 96 : index
        %parallel_loop3A_1937 = tpu.vector_load %parallel_loop3A_1934[%parallel_loop3A_1935, %parallel_loop3A_1936] {strides = array<i32>} : memref<128x128xf32, #tpu.memory_space<vmem>>, vector<16xf32>,
        %parallel_loop3A_1938 = arith.constant 0 : i32
        %parallel_loop3A_1939 = arith.constant 0 : i32
        %parallel_loop3A_1940 = tpu.memref_slice %arg10[%rem3A_65, %parallel_loop3A_1938, %parallel_loop3A_1939] : memref<2x128x128xf32, #tpu.memory_space<vmem>> -> memref<1x128x128xf32, #tpu.memory_space<vmem>>
        %parallel_loop3A_1941 = tpu.memref_squeeze %parallel_loop3A_1940 : memref<1x128x128xf32, #tpu.memory_space<vmem>> -> memref<128x128xf32, #tpu.memory_space<vmem>>
        %parallel_loop3A_1942 = arith.index_cast %parallel_loop3A_1836 : i32 to index
        %parallel_loop3A_1943 = arith.constant 96 : index
        %parallel_loop3A_1944 = tpu.vector_load %parallel_loop3A_1941[%parallel_loop3A_1942, %parallel_loop3A_1943] {strides = array<i32>} : memref<128x128xf32, #tpu.memory_space<vmem>>, vector<16xf32>,
        %parallel_loop3A_1945 = arith.mulf %parallel_loop3A_1937, %parallel_loop3A_1944 : vector<16xf32>
        %parallel_loop3A_1946 = arith.addf %parallel_loop3A_1914, %parallel_loop3A_1945 : vector<16xf32>
        %parallel_loop3A_1947 = arith.constant 0 : i32
        %parallel_loop3A_1948 = arith.constant 0 : i32
        %parallel_loop3A_1949 = tpu.memref_slice %arg9[%scan3A_64, %parallel_loop3A_1947, %parallel_loop3A_1948] : memref<4x128x128xf32, #tpu.memory_space<vmem>> -> memref<1x128x128xf32, #tpu.memory_space<vmem>>
        %parallel_loop3A_1950 = tpu.memref_squeeze %parallel_loop3A_1949 : memref<1x128x128xf32, #tpu.memory_space<vmem>> -> memref<128x128xf32, #tpu.memory_space<vmem>>
        %parallel_loop3A_1951 = arith.index_cast %parallel_loop3A_1836 : i32 to index
        %parallel_loop3A_1952 = arith.constant 112 : index
        %parallel_loop3A_1953 = tpu.vector_load %parallel_loop3A_1950[%parallel_loop3A_1951, %parallel_loop3A_1952] {strides = array<i32>} : memref<128x128xf32, #tpu.memory_space<vmem>>, vector<16xf32>,
        %parallel_loop3A_1954 = arith.constant 0 : i32
        %parallel_loop3A_1955 = arith.constant 0 : i32
        %parallel_loop3A_1956 = tpu.memref_slice %arg10[%rem3A_65, %parallel_loop3A_1954, %parallel_loop3A_1955] : memref<2x128x128xf32, #tpu.memory_space<vmem>> -> memref<1x128x128xf32, #tpu.memory_space<vmem>>
        %parallel_loop3A_1957 = tpu.memref_squeeze %parallel_loop3A_1956 : memref<1x128x128xf32, #tpu.memory_space<vmem>> -> memref<128x128xf32, #tpu.memory_space<vmem>>
        %parallel_loop3A_1958 = arith.index_cast %parallel_loop3A_1836 : i32 to index
        %parallel_loop3A_1959 = arith.constant 112 : index
        %parallel_loop3A_1960 = tpu.vector_load %parallel_loop3A_1957[%parallel_loop3A_1958, %parallel_loop3A_1959] {strides = array<i32>} : memref<128x128xf32, #tpu.memory_space<vmem>>, vector<16xf32>,
        %parallel_loop3A_1961 = arith.mulf %parallel_loop3A_1953, %parallel_loop3A_1960 : vector<16xf32>
        %parallel_loop3A_1962 = arith.addf %parallel_loop3A_1930, %parallel_loop3A_1961 : vector<16xf32>
        %parallel_loop3A_1963 = arith.addf %parallel_loop3A_1946, %parallel_loop3A_1962 : vector<16xf32>
        %parallel_loop3A_1964 = arith.constant 208 : i32
        %parallel_loop3A_1965 = arith.addi %parallel_loop3A_105, %parallel_loop3A_1964 : i32
        %parallel_loop3A_1966 = arith.index_cast %parallel_loop3A_1965 : i32 to index
        %parallel_loop3A_1967 = tpu.vector_load %arg11[%parallel_loop3A_1966] {strides = array<i32>} : memref<2048xf32, #tpu.memory_space<vmem>>, vector<16xf32>,
        tpu.vector_store %arg11[%parallel_loop3A_1966], %parallel_loop3A_1963 {strides = array<i32>} : memref<2048xf32, #tpu.memory_space<vmem>>, vector<16xf32>,
        %parallel_loop3A_1968 = arith.constant 14 : i32
        %parallel_loop3A_1969 = arith.addi %parallel_loop3A_103, %parallel_loop3A_1968 : i32
        %parallel_loop3A_1970 = arith.constant 0 : i32
        %parallel_loop3A_1971 = arith.constant 0 : i32
        %parallel_loop3A_1972 = tpu.memref_slice %arg9[%scan3A_64, %parallel_loop3A_1970, %parallel_loop3A_1971] : memref<4x128x128xf32, #tpu.memory_space<vmem>> -> memref<1x128x128xf32, #tpu.memory_space<vmem>>
        %parallel_loop3A_1973 = tpu.memref_squeeze %parallel_loop3A_1972 : memref<1x128x128xf32, #tpu.memory_space<vmem>> -> memref<128x128xf32, #tpu.memory_space<vmem>>
        %parallel_loop3A_1974 = arith.index_cast %parallel_loop3A_1969 : i32 to index
        %parallel_loop3A_1975 = arith.constant 0 : index
        %parallel_loop3A_1976 = tpu.vector_load %parallel_loop3A_1973[%parallel_loop3A_1974, %parallel_loop3A_1975] {strides = array<i32>} : memref<128x128xf32, #tpu.memory_space<vmem>>, vector<16xf32>,
        %parallel_loop3A_1977 = arith.constant 0 : i32
        %parallel_loop3A_1978 = arith.constant 0 : i32
        %parallel_loop3A_1979 = tpu.memref_slice %arg10[%rem3A_65, %parallel_loop3A_1977, %parallel_loop3A_1978] : memref<2x128x128xf32, #tpu.memory_space<vmem>> -> memref<1x128x128xf32, #tpu.memory_space<vmem>>
        %parallel_loop3A_1980 = tpu.memref_squeeze %parallel_loop3A_1979 : memref<1x128x128xf32, #tpu.memory_space<vmem>> -> memref<128x128xf32, #tpu.memory_space<vmem>>
        %parallel_loop3A_1981 = arith.index_cast %parallel_loop3A_1969 : i32 to index
        %parallel_loop3A_1982 = arith.constant 0 : index
        %parallel_loop3A_1983 = tpu.vector_load %parallel_loop3A_1980[%parallel_loop3A_1981, %parallel_loop3A_1982] {strides = array<i32>} : memref<128x128xf32, #tpu.memory_space<vmem>>, vector<16xf32>,
        %parallel_loop3A_1984 = arith.mulf %parallel_loop3A_1976, %parallel_loop3A_1983 : vector<16xf32>
        %parallel_loop3A_1985 = arith.constant 0 : i32
        %parallel_loop3A_1986 = arith.constant 0 : i32
        %parallel_loop3A_1987 = tpu.memref_slice %arg9[%scan3A_64, %parallel_loop3A_1985, %parallel_loop3A_1986] : memref<4x128x128xf32, #tpu.memory_space<vmem>> -> memref<1x128x128xf32, #tpu.memory_space<vmem>>
        %parallel_loop3A_1988 = tpu.memref_squeeze %parallel_loop3A_1987 : memref<1x128x128xf32, #tpu.memory_space<vmem>> -> memref<128x128xf32, #tpu.memory_space<vmem>>
        %parallel_loop3A_1989 = arith.index_cast %parallel_loop3A_1969 : i32 to index
        %parallel_loop3A_1990 = arith.constant 16 : index
        %parallel_loop3A_1991 = tpu.vector_load %parallel_loop3A_1988[%parallel_loop3A_1989, %parallel_loop3A_1990] {strides = array<i32>} : memref<128x128xf32, #tpu.memory_space<vmem>>, vector<16xf32>,
        %parallel_loop3A_1992 = arith.constant 0 : i32
        %parallel_loop3A_1993 = arith.constant 0 : i32
        %parallel_loop3A_1994 = tpu.memref_slice %arg10[%rem3A_65, %parallel_loop3A_1992, %parallel_loop3A_1993] : memref<2x128x128xf32, #tpu.memory_space<vmem>> -> memref<1x128x128xf32, #tpu.memory_space<vmem>>
        %parallel_loop3A_1995 = tpu.memref_squeeze %parallel_loop3A_1994 : memref<1x128x128xf32, #tpu.memory_space<vmem>> -> memref<128x128xf32, #tpu.memory_space<vmem>>
        %parallel_loop3A_1996 = arith.index_cast %parallel_loop3A_1969 : i32 to index
        %parallel_loop3A_1997 = arith.constant 16 : index
        %parallel_loop3A_1998 = tpu.vector_load %parallel_loop3A_1995[%parallel_loop3A_1996, %parallel_loop3A_1997] {strides = array<i32>} : memref<128x128xf32, #tpu.memory_space<vmem>>, vector<16xf32>,
        %parallel_loop3A_1999 = arith.mulf %parallel_loop3A_1991, %parallel_loop3A_1998 : vector<16xf32>
        %parallel_loop3A_2000 = arith.constant 0 : i32
        %parallel_loop3A_2001 = arith.constant 0 : i32
        %parallel_loop3A_2002 = tpu.memref_slice %arg9[%scan3A_64, %parallel_loop3A_2000, %parallel_loop3A_2001] : memref<4x128x128xf32, #tpu.memory_space<vmem>> -> memref<1x128x128xf32, #tpu.memory_space<vmem>>
        %parallel_loop3A_2003 = tpu.memref_squeeze %parallel_loop3A_2002 : memref<1x128x128xf32, #tpu.memory_space<vmem>> -> memref<128x128xf32, #tpu.memory_space<vmem>>
        %parallel_loop3A_2004 = arith.index_cast %parallel_loop3A_1969 : i32 to index
        %parallel_loop3A_2005 = arith.constant 32 : index
        %parallel_loop3A_2006 = tpu.vector_load %parallel_loop3A_2003[%parallel_loop3A_2004, %parallel_loop3A_2005] {strides = array<i32>} : memref<128x128xf32, #tpu.memory_space<vmem>>, vector<16xf32>,
        %parallel_loop3A_2007 = arith.constant 0 : i32
        %parallel_loop3A_2008 = arith.constant 0 : i32
        %parallel_loop3A_2009 = tpu.memref_slice %arg10[%rem3A_65, %parallel_loop3A_2007, %parallel_loop3A_2008] : memref<2x128x128xf32, #tpu.memory_space<vmem>> -> memref<1x128x128xf32, #tpu.memory_space<vmem>>
        %parallel_loop3A_2010 = tpu.memref_squeeze %parallel_loop3A_2009 : memref<1x128x128xf32, #tpu.memory_space<vmem>> -> memref<128x128xf32, #tpu.memory_space<vmem>>
        %parallel_loop3A_2011 = arith.index_cast %parallel_loop3A_1969 : i32 to index
        %parallel_loop3A_2012 = arith.constant 32 : index
        %parallel_loop3A_2013 = tpu.vector_load %parallel_loop3A_2010[%parallel_loop3A_2011, %parallel_loop3A_2012] {strides = array<i32>} : memref<128x128xf32, #tpu.memory_space<vmem>>, vector<16xf32>,
        %parallel_loop3A_2014 = arith.mulf %parallel_loop3A_2006, %parallel_loop3A_2013 : vector<16xf32>
        %parallel_loop3A_2015 = arith.addf %parallel_loop3A_1984, %parallel_loop3A_2014 : vector<16xf32>
        %parallel_loop3A_2016 = arith.constant 0 : i32
        %parallel_loop3A_2017 = arith.constant 0 : i32
        %parallel_loop3A_2018 = tpu.memref_slice %arg9[%scan3A_64, %parallel_loop3A_2016, %parallel_loop3A_2017] : memref<4x128x128xf32, #tpu.memory_space<vmem>> -> memref<1x128x128xf32, #tpu.memory_space<vmem>>
        %parallel_loop3A_2019 = tpu.memref_squeeze %parallel_loop3A_2018 : memref<1x128x128xf32, #tpu.memory_space<vmem>> -> memref<128x128xf32, #tpu.memory_space<vmem>>
        %parallel_loop3A_2020 = arith.index_cast %parallel_loop3A_1969 : i32 to index
        %parallel_loop3A_2021 = arith.constant 48 : index
        %parallel_loop3A_2022 = tpu.vector_load %parallel_loop3A_2019[%parallel_loop3A_2020, %parallel_loop3A_2021] {strides = array<i32>} : memref<128x128xf32, #tpu.memory_space<vmem>>, vector<16xf32>,
        %parallel_loop3A_2023 = arith.constant 0 : i32
        %parallel_loop3A_2024 = arith.constant 0 : i32
        %parallel_loop3A_2025 = tpu.memref_slice %arg10[%rem3A_65, %parallel_loop3A_2023, %parallel_loop3A_2024] : memref<2x128x128xf32, #tpu.memory_space<vmem>> -> memref<1x128x128xf32, #tpu.memory_space<vmem>>
        %parallel_loop3A_2026 = tpu.memref_squeeze %parallel_loop3A_2025 : memref<1x128x128xf32, #tpu.memory_space<vmem>> -> memref<128x128xf32, #tpu.memory_space<vmem>>
        %parallel_loop3A_2027 = arith.index_cast %parallel_loop3A_1969 : i32 to index
        %parallel_loop3A_2028 = arith.constant 48 : index
        %parallel_loop3A_2029 = tpu.vector_load %parallel_loop3A_2026[%parallel_loop3A_2027, %parallel_loop3A_2028] {strides = array<i32>} : memref<128x128xf32, #tpu.memory_space<vmem>>, vector<16xf32>,
        %parallel_loop3A_2030 = arith.mulf %parallel_loop3A_2022, %parallel_loop3A_2029 : vector<16xf32>
        %parallel_loop3A_2031 = arith.addf %parallel_loop3A_1999, %parallel_loop3A_2030 : vector<16xf32>
        %parallel_loop3A_2032 = arith.constant 0 : i32
        %parallel_loop3A_2033 = arith.constant 0 : i32
        %parallel_loop3A_2034 = tpu.memref_slice %arg9[%scan3A_64, %parallel_loop3A_2032, %parallel_loop3A_2033] : memref<4x128x128xf32, #tpu.memory_space<vmem>> -> memref<1x128x128xf32, #tpu.memory_space<vmem>>
        %parallel_loop3A_2035 = tpu.memref_squeeze %parallel_loop3A_2034 : memref<1x128x128xf32, #tpu.memory_space<vmem>> -> memref<128x128xf32, #tpu.memory_space<vmem>>
        %parallel_loop3A_2036 = arith.index_cast %parallel_loop3A_1969 : i32 to index
        %parallel_loop3A_2037 = arith.constant 64 : index
        %parallel_loop3A_2038 = tpu.vector_load %parallel_loop3A_2035[%parallel_loop3A_2036, %parallel_loop3A_2037] {strides = array<i32>} : memref<128x128xf32, #tpu.memory_space<vmem>>, vector<16xf32>,
        %parallel_loop3A_2039 = arith.constant 0 : i32
        %parallel_loop3A_2040 = arith.constant 0 : i32
        %parallel_loop3A_2041 = tpu.memref_slice %arg10[%rem3A_65, %parallel_loop3A_2039, %parallel_loop3A_2040] : memref<2x128x128xf32, #tpu.memory_space<vmem>> -> memref<1x128x128xf32, #tpu.memory_space<vmem>>
        %parallel_loop3A_2042 = tpu.memref_squeeze %parallel_loop3A_2041 : memref<1x128x128xf32, #tpu.memory_space<vmem>> -> memref<128x128xf32, #tpu.memory_space<vmem>>
        %parallel_loop3A_2043 = arith.index_cast %parallel_loop3A_1969 : i32 to index
        %parallel_loop3A_2044 = arith.constant 64 : index
        %parallel_loop3A_2045 = tpu.vector_load %parallel_loop3A_2042[%parallel_loop3A_2043, %parallel_loop3A_2044] {strides = array<i32>} : memref<128x128xf32, #tpu.memory_space<vmem>>, vector<16xf32>,
        %parallel_loop3A_2046 = arith.mulf %parallel_loop3A_2038, %parallel_loop3A_2045 : vector<16xf32>
        %parallel_loop3A_2047 = arith.addf %parallel_loop3A_2015, %parallel_loop3A_2046 : vector<16xf32>
        %parallel_loop3A_2048 = arith.constant 0 : i32
        %parallel_loop3A_2049 = arith.constant 0 : i32
        %parallel_loop3A_2050 = tpu.memref_slice %arg9[%scan3A_64, %parallel_loop3A_2048, %parallel_loop3A_2049] : memref<4x128x128xf32, #tpu.memory_space<vmem>> -> memref<1x128x128xf32, #tpu.memory_space<vmem>>
        %parallel_loop3A_2051 = tpu.memref_squeeze %parallel_loop3A_2050 : memref<1x128x128xf32, #tpu.memory_space<vmem>> -> memref<128x128xf32, #tpu.memory_space<vmem>>
        %parallel_loop3A_2052 = arith.index_cast %parallel_loop3A_1969 : i32 to index
        %parallel_loop3A_2053 = arith.constant 80 : index
        %parallel_loop3A_2054 = tpu.vector_load %parallel_loop3A_2051[%parallel_loop3A_2052, %parallel_loop3A_2053] {strides = array<i32>} : memref<128x128xf32, #tpu.memory_space<vmem>>, vector<16xf32>,
        %parallel_loop3A_2055 = arith.constant 0 : i32
        %parallel_loop3A_2056 = arith.constant 0 : i32
        %parallel_loop3A_2057 = tpu.memref_slice %arg10[%rem3A_65, %parallel_loop3A_2055, %parallel_loop3A_2056] : memref<2x128x128xf32, #tpu.memory_space<vmem>> -> memref<1x128x128xf32, #tpu.memory_space<vmem>>
        %parallel_loop3A_2058 = tpu.memref_squeeze %parallel_loop3A_2057 : memref<1x128x128xf32, #tpu.memory_space<vmem>> -> memref<128x128xf32, #tpu.memory_space<vmem>>
        %parallel_loop3A_2059 = arith.index_cast %parallel_loop3A_1969 : i32 to index
        %parallel_loop3A_2060 = arith.constant 80 : index
        %parallel_loop3A_2061 = tpu.vector_load %parallel_loop3A_2058[%parallel_loop3A_2059, %parallel_loop3A_2060] {strides = array<i32>} : memref<128x128xf32, #tpu.memory_space<vmem>>, vector<16xf32>,
        %parallel_loop3A_2062 = arith.mulf %parallel_loop3A_2054, %parallel_loop3A_2061 : vector<16xf32>
        %parallel_loop3A_2063 = arith.addf %parallel_loop3A_2031, %parallel_loop3A_2062 : vector<16xf32>
        %parallel_loop3A_2064 = arith.constant 0 : i32
        %parallel_loop3A_2065 = arith.constant 0 : i32
        %parallel_loop3A_2066 = tpu.memref_slice %arg9[%scan3A_64, %parallel_loop3A_2064, %parallel_loop3A_2065] : memref<4x128x128xf32, #tpu.memory_space<vmem>> -> memref<1x128x128xf32, #tpu.memory_space<vmem>>
        %parallel_loop3A_2067 = tpu.memref_squeeze %parallel_loop3A_2066 : memref<1x128x128xf32, #tpu.memory_space<vmem>> -> memref<128x128xf32, #tpu.memory_space<vmem>>
        %parallel_loop3A_2068 = arith.index_cast %parallel_loop3A_1969 : i32 to index
        %parallel_loop3A_2069 = arith.constant 96 : index
        %parallel_loop3A_2070 = tpu.vector_load %parallel_loop3A_2067[%parallel_loop3A_2068, %parallel_loop3A_2069] {strides = array<i32>} : memref<128x128xf32, #tpu.memory_space<vmem>>, vector<16xf32>,
        %parallel_loop3A_2071 = arith.constant 0 : i32
        %parallel_loop3A_2072 = arith.constant 0 : i32
        %parallel_loop3A_2073 = tpu.memref_slice %arg10[%rem3A_65, %parallel_loop3A_2071, %parallel_loop3A_2072] : memref<2x128x128xf32, #tpu.memory_space<vmem>> -> memref<1x128x128xf32, #tpu.memory_space<vmem>>
        %parallel_loop3A_2074 = tpu.memref_squeeze %parallel_loop3A_2073 : memref<1x128x128xf32, #tpu.memory_space<vmem>> -> memref<128x128xf32, #tpu.memory_space<vmem>>
        %parallel_loop3A_2075 = arith.index_cast %parallel_loop3A_1969 : i32 to index
        %parallel_loop3A_2076 = arith.constant 96 : index
        %parallel_loop3A_2077 = tpu.vector_load %parallel_loop3A_2074[%parallel_loop3A_2075, %parallel_loop3A_2076] {strides = array<i32>} : memref<128x128xf32, #tpu.memory_space<vmem>>, vector<16xf32>,
        %parallel_loop3A_2078 = arith.mulf %parallel_loop3A_2070, %parallel_loop3A_2077 : vector<16xf32>
        %parallel_loop3A_2079 = arith.addf %parallel_loop3A_2047, %parallel_loop3A_2078 : vector<16xf32>
        %parallel_loop3A_2080 = arith.constant 0 : i32
        %parallel_loop3A_2081 = arith.constant 0 : i32
        %parallel_loop3A_2082 = tpu.memref_slice %arg9[%scan3A_64, %parallel_loop3A_2080, %parallel_loop3A_2081] : memref<4x128x128xf32, #tpu.memory_space<vmem>> -> memref<1x128x128xf32, #tpu.memory_space<vmem>>
        %parallel_loop3A_2083 = tpu.memref_squeeze %parallel_loop3A_2082 : memref<1x128x128xf32, #tpu.memory_space<vmem>> -> memref<128x128xf32, #tpu.memory_space<vmem>>
        %parallel_loop3A_2084 = arith.index_cast %parallel_loop3A_1969 : i32 to index
        %parallel_loop3A_2085 = arith.constant 112 : index
        %parallel_loop3A_2086 = tpu.vector_load %parallel_loop3A_2083[%parallel_loop3A_2084, %parallel_loop3A_2085] {strides = array<i32>} : memref<128x128xf32, #tpu.memory_space<vmem>>, vector<16xf32>,
        %parallel_loop3A_2087 = arith.constant 0 : i32
        %parallel_loop3A_2088 = arith.constant 0 : i32
        %parallel_loop3A_2089 = tpu.memref_slice %arg10[%rem3A_65, %parallel_loop3A_2087, %parallel_loop3A_2088] : memref<2x128x128xf32, #tpu.memory_space<vmem>> -> memref<1x128x128xf32, #tpu.memory_space<vmem>>
        %parallel_loop3A_2090 = tpu.memref_squeeze %parallel_loop3A_2089 : memref<1x128x128xf32, #tpu.memory_space<vmem>> -> memref<128x128xf32, #tpu.memory_space<vmem>>
        %parallel_loop3A_2091 = arith.index_cast %parallel_loop3A_1969 : i32 to index
        %parallel_loop3A_2092 = arith.constant 112 : index
        %parallel_loop3A_2093 = tpu.vector_load %parallel_loop3A_2090[%parallel_loop3A_2091, %parallel_loop3A_2092] {strides = array<i32>} : memref<128x128xf32, #tpu.memory_space<vmem>>, vector<16xf32>,
        %parallel_loop3A_2094 = arith.mulf %parallel_loop3A_2086, %parallel_loop3A_2093 : vector<16xf32>
        %parallel_loop3A_2095 = arith.addf %parallel_loop3A_2063, %parallel_loop3A_2094 : vector<16xf32>
        %parallel_loop3A_2096 = arith.addf %parallel_loop3A_2079, %parallel_loop3A_2095 : vector<16xf32>
        %parallel_loop3A_2097 = arith.constant 224 : i32
        %parallel_loop3A_2098 = arith.addi %parallel_loop3A_105, %parallel_loop3A_2097 : i32
        %parallel_loop3A_2099 = arith.index_cast %parallel_loop3A_2098 : i32 to index
        %parallel_loop3A_2100 = tpu.vector_load %arg11[%parallel_loop3A_2099] {strides = array<i32>} : memref<2048xf32, #tpu.memory_space<vmem>>, vector<16xf32>,
        tpu.vector_store %arg11[%parallel_loop3A_2099], %parallel_loop3A_2096 {strides = array<i32>} : memref<2048xf32, #tpu.memory_space<vmem>>, vector<16xf32>,
        %parallel_loop3A_2101 = arith.constant 15 : i32
        %parallel_loop3A_2102 = arith.addi %parallel_loop3A_103, %parallel_loop3A_2101 : i32
        %parallel_loop3A_2103 = arith.constant 0 : i32
        %parallel_loop3A_2104 = arith.constant 0 : i32
        %parallel_loop3A_2105 = tpu.memref_slice %arg9[%scan3A_64, %parallel_loop3A_2103, %parallel_loop3A_2104] : memref<4x128x128xf32, #tpu.memory_space<vmem>> -> memref<1x128x128xf32, #tpu.memory_space<vmem>>
        %parallel_loop3A_2106 = tpu.memref_squeeze %parallel_loop3A_2105 : memref<1x128x128xf32, #tpu.memory_space<vmem>> -> memref<128x128xf32, #tpu.memory_space<vmem>>
        %parallel_loop3A_2107 = arith.index_cast %parallel_loop3A_2102 : i32 to index
        %parallel_loop3A_2108 = arith.constant 0 : index
        %parallel_loop3A_2109 = tpu.vector_load %parallel_loop3A_2106[%parallel_loop3A_2107, %parallel_loop3A_2108] {strides = array<i32>} : memref<128x128xf32, #tpu.memory_space<vmem>>, vector<16xf32>,
        %parallel_loop3A_2110 = arith.constant 0 : i32
        %parallel_loop3A_2111 = arith.constant 0 : i32
        %parallel_loop3A_2112 = tpu.memref_slice %arg10[%rem3A_65, %parallel_loop3A_2110, %parallel_loop3A_2111] : memref<2x128x128xf32, #tpu.memory_space<vmem>> -> memref<1x128x128xf32, #tpu.memory_space<vmem>>
        %parallel_loop3A_2113 = tpu.memref_squeeze %parallel_loop3A_2112 : memref<1x128x128xf32, #tpu.memory_space<vmem>> -> memref<128x128xf32, #tpu.memory_space<vmem>>
        %parallel_loop3A_2114 = arith.index_cast %parallel_loop3A_2102 : i32 to index
        %parallel_loop3A_2115 = arith.constant 0 : index
        %parallel_loop3A_2116 = tpu.vector_load %parallel_loop3A_2113[%parallel_loop3A_2114, %parallel_loop3A_2115] {strides = array<i32>} : memref<128x128xf32, #tpu.memory_space<vmem>>, vector<16xf32>,
        %parallel_loop3A_2117 = arith.mulf %parallel_loop3A_2109, %parallel_loop3A_2116 : vector<16xf32>
        %parallel_loop3A_2118 = arith.constant 0 : i32
        %parallel_loop3A_2119 = arith.constant 0 : i32
        %parallel_loop3A_2120 = tpu.memref_slice %arg9[%scan3A_64, %parallel_loop3A_2118, %parallel_loop3A_2119] : memref<4x128x128xf32, #tpu.memory_space<vmem>> -> memref<1x128x128xf32, #tpu.memory_space<vmem>>
        %parallel_loop3A_2121 = tpu.memref_squeeze %parallel_loop3A_2120 : memref<1x128x128xf32, #tpu.memory_space<vmem>> -> memref<128x128xf32, #tpu.memory_space<vmem>>
        %parallel_loop3A_2122 = arith.index_cast %parallel_loop3A_2102 : i32 to index
        %parallel_loop3A_2123 = arith.constant 16 : index
        %parallel_loop3A_2124 = tpu.vector_load %parallel_loop3A_2121[%parallel_loop3A_2122, %parallel_loop3A_2123] {strides = array<i32>} : memref<128x128xf32, #tpu.memory_space<vmem>>, vector<16xf32>,
        %parallel_loop3A_2125 = arith.constant 0 : i32
        %parallel_loop3A_2126 = arith.constant 0 : i32
        %parallel_loop3A_2127 = tpu.memref_slice %arg10[%rem3A_65, %parallel_loop3A_2125, %parallel_loop3A_2126] : memref<2x128x128xf32, #tpu.memory_space<vmem>> -> memref<1x128x128xf32, #tpu.memory_space<vmem>>
        %parallel_loop3A_2128 = tpu.memref_squeeze %parallel_loop3A_2127 : memref<1x128x128xf32, #tpu.memory_space<vmem>> -> memref<128x128xf32, #tpu.memory_space<vmem>>
        %parallel_loop3A_2129 = arith.index_cast %parallel_loop3A_2102 : i32 to index
        %parallel_loop3A_2130 = arith.constant 16 : index
        %parallel_loop3A_2131 = tpu.vector_load %parallel_loop3A_2128[%parallel_loop3A_2129, %parallel_loop3A_2130] {strides = array<i32>} : memref<128x128xf32, #tpu.memory_space<vmem>>, vector<16xf32>,
        %parallel_loop3A_2132 = arith.mulf %parallel_loop3A_2124, %parallel_loop3A_2131 : vector<16xf32>
        %parallel_loop3A_2133 = arith.constant 0 : i32
        %parallel_loop3A_2134 = arith.constant 0 : i32
        %parallel_loop3A_2135 = tpu.memref_slice %arg9[%scan3A_64, %parallel_loop3A_2133, %parallel_loop3A_2134] : memref<4x128x128xf32, #tpu.memory_space<vmem>> -> memref<1x128x128xf32, #tpu.memory_space<vmem>>
        %parallel_loop3A_2136 = tpu.memref_squeeze %parallel_loop3A_2135 : memref<1x128x128xf32, #tpu.memory_space<vmem>> -> memref<128x128xf32, #tpu.memory_space<vmem>>
        %parallel_loop3A_2137 = arith.index_cast %parallel_loop3A_2102 : i32 to index
        %parallel_loop3A_2138 = arith.constant 32 : index
        %parallel_loop3A_2139 = tpu.vector_load %parallel_loop3A_2136[%parallel_loop3A_2137, %parallel_loop3A_2138] {strides = array<i32>} : memref<128x128xf32, #tpu.memory_space<vmem>>, vector<16xf32>,
        %parallel_loop3A_2140 = arith.constant 0 : i32
        %parallel_loop3A_2141 = arith.constant 0 : i32
        %parallel_loop3A_2142 = tpu.memref_slice %arg10[%rem3A_65, %parallel_loop3A_2140, %parallel_loop3A_2141] : memref<2x128x128xf32, #tpu.memory_space<vmem>> -> memref<1x128x128xf32, #tpu.memory_space<vmem>>
        %parallel_loop3A_2143 = tpu.memref_squeeze %parallel_loop3A_2142 : memref<1x128x128xf32, #tpu.memory_space<vmem>> -> memref<128x128xf32, #tpu.memory_space<vmem>>
        %parallel_loop3A_2144 = arith.index_cast %parallel_loop3A_2102 : i32 to index
        %parallel_loop3A_2145 = arith.constant 32 : index
        %parallel_loop3A_2146 = tpu.vector_load %parallel_loop3A_2143[%parallel_loop3A_2144, %parallel_loop3A_2145] {strides = array<i32>} : memref<128x128xf32, #tpu.memory_space<vmem>>, vector<16xf32>,
        %parallel_loop3A_2147 = arith.mulf %parallel_loop3A_2139, %parallel_loop3A_2146 : vector<16xf32>
        %parallel_loop3A_2148 = arith.addf %parallel_loop3A_2117, %parallel_loop3A_2147 : vector<16xf32>
        %parallel_loop3A_2149 = arith.constant 0 : i32
        %parallel_loop3A_2150 = arith.constant 0 : i32
        %parallel_loop3A_2151 = tpu.memref_slice %arg9[%scan3A_64, %parallel_loop3A_2149, %parallel_loop3A_2150] : memref<4x128x128xf32, #tpu.memory_space<vmem>> -> memref<1x128x128xf32, #tpu.memory_space<vmem>>
        %parallel_loop3A_2152 = tpu.memref_squeeze %parallel_loop3A_2151 : memref<1x128x128xf32, #tpu.memory_space<vmem>> -> memref<128x128xf32, #tpu.memory_space<vmem>>
        %parallel_loop3A_2153 = arith.index_cast %parallel_loop3A_2102 : i32 to index
        %parallel_loop3A_2154 = arith.constant 48 : index
        %parallel_loop3A_2155 = tpu.vector_load %parallel_loop3A_2152[%parallel_loop3A_2153, %parallel_loop3A_2154] {strides = array<i32>} : memref<128x128xf32, #tpu.memory_space<vmem>>, vector<16xf32>,
        %parallel_loop3A_2156 = arith.constant 0 : i32
        %parallel_loop3A_2157 = arith.constant 0 : i32
        %parallel_loop3A_2158 = tpu.memref_slice %arg10[%rem3A_65, %parallel_loop3A_2156, %parallel_loop3A_2157] : memref<2x128x128xf32, #tpu.memory_space<vmem>> -> memref<1x128x128xf32, #tpu.memory_space<vmem>>
        %parallel_loop3A_2159 = tpu.memref_squeeze %parallel_loop3A_2158 : memref<1x128x128xf32, #tpu.memory_space<vmem>> -> memref<128x128xf32, #tpu.memory_space<vmem>>
        %parallel_loop3A_2160 = arith.index_cast %parallel_loop3A_2102 : i32 to index
        %parallel_loop3A_2161 = arith.constant 48 : index
        %parallel_loop3A_2162 = tpu.vector_load %parallel_loop3A_2159[%parallel_loop3A_2160, %parallel_loop3A_2161] {strides = array<i32>} : memref<128x128xf32, #tpu.memory_space<vmem>>, vector<16xf32>,
        %parallel_loop3A_2163 = arith.mulf %parallel_loop3A_2155, %parallel_loop3A_2162 : vector<16xf32>
        %parallel_loop3A_2164 = arith.addf %parallel_loop3A_2132, %parallel_loop3A_2163 : vector<16xf32>
        %parallel_loop3A_2165 = arith.constant 0 : i32
        %parallel_loop3A_2166 = arith.constant 0 : i32
        %parallel_loop3A_2167 = tpu.memref_slice %arg9[%scan3A_64, %parallel_loop3A_2165, %parallel_loop3A_2166] : memref<4x128x128xf32, #tpu.memory_space<vmem>> -> memref<1x128x128xf32, #tpu.memory_space<vmem>>
        %parallel_loop3A_2168 = tpu.memref_squeeze %parallel_loop3A_2167 : memref<1x128x128xf32, #tpu.memory_space<vmem>> -> memref<128x128xf32, #tpu.memory_space<vmem>>
        %parallel_loop3A_2169 = arith.index_cast %parallel_loop3A_2102 : i32 to index
        %parallel_loop3A_2170 = arith.constant 64 : index
        %parallel_loop3A_2171 = tpu.vector_load %parallel_loop3A_2168[%parallel_loop3A_2169, %parallel_loop3A_2170] {strides = array<i32>} : memref<128x128xf32, #tpu.memory_space<vmem>>, vector<16xf32>,
        %parallel_loop3A_2172 = arith.constant 0 : i32
        %parallel_loop3A_2173 = arith.constant 0 : i32
        %parallel_loop3A_2174 = tpu.memref_slice %arg10[%rem3A_65, %parallel_loop3A_2172, %parallel_loop3A_2173] : memref<2x128x128xf32, #tpu.memory_space<vmem>> -> memref<1x128x128xf32, #tpu.memory_space<vmem>>
        %parallel_loop3A_2175 = tpu.memref_squeeze %parallel_loop3A_2174 : memref<1x128x128xf32, #tpu.memory_space<vmem>> -> memref<128x128xf32, #tpu.memory_space<vmem>>
        %parallel_loop3A_2176 = arith.index_cast %parallel_loop3A_2102 : i32 to index
        %parallel_loop3A_2177 = arith.constant 64 : index
        %parallel_loop3A_2178 = tpu.vector_load %parallel_loop3A_2175[%parallel_loop3A_2176, %parallel_loop3A_2177] {strides = array<i32>} : memref<128x128xf32, #tpu.memory_space<vmem>>, vector<16xf32>,
        %parallel_loop3A_2179 = arith.mulf %parallel_loop3A_2171, %parallel_loop3A_2178 : vector<16xf32>
        %parallel_loop3A_2180 = arith.addf %parallel_loop3A_2148, %parallel_loop3A_2179 : vector<16xf32>
        %parallel_loop3A_2181 = arith.constant 0 : i32
        %parallel_loop3A_2182 = arith.constant 0 : i32
        %parallel_loop3A_2183 = tpu.memref_slice %arg9[%scan3A_64, %parallel_loop3A_2181, %parallel_loop3A_2182] : memref<4x128x128xf32, #tpu.memory_space<vmem>> -> memref<1x128x128xf32, #tpu.memory_space<vmem>>
        %parallel_loop3A_2184 = tpu.memref_squeeze %parallel_loop3A_2183 : memref<1x128x128xf32, #tpu.memory_space<vmem>> -> memref<128x128xf32, #tpu.memory_space<vmem>>
        %parallel_loop3A_2185 = arith.index_cast %parallel_loop3A_2102 : i32 to index
        %parallel_loop3A_2186 = arith.constant 80 : index
        %parallel_loop3A_2187 = tpu.vector_load %parallel_loop3A_2184[%parallel_loop3A_2185, %parallel_loop3A_2186] {strides = array<i32>} : memref<128x128xf32, #tpu.memory_space<vmem>>, vector<16xf32>,
        %parallel_loop3A_2188 = arith.constant 0 : i32
        %parallel_loop3A_2189 = arith.constant 0 : i32
        %parallel_loop3A_2190 = tpu.memref_slice %arg10[%rem3A_65, %parallel_loop3A_2188, %parallel_loop3A_2189] : memref<2x128x128xf32, #tpu.memory_space<vmem>> -> memref<1x128x128xf32, #tpu.memory_space<vmem>>
        %parallel_loop3A_2191 = tpu.memref_squeeze %parallel_loop3A_2190 : memref<1x128x128xf32, #tpu.memory_space<vmem>> -> memref<128x128xf32, #tpu.memory_space<vmem>>
        %parallel_loop3A_2192 = arith.index_cast %parallel_loop3A_2102 : i32 to index
        %parallel_loop3A_2193 = arith.constant 80 : index
        %parallel_loop3A_2194 = tpu.vector_load %parallel_loop3A_2191[%parallel_loop3A_2192, %parallel_loop3A_2193] {strides = array<i32>} : memref<128x128xf32, #tpu.memory_space<vmem>>, vector<16xf32>,
        %parallel_loop3A_2195 = arith.mulf %parallel_loop3A_2187, %parallel_loop3A_2194 : vector<16xf32>
        %parallel_loop3A_2196 = arith.addf %parallel_loop3A_2164, %parallel_loop3A_2195 : vector<16xf32>
        %parallel_loop3A_2197 = arith.constant 0 : i32
        %parallel_loop3A_2198 = arith.constant 0 : i32
        %parallel_loop3A_2199 = tpu.memref_slice %arg9[%scan3A_64, %parallel_loop3A_2197, %parallel_loop3A_2198] : memref<4x128x128xf32, #tpu.memory_space<vmem>> -> memref<1x128x128xf32, #tpu.memory_space<vmem>>
        %parallel_loop3A_2200 = tpu.memref_squeeze %parallel_loop3A_2199 : memref<1x128x128xf32, #tpu.memory_space<vmem>> -> memref<128x128xf32, #tpu.memory_space<vmem>>
        %parallel_loop3A_2201 = arith.index_cast %parallel_loop3A_2102 : i32 to index
        %parallel_loop3A_2202 = arith.constant 96 : index
        %parallel_loop3A_2203 = tpu.vector_load %parallel_loop3A_2200[%parallel_loop3A_2201, %parallel_loop3A_2202] {strides = array<i32>} : memref<128x128xf32, #tpu.memory_space<vmem>>, vector<16xf32>,
        %parallel_loop3A_2204 = arith.constant 0 : i32
        %parallel_loop3A_2205 = arith.constant 0 : i32
        %parallel_loop3A_2206 = tpu.memref_slice %arg10[%rem3A_65, %parallel_loop3A_2204, %parallel_loop3A_2205] : memref<2x128x128xf32, #tpu.memory_space<vmem>> -> memref<1x128x128xf32, #tpu.memory_space<vmem>>
        %parallel_loop3A_2207 = tpu.memref_squeeze %parallel_loop3A_2206 : memref<1x128x128xf32, #tpu.memory_space<vmem>> -> memref<128x128xf32, #tpu.memory_space<vmem>>
        %parallel_loop3A_2208 = arith.index_cast %parallel_loop3A_2102 : i32 to index
        %parallel_loop3A_2209 = arith.constant 96 : index
        %parallel_loop3A_2210 = tpu.vector_load %parallel_loop3A_2207[%parallel_loop3A_2208, %parallel_loop3A_2209] {strides = array<i32>} : memref<128x128xf32, #tpu.memory_space<vmem>>, vector<16xf32>,
        %parallel_loop3A_2211 = arith.mulf %parallel_loop3A_2203, %parallel_loop3A_2210 : vector<16xf32>
        %parallel_loop3A_2212 = arith.addf %parallel_loop3A_2180, %parallel_loop3A_2211 : vector<16xf32>
        %parallel_loop3A_2213 = arith.constant 0 : i32
        %parallel_loop3A_2214 = arith.constant 0 : i32
        %parallel_loop3A_2215 = tpu.memref_slice %arg9[%scan3A_64, %parallel_loop3A_2213, %parallel_loop3A_2214] : memref<4x128x128xf32, #tpu.memory_space<vmem>> -> memref<1x128x128xf32, #tpu.memory_space<vmem>>
        %parallel_loop3A_2216 = tpu.memref_squeeze %parallel_loop3A_2215 : memref<1x128x128xf32, #tpu.memory_space<vmem>> -> memref<128x128xf32, #tpu.memory_space<vmem>>
        %parallel_loop3A_2217 = arith.index_cast %parallel_loop3A_2102 : i32 to index
        %parallel_loop3A_2218 = arith.constant 112 : index
        %parallel_loop3A_2219 = tpu.vector_load %parallel_loop3A_2216[%parallel_loop3A_2217, %parallel_loop3A_2218] {strides = array<i32>} : memref<128x128xf32, #tpu.memory_space<vmem>>, vector<16xf32>,
        %parallel_loop3A_2220 = arith.constant 0 : i32
        %parallel_loop3A_2221 = arith.constant 0 : i32
        %parallel_loop3A_2222 = tpu.memref_slice %arg10[%rem3A_65, %parallel_loop3A_2220, %parallel_loop3A_2221] : memref<2x128x128xf32, #tpu.memory_space<vmem>> -> memref<1x128x128xf32, #tpu.memory_space<vmem>>
        %parallel_loop3A_2223 = tpu.memref_squeeze %parallel_loop3A_2222 : memref<1x128x128xf32, #tpu.memory_space<vmem>> -> memref<128x128xf32, #tpu.memory_space<vmem>>
        %parallel_loop3A_2224 = arith.index_cast %parallel_loop3A_2102 : i32 to index
        %parallel_loop3A_2225 = arith.constant 112 : index
        %parallel_loop3A_2226 = tpu.vector_load %parallel_loop3A_2223[%parallel_loop3A_2224, %parallel_loop3A_2225] {strides = array<i32>} : memref<128x128xf32, #tpu.memory_space<vmem>>, vector<16xf32>,
        %parallel_loop3A_2227 = arith.mulf %parallel_loop3A_2219, %parallel_loop3A_2226 : vector<16xf32>
        %parallel_loop3A_2228 = arith.addf %parallel_loop3A_2196, %parallel_loop3A_2227 : vector<16xf32>
        %parallel_loop3A_2229 = arith.addf %parallel_loop3A_2212, %parallel_loop3A_2228 : vector<16xf32>
        %parallel_loop3A_2230 = arith.constant 240 : i32
        %parallel_loop3A_2231 = arith.addi %parallel_loop3A_105, %parallel_loop3A_2230 : i32
        %parallel_loop3A_2232 = arith.index_cast %parallel_loop3A_2231 : i32 to index
        %parallel_loop3A_2233 = tpu.vector_load %arg11[%parallel_loop3A_2232] {strides = array<i32>} : memref<2048xf32, #tpu.memory_space<vmem>>, vector<16xf32>,
        tpu.vector_store %arg11[%parallel_loop3A_2232], %parallel_loop3A_2229 {strides = array<i32>} : memref<2048xf32, #tpu.memory_space<vmem>>, vector<16xf32>,
        %parallel_loop3A_2234 = arith.constant 16 : i32
        %parallel_loop3A_2235 = vector.broadcast %parallel_loop3A_2234 : i32 to vector<16xi32>
        %parallel_loop3A_2236 = arith.muli %iota3A, %parallel_loop3A_2235 : vector<16xi32>
        %parallel_loop3A_2237 = vector.broadcast %parallel_loop3A_105 : i32 to vector<16xi32>
        %parallel_loop3A_2238 = arith.addi %parallel_loop3A_2237, %parallel_loop3A_2236 : vector<16xi32>
        %parallel_loop3A_2239 = tpu.vector_load_idx %arg11[%parallel_loop3A_2238] : memref<2048xf32, #tpu.memory_space<vmem>>[vector<16xi32>], vector<16xf32>,
        %parallel_loop3A_2240 = arith.constant 1 : i32
        %parallel_loop3A_2241 = vector.broadcast %parallel_loop3A_2240 : i32 to vector<16xi32>
        %parallel_loop3A_2242 = arith.addi %parallel_loop3A_2238, %parallel_loop3A_2241 : vector<16xi32>
        %parallel_loop3A_2243 = tpu.vector_load_idx %arg11[%parallel_loop3A_2242] : memref<2048xf32, #tpu.memory_space<vmem>>[vector<16xi32>], vector<16xf32>,
        %parallel_loop3A_2244 = arith.constant 2 : i32
        %parallel_loop3A_2245 = vector.broadcast %parallel_loop3A_2244 : i32 to vector<16xi32>
        %parallel_loop3A_2246 = arith.addi %parallel_loop3A_2238, %parallel_loop3A_2245 : vector<16xi32>
        %parallel_loop3A_2247 = tpu.vector_load_idx %arg11[%parallel_loop3A_2246] : memref<2048xf32, #tpu.memory_space<vmem>>[vector<16xi32>], vector<16xf32>,
        %parallel_loop3A_2248 = arith.addf %parallel_loop3A_2239, %parallel_loop3A_2247 : vector<16xf32>
        %parallel_loop3A_2249 = arith.constant 2 : i32
        %parallel_loop3A_2250 = vector.broadcast %parallel_loop3A_2249 : i32 to vector<16xi32>
        %parallel_loop3A_2251 = arith.addi %parallel_loop3A_2238, %parallel_loop3A_2250 : vector<16xi32>
        %parallel_loop3A_2252 = arith.constant 1 : i32
        %parallel_loop3A_2253 = vector.broadcast %parallel_loop3A_2252 : i32 to vector<16xi32>
        %parallel_loop3A_2254 = arith.addi %parallel_loop3A_2251, %parallel_loop3A_2253 : vector<16xi32>
        %parallel_loop3A_2255 = tpu.vector_load_idx %arg11[%parallel_loop3A_2254] : memref<2048xf32, #tpu.memory_space<vmem>>[vector<16xi32>], vector<16xf32>,
        %parallel_loop3A_2256 = arith.addf %parallel_loop3A_2243, %parallel_loop3A_2255 : vector<16xf32>
        %parallel_loop3A_2257 = arith.constant 4 : i32
        %parallel_loop3A_2258 = vector.broadcast %parallel_loop3A_2257 : i32 to vector<16xi32>
        %parallel_loop3A_2259 = arith.addi %parallel_loop3A_2238, %parallel_loop3A_2258 : vector<16xi32>
        %parallel_loop3A_2260 = tpu.vector_load_idx %arg11[%parallel_loop3A_2259] : memref<2048xf32, #tpu.memory_space<vmem>>[vector<16xi32>], vector<16xf32>,
        %parallel_loop3A_2261 = arith.addf %parallel_loop3A_2248, %parallel_loop3A_2260 : vector<16xf32>
        %parallel_loop3A_2262 = arith.constant 4 : i32
        %parallel_loop3A_2263 = vector.broadcast %parallel_loop3A_2262 : i32 to vector<16xi32>
        %parallel_loop3A_2264 = arith.addi %parallel_loop3A_2238, %parallel_loop3A_2263 : vector<16xi32>
        %parallel_loop3A_2265 = arith.constant 1 : i32
        %parallel_loop3A_2266 = vector.broadcast %parallel_loop3A_2265 : i32 to vector<16xi32>
        %parallel_loop3A_2267 = arith.addi %parallel_loop3A_2264, %parallel_loop3A_2266 : vector<16xi32>
        %parallel_loop3A_2268 = tpu.vector_load_idx %arg11[%parallel_loop3A_2267] : memref<2048xf32, #tpu.memory_space<vmem>>[vector<16xi32>], vector<16xf32>,
        %parallel_loop3A_2269 = arith.addf %parallel_loop3A_2256, %parallel_loop3A_2268 : vector<16xf32>
        %parallel_loop3A_2270 = arith.constant 6 : i32
        %parallel_loop3A_2271 = vector.broadcast %parallel_loop3A_2270 : i32 to vector<16xi32>
        %parallel_loop3A_2272 = arith.addi %parallel_loop3A_2238, %parallel_loop3A_2271 : vector<16xi32>
        %parallel_loop3A_2273 = tpu.vector_load_idx %arg11[%parallel_loop3A_2272] : memref<2048xf32, #tpu.memory_space<vmem>>[vector<16xi32>], vector<16xf32>,
        %parallel_loop3A_2274 = arith.addf %parallel_loop3A_2261, %parallel_loop3A_2273 : vector<16xf32>
        %parallel_loop3A_2275 = arith.constant 6 : i32
        %parallel_loop3A_2276 = vector.broadcast %parallel_loop3A_2275 : i32 to vector<16xi32>
        %parallel_loop3A_2277 = arith.addi %parallel_loop3A_2238, %parallel_loop3A_2276 : vector<16xi32>
        %parallel_loop3A_2278 = arith.constant 1 : i32
        %parallel_loop3A_2279 = vector.broadcast %parallel_loop3A_2278 : i32 to vector<16xi32>
        %parallel_loop3A_2280 = arith.addi %parallel_loop3A_2277, %parallel_loop3A_2279 : vector<16xi32>
        %parallel_loop3A_2281 = tpu.vector_load_idx %arg11[%parallel_loop3A_2280] : memref<2048xf32, #tpu.memory_space<vmem>>[vector<16xi32>], vector<16xf32>,
        %parallel_loop3A_2282 = arith.addf %parallel_loop3A_2269, %parallel_loop3A_2281 : vector<16xf32>
        %parallel_loop3A_2283 = arith.constant 8 : i32
        %parallel_loop3A_2284 = vector.broadcast %parallel_loop3A_2283 : i32 to vector<16xi32>
        %parallel_loop3A_2285 = arith.addi %parallel_loop3A_2238, %parallel_loop3A_2284 : vector<16xi32>
        %parallel_loop3A_2286 = tpu.vector_load_idx %arg11[%parallel_loop3A_2285] : memref<2048xf32, #tpu.memory_space<vmem>>[vector<16xi32>], vector<16xf32>,
        %parallel_loop3A_2287 = arith.addf %parallel_loop3A_2274, %parallel_loop3A_2286 : vector<16xf32>
        %parallel_loop3A_2288 = arith.constant 8 : i32
        %parallel_loop3A_2289 = vector.broadcast %parallel_loop3A_2288 : i32 to vector<16xi32>
        %parallel_loop3A_2290 = arith.addi %parallel_loop3A_2238, %parallel_loop3A_2289 : vector<16xi32>
        %parallel_loop3A_2291 = arith.constant 1 : i32
        %parallel_loop3A_2292 = vector.broadcast %parallel_loop3A_2291 : i32 to vector<16xi32>
        %parallel_loop3A_2293 = arith.addi %parallel_loop3A_2290, %parallel_loop3A_2292 : vector<16xi32>
        %parallel_loop3A_2294 = tpu.vector_load_idx %arg11[%parallel_loop3A_2293] : memref<2048xf32, #tpu.memory_space<vmem>>[vector<16xi32>], vector<16xf32>,
        %parallel_loop3A_2295 = arith.addf %parallel_loop3A_2282, %parallel_loop3A_2294 : vector<16xf32>
        %parallel_loop3A_2296 = arith.constant 10 : i32
        %parallel_loop3A_2297 = vector.broadcast %parallel_loop3A_2296 : i32 to vector<16xi32>
        %parallel_loop3A_2298 = arith.addi %parallel_loop3A_2238, %parallel_loop3A_2297 : vector<16xi32>
        %parallel_loop3A_2299 = tpu.vector_load_idx %arg11[%parallel_loop3A_2298] : memref<2048xf32, #tpu.memory_space<vmem>>[vector<16xi32>], vector<16xf32>,
        %parallel_loop3A_2300 = arith.addf %parallel_loop3A_2287, %parallel_loop3A_2299 : vector<16xf32>
        %parallel_loop3A_2301 = arith.constant 10 : i32
        %parallel_loop3A_2302 = vector.broadcast %parallel_loop3A_2301 : i32 to vector<16xi32>
        %parallel_loop3A_2303 = arith.addi %parallel_loop3A_2238, %parallel_loop3A_2302 : vector<16xi32>
        %parallel_loop3A_2304 = arith.constant 1 : i32
        %parallel_loop3A_2305 = vector.broadcast %parallel_loop3A_2304 : i32 to vector<16xi32>
        %parallel_loop3A_2306 = arith.addi %parallel_loop3A_2303, %parallel_loop3A_2305 : vector<16xi32>
        %parallel_loop3A_2307 = tpu.vector_load_idx %arg11[%parallel_loop3A_2306] : memref<2048xf32, #tpu.memory_space<vmem>>[vector<16xi32>], vector<16xf32>,
        %parallel_loop3A_2308 = arith.addf %parallel_loop3A_2295, %parallel_loop3A_2307 : vector<16xf32>
        %parallel_loop3A_2309 = arith.constant 12 : i32
        %parallel_loop3A_2310 = vector.broadcast %parallel_loop3A_2309 : i32 to vector<16xi32>
        %parallel_loop3A_2311 = arith.addi %parallel_loop3A_2238, %parallel_loop3A_2310 : vector<16xi32>
        %parallel_loop3A_2312 = tpu.vector_load_idx %arg11[%parallel_loop3A_2311] : memref<2048xf32, #tpu.memory_space<vmem>>[vector<16xi32>], vector<16xf32>,
        %parallel_loop3A_2313 = arith.addf %parallel_loop3A_2300, %parallel_loop3A_2312 : vector<16xf32>
        %parallel_loop3A_2314 = arith.constant 12 : i32
        %parallel_loop3A_2315 = vector.broadcast %parallel_loop3A_2314 : i32 to vector<16xi32>
        %parallel_loop3A_2316 = arith.addi %parallel_loop3A_2238, %parallel_loop3A_2315 : vector<16xi32>
        %parallel_loop3A_2317 = arith.constant 1 : i32
        %parallel_loop3A_2318 = vector.broadcast %parallel_loop3A_2317 : i32 to vector<16xi32>
        %parallel_loop3A_2319 = arith.addi %parallel_loop3A_2316, %parallel_loop3A_2318 : vector<16xi32>
        %parallel_loop3A_2320 = tpu.vector_load_idx %arg11[%parallel_loop3A_2319] : memref<2048xf32, #tpu.memory_space<vmem>>[vector<16xi32>], vector<16xf32>,
        %parallel_loop3A_2321 = arith.addf %parallel_loop3A_2308, %parallel_loop3A_2320 : vector<16xf32>
        %parallel_loop3A_2322 = arith.constant 14 : i32
        %parallel_loop3A_2323 = vector.broadcast %parallel_loop3A_2322 : i32 to vector<16xi32>
        %parallel_loop3A_2324 = arith.addi %parallel_loop3A_2238, %parallel_loop3A_2323 : vector<16xi32>
        %parallel_loop3A_2325 = tpu.vector_load_idx %arg11[%parallel_loop3A_2324] : memref<2048xf32, #tpu.memory_space<vmem>>[vector<16xi32>], vector<16xf32>,
        %parallel_loop3A_2326 = arith.addf %parallel_loop3A_2313, %parallel_loop3A_2325 : vector<16xf32>
        %parallel_loop3A_2327 = arith.constant 14 : i32
        %parallel_loop3A_2328 = vector.broadcast %parallel_loop3A_2327 : i32 to vector<16xi32>
        %parallel_loop3A_2329 = arith.addi %parallel_loop3A_2238, %parallel_loop3A_2328 : vector<16xi32>
        %parallel_loop3A_2330 = arith.constant 1 : i32
        %parallel_loop3A_2331 = vector.broadcast %parallel_loop3A_2330 : i32 to vector<16xi32>
        %parallel_loop3A_2332 = arith.addi %parallel_loop3A_2329, %parallel_loop3A_2331 : vector<16xi32>
        %parallel_loop3A_2333 = tpu.vector_load_idx %arg11[%parallel_loop3A_2332] : memref<2048xf32, #tpu.memory_space<vmem>>[vector<16xi32>], vector<16xf32>,
        %parallel_loop3A_2334 = arith.addf %parallel_loop3A_2321, %parallel_loop3A_2333 : vector<16xf32>
        %parallel_loop3A_2335 = arith.addf %parallel_loop3A_2326, %parallel_loop3A_2334 : vector<16xf32>
        %parallel_loop3A_2336 = arith.constant 128 : i32
        %parallel_loop3A_2337 = arith.muli %scan3A_64, %parallel_loop3A_2336 : i32
        %parallel_loop3A_2338 = arith.addi %parallel_loop3A_2337, %parallel_loop3A_103 : i32
        %parallel_loop3A_2339 = arith.index_cast %parallel_loop3A_2338 : i32 to index
        %parallel_loop3A_2340 = tpu.vector_load %arg12[%parallel_loop3A_2339] {strides = array<i32>} : memref<512xf32, #tpu.memory_space<vmem>>, vector<16xf32>,
        tpu.vector_store %arg12[%parallel_loop3A_2339], %parallel_loop3A_2335 {strides = array<i32>} : memref<512xf32, #tpu.memory_space<vmem>>, vector<16xf32>,
      } {sc.loop_unroll_factor = 1 : i64, sc.parallel_access}
    }
    %scan3A_63 = arith.constant 4 : i32
    "tpu.region"() ({
      %run_scoped3A = tpu.sem_alloc : memref<!tpu.dma_semaphore, #tpu.memory_space<semaphore_mem>>
      %dma_start3A_64 = tpu.memref_slice %arg6[%mul3A_2] : memref<16384xf32, #tpu.memory_space<hbm>> -> memref<512xf32, #tpu.memory_space<hbm>>
      %dma_start3A_65 = tpu.memref_slice %arg6[%mul3A_2] : memref<16384xf32, #tpu.memory_space<hbm>> -> memref<512xf32, #tpu.memory_space<hbm>>
      tpu.enqueue_dma source(%arg12 : memref<512xf32, #tpu.memory_space<vmem>>) target(%dma_start3A_65 : memref<512xf32, #tpu.memory_space<hbm>>) target_semaphore(%run_scoped3A : memref<!tpu.dma_semaphore, #tpu.memory_space<semaphore_mem>>)
      %dma_wait3A_66 = tpu.memref_slice %arg6[%mul3A_2] : memref<16384xf32, #tpu.memory_space<hbm>> -> memref<512xf32, #tpu.memory_space<hbm>>
      %dma_wait3A_67 = tpu.memref_slice %arg6[%mul3A_2] : memref<16384xf32, #tpu.memory_space<hbm>> -> memref<512xf32, #tpu.memory_space<hbm>>
      tpu.wait_dma2 semaphore(%run_scoped3A : memref<!tpu.dma_semaphore, #tpu.memory_space<semaphore_mem>>) src(%arg12 : memref<512xf32, #tpu.memory_space<vmem>>) dst(%dma_wait3A_67 : memref<512xf32, #tpu.memory_space<hbm>>)
      tpu.yield
    }) : () -> ()
    return
  }
}

</mosaic_0001>

<sc_bundles>
// kernel: kernel.3.cloned.1.call-start
scs
__scs_entry_jumppad:
0x0: {  	(pc) =	sbr.rel $0x88, $3  }
0x1: {  	(tag) =	ssettag $0x0;
	lr =	simm.s32 $0x1  }
0x2: {  	[smem:$0x3F9D] =	sst lr;
	_ =	strace $0xD0000000  }
0x3: {  	_ = 	snop  }
0x4: {  	_ = 	snop  }
0x5: {  	_ = 	snop  }
0x6: {  	_ = 	snop  }
0x7: {  	_ = 	snop  }
__scs_overlays_trampoline_lowered:
0x8: {  	[smem:$0x3FAC] =	sst s0  }
0x9: {  	[smem:$0x3FAD] =	sst s1  }
0xa: {  	[smem:$0x3FAE] =	sst s2  }
0xb: {  	[smem:$0x3FAF] =	sst s3  }
0xc: {  	[smem:$0x3FB0] =	sst s4  }
0xd: {  	[smem:$0x3FB1] =	sst s5  }
0xe: {  	[smem:$0x3FB2] =	sst s6  }
0xf: {  	[smem:$0x3FB3] =	sst s7  }
0x10: {  	[smem:$0x3FB4] =	sst s8  }
0x11: {  	[smem:$0x3FB5] =	sst s9;
	s0 =	simm.s32 @!p0 $0x0  }
0x12: {  	s1 =	sld [smem:$0x3F9B];
	s0 =	simm.s32 @p0 $0x1  }
0x13: {  	[smem:$0x3FB6] =	sst s0;
	s0 =	simm.s32 @!p1 $0x0  }
0x14: {  	s2 =	sld [smem:$0x3F9A];
	s0 =	simm.s32 @p1 $0x1  }
0x15: {  	[smem:$0x3FB7] =	sst s0;
	s0 =	simm.s32 @!p2 $0x0  }
0x16: {  	s3 =	sld [smem:$0x3FDB];
	s0 =	simm.s32 @p2 $0x1  }
0x17: {  	s4 =	simm.s32 $0x1BF5;
	[smem:$0x3FB9] =	sst s0  }
0x18: {  	s0 =	sld [smem:$0x3F9C];
	_ =	swait.ge [sflag:s4], $0x0  }
0x19: {  	s7 =	sld [smem:$0x3F9D]  }
0x1a: {  	s8 =	sadd.s32 $0xFFFFE003, lr  }
0x1b: {  	s9 =	sadd.s32 $0xFFFFFEF7, lr;
	s5 =	simm.s32 $0xFFFFFFFF;
	p2 =	slt.u32 s8, $0xFFFFF086  }
0x1c: {  	p1 =	slt.u32 s9, $0xF7A;
	s5 =	simm.s32 @!p2 $0x0  }
0x1d: {  	s5 =	simm.s32 @p1 $0x1;
	p0 =	seq.s32 s7, s2  }
0x1e: {  	s7 =	smul.u32 @!p0 $0xF7A, s2;
	p2 =	seq.s32 @!p0 s5, $0x0  }
0x1f: {  	s9 =	smul.u32 $0xF7A, s1;
	s8 =	simm.s32 @!p0 $0x1BF5;
	p2 =	por !p2, p0  }
0x20: {  	[sflag:s8] =	ssyncset.s32 @!p0 $0xFFFFF086;
	s6 =	sadd.s32 @!p0 s3, s7;
	s7 =	simm.s32 @!p0 $0x108  }
0x21: {  	s3 =	sadd.s32 s3, s9;
	s6 =	sadd.s32 @!p0 $0x88, s6;
	s7 =	simm.s32 @p2 $0x1082  }
0x22: {  	[simem:s7], [sflag:s8] =	dma.local @!p0 [hbm:s6], $0xF7A  }
0x23: {  	s9 =	sor.u32 $0xD0000000, s2;
	s6 =	simm.s32 $0x108;
	_ =	swait.ge @!p0 [sflag:s8], $0x0  }
0x24: {  	s3 =	sadd.s32 $0x88, s3;
	s6 =	simm.s32 @!p1 $0x1082;
	[sflag:s4] =	ssyncset.s32 $0xFFFFF086  }
0x25: {  	[simem:s6], [sflag:s4] =	dma.local [hbm:s3], $0xF7A  }
0x26: {  	[smem:$0x3F9D] =	sst s1;
	(tag) =	ssettag s2;
	_ =	strace s9  }
0x27: {  	s1 =	sld [smem:$0x3FAD]  }
0x28: {  	s2 =	sld [smem:$0x3FAE]  }
0x29: {  	s4 =	sld [smem:$0x3FB0]  }
0x2a: {  	p0 =	seq.s32 s5, $0x0;
	s5 =	sld [smem:$0x3FB1]  }
0x2b: {  	s6 =	sld [smem:$0x3FB2]  }
0x2c: {  	s7 =	sld [smem:$0x3FB3]  }
0x2d: {  	s3 =	simm.s32 $0x108;
	s8 =	sld [smem:$0x3FB4]  }
0x2e: {  	s3 =	simm.s32 @!p0 $0x1082;
	s9 =	sld [smem:$0x3FB5]  }
0x2f: {  	lr =	sadd.s32 s0, s3;
	s0 =	sld [smem:$0x3FAC]  }
0x30: {  	s3 =	sld [smem:$0x3FAF]  }
0x31: {  	[smem:$0x3FB8] =	sst s10  }
0x32: {  	s10 =	sld [smem:$0x3FB6];
	_ =	sdelay $0x3  }
0x33: {  	p0 =	seq.s32 s10, $0x1;
	s10 =	sld [smem:$0x3FB8];
	_ =	sdelay $0x3  }
0x34: {  	[smem:$0x3FB8] =	sst s10  }
0x35: {  	s10 =	sld [smem:$0x3FB7];
	_ =	sdelay $0x3  }
0x36: {  	p1 =	seq.s32 s10, $0x1;
	s10 =	sld [smem:$0x3FB8];
	_ =	sdelay $0x3  }
0x37: {  	[smem:$0x3FB8] =	sst s10  }
0x38: {  	s10 =	sld [smem:$0x3FB9]  }
0x39: {  	_ = 	snop;
	(pc) =	sbr.ind lr, $3  }
0x3a: {  	_ = 	snop  }
0x3b: {  	_ = 	snop  }
0x3c: {  	p2 =	seq.s32 s10, $0x1;
	s10 =	sld [smem:$0x3FB8]  }
0x3d: {  	_ =	shalt  }
0x3e: {  	_ =	shalt  }
0x3f: {  	_ =	shalt  }
0x40: {  	_ =	shalt  }
0x41: {  	_ =	shalt  }
0x42: {  	_ =	shalt  }
0x43: {  	_ =	shalt  }
0x44: {  	_ =	shalt  }
0x45: {  	_ =	shalt  }
0x46: {  	_ =	shalt  }
0x47: {  	_ =	shalt  }
0x48: {  	_ =	shalt  }
0x49: {  	_ =	shalt  }
0x4a: {  	_ =	shalt  }
0x4b: {  	_ =	shalt  }
0x4c: {  	_ =	shalt  }
0x4d: {  	_ =	shalt  }
0x4e: {  	_ =	shalt  }
0x4f: {  	_ =	shalt  }
0x50: {  	_ =	shalt  }
0x51: {  	_ =	shalt  }
0x52: {  	_ =	shalt  }
0x53: {  	_ =	shalt  }
0x54: {  	_ =	shalt  }
0x55: {  	_ =	shalt  }
0x56: {  	_ =	shalt  }
0x57: {  	_ =	shalt  }
0x58: {  	_ =	shalt  }
0x59: {  	_ =	shalt  }
0x5a: {  	_ =	shalt  }
0x5b: {  	_ =	shalt  }
0x5c: {  	_ =	shalt  }
0x5d: {  	_ =	shalt  }
0x5e: {  	_ =	shalt  }
0x5f: {  	_ =	shalt  }
0x60: {  	_ =	shalt  }
0x61: {  	_ =	shalt  }
0x62: {  	_ =	shalt  }
0x63: {  	_ =	shalt  }
0x64: {  	_ =	shalt  }
0x65: {  	_ =	shalt  }
0x66: {  	_ =	shalt  }
0x67: {  	_ =	shalt  }
0x68: {  	_ =	shalt  }
0x69: {  	_ =	shalt  }
0x6a: {  	_ =	shalt  }
0x6b: {  	_ =	shalt  }
0x6c: {  	_ =	shalt  }
0x6d: {  	_ =	shalt  }
0x6e: {  	_ =	shalt  }
0x6f: {  	_ =	shalt  }
0x70: {  	_ =	shalt  }
0x71: {  	_ =	shalt  }
0x72: {  	_ =	shalt  }
0x73: {  	_ =	shalt  }
0x74: {  	_ =	shalt  }
0x75: {  	_ =	shalt  }
0x76: {  	_ =	shalt  }
0x77: {  	_ =	shalt  }
0x78: {  	_ =	shalt  }
0x79: {  	_ =	shalt  }
0x7a: {  	_ =	shalt  }
0x7b: {  	_ =	shalt  }
0x7c: {  	_ =	shalt  }
0x7d: {  	_ =	shalt  }
0x7e: {  	_ =	shalt  }
0x7f: {  	_ =	shalt  }
0x80: {  	_ =	shalt  }
0x81: {  	_ =	shalt  }
0x82: {  	_ =	shalt  }
0x83: {  	_ =	shalt  }
0x84: {  	_ =	shalt  }
0x85: {  	_ =	shalt  }
0x86: {  	_ =	shalt  }
0x87: {  	_ =	shalt  }
.Lfunc_end0:
.L_simem_size_0:
called_computation_lowered:
.L_overlay_start_0:
0x88: {  	s2 =	sld [smem:$0x3FD9]  }
0x89: {  	s3 =	sld [smem:$0x3FFE];
	_ =	sdelay $0x1  }
0x8a: {  	s1 =	srdreg.scid  }
0x8b: {  	s0 =	sand.u32 $0x1, s1  }
0x8c: {  	s18 =	sshll.u32 s0, $0xA;
	s2 =	sadd.s32 s3, s2  }
0x8d: {  	s2 =	sadd.s32 s2, s18  }
0x8e: {  	[smem:$0x3FC4] =	sst s2  }
0x8f: {  	_ = 	snop  }
0x90: {  	s2 =	sld [smem:$0x3FC9]  }
0x91: {  	s19 =	sld [smem:$0x3FC8]  }
0x92: {  	s4 =	sld [smem:$0x3FC7]  }
0x93: {  	s5 =	sld [smem:$0x3FC6]  }
0x94: {  	s6 =	sld [smem:$0x3FD0];
	(tm) =	ssettm $0x1  }
0x95: {  	s7 =	sld [smem:$0x3FFB];
	_ =	sdelay $0x3  }
0x96: {  	_ =	strace s7  }
0x97: {  	s7 =	sld [smem:$0x3FFC];
	_ =	sdelay $0x3  }
0x98: {  	_ =	strace s7  }
0x99: {  	s7 =	sld [smem:$0x3FFD];
	_ =	sdelay $0x3  }
0x9a: {  	_ =	strace s7  }
0x9b: {  	_ =	strace $0x8FFFFFFF  }
0x9c: {  	s20 =	sld [smem:$0x3FDB];
	_ =	sdelay $0x1  }
0x9d: {  	s8 =	simm.s32 $_scs_section_size  }
0x9e: {  	s9 =	simm.s32 $_size__tile_overlayer_lowered;
	s10 =	simm.s32 $_tile_overlayer_lowered  }
0x9f: {  	s23 =	simm.s32 $0x1BFF;
	s22 =	sshll.u32 s10, $0x1;
	s7 =	sadd.s32 s8, s20  }
0xa0: {  	s11 =	simm.s32 $0x0;
	s21 =	sshll.u32 s9, $0x1;
	s9 =	sadd.s32 s22, s7  }
0xa1: {  	[timem:s11], [sflag:s23] =	dma.local [hbm:s9], s21  }
0xa2: {  	_ =	swait.ge [sflag:s23], s21  }
0xa3: {  	s8 =	ssub.s32 $0x0, s21;
	[sflag:s23] =	ssyncset.done $0x0  }
0xa4: {  	[sflag:s23] =	ssyncadd.s32 s8;
	_ =	sdelay $0x1  }
0xa5: {  	s24 =	simm.s32 $0x1B8B  }
0xa6: {  	_ =	swait.ge [sflag:s24], $0x1  }
0xa7: {  	[sflag:s24] =	ssyncset.done $0x0  }
0xa8: {  	s25 =	simm.s32 $0x1B8E;
	[sflag:s24] =	ssyncadd.s32 $0xFFFFFFFF  }
0xa9: {  	s26 =	simm.s32 $execute0_lowered;
	[smem:$0x3FD2] =	sst s25  }
0xaa: {  	s8 =	sshll.u32 s26, $0x1;
	_ =	strace $0x80000046;
	[dreg:$0x1] =	wrdreg $0xFFFFFFFF  }
0xab: {  	s28 =	simm.s32 $_size_execute0_lowered;
	s7 =	sadd.s32 s7, s8;
	[dreg:$0x0] =	wrdreg $0x0  }
0xac: {  	s8 =	sshll.u32 s28, $0x1;
	[dreg:$0x2] =	wrdreg s7  }
0xad: {  	[dreg:$0x3] =	wrdreg s8  }
0xae: {  	[dreg:$0x4] =	wrdreg $0xC0  }
0xaf: {  	_ =	task [dreg:s11], $0x5FFFF  }
0xb0: {  	[dreg:$0x1] =	wrdreg $0xFFFFFFFF  }
0xb1: {  	[dreg:$0x0] =	wrdreg $0x60  }
0xb2: {  	[dreg:$0x2] =	wrdreg s2  }
0xb3: {  	[dreg:$0x3] =	wrdreg s19  }
0xb4: {  	[dreg:$0x4] =	wrdreg s4  }
0xb5: {  	[dreg:$0x5] =	wrdreg s5  }
0xb6: {  	[dreg:$0x6] =	wrdreg s6  }
0xb7: {  	[dreg:$0x7] =	wrdreg $0x9  }
0xb8: {  	_ =	task.clear_ibuf [dreg:s11], $0x8FFFF;
	_ =	strace $0x90000046  }
0xb9: {  	s29 =	simm.s32 $0x9;
	_ =	strace $0x80000048  }
0xba: {  	_ =	swait.ge [sflag:s29], $0x1  }
0xbb: {  	[sflag:s29] =	ssyncadd.s32 $0xFFFFFFFF  }
0xbc: {  	_ =	strace $0x90000048  }
0xbd: {  	_ =	sfence  }
0xbe: {  	s30 =	sld [smem:$0x0];
	_ =	sdelay $0x2  }
0xbf: {  	s31 =	sshll.u32 s1, $0xD;
	s1 =	sshrl.u32 s1, $0x2  }
0xc0: {  	s3 =	sand.u32 $0x4000, s31;
	s1 =	sadd.s32 s1, s30  }
0xc1: {  	s0 =	sor.u32 s3, s0;
	s1 =	sshll.u32 s1, $0x11  }
0xc2: {  	s0 =	sor.u32 s1, s0  }
0xc3: {  	s0 =	sadd.s32 $0x8F2B, s0  }
0xc4: {  	[sflag:s0] =	ssyncadd.remote.s32 $0x1  }
0xc5: {  	_ =	sfence.sel $0xFFFF  }
0xc6: {  	[dreg:$0x0] =	wrdreg $0xFFFFFFFF;
	(pc) =	sbr.abs _section_cstart, $3  }
0xc7: {  	[dreg:$0x1] =	wrdreg $0xFFFFFFFF  }
0xc8: {  	_ =	task.clear_ibuf [dreg:s11], $0x2FFFF;
	_ =	strace $0x9FFFFFFF  }
0xc9: {  	(tm) =	ssettm $0x7FFFFFFF  }
tec
execute0_lowered:
.L_overlay_start_1:
0x0: {  	(tag) =	ssettag $0x1  }
0x1: {  	s5 =	rddreg [dreg:$0x0]  }
0x2: {  	s6 =	rddreg [dreg:$0x1]  }
0x3: {  	s1 =	rddreg [dreg:$0x2]  }
0x4: {  	s2 =	rddreg [dreg:$0x3]  }
0x5: {  	s7 =	rddreg [dreg:$0x4];
	v0 =	vlaneseq.u32;
	s8 =	srdreg.scid  }
0x6: {  	s4 =	simm.s32 $0x0;
	s0 =	stileid.u32;
	s12 =	simm.s32 $0x80;
	v1 =	vand.u32 $0x7, v0;
	v0 =	vmul.u32 $0x10, v0  }
0x7: {  	s13 =	simm.s32 $0x400;
	s14 =	simm.s32 $0x4400;
	s15 =	simm.s32 $0x100  }
0x8: {  	s16 =	simm.s32 $0x8400;
	s17 =	simm.s32 $0x180;
	s18 =	simm.s32 $0xC400;
	v22 =	vmul.u32 $0x10, v1;
	v2 =	vor.u32 $0x1, v0;
	v3 =	vor.u32 $0x2, v0  }
0x9: {  	s19 =	simm.s32 $0x10400;
	s20 =	simm.s32 $0x18400;
	s21 =	simm.s32 $0x18C00;
	v5 =	vor.u32 $0x3, v0;
	v6 =	vor.u32 $0x4, v0;
	v8 =	vor.u32 $0x5, v0  }
0xa: {  	s22 =	simm.s32 $0x3;
	s23 =	simm.s32 $0x0;
	s8 =	sand.u32 $0x1, s8;
	v9 =	vor.u32 $0x6, v0;
	v11 =	vor.u32 $0x7, v0;
	v12 =	vor.u32 $0x8, v0  }
0xb: {  	s10 =	sshll.u32 s0, $0x7;
	[smem:$0x7FF] =	sst s4;
	s9 =	ssub.s32 $0x2, s8;
	v14 =	vor.u32 $0x9, v0;
	v15 =	vor.u32 $0xA, v0;
	v17 =	vor.u32 $0xB, v0  }
0xc: {  	s8 =	sshll.u32 s8, $0x6;
	_ =	strace $0x80000047;
	s11 =	sshrl.u32 s9, $0x1;
	v18 =	vor.u32 $0xC, v0;
	v20 =	vor.u32 $0xD, v0;
	v21 =	vor.u32 $0xE, v0  }
0xd: {  	s8 =	sor.u32 s8, s10;
	s10 =	simm.s32 $0x1;
	v23 =	vor.u32 $0xF, v0;
	v1 =	vor.u32 $0xFFFFFF80, v22;
	s9 =	ssub.s32 s9, s11;
	v4 =	vor.u32 $0xFFFFFF82, v22  }
0xe: {  	s5 =	sadd.s32 s5, s8;
	s6 =	sadd.s32 s6, s8;
	s7 =	sadd.s32 s7, s8;
	v7 =	vor.u32 $0xFFFFFF84, v22;
	v10 =	vor.u32 $0xFFFFFF86, v22;
	v13 =	vor.u32 $0xFFFFFF88, v22  }
0xf: {  	s11 =	simm.s32 $0x2;
	v16 =	vor.u32 $0xFFFFFF8A, v22;
	v19 =	vor.u32 $0xFFFFFF8C, v22;
	v22 =	vor.u32 $0xFFFFFF8E, v22;
	s8 =	smax.u32 s9, $0x1;
	s9 =	simm.s32 $0x200  }
.LBB2_1:
0x10: {  	[tilespmem:s4], [sflag:$0x1] =	stream.linear.gather [hbm4b:s5+s4], $0x200, $0x38;
	[tilespmem:$0x18E00] =	vst v63  }
0x11: {  	_ = 	snop  }
0x12: {  	[tilespmem:s9], [sflag:$0x2] =	stream.linear.gather [hbm4b:s6+s4], $0x200, $0x38;
	[tilespmem:$0x18E00] =	vst v63  }
0x13: {  	_ =	swait.ge [sflag:s10], $0x200  }
0x14: {  	[sflag:s10] =	ssyncset.done $0x0  }
0x15: {  	[sflag:s10] =	ssyncadd.s32 $0xFFFFFE00  }
0x16: {  	_ =	swait.ge [sflag:s11], $0x200  }
0x17: {  	[sflag:s11] =	ssyncset.done $0x0  }
0x18: {  	[sflag:s11] =	ssyncadd.s32 $0xFFFFFE00  }
0x19: {  	[tilespmem:s13], [sflag:$0x1] =	stream.indirect.gather [hbm4b:s1+s12], $0x80, s4, s12, $0xb8;
	[tilespmem:$0x18E00] =	vst v63  }
0x1a: {  	_ = 	snop  }
0x1b: {  	[tilespmem:s14], [sflag:$0x1] =	stream.indirect.gather [hbm4b:s1+s12], $0x80, s12, s12, $0xb8;
	[tilespmem:$0x18E00] =	vst v63  }
0x1c: {  	_ = 	snop  }
0x1d: {  	[tilespmem:s16], [sflag:$0x1] =	stream.indirect.gather [hbm4b:s1+s12], $0x80, s15, s12, $0xb8;
	[tilespmem:$0x18E00] =	vst v63  }
0x1e: {  	_ = 	snop  }
0x1f: {  	[tilespmem:s18], [sflag:$0x1] =	stream.indirect.gather [hbm4b:s1+s12], $0x80, s17, s12, $0xb8;
	[tilespmem:$0x18E00] =	vst v63  }
0x20: {  	s24 =	simm.s32 $0x0  }
0x21: {  	[tilespmem:s19], [sflag:$0x2] =	stream.indirect.gather [hbm4b:s2+s12], $0x80, s9, s12, $0xb8;
	[tilespmem:$0x18E00] =	vst v63  }
.LBB2_3:
0x22: {  	_ =	swait.ge [sflag:s10], $0x4000;
	s28 =	smov.u32 s24;
	s25 =	sand.u32 $0x1, s24  }
0x23: {  	s31 =	sshll.u32 s24, $0xE;
	[sflag:s10] =	ssyncset.done $0x0;
	s26 =	sshll.u32 s25, $0xE  }
0x24: {  	s29 =	sand.u32 $0x3FFFC000, s31;
	s24 =	sadd.s32 $0x1, s28;
	p0 =	seq.s32 s28, $0x3  }
0x25: {  	[sflag:s10] =	ssyncadd.s32 $0xFFFFC000;
	s29 =	sor.u32 $0x400, s29;
	s26 =	sor.u32 $0x10400, s26  }
0x26: {  	s30 =	sshll.u32 @!p0 s24, $0x7;
	s25 =	sshll.u32 @!p0 s25, $0xE;
	_ =	swait.ge [sflag:s11], $0x4000;
	v24 =	vmov s29  }
0x27: {  	s29 =	sand.u32 @!p0 $0x3FFFFF80, s30;
	v25 =	vmov s26;
	s25 =	sxor.u32 @!p0 $0x14400, s25;
	[sflag:s11] =	ssyncset.done $0x0  }
0x28: {  	s26 =	sadd.s32 @!p0 $0x200, s29;
	s29 =	simm.s32 @!p0 $0x80;
	[sflag:s11] =	ssyncadd.s32 $0xFFFFC000  }
0x29: {  	[tilespmem:s25], [sflag:$0x2] =	stream.indirect.gather @!p0 [hbm4b:s2+s29], $0x80, s26, s29, $0xb8;
	[tilespmem:$0x18E00] =	vst v63  }
0x2a: {  	s26 =	simm.s32 $0x0  }
0x2b: {  	v26 =	vld.idx.msk [tilespmem:v24+s26+$0x0 ss:$0x1], $0xffff  }
0x2c: {  	s0 =	sor.u32 $0x60, s26;
	v27 =	vld.idx.msk [tilespmem:v25+s26+$0x0 ss:$0x1], $0xffff  }
0x2d: {  	v28 =	vld.idx.msk [tilespmem:v24+s0+$0x0 ss:$0x1], $0xffff  }
0x2e: {  	s3 =	sor.u32 $0x40, s26;
	v29 =	vld.idx.msk [tilespmem:v25+s0+$0x0 ss:$0x1], $0xffff  }
0x2f: {  	v30 =	vld.idx.msk [tilespmem:v24+s3+$0x0 ss:$0x1], $0xffff  }
0x30: {  	s31 =	sor.u32 $0x10, s26;
	v31 =	vld.idx.msk [tilespmem:v25+s3+$0x0 ss:$0x1], $0xffff  }
0x31: {  	v32 =	vld.idx.msk [tilespmem:v24+s31+$0x0 ss:$0x1], $0xffff  }
0x32: {  	v33 =	vld.idx.msk [tilespmem:v25+s31+$0x0 ss:$0x1], $0xffff;
	s0 =	sor.u32 $0x20, s26  }
0x33: {  	v34 =	vld.idx.msk [tilespmem:v24+s0+$0x0 ss:$0x1], $0xffff  }
0x34: {  	s3 =	sor.u32 $0x30, s26;
	v35 =	vld.idx.msk [tilespmem:v25+s0+$0x0 ss:$0x1], $0xffff  }
0x35: {  	v36 =	vld.idx.msk [tilespmem:v24+s3+$0x0 ss:$0x1], $0xffff  }
0x36: {  	s29 =	sor.u32 $0x50, s26;
	v37 =	vld.idx.msk [tilespmem:v25+s3+$0x0 ss:$0x1], $0xffff  }
0x37: {  	v38 =	vld.idx.msk [tilespmem:v24+s29+$0x0 ss:$0x1], $0xffff  }
0x38: {  	s31 =	sor.u32 $0x70, s26;
	v39 =	vld.idx.msk [tilespmem:v25+s29+$0x0 ss:$0x1], $0xffff  }
0x39: {  	v40 =	vld.idx.msk [tilespmem:v24+s31+$0x0 ss:$0x1], $0xffff  }
0x3a: {  	v41 =	vld.idx.msk [tilespmem:v25+s31+$0x0 ss:$0x1], $0xffff;
	v26 =	vmul.f32 v27, v26;
	v27 =	vmul.f32 v35, v34  }
0x3b: {  	v32 =	vmul.f32 v33, v32;
	v46 =	vmul.f32 v37, v36  }
0x3c: {  	v26 =	vadd.f32 v27, v26;
	v27 =	vmul.f32 v31, v30  }
0x3d: {  	v30 =	vadd.f32 v46, v32;
	v31 =	vmul.f32 v39, v38  }
0x3e: {  	v26 =	vadd.f32 v27, v26  }
0x3f: {  	v27 =	vmul.f32 v29, v28;
	v28 =	vmul.f32 v41, v40;
	v29 =	vadd.f32 v31, v30;
	_ =	sdelay $0x1  }
0x40: {  	v26 =	vadd.f32 v27, v26;
	v27 =	vadd.f32 v28, v29;
	_ =	sdelay $0x1  }
0x41: {  	v26 =	vadd.f32 v27, v26  }
0x42: {  	s25 =	simm.s32 $0x0  }
0x43: {  	s29 =	sor.u32 $0xE0, s26;
	[tilespmem:s25+$0x18400] =	vst v26  }
0x44: {  	v26 =	vld.idx.msk [tilespmem:v24+s29+$0x0 ss:$0x1], $0xffff  }
0x45: {  	v27 =	vld.idx.msk [tilespmem:v25+s29+$0x0 ss:$0x1], $0xffff;
	s29 =	sor.u32 $0xC0, s26  }
0x46: {  	v28 =	vld.idx.msk [tilespmem:v24+s29+$0x0 ss:$0x1], $0xffff  }
0x47: {  	v29 =	vld.idx.msk [tilespmem:v25+s29+$0x0 ss:$0x1], $0xffff;
	s29 =	sor.u32 $0x80, s26  }
0x48: {  	v30 =	vld.idx.msk [tilespmem:v24+s29+$0x0 ss:$0x1], $0xffff  }
0x49: {  	v31 =	vld.idx.msk [tilespmem:v25+s29+$0x0 ss:$0x1], $0xffff;
	s29 =	sor.u32 $0x90, s26  }
0x4a: {  	v47 =	vld.idx.msk [tilespmem:v24+s29+$0x0 ss:$0x1], $0xffff  }
0x4b: {  	v48 =	vld.idx.msk [tilespmem:v25+s29+$0x0 ss:$0x1], $0xffff;
	s29 =	sor.u32 $0xA0, s26  }
0x4c: {  	v49 =	vld.idx.msk [tilespmem:v24+s29+$0x0 ss:$0x1], $0xffff  }
0x4d: {  	v50 =	vld.idx.msk [tilespmem:v25+s29+$0x0 ss:$0x1], $0xffff;
	s29 =	sor.u32 $0xB0, s26  }
0x4e: {  	v51 =	vld.idx.msk [tilespmem:v24+s29+$0x0 ss:$0x1], $0xffff  }
0x4f: {  	s30 =	sor.u32 $0xD0, s26;
	v52 =	vld.idx.msk [tilespmem:v25+s29+$0x0 ss:$0x1], $0xffff  }
0x50: {  	v53 =	vld.idx.msk [tilespmem:v24+s30+$0x0 ss:$0x1], $0xffff  }
0x51: {  	v54 =	vld.idx.msk [tilespmem:v25+s30+$0x0 ss:$0x1], $0xffff;
	s29 =	sor.u32 $0xF0, s26  }
0x52: {  	v55 =	vld.idx.msk [tilespmem:v24+s29+$0x0 ss:$0x1], $0xffff  }
0x53: {  	v56 =	vld.idx.msk [tilespmem:v25+s29+$0x0 ss:$0x1], $0xffff;
	v30 =	vmul.f32 v31, v30;
	v32 =	vmul.f32 v48, v47  }
0x54: {  	v31 =	vmul.f32 v50, v49;
	v57 =	vmul.f32 v52, v51  }
0x55: {  	v28 =	vmul.f32 v29, v28  }
0x56: {  	v30 =	vadd.f32 v31, v30;
	v31 =	vmul.f32 v54, v53;
	v29 =	vadd.f32 v57, v32  }
0x57: {  	v26 =	vmul.f32 v27, v26  }
0x58: {  	v27 =	vmul.f32 v56, v55;
	v28 =	vadd.f32 v28, v30;
	v29 =	vadd.f32 v31, v29;
	_ =	sdelay $0x1  }
0x59: {  	v26 =	vadd.f32 v26, v28;
	v27 =	vadd.f32 v27, v29;
	_ =	sdelay $0x1  }
0x5a: {  	v26 =	vadd.f32 v27, v26;
	_ =	sdelay $0x1  }
0x5b: {  	s29 =	sor.u32 $0x160, s26;
	[tilespmem:s25+$0x18410] =	vst v26  }
0x5c: {  	v26 =	vld.idx.msk [tilespmem:v24+s29+$0x0 ss:$0x1], $0xffff  }
0x5d: {  	v27 =	vld.idx.msk [tilespmem:v25+s29+$0x0 ss:$0x1], $0xffff;
	s29 =	sor.u32 $0x140, s26  }
0x5e: {  	v28 =	vld.idx.msk [tilespmem:v24+s29+$0x0 ss:$0x1], $0xffff  }
0x5f: {  	v29 =	vld.idx.msk [tilespmem:v25+s29+$0x0 ss:$0x1], $0xffff;
	s29 =	sor.u32 $0x100, s26  }
0x60: {  	v30 =	vld.idx.msk [tilespmem:v24+s29+$0x0 ss:$0x1], $0xffff  }
0x61: {  	v31 =	vld.idx.msk [tilespmem:v25+s29+$0x0 ss:$0x1], $0xffff;
	s29 =	sor.u32 $0x110, s26  }
0x62: {  	v58 =	vld.idx.msk [tilespmem:v24+s29+$0x0 ss:$0x1], $0xffff  }
0x63: {  	v59 =	vld.idx.msk [tilespmem:v25+s29+$0x0 ss:$0x1], $0xffff;
	s29 =	sor.u32 $0x120, s26  }
0x64: {  	v60 =	vld.idx.msk [tilespmem:v24+s29+$0x0 ss:$0x1], $0xffff  }
0x65: {  	v61 =	vld.idx.msk [tilespmem:v25+s29+$0x0 ss:$0x1], $0xffff;
	s29 =	sor.u32 $0x130, s26  }
0x66: {  	v62 =	vld.idx.msk [tilespmem:v24+s29+$0x0 ss:$0x1], $0xffff  }
0x67: {  	s30 =	sor.u32 $0x150, s26;
	v63 =	vld.idx.msk [tilespmem:v25+s29+$0x0 ss:$0x1], $0xffff  }
0x68: {  	v44 =	vld.idx.msk [tilespmem:v24+s30+$0x0 ss:$0x1], $0xffff  }
0x69: {  	v45 =	vld.idx.msk [tilespmem:v25+s30+$0x0 ss:$0x1], $0xffff;
	s29 =	sor.u32 $0x170, s26  }
0x6a: {  	v46 =	vld.idx.msk [tilespmem:v24+s29+$0x0 ss:$0x1], $0xffff  }
0x6b: {  	v47 =	vld.idx.msk [tilespmem:v25+s29+$0x0 ss:$0x1], $0xffff;
	v30 =	vmul.f32 v31, v30;
	v32 =	vmul.f32 v59, v58  }
0x6c: {  	v31 =	vmul.f32 v61, v60;
	v48 =	vmul.f32 v63, v62  }
0x6d: {  	v28 =	vmul.f32 v29, v28  }
0x6e: {  	v30 =	vadd.f32 v31, v30;
	v31 =	vmul.f32 v45, v44;
	v29 =	vadd.f32 v48, v32  }
0x6f: {  	v26 =	vmul.f32 v27, v26  }
0x70: {  	v27 =	vmul.f32 v47, v46;
	v28 =	vadd.f32 v28, v30;
	v29 =	vadd.f32 v31, v29;
	_ =	sdelay $0x1  }
0x71: {  	v26 =	vadd.f32 v26, v28;
	v27 =	vadd.f32 v27, v29;
	_ =	sdelay $0x1  }
0x72: {  	v26 =	vadd.f32 v27, v26;
	_ =	sdelay $0x1  }
0x73: {  	s29 =	sor.u32 $0x1E0, s26;
	[tilespmem:s25+$0x18420] =	vst v26  }
0x74: {  	v26 =	vld.idx.msk [tilespmem:v24+s29+$0x0 ss:$0x1], $0xffff  }
0x75: {  	v27 =	vld.idx.msk [tilespmem:v25+s29+$0x0 ss:$0x1], $0xffff;
	s29 =	sor.u32 $0x1C0, s26  }
0x76: {  	v28 =	vld.idx.msk [tilespmem:v24+s29+$0x0 ss:$0x1], $0xffff  }
0x77: {  	v29 =	vld.idx.msk [tilespmem:v25+s29+$0x0 ss:$0x1], $0xffff;
	s29 =	sor.u32 $0x180, s26  }
0x78: {  	v30 =	vld.idx.msk [tilespmem:v24+s29+$0x0 ss:$0x1], $0xffff  }
0x79: {  	v31 =	vld.idx.msk [tilespmem:v25+s29+$0x0 ss:$0x1], $0xffff;
	s29 =	sor.u32 $0x190, s26  }
0x7a: {  	v49 =	vld.idx.msk [tilespmem:v24+s29+$0x0 ss:$0x1], $0xffff  }
0x7b: {  	v50 =	vld.idx.msk [tilespmem:v25+s29+$0x0 ss:$0x1], $0xffff;
	s29 =	sor.u32 $0x1A0, s26  }
0x7c: {  	v51 =	vld.idx.msk [tilespmem:v24+s29+$0x0 ss:$0x1], $0xffff  }
0x7d: {  	v52 =	vld.idx.msk [tilespmem:v25+s29+$0x0 ss:$0x1], $0xffff;
	s29 =	sor.u32 $0x1B0, s26  }
0x7e: {  	v53 =	vld.idx.msk [tilespmem:v24+s29+$0x0 ss:$0x1], $0xffff  }
0x7f: {  	s30 =	sor.u32 $0x1D0, s26;
	v54 =	vld.idx.msk [tilespmem:v25+s29+$0x0 ss:$0x1], $0xffff  }
0x80: {  	v55 =	vld.idx.msk [tilespmem:v24+s30+$0x0 ss:$0x1], $0xffff  }
0x81: {  	v56 =	vld.idx.msk [tilespmem:v25+s30+$0x0 ss:$0x1], $0xffff;
	s29 =	sor.u32 $0x1F0, s26  }
0x82: {  	v57 =	vld.idx.msk [tilespmem:v24+s29+$0x0 ss:$0x1], $0xffff  }
0x83: {  	v58 =	vld.idx.msk [tilespmem:v25+s29+$0x0 ss:$0x1], $0xffff;
	v30 =	vmul.f32 v31, v30;
	v32 =	vmul.f32 v50, v49  }
0x84: {  	v31 =	vmul.f32 v52, v51;
	v59 =	vmul.f32 v54, v53  }
0x85: {  	v28 =	vmul.f32 v29, v28  }
0x86: {  	v30 =	vadd.f32 v31, v30;
	v31 =	vmul.f32 v56, v55;
	v29 =	vadd.f32 v59, v32  }
0x87: {  	v26 =	vmul.f32 v27, v26  }
0x88: {  	v27 =	vmul.f32 v58, v57;
	v28 =	vadd.f32 v28, v30;
	v29 =	vadd.f32 v31, v29;
	_ =	sdelay $0x1  }
0x89: {  	v26 =	vadd.f32 v26, v28;
	v27 =	vadd.f32 v27, v29;
	_ =	sdelay $0x1  }
0x8a: {  	v26 =	vadd.f32 v27, v26;
	_ =	sdelay $0x1  }
0x8b: {  	s29 =	sor.u32 $0x260, s26;
	[tilespmem:s25+$0x18430] =	vst v26  }
0x8c: {  	v26 =	vld.idx.msk [tilespmem:v24+s29+$0x0 ss:$0x1], $0xffff  }
0x8d: {  	v27 =	vld.idx.msk [tilespmem:v25+s29+$0x0 ss:$0x1], $0xffff;
	s29 =	sor.u32 $0x240, s26  }
0x8e: {  	v28 =	vld.idx.msk [tilespmem:v24+s29+$0x0 ss:$0x1], $0xffff  }
0x8f: {  	v29 =	vld.idx.msk [tilespmem:v25+s29+$0x0 ss:$0x1], $0xffff;
	s29 =	sor.u32 $0x200, s26  }
0x90: {  	v30 =	vld.idx.msk [tilespmem:v24+s29+$0x0 ss:$0x1], $0xffff  }
0x91: {  	v31 =	vld.idx.msk [tilespmem:v25+s29+$0x0 ss:$0x1], $0xffff;
	s29 =	sor.u32 $0x210, s26  }
0x92: {  	v60 =	vld.idx.msk [tilespmem:v24+s29+$0x0 ss:$0x1], $0xffff  }
0x93: {  	v61 =	vld.idx.msk [tilespmem:v25+s29+$0x0 ss:$0x1], $0xffff;
	s29 =	sor.u32 $0x220, s26  }
0x94: {  	v62 =	vld.idx.msk [tilespmem:v24+s29+$0x0 ss:$0x1], $0xffff  }
0x95: {  	v63 =	vld.idx.msk [tilespmem:v25+s29+$0x0 ss:$0x1], $0xffff;
	s29 =	sor.u32 $0x230, s26  }
0x96: {  	v44 =	vld.idx.msk [tilespmem:v24+s29+$0x0 ss:$0x1], $0xffff  }
0x97: {  	s30 =	sor.u32 $0x250, s26;
	v45 =	vld.idx.msk [tilespmem:v25+s29+$0x0 ss:$0x1], $0xffff  }
0x98: {  	v46 =	vld.idx.msk [tilespmem:v24+s30+$0x0 ss:$0x1], $0xffff  }
0x99: {  	v47 =	vld.idx.msk [tilespmem:v25+s30+$0x0 ss:$0x1], $0xffff;
	s29 =	sor.u32 $0x270, s26  }
0x9a: {  	v48 =	vld.idx.msk [tilespmem:v24+s29+$0x0 ss:$0x1], $0xffff  }
0x9b: {  	v49 =	vld.idx.msk [tilespmem:v25+s29+$0x0 ss:$0x1], $0xffff;
	v30 =	vmul.f32 v31, v30;
	v31 =	vmul.f32 v61, v60  }
0x9c: {  	v50 =	vmul.f32 v63, v62;
	v51 =	vmul.f32 v45, v44  }
0x9d: {  	v28 =	vmul.f32 v29, v28  }
0x9e: {  	v29 =	vadd.f32 v50, v30;
	v30 =	vadd.f32 v51, v31;
	v31 =	vmul.f32 v47, v46  }
0x9f: {  	v26 =	vmul.f32 v27, v26  }
0xa0: {  	v27 =	vadd.f32 v28, v29;
	v29 =	vmul.f32 v49, v48;
	v28 =	vadd.f32 v31, v30;
	_ =	sdelay $0x1  }
0xa1: {  	v26 =	vadd.f32 v26, v27;
	v27 =	vadd.f32 v29, v28;
	_ =	sdelay $0x1  }
0xa2: {  	v26 =	vadd.f32 v27, v26;
	_ =	sdelay $0x1  }
0xa3: {  	s29 =	sor.u32 $0x2E0, s26;
	[tilespmem:s25+$0x18440] =	vst v26  }
0xa4: {  	v26 =	vld.idx.msk [tilespmem:v24+s29+$0x0 ss:$0x1], $0xffff  }
0xa5: {  	s30 =	sor.u32 $0x2C0, s26;
	v27 =	vld.idx.msk [tilespmem:v25+s29+$0x0 ss:$0x1], $0xffff  }
0xa6: {  	v28 =	vld.idx.msk [tilespmem:v24+s30+$0x0 ss:$0x1], $0xffff  }
0xa7: {  	s29 =	sor.u32 $0x280, s26;
	v29 =	vld.idx.msk [tilespmem:v25+s30+$0x0 ss:$0x1], $0xffff  }
0xa8: {  	v30 =	vld.idx.msk [tilespmem:v24+s29+$0x0 ss:$0x1], $0xffff  }
0xa9: {  	v31 =	vld.idx.msk [tilespmem:v25+s29+$0x0 ss:$0x1], $0xffff;
	s29 =	sor.u32 $0x290, s26  }
0xaa: {  	v52 =	vld.idx.msk [tilespmem:v24+s29+$0x0 ss:$0x1], $0xffff  }
0xab: {  	v53 =	vld.idx.msk [tilespmem:v25+s29+$0x0 ss:$0x1], $0xffff;
	s29 =	sor.u32 $0x2A0, s26  }
0xac: {  	v54 =	vld.idx.msk [tilespmem:v24+s29+$0x0 ss:$0x1], $0xffff  }
0xad: {  	v55 =	vld.idx.msk [tilespmem:v25+s29+$0x0 ss:$0x1], $0xffff;
	s29 =	sor.u32 $0x2B0, s26  }
0xae: {  	v56 =	vld.idx.msk [tilespmem:v24+s29+$0x0 ss:$0x1], $0xffff  }
0xaf: {  	v57 =	vld.idx.msk [tilespmem:v25+s29+$0x0 ss:$0x1], $0xffff;
	s29 =	sor.u32 $0x2D0, s26  }
0xb0: {  	v58 =	vld.idx.msk [tilespmem:v24+s29+$0x0 ss:$0x1], $0xffff  }
0xb1: {  	v59 =	vld.idx.msk [tilespmem:v25+s29+$0x0 ss:$0x1], $0xffff;
	s29 =	sor.u32 $0x2F0, s26  }
0xb2: {  	v60 =	vld.idx.msk [tilespmem:v24+s29+$0x0 ss:$0x1], $0xffff  }
0xb3: {  	v61 =	vld.idx.msk [tilespmem:v25+s29+$0x0 ss:$0x1], $0xffff;
	v30 =	vmul.f32 v31, v30;
	v31 =	vmul.f32 v53, v52  }
0xb4: {  	v62 =	vmul.f32 v55, v54;
	v63 =	vmul.f32 v57, v56  }
0xb5: {  	v28 =	vmul.f32 v29, v28  }
0xb6: {  	v29 =	vadd.f32 v62, v30;
	v30 =	vadd.f32 v63, v31;
	v31 =	vmul.f32 v59, v58  }
0xb7: {  	v26 =	vmul.f32 v27, v26  }
0xb8: {  	v27 =	vadd.f32 v28, v29;
	v29 =	vmul.f32 v61, v60;
	v28 =	vadd.f32 v31, v30;
	_ =	sdelay $0x1  }
0xb9: {  	v26 =	vadd.f32 v26, v27;
	v27 =	vadd.f32 v29, v28;
	_ =	sdelay $0x1  }
0xba: {  	v26 =	vadd.f32 v27, v26;
	_ =	sdelay $0x1  }
0xbb: {  	s29 =	sor.u32 $0x360, s26;
	[tilespmem:s25+$0x18450] =	vst v26  }
0xbc: {  	v27 =	vld.idx.msk [tilespmem:v24+s29+$0x0 ss:$0x1], $0xffff  }
0xbd: {  	s30 =	sor.u32 $0x340, s26;
	v28 =	vld.idx.msk [tilespmem:v25+s29+$0x0 ss:$0x1], $0xffff  }
0xbe: {  	v29 =	vld.idx.msk [tilespmem:v24+s30+$0x0 ss:$0x1], $0xffff  }
0xbf: {  	s29 =	sor.u32 $0x300, s26;
	v30 =	vld.idx.msk [tilespmem:v25+s30+$0x0 ss:$0x1], $0xffff  }
0xc0: {  	v31 =	vld.idx.msk [tilespmem:v24+s29+$0x0 ss:$0x1], $0xffff  }
0xc1: {  	v32 =	vld.idx.msk [tilespmem:v25+s29+$0x0 ss:$0x1], $0xffff;
	s29 =	sor.u32 $0x310, s26  }
0xc2: {  	s28 =	sshll.u32 s28, $0x7;
	v33 =	vld.idx.msk [tilespmem:v24+s29+$0x0 ss:$0x1], $0xffff  }
0xc3: {  	s28 =	sand.u32 $0x3FFFFF80, s28;
	v34 =	vld.idx.msk [tilespmem:v25+s29+$0x0 ss:$0x1], $0xffff;
	s29 =	sor.u32 $0x320, s26  }
0xc4: {  	s30 =	sadd.s32 $0x18C00, s28;
	v35 =	vld.idx.msk [tilespmem:v24+s29+$0x0 ss:$0x1], $0xffff  }
0xc5: {  	s28 =	simm.s32 $0x0;
	v26 =	vmov s30;
	s30 =	sor.u32 $0x330, s26;
	v36 =	vld.idx.msk [tilespmem:v25+s29+$0x0 ss:$0x1], $0xffff;
	s29 =	simm.s32 $0x1  }
.LBB2_4:
0xc6: {  	p0 =	seq.s32 s29, $0x7;
	v37 =	vld.idx.msk [tilespmem:v24+s30+$0x0 ss:$0x1], $0xffff  }
0xc7: {  	v38 =	vld.idx.msk [tilespmem:v25+s30+$0x0 ss:$0x1], $0xffff;
	s30 =	sor.u32 $0x350, s26  }
0xc8: {  	v39 =	vld.idx.msk [tilespmem:v24+s30+$0x0 ss:$0x1], $0xffff  }
0xc9: {  	v40 =	vld.idx.msk [tilespmem:v25+s30+$0x0 ss:$0x1], $0xffff;
	s30 =	sor.u32 $0x370, s26  }
0xca: {  	v41 =	vld.idx.msk [tilespmem:v24+s30+$0x0 ss:$0x1], $0xffff  }
0xcb: {  	v42 =	vld.idx.msk [tilespmem:v25+s30+$0x0 ss:$0x1], $0xffff  }
0xcc: {  	v31 =	vmul.f32 v32, v31;
	v32 =	vmul.f32 v34, v33  }
0xcd: {  	v33 =	vmul.f32 v36, v35;
	v34 =	vmul.f32 v38, v37  }
0xce: {  	v29 =	vmul.f32 v30, v29  }
0xcf: {  	v30 =	vadd.f32 v33, v31;
	v31 =	vadd.f32 v34, v32;
	v32 =	vmul.f32 v40, v39  }
0xd0: {  	v27 =	vmul.f32 v28, v27  }
0xd1: {  	v28 =	vadd.f32 v29, v30;
	v29 =	vadd.f32 v32, v31;
	v30 =	vmul.f32 v42, v41;
	_ =	sdelay $0x1  }
0xd2: {  	s30 =	sshll.u32 s29, $0xB;
	v27 =	vadd.f32 v27, v28;
	v28 =	vadd.f32 v30, v29  }
0xd3: {  	v29 =	vld.idx.msk [tilespmem:v24+s30+$0x0 ss:$0x1], $0xffff  }
0xd4: {  	s31 =	sor.u32 $0x60, s30;
	v31 =	vadd.f32 v28, v27;
	v30 =	vld.idx.msk [tilespmem:v25+s30+$0x0 ss:$0x1], $0xffff  }
0xd5: {  	v27 =	vld.idx.msk [tilespmem:v24+s31+$0x0 ss:$0x1], $0xffff  }
0xd6: {  	v28 =	vld.idx.msk [tilespmem:v25+s31+$0x0 ss:$0x1], $0xffff;
	[tilespmem:s25+$0x18460] =	vst v31;
	s31 =	sor.u32 $0x3E0, s26  }
0xd7: {  	v31 =	vld.idx.msk [tilespmem:v24+s31+$0x0 ss:$0x1], $0xffff  }
0xd8: {  	s0 =	sor.u32 $0x3C0, s26;
	v32 =	vld.idx.msk [tilespmem:v25+s31+$0x0 ss:$0x1], $0xffff  }
0xd9: {  	v33 =	vld.idx.msk [tilespmem:v24+s0+$0x0 ss:$0x1], $0xffff  }
0xda: {  	s31 =	sor.u32 $0x380, s26;
	v34 =	vld.idx.msk [tilespmem:v25+s0+$0x0 ss:$0x1], $0xffff  }
0xdb: {  	v35 =	vld.idx.msk [tilespmem:v24+s31+$0x0 ss:$0x1], $0xffff  }
0xdc: {  	s0 =	sor.u32 $0x390, s26;
	v36 =	vld.idx.msk [tilespmem:v25+s31+$0x0 ss:$0x1], $0xffff  }
0xdd: {  	v37 =	vld.idx.msk [tilespmem:v24+s0+$0x0 ss:$0x1], $0xffff  }
0xde: {  	v38 =	vld.idx.msk [tilespmem:v25+s0+$0x0 ss:$0x1], $0xffff;
	s0 =	sor.u32 $0x3A0, s26  }
0xdf: {  	v39 =	vld.idx.msk [tilespmem:v24+s0+$0x0 ss:$0x1], $0xffff  }
0xe0: {  	v40 =	vld.idx.msk [tilespmem:v25+s0+$0x0 ss:$0x1], $0xffff;
	s0 =	sor.u32 $0x3B0, s26  }
0xe1: {  	v41 =	vld.idx.msk [tilespmem:v24+s0+$0x0 ss:$0x1], $0xffff  }
0xe2: {  	v42 =	vld.idx.msk [tilespmem:v25+s0+$0x0 ss:$0x1], $0xffff;
	s0 =	sor.u32 $0x3D0, s26  }
0xe3: {  	v43 =	vld.idx.msk [tilespmem:v24+s0+$0x0 ss:$0x1], $0xffff  }
0xe4: {  	v44 =	vld.idx.msk [tilespmem:v25+s0+$0x0 ss:$0x1], $0xffff;
	s0 =	sor.u32 $0x3F0, s26  }
0xe5: {  	v45 =	vld.idx.msk [tilespmem:v24+s0+$0x0 ss:$0x1], $0xffff  }
0xe6: {  	s31 =	sor.u32 $0x70, s30;
	v46 =	vld.idx.msk [tilespmem:v25+s0+$0x0 ss:$0x1], $0xffff  }
0xe7: {  	v35 =	vmul.f32 v36, v35;
	v36 =	vmul.f32 v38, v37;
	v47 =	vld.idx.msk [tilespmem:v24+s31+$0x0 ss:$0x1], $0xffff  }
0xe8: {  	v38 =	vmul.f32 v40, v39;
	s0 =	sor.u32 $0x40, s30;
	v39 =	vmul.f32 v42, v41;
	v37 =	vld.idx.msk [tilespmem:v25+s31+$0x0 ss:$0x1], $0xffff  }
0xe9: {  	v33 =	vmul.f32 v34, v33;
	v40 =	vld.idx.msk [tilespmem:v24+s0+$0x0 ss:$0x1], $0xffff  }
0xea: {  	v35 =	vadd.f32 v38, v35;
	v36 =	vadd.f32 v39, v36;
	v38 =	vmul.f32 v44, v43;
	v34 =	vld.idx.msk [tilespmem:v25+s0+$0x0 ss:$0x1], $0xffff;
	s0 =	sor.u32 $0x50, s30  }
0xeb: {  	v31 =	vmul.f32 v32, v31;
	v39 =	vld.idx.msk [tilespmem:v24+s0+$0x0 ss:$0x1], $0xffff  }
0xec: {  	s31 =	sor.u32 $0x10, s30;
	v33 =	vadd.f32 v33, v35;
	v35 =	vadd.f32 v38, v36;
	v36 =	vmul.f32 v46, v45;
	v32 =	vld.idx.msk [tilespmem:v25+s0+$0x0 ss:$0x1], $0xffff  }
0xed: {  	v38 =	vld.idx.msk [tilespmem:v24+s31+$0x0 ss:$0x1], $0xffff  }
0xee: {  	v31 =	vadd.f32 v31, v33;
	s0 =	sor.u32 $0x20, s30;
	v33 =	vadd.f32 v36, v35;
	v41 =	vld.idx.msk [tilespmem:v25+s31+$0x0 ss:$0x1], $0xffff  }
0xef: {  	v35 =	vld.idx.msk [tilespmem:v24+s0+$0x0 ss:$0x1], $0xffff  }
0xf0: {  	v31 =	vadd.f32 v33, v31;
	v36 =	vld.idx.msk [tilespmem:v25+s0+$0x0 ss:$0x1], $0xffff;
	s0 =	sor.u32 $0x30, s30  }
0xf1: {  	v33 =	vld.idx.msk [tilespmem:v24+s0+$0x0 ss:$0x1], $0xffff  }
0xf2: {  	v42 =	vld.idx.msk [tilespmem:v25+s0+$0x0 ss:$0x1], $0xffff;
	[tilespmem:s25+$0x18470] =	vst v31;
	s0 =	sor.u32 $0x460, s26  }
0xf3: {  	v31 =	vld.idx.msk [tilespmem:v24+s0+$0x0 ss:$0x1], $0xffff  }
0xf4: {  	s31 =	sor.u32 $0x440, s26;
	v43 =	vld.idx.msk [tilespmem:v25+s0+$0x0 ss:$0x1], $0xffff  }
0xf5: {  	v44 =	vld.idx.msk [tilespmem:v24+s31+$0x0 ss:$0x1], $0xffff  }
0xf6: {  	s0 =	sor.u32 $0x400, s26;
	v45 =	vld.idx.msk [tilespmem:v25+s31+$0x0 ss:$0x1], $0xffff  }
0xf7: {  	v46 =	vld.idx.msk [tilespmem:v24+s0+$0x0 ss:$0x1], $0xffff  }
0xf8: {  	v48 =	vld.idx.msk [tilespmem:v25+s0+$0x0 ss:$0x1], $0xffff;
	s0 =	sor.u32 $0x410, s26  }
0xf9: {  	v49 =	vld.idx.msk [tilespmem:v24+s0+$0x0 ss:$0x1], $0xffff  }
0xfa: {  	v50 =	vld.idx.msk [tilespmem:v25+s0+$0x0 ss:$0x1], $0xffff;
	s0 =	sor.u32 $0x420, s26  }
0xfb: {  	v51 =	vld.idx.msk [tilespmem:v24+s0+$0x0 ss:$0x1], $0xffff  }
0xfc: {  	v52 =	vld.idx.msk [tilespmem:v25+s0+$0x0 ss:$0x1], $0xffff;
	s0 =	sor.u32 $0x430, s26  }
0xfd: {  	v53 =	vld.idx.msk [tilespmem:v24+s0+$0x0 ss:$0x1], $0xffff  }
0xfe: {  	v29 =	vmul.f32 v30, v29;
	v30 =	vmul.f32 v36, v35;
	v35 =	vld.idx.msk [tilespmem:v25+s0+$0x0 ss:$0x1], $0xffff;
	s0 =	sor.u32 $0x450, s26  }
0xff: {  	v36 =	vmul.f32 v41, v38;
	v33 =	vmul.f32 v42, v33;
	v38 =	vld.idx.msk [tilespmem:v24+s0+$0x0 ss:$0x1], $0xffff  }
0x100: {  	v29 =	vadd.f32 v30, v29;
	v30 =	vmul.f32 v34, v40;
	v34 =	vld.idx.msk [tilespmem:v25+s0+$0x0 ss:$0x1], $0xffff;
	s0 =	sor.u32 $0x470, s26  }
0x101: {  	v32 =	vmul.f32 v32, v39;
	v33 =	vadd.f32 v33, v36;
	v36 =	vld.idx.msk [tilespmem:v24+s0+$0x0 ss:$0x1], $0xffff  }
0x102: {  	v27 =	vmul.f32 v28, v27;
	v28 =	vmul.f32 v37, v47;
	v29 =	vadd.f32 v30, v29;
	v30 =	vld.idx.msk [tilespmem:v25+s0+$0x0 ss:$0x1], $0xffff  }
0x103: {  	v32 =	vadd.f32 v32, v33;
	v33 =	vmul.f32 v48, v46;
	v37 =	vmul.f32 v50, v49  }
0x104: {  	v39 =	vmul.f32 v52, v51;
	v35 =	vmul.f32 v35, v53  }
0x105: {  	v27 =	vadd.f32 v27, v29;
	v29 =	vmul.f32 v45, v44;
	v28 =	vadd.f32 v28, v32  }
0x106: {  	v32 =	vadd.f32 v39, v33;
	v33 =	vadd.f32 v35, v37;
	v34 =	vmul.f32 v34, v38  }
0x107: {  	v27 =	vadd.f32 v28, v27;
	v28 =	vmul.f32 v43, v31  }
0x108: {  	v29 =	vadd.f32 v29, v32;
	v31 =	vadd.f32 v34, v33;
	v30 =	vmul.f32 v30, v36  }
0x109: {  	s31 =	sshll.u32 s29, $0x8  }
0x10a: {  	s0 =	sor.u32 $0xE0, s30;
	v29 =	vadd.f32 v28, v29;
	v30 =	vadd.f32 v30, v31;
	[tilespmem:s31+$0x18400] =	vst v27  }
0x10b: {  	v27 =	vld.idx.msk [tilespmem:v24+s0+$0x0 ss:$0x1], $0xffff  }
0x10c: {  	v31 =	vadd.f32 v30, v29;
	v28 =	vld.idx.msk [tilespmem:v25+s0+$0x0 ss:$0x1], $0xffff;
	s0 =	sor.u32 $0xF0, s30  }
0x10d: {  	v29 =	vld.idx.msk [tilespmem:v24+s0+$0x0 ss:$0x1], $0xffff  }
0x10e: {  	v30 =	vld.idx.msk [tilespmem:v25+s0+$0x0 ss:$0x1], $0xffff;
	[tilespmem:s25+$0x18480] =	vst v31;
	s0 =	sor.u32 $0x4E0, s26  }
0x10f: {  	v31 =	vld.idx.msk [tilespmem:v24+s0+$0x0 ss:$0x1], $0xffff  }
0x110: {  	s3 =	sor.u32 $0x4C0, s26;
	v32 =	vld.idx.msk [tilespmem:v25+s0+$0x0 ss:$0x1], $0xffff  }
0x111: {  	v33 =	vld.idx.msk [tilespmem:v24+s3+$0x0 ss:$0x1], $0xffff  }
0x112: {  	s0 =	sor.u32 $0x480, s26;
	v34 =	vld.idx.msk [tilespmem:v25+s3+$0x0 ss:$0x1], $0xffff  }
0x113: {  	v35 =	vld.idx.msk [tilespmem:v24+s0+$0x0 ss:$0x1], $0xffff  }
0x114: {  	v36 =	vld.idx.msk [tilespmem:v25+s0+$0x0 ss:$0x1], $0xffff;
	s0 =	sor.u32 $0x490, s26  }
0x115: {  	v37 =	vld.idx.msk [tilespmem:v24+s0+$0x0 ss:$0x1], $0xffff  }
0x116: {  	v38 =	vld.idx.msk [tilespmem:v25+s0+$0x0 ss:$0x1], $0xffff;
	s0 =	sor.u32 $0x4A0, s26  }
0x117: {  	v39 =	vld.idx.msk [tilespmem:v24+s0+$0x0 ss:$0x1], $0xffff  }
0x118: {  	v40 =	vld.idx.msk [tilespmem:v25+s0+$0x0 ss:$0x1], $0xffff;
	s0 =	sor.u32 $0x4B0, s26  }
0x119: {  	v41 =	vld.idx.msk [tilespmem:v24+s0+$0x0 ss:$0x1], $0xffff  }
0x11a: {  	v42 =	vld.idx.msk [tilespmem:v25+s0+$0x0 ss:$0x1], $0xffff;
	s0 =	sor.u32 $0x4D0, s26  }
0x11b: {  	v43 =	vld.idx.msk [tilespmem:v24+s0+$0x0 ss:$0x1], $0xffff  }
0x11c: {  	v44 =	vld.idx.msk [tilespmem:v25+s0+$0x0 ss:$0x1], $0xffff;
	s0 =	sor.u32 $0x4F0, s26  }
0x11d: {  	v45 =	vld.idx.msk [tilespmem:v24+s0+$0x0 ss:$0x1], $0xffff  }
0x11e: {  	s3 =	sor.u32 $0xC0, s30;
	v46 =	vld.idx.msk [tilespmem:v25+s0+$0x0 ss:$0x1], $0xffff  }
0x11f: {  	v35 =	vmul.f32 v36, v35;
	v36 =	vmul.f32 v38, v37;
	v47 =	vld.idx.msk [tilespmem:v24+s3+$0x0 ss:$0x1], $0xffff  }
0x120: {  	v38 =	vmul.f32 v40, v39;
	s0 =	sor.u32 $0xD0, s30;
	v39 =	vmul.f32 v42, v41;
	v37 =	vld.idx.msk [tilespmem:v25+s3+$0x0 ss:$0x1], $0xffff  }
0x121: {  	v33 =	vmul.f32 v34, v33;
	v40 =	vld.idx.msk [tilespmem:v24+s0+$0x0 ss:$0x1], $0xffff  }
0x122: {  	v35 =	vadd.f32 v38, v35;
	s3 =	sor.u32 $0x80, s30;
	v36 =	vadd.f32 v39, v36;
	v38 =	vmul.f32 v44, v43;
	v34 =	vld.idx.msk [tilespmem:v25+s0+$0x0 ss:$0x1], $0xffff  }
0x123: {  	v31 =	vmul.f32 v32, v31;
	v39 =	vld.idx.msk [tilespmem:v24+s3+$0x0 ss:$0x1], $0xffff  }
0x124: {  	v33 =	vadd.f32 v33, v35;
	s0 =	sor.u32 $0x90, s30;
	v35 =	vadd.f32 v38, v36;
	v36 =	vmul.f32 v46, v45;
	v32 =	vld.idx.msk [tilespmem:v25+s3+$0x0 ss:$0x1], $0xffff  }
0x125: {  	v38 =	vld.idx.msk [tilespmem:v24+s0+$0x0 ss:$0x1], $0xffff  }
0x126: {  	v31 =	vadd.f32 v31, v33;
	v33 =	vadd.f32 v36, v35;
	v41 =	vld.idx.msk [tilespmem:v25+s0+$0x0 ss:$0x1], $0xffff;
	s0 =	sor.u32 $0xA0, s30  }
0x127: {  	v35 =	vld.idx.msk [tilespmem:v24+s0+$0x0 ss:$0x1], $0xffff  }
0x128: {  	v31 =	vadd.f32 v33, v31;
	v36 =	vld.idx.msk [tilespmem:v25+s0+$0x0 ss:$0x1], $0xffff;
	s0 =	sor.u32 $0xB0, s30  }
0x129: {  	v33 =	vld.idx.msk [tilespmem:v24+s0+$0x0 ss:$0x1], $0xffff  }
0x12a: {  	v42 =	vld.idx.msk [tilespmem:v25+s0+$0x0 ss:$0x1], $0xffff;
	[tilespmem:s25+$0x18490] =	vst v31;
	s0 =	sor.u32 $0x560, s26  }
0x12b: {  	v31 =	vld.idx.msk [tilespmem:v24+s0+$0x0 ss:$0x1], $0xffff  }
0x12c: {  	s3 =	sor.u32 $0x540, s26;
	v43 =	vld.idx.msk [tilespmem:v25+s0+$0x0 ss:$0x1], $0xffff  }
0x12d: {  	v44 =	vld.idx.msk [tilespmem:v24+s3+$0x0 ss:$0x1], $0xffff  }
0x12e: {  	s0 =	sor.u32 $0x500, s26;
	v45 =	vld.idx.msk [tilespmem:v25+s3+$0x0 ss:$0x1], $0xffff  }
0x12f: {  	v46 =	vld.idx.msk [tilespmem:v24+s0+$0x0 ss:$0x1], $0xffff  }
0x130: {  	v48 =	vld.idx.msk [tilespmem:v25+s0+$0x0 ss:$0x1], $0xffff;
	s0 =	sor.u32 $0x510, s26  }
0x131: {  	v49 =	vld.idx.msk [tilespmem:v24+s0+$0x0 ss:$0x1], $0xffff  }
0x132: {  	v50 =	vld.idx.msk [tilespmem:v25+s0+$0x0 ss:$0x1], $0xffff;
	s0 =	sor.u32 $0x520, s26  }
0x133: {  	v51 =	vld.idx.msk [tilespmem:v24+s0+$0x0 ss:$0x1], $0xffff  }
0x134: {  	v52 =	vld.idx.msk [tilespmem:v25+s0+$0x0 ss:$0x1], $0xffff;
	s0 =	sor.u32 $0x530, s26  }
0x135: {  	v53 =	vld.idx.msk [tilespmem:v24+s0+$0x0 ss:$0x1], $0xffff  }
0x136: {  	v32 =	vmul.f32 v32, v39;
	v35 =	vmul.f32 v36, v35;
	v36 =	vld.idx.msk [tilespmem:v25+s0+$0x0 ss:$0x1], $0xffff;
	s0 =	sor.u32 $0x550, s26  }
0x137: {  	v38 =	vmul.f32 v41, v38;
	v33 =	vmul.f32 v42, v33;
	v39 =	vld.idx.msk [tilespmem:v24+s0+$0x0 ss:$0x1], $0xffff  }
0x138: {  	v32 =	vadd.f32 v35, v32;
	v35 =	vmul.f32 v37, v47;
	v37 =	vld.idx.msk [tilespmem:v25+s0+$0x0 ss:$0x1], $0xffff;
	s0 =	sor.u32 $0x570, s26  }
0x139: {  	v34 =	vmul.f32 v34, v40;
	v33 =	vadd.f32 v33, v38;
	v38 =	vld.idx.msk [tilespmem:v24+s0+$0x0 ss:$0x1], $0xffff  }
0x13a: {  	v27 =	vmul.f32 v28, v27;
	v28 =	vmul.f32 v30, v29;
	v32 =	vadd.f32 v35, v32;
	v29 =	vld.idx.msk [tilespmem:v25+s0+$0x0 ss:$0x1], $0xffff  }
0x13b: {  	v30 =	vadd.f32 v34, v33;
	v33 =	vmul.f32 v48, v46;
	v34 =	vmul.f32 v50, v49  }
0x13c: {  	v35 =	vmul.f32 v52, v51;
	v36 =	vmul.f32 v36, v53  }
0x13d: {  	v27 =	vadd.f32 v27, v32;
	v28 =	vadd.f32 v28, v30;
	v30 =	vmul.f32 v45, v44  }
0x13e: {  	v32 =	vadd.f32 v35, v33;
	v33 =	vadd.f32 v36, v34;
	v34 =	vmul.f32 v37, v39  }
0x13f: {  	v27 =	vadd.f32 v28, v27;
	v28 =	vmul.f32 v43, v31  }
0x140: {  	v30 =	vadd.f32 v30, v32;
	v31 =	vadd.f32 v34, v33;
	v29 =	vmul.f32 v29, v38;
	_ =	sdelay $0x1  }
0x141: {  	s0 =	sor.u32 $0x160, s30;
	v30 =	vadd.f32 v28, v30;
	v29 =	vadd.f32 v29, v31;
	[tilespmem:s31+$0x18410] =	vst v27  }
0x142: {  	v27 =	vld.idx.msk [tilespmem:v24+s0+$0x0 ss:$0x1], $0xffff  }
0x143: {  	v31 =	vadd.f32 v29, v30;
	v28 =	vld.idx.msk [tilespmem:v25+s0+$0x0 ss:$0x1], $0xffff;
	s0 =	sor.u32 $0x170, s30  }
0x144: {  	v29 =	vld.idx.msk [tilespmem:v24+s0+$0x0 ss:$0x1], $0xffff  }
0x145: {  	v30 =	vld.idx.msk [tilespmem:v25+s0+$0x0 ss:$0x1], $0xffff;
	[tilespmem:s25+$0x184A0] =	vst v31;
	s0 =	sor.u32 $0x5E0, s26  }
0x146: {  	v31 =	vld.idx.msk [tilespmem:v24+s0+$0x0 ss:$0x1], $0xffff  }
0x147: {  	s3 =	sor.u32 $0x5C0, s26;
	v32 =	vld.idx.msk [tilespmem:v25+s0+$0x0 ss:$0x1], $0xffff  }
0x148: {  	v33 =	vld.idx.msk [tilespmem:v24+s3+$0x0 ss:$0x1], $0xffff  }
0x149: {  	s0 =	sor.u32 $0x580, s26;
	v34 =	vld.idx.msk [tilespmem:v25+s3+$0x0 ss:$0x1], $0xffff  }
0x14a: {  	v35 =	vld.idx.msk [tilespmem:v24+s0+$0x0 ss:$0x1], $0xffff  }
0x14b: {  	v36 =	vld.idx.msk [tilespmem:v25+s0+$0x0 ss:$0x1], $0xffff;
	s0 =	sor.u32 $0x590, s26  }
0x14c: {  	v37 =	vld.idx.msk [tilespmem:v24+s0+$0x0 ss:$0x1], $0xffff  }
0x14d: {  	v38 =	vld.idx.msk [tilespmem:v25+s0+$0x0 ss:$0x1], $0xffff;
	s0 =	sor.u32 $0x5A0, s26  }
0x14e: {  	v39 =	vld.idx.msk [tilespmem:v24+s0+$0x0 ss:$0x1], $0xffff  }
0x14f: {  	v40 =	vld.idx.msk [tilespmem:v25+s0+$0x0 ss:$0x1], $0xffff;
	s0 =	sor.u32 $0x5B0, s26  }
0x150: {  	v41 =	vld.idx.msk [tilespmem:v24+s0+$0x0 ss:$0x1], $0xffff  }
0x151: {  	v42 =	vld.idx.msk [tilespmem:v25+s0+$0x0 ss:$0x1], $0xffff;
	s0 =	sor.u32 $0x5D0, s26  }
0x152: {  	v43 =	vld.idx.msk [tilespmem:v24+s0+$0x0 ss:$0x1], $0xffff  }
0x153: {  	v44 =	vld.idx.msk [tilespmem:v25+s0+$0x0 ss:$0x1], $0xffff;
	s0 =	sor.u32 $0x5F0, s26  }
0x154: {  	v45 =	vld.idx.msk [tilespmem:v24+s0+$0x0 ss:$0x1], $0xffff  }
0x155: {  	s3 =	sor.u32 $0x140, s30;
	v46 =	vld.idx.msk [tilespmem:v25+s0+$0x0 ss:$0x1], $0xffff  }
0x156: {  	v35 =	vmul.f32 v36, v35;
	v36 =	vmul.f32 v38, v37;
	v47 =	vld.idx.msk [tilespmem:v24+s3+$0x0 ss:$0x1], $0xffff  }
0x157: {  	v38 =	vmul.f32 v40, v39;
	s0 =	sor.u32 $0x150, s30;
	v39 =	vmul.f32 v42, v41;
	v37 =	vld.idx.msk [tilespmem:v25+s3+$0x0 ss:$0x1], $0xffff  }
0x158: {  	v33 =	vmul.f32 v34, v33;
	v40 =	vld.idx.msk [tilespmem:v24+s0+$0x0 ss:$0x1], $0xffff  }
0x159: {  	v35 =	vadd.f32 v38, v35;
	s3 =	sor.u32 $0x100, s30;
	v36 =	vadd.f32 v39, v36;
	v38 =	vmul.f32 v44, v43;
	v34 =	vld.idx.msk [tilespmem:v25+s0+$0x0 ss:$0x1], $0xffff  }
0x15a: {  	v31 =	vmul.f32 v32, v31;
	v39 =	vld.idx.msk [tilespmem:v24+s3+$0x0 ss:$0x1], $0xffff  }
0x15b: {  	v33 =	vadd.f32 v33, v35;
	s0 =	sor.u32 $0x110, s30;
	v35 =	vadd.f32 v38, v36;
	v36 =	vmul.f32 v46, v45;
	v32 =	vld.idx.msk [tilespmem:v25+s3+$0x0 ss:$0x1], $0xffff  }
0x15c: {  	v38 =	vld.idx.msk [tilespmem:v24+s0+$0x0 ss:$0x1], $0xffff  }
0x15d: {  	v31 =	vadd.f32 v31, v33;
	v33 =	vadd.f32 v36, v35;
	v41 =	vld.idx.msk [tilespmem:v25+s0+$0x0 ss:$0x1], $0xffff;
	s0 =	sor.u32 $0x120, s30  }
0x15e: {  	v35 =	vld.idx.msk [tilespmem:v24+s0+$0x0 ss:$0x1], $0xffff  }
0x15f: {  	v31 =	vadd.f32 v33, v31;
	v36 =	vld.idx.msk [tilespmem:v25+s0+$0x0 ss:$0x1], $0xffff;
	s0 =	sor.u32 $0x130, s30  }
0x160: {  	v33 =	vld.idx.msk [tilespmem:v24+s0+$0x0 ss:$0x1], $0xffff  }
0x161: {  	v42 =	vld.idx.msk [tilespmem:v25+s0+$0x0 ss:$0x1], $0xffff;
	[tilespmem:s25+$0x184B0] =	vst v31;
	s0 =	sor.u32 $0x660, s26  }
0x162: {  	v31 =	vld.idx.msk [tilespmem:v24+s0+$0x0 ss:$0x1], $0xffff  }
0x163: {  	s3 =	sor.u32 $0x640, s26;
	v43 =	vld.idx.msk [tilespmem:v25+s0+$0x0 ss:$0x1], $0xffff  }
0x164: {  	v44 =	vld.idx.msk [tilespmem:v24+s3+$0x0 ss:$0x1], $0xffff  }
0x165: {  	s0 =	sor.u32 $0x600, s26;
	v45 =	vld.idx.msk [tilespmem:v25+s3+$0x0 ss:$0x1], $0xffff  }
0x166: {  	v46 =	vld.idx.msk [tilespmem:v24+s0+$0x0 ss:$0x1], $0xffff  }
0x167: {  	v48 =	vld.idx.msk [tilespmem:v25+s0+$0x0 ss:$0x1], $0xffff;
	s0 =	sor.u32 $0x610, s26  }
0x168: {  	v49 =	vld.idx.msk [tilespmem:v24+s0+$0x0 ss:$0x1], $0xffff  }
0x169: {  	v50 =	vld.idx.msk [tilespmem:v25+s0+$0x0 ss:$0x1], $0xffff;
	s0 =	sor.u32 $0x620, s26  }
0x16a: {  	v51 =	vld.idx.msk [tilespmem:v24+s0+$0x0 ss:$0x1], $0xffff  }
0x16b: {  	v52 =	vld.idx.msk [tilespmem:v25+s0+$0x0 ss:$0x1], $0xffff;
	s0 =	sor.u32 $0x630, s26  }
0x16c: {  	v53 =	vld.idx.msk [tilespmem:v24+s0+$0x0 ss:$0x1], $0xffff  }
0x16d: {  	v32 =	vmul.f32 v32, v39;
	v35 =	vmul.f32 v36, v35;
	v36 =	vld.idx.msk [tilespmem:v25+s0+$0x0 ss:$0x1], $0xffff;
	s0 =	sor.u32 $0x650, s26  }
0x16e: {  	v38 =	vmul.f32 v41, v38;
	v33 =	vmul.f32 v42, v33;
	v39 =	vld.idx.msk [tilespmem:v24+s0+$0x0 ss:$0x1], $0xffff  }
0x16f: {  	v32 =	vadd.f32 v35, v32;
	v35 =	vmul.f32 v37, v47;
	v37 =	vld.idx.msk [tilespmem:v25+s0+$0x0 ss:$0x1], $0xffff;
	s0 =	sor.u32 $0x670, s26  }
0x170: {  	v34 =	vmul.f32 v34, v40;
	v33 =	vadd.f32 v33, v38;
	v38 =	vld.idx.msk [tilespmem:v24+s0+$0x0 ss:$0x1], $0xffff  }
0x171: {  	v27 =	vmul.f32 v28, v27;
	v28 =	vmul.f32 v30, v29;
	v32 =	vadd.f32 v35, v32;
	v29 =	vld.idx.msk [tilespmem:v25+s0+$0x0 ss:$0x1], $0xffff  }
0x172: {  	v30 =	vadd.f32 v34, v33;
	v33 =	vmul.f32 v48, v46;
	v34 =	vmul.f32 v50, v49  }
0x173: {  	v35 =	vmul.f32 v52, v51;
	v36 =	vmul.f32 v36, v53  }
0x174: {  	v27 =	vadd.f32 v27, v32;
	v28 =	vadd.f32 v28, v30;
	v30 =	vmul.f32 v45, v44  }
0x175: {  	v32 =	vadd.f32 v35, v33;
	v33 =	vadd.f32 v36, v34;
	v34 =	vmul.f32 v37, v39  }
0x176: {  	v27 =	vadd.f32 v28, v27;
	v28 =	vmul.f32 v43, v31  }
0x177: {  	v30 =	vadd.f32 v30, v32;
	v31 =	vadd.f32 v34, v33;
	v29 =	vmul.f32 v29, v38;
	_ =	sdelay $0x1  }
0x178: {  	s0 =	sor.u32 $0x1E0, s30;
	v30 =	vadd.f32 v28, v30;
	v29 =	vadd.f32 v29, v31;
	[tilespmem:s31+$0x18420] =	vst v27  }
0x179: {  	v27 =	vld.idx.msk [tilespmem:v24+s0+$0x0 ss:$0x1], $0xffff  }
0x17a: {  	v31 =	vadd.f32 v29, v30;
	v28 =	vld.idx.msk [tilespmem:v25+s0+$0x0 ss:$0x1], $0xffff;
	s0 =	sor.u32 $0x1F0, s30  }
0x17b: {  	v29 =	vld.idx.msk [tilespmem:v24+s0+$0x0 ss:$0x1], $0xffff  }
0x17c: {  	v30 =	vld.idx.msk [tilespmem:v25+s0+$0x0 ss:$0x1], $0xffff;
	[tilespmem:s25+$0x184C0] =	vst v31;
	s0 =	sor.u32 $0x6E0, s26  }
0x17d: {  	v31 =	vld.idx.msk [tilespmem:v24+s0+$0x0 ss:$0x1], $0xffff  }
0x17e: {  	s3 =	sor.u32 $0x6C0, s26;
	v32 =	vld.idx.msk [tilespmem:v25+s0+$0x0 ss:$0x1], $0xffff  }
0x17f: {  	v33 =	vld.idx.msk [tilespmem:v24+s3+$0x0 ss:$0x1], $0xffff  }
0x180: {  	s0 =	sor.u32 $0x680, s26;
	v34 =	vld.idx.msk [tilespmem:v25+s3+$0x0 ss:$0x1], $0xffff  }
0x181: {  	v35 =	vld.idx.msk [tilespmem:v24+s0+$0x0 ss:$0x1], $0xffff  }
0x182: {  	v36 =	vld.idx.msk [tilespmem:v25+s0+$0x0 ss:$0x1], $0xffff;
	s0 =	sor.u32 $0x690, s26  }
0x183: {  	v37 =	vld.idx.msk [tilespmem:v24+s0+$0x0 ss:$0x1], $0xffff  }
0x184: {  	v38 =	vld.idx.msk [tilespmem:v25+s0+$0x0 ss:$0x1], $0xffff;
	s0 =	sor.u32 $0x6A0, s26  }
0x185: {  	v39 =	vld.idx.msk [tilespmem:v24+s0+$0x0 ss:$0x1], $0xffff  }
0x186: {  	v40 =	vld.idx.msk [tilespmem:v25+s0+$0x0 ss:$0x1], $0xffff;
	s0 =	sor.u32 $0x6B0, s26  }
0x187: {  	v41 =	vld.idx.msk [tilespmem:v24+s0+$0x0 ss:$0x1], $0xffff  }
0x188: {  	v42 =	vld.idx.msk [tilespmem:v25+s0+$0x0 ss:$0x1], $0xffff;
	s0 =	sor.u32 $0x6D0, s26  }
0x189: {  	v43 =	vld.idx.msk [tilespmem:v24+s0+$0x0 ss:$0x1], $0xffff  }
0x18a: {  	v44 =	vld.idx.msk [tilespmem:v25+s0+$0x0 ss:$0x1], $0xffff;
	s0 =	sor.u32 $0x6F0, s26  }
0x18b: {  	v45 =	vld.idx.msk [tilespmem:v24+s0+$0x0 ss:$0x1], $0xffff  }
0x18c: {  	s3 =	sor.u32 $0x1C0, s30;
	v46 =	vld.idx.msk [tilespmem:v25+s0+$0x0 ss:$0x1], $0xffff  }
0x18d: {  	v35 =	vmul.f32 v36, v35;
	v36 =	vmul.f32 v38, v37;
	v47 =	vld.idx.msk [tilespmem:v24+s3+$0x0 ss:$0x1], $0xffff  }
0x18e: {  	v38 =	vmul.f32 v40, v39;
	s0 =	sor.u32 $0x1D0, s30;
	v39 =	vmul.f32 v42, v41;
	v37 =	vld.idx.msk [tilespmem:v25+s3+$0x0 ss:$0x1], $0xffff  }
0x18f: {  	v33 =	vmul.f32 v34, v33;
	v40 =	vld.idx.msk [tilespmem:v24+s0+$0x0 ss:$0x1], $0xffff  }
0x190: {  	v35 =	vadd.f32 v38, v35;
	s3 =	sor.u32 $0x180, s30;
	v36 =	vadd.f32 v39, v36;
	v38 =	vmul.f32 v44, v43;
	v34 =	vld.idx.msk [tilespmem:v25+s0+$0x0 ss:$0x1], $0xffff  }
0x191: {  	v31 =	vmul.f32 v32, v31;
	v39 =	vld.idx.msk [tilespmem:v24+s3+$0x0 ss:$0x1], $0xffff  }
0x192: {  	v33 =	vadd.f32 v33, v35;
	s0 =	sor.u32 $0x190, s30;
	v35 =	vadd.f32 v38, v36;
	v36 =	vmul.f32 v46, v45;
	v32 =	vld.idx.msk [tilespmem:v25+s3+$0x0 ss:$0x1], $0xffff  }
0x193: {  	v38 =	vld.idx.msk [tilespmem:v24+s0+$0x0 ss:$0x1], $0xffff  }
0x194: {  	v31 =	vadd.f32 v31, v33;
	v33 =	vadd.f32 v36, v35;
	v41 =	vld.idx.msk [tilespmem:v25+s0+$0x0 ss:$0x1], $0xffff;
	s0 =	sor.u32 $0x1A0, s30  }
0x195: {  	v35 =	vld.idx.msk [tilespmem:v24+s0+$0x0 ss:$0x1], $0xffff  }
0x196: {  	v31 =	vadd.f32 v33, v31;
	v36 =	vld.idx.msk [tilespmem:v25+s0+$0x0 ss:$0x1], $0xffff;
	s0 =	sor.u32 $0x1B0, s30  }
0x197: {  	v33 =	vld.idx.msk [tilespmem:v24+s0+$0x0 ss:$0x1], $0xffff  }
0x198: {  	v42 =	vld.idx.msk [tilespmem:v25+s0+$0x0 ss:$0x1], $0xffff;
	[tilespmem:s25+$0x184D0] =	vst v31;
	s0 =	sor.u32 $0x760, s26  }
0x199: {  	v31 =	vld.idx.msk [tilespmem:v24+s0+$0x0 ss:$0x1], $0xffff  }
0x19a: {  	s3 =	sor.u32 $0x740, s26;
	v43 =	vld.idx.msk [tilespmem:v25+s0+$0x0 ss:$0x1], $0xffff  }
0x19b: {  	v44 =	vld.idx.msk [tilespmem:v24+s3+$0x0 ss:$0x1], $0xffff  }
0x19c: {  	s0 =	sor.u32 $0x700, s26;
	v45 =	vld.idx.msk [tilespmem:v25+s3+$0x0 ss:$0x1], $0xffff  }
0x19d: {  	v46 =	vld.idx.msk [tilespmem:v24+s0+$0x0 ss:$0x1], $0xffff  }
0x19e: {  	v48 =	vld.idx.msk [tilespmem:v25+s0+$0x0 ss:$0x1], $0xffff;
	s0 =	sor.u32 $0x710, s26  }
0x19f: {  	v49 =	vld.idx.msk [tilespmem:v24+s0+$0x0 ss:$0x1], $0xffff  }
0x1a0: {  	v50 =	vld.idx.msk [tilespmem:v25+s0+$0x0 ss:$0x1], $0xffff;
	s0 =	sor.u32 $0x720, s26  }
0x1a1: {  	v51 =	vld.idx.msk [tilespmem:v24+s0+$0x0 ss:$0x1], $0xffff  }
0x1a2: {  	v52 =	vld.idx.msk [tilespmem:v25+s0+$0x0 ss:$0x1], $0xffff;
	s0 =	sor.u32 $0x730, s26  }
0x1a3: {  	v53 =	vld.idx.msk [tilespmem:v24+s0+$0x0 ss:$0x1], $0xffff  }
0x1a4: {  	v32 =	vmul.f32 v32, v39;
	v35 =	vmul.f32 v36, v35;
	v36 =	vld.idx.msk [tilespmem:v25+s0+$0x0 ss:$0x1], $0xffff;
	s0 =	sor.u32 $0x750, s26  }
0x1a5: {  	v38 =	vmul.f32 v41, v38;
	v33 =	vmul.f32 v42, v33;
	v39 =	vld.idx.msk [tilespmem:v24+s0+$0x0 ss:$0x1], $0xffff  }
0x1a6: {  	v32 =	vadd.f32 v35, v32;
	v35 =	vmul.f32 v37, v47;
	v37 =	vld.idx.msk [tilespmem:v25+s0+$0x0 ss:$0x1], $0xffff;
	s0 =	sor.u32 $0x770, s26  }
0x1a7: {  	v34 =	vmul.f32 v34, v40;
	v33 =	vadd.f32 v33, v38;
	v38 =	vld.idx.msk [tilespmem:v24+s0+$0x0 ss:$0x1], $0xffff  }
0x1a8: {  	v27 =	vmul.f32 v28, v27;
	v28 =	vmul.f32 v30, v29;
	v32 =	vadd.f32 v35, v32;
	v29 =	vld.idx.msk [tilespmem:v25+s0+$0x0 ss:$0x1], $0xffff  }
0x1a9: {  	v30 =	vadd.f32 v34, v33;
	v33 =	vmul.f32 v48, v46;
	v34 =	vmul.f32 v50, v49  }
0x1aa: {  	v35 =	vmul.f32 v52, v51;
	v36 =	vmul.f32 v36, v53  }
0x1ab: {  	v27 =	vadd.f32 v27, v32;
	v28 =	vadd.f32 v28, v30;
	v30 =	vmul.f32 v45, v44  }
0x1ac: {  	v32 =	vadd.f32 v35, v33;
	v33 =	vadd.f32 v36, v34;
	v34 =	vmul.f32 v37, v39  }
0x1ad: {  	v27 =	vadd.f32 v28, v27;
	v28 =	vmul.f32 v43, v31  }
0x1ae: {  	v30 =	vadd.f32 v30, v32;
	v31 =	vadd.f32 v34, v33;
	v29 =	vmul.f32 v29, v38;
	_ =	sdelay $0x1  }
0x1af: {  	s0 =	sor.u32 $0x260, s30;
	v29 =	vadd.f32 v29, v31;
	[tilespmem:s31+$0x18430] =	vst v27;
	v27 =	vadd.f32 v28, v30  }
0x1b0: {  	v28 =	vld.idx.msk [tilespmem:v24+s0+$0x0 ss:$0x1], $0xffff  }
0x1b1: {  	v30 =	vld.idx.msk [tilespmem:v25+s0+$0x0 ss:$0x1], $0xffff;
	s0 =	sor.u32 $0x270, s30;
	v31 =	vadd.f32 v29, v27  }
0x1b2: {  	v27 =	vld.idx.msk [tilespmem:v24+s0+$0x0 ss:$0x1], $0xffff  }
0x1b3: {  	v29 =	vld.idx.msk [tilespmem:v25+s0+$0x0 ss:$0x1], $0xffff;
	[tilespmem:s25+$0x184E0] =	vst v31;
	s0 =	sor.u32 $0x7E0, s26  }
0x1b4: {  	v31 =	vld.idx.msk [tilespmem:v24+s0+$0x0 ss:$0x1], $0xffff  }
0x1b5: {  	s3 =	sor.u32 $0x7C0, s26;
	v32 =	vld.idx.msk [tilespmem:v25+s0+$0x0 ss:$0x1], $0xffff  }
0x1b6: {  	v33 =	vld.idx.msk [tilespmem:v24+s3+$0x0 ss:$0x1], $0xffff  }
0x1b7: {  	s0 =	sor.u32 $0x780, s26;
	v34 =	vld.idx.msk [tilespmem:v25+s3+$0x0 ss:$0x1], $0xffff  }
0x1b8: {  	v35 =	vld.idx.msk [tilespmem:v24+s0+$0x0 ss:$0x1], $0xffff  }
0x1b9: {  	v36 =	vld.idx.msk [tilespmem:v25+s0+$0x0 ss:$0x1], $0xffff;
	s0 =	sor.u32 $0x790, s26  }
0x1ba: {  	v37 =	vld.idx.msk [tilespmem:v24+s0+$0x0 ss:$0x1], $0xffff  }
0x1bb: {  	v38 =	vld.idx.msk [tilespmem:v25+s0+$0x0 ss:$0x1], $0xffff;
	s0 =	sor.u32 $0x7A0, s26  }
0x1bc: {  	v39 =	vld.idx.msk [tilespmem:v24+s0+$0x0 ss:$0x1], $0xffff  }
0x1bd: {  	v40 =	vld.idx.msk [tilespmem:v25+s0+$0x0 ss:$0x1], $0xffff;
	s0 =	sor.u32 $0x7B0, s26  }
0x1be: {  	v41 =	vld.idx.msk [tilespmem:v24+s0+$0x0 ss:$0x1], $0xffff  }
0x1bf: {  	v42 =	vld.idx.msk [tilespmem:v25+s0+$0x0 ss:$0x1], $0xffff;
	s0 =	sor.u32 $0x7D0, s26  }
0x1c0: {  	v43 =	vld.idx.msk [tilespmem:v24+s0+$0x0 ss:$0x1], $0xffff  }
0x1c1: {  	v44 =	vld.idx.msk [tilespmem:v25+s0+$0x0 ss:$0x1], $0xffff;
	s0 =	sor.u32 $0x7F0, s26;
	s26 =	smov.u32 s30  }
0x1c2: {  	v45 =	vld.idx.msk [tilespmem:v24+s0+$0x0 ss:$0x1], $0xffff  }
0x1c3: {  	s3 =	sor.u32 $0x240, s26;
	v46 =	vld.idx.msk [tilespmem:v25+s0+$0x0 ss:$0x1], $0xffff  }
0x1c4: {  	v35 =	vmul.f32 v36, v35;
	v36 =	vmul.f32 v38, v37;
	v47 =	vld.idx.msk [tilespmem:v24+s3+$0x0 ss:$0x1], $0xffff  }
0x1c5: {  	v38 =	vmul.f32 v40, v39;
	s0 =	sor.u32 $0x250, s26;
	v39 =	vmul.f32 v42, v41;
	v37 =	vld.idx.msk [tilespmem:v25+s3+$0x0 ss:$0x1], $0xffff  }
0x1c6: {  	v33 =	vmul.f32 v34, v33;
	s3 =	sor.u32 $0x200, s26;
	v40 =	vld.idx.msk [tilespmem:v24+s0+$0x0 ss:$0x1], $0xffff  }
0x1c7: {  	v35 =	vadd.f32 v38, v35;
	v36 =	vadd.f32 v39, v36;
	v38 =	vmul.f32 v44, v43;
	v34 =	vld.idx.msk [tilespmem:v24+s3+$0x0 ss:$0x1], $0xffff  }
0x1c8: {  	v31 =	vmul.f32 v32, v31;
	v39 =	vld.idx.msk [tilespmem:v25+s3+$0x0 ss:$0x1], $0xffff;
	s3 =	sor.u32 $0x210, s26  }
0x1c9: {  	v33 =	vadd.f32 v33, v35;
	v35 =	vadd.f32 v38, v36;
	v36 =	vmul.f32 v46, v45;
	v32 =	vld.idx.msk [tilespmem:v24+s3+$0x0 ss:$0x1], $0xffff  }
0x1ca: {  	v41 =	vor.u32 s25, v0;
	v38 =	vld.idx.msk [tilespmem:v25+s3+$0x0 ss:$0x1], $0xffff;
	s3 =	sor.u32 $0x220, s26  }
0x1cb: {  	v31 =	vadd.f32 v31, v33;
	v33 =	vadd.f32 v36, v35;
	v35 =	vand.u32 v1, v41;
	v42 =	vld.idx.msk [tilespmem:v24+s3+$0x0 ss:$0x1], $0xffff  }
0x1cc: {  	v43 =	vor.u32 s25, v3;
	v41 =	vor.u32 s25, v2;
	v36 =	vld.idx.msk [tilespmem:v25+s3+$0x0 ss:$0x1], $0xffff;
	s3 =	sor.u32 $0x230, s26  }
0x1cd: {  	v31 =	vadd.f32 v33, v31;
	v33 =	vand.u32 v4, v43;
	v44 =	vld.idx.msk [tilespmem:v24+s3+$0x0 ss:$0x1], $0xffff  }
0x1ce: {  	v45 =	vor.u32 s25, v5;
	v46 =	vor.u32 s25, v6;
	v43 =	vld.idx.msk [tilespmem:v25+s3+$0x0 ss:$0x1], $0xffff  }
0x1cf: {  	v48 =	vld.idx.msk [tilespmem:v25+s0+$0x0 ss:$0x1], $0xffff;
	[tilespmem:s25+$0x184F0] =	vst v31;
	v31 =	vand.u32 v7, v46  }
0x1d0: {  	v49 =	vor.u32 s25, v9;
	v46 =	vor.u32 s25, v8;
	v35 =	vld.idx.msk [tilespmem:v35+s20+$0x0], $0xffff  }
0x1d1: {  	v50 =	vor.u32 s25, v18;
	v49 =	vand.u32 v10, v49;
	v51 =	vor.u32 s25, v21;
	v41 =	vld.idx.msk [tilespmem:v41+s20+$0x0], $0xffff  }
0x1d2: {  	v54 =	vor.u32 s25, v15;
	v52 =	vor.u32 s25, v11;
	v53 =	vor.u32 s25, v12;
	v33 =	vld.idx.msk [tilespmem:v33+s20+$0x0], $0xffff  }
0x1d3: {  	v34 =	vmul.f32 v39, v34;
	v39 =	vand.u32 v13, v53;
	v32 =	vmul.f32 v38, v32;
	v38 =	vld.idx.msk [tilespmem:v45+s20+$0x0], $0xffff  }
0x1d4: {  	v36 =	vmul.f32 v36, v42;
	v42 =	vmul.f32 v43, v44;
	v43 =	vor.u32 s25, v14;
	v31 =	vld.idx.msk [tilespmem:v31+s20+$0x0], $0xffff  }
0x1d5: {  	v37 =	vmul.f32 v37, v47;
	v45 =	vand.u32 v16, v54;
	v44 =	vld.idx.msk [tilespmem:v46+s20+$0x0], $0xffff;
	v46 =	vor.u32 s25, v17  }
0x1d6: {  	v34 =	vadd.f32 v36, v34;
	v36 =	vmul.f32 v48, v40;
	v32 =	vadd.f32 v42, v32;
	v40 =	vld.idx.msk [tilespmem:v49+s20+$0x0], $0xffff  }
0x1d7: {  	v28 =	vmul.f32 v30, v28;
	v47 =	vor.u32 s25, v20;
	v42 =	vand.u32 v19, v50;
	v30 =	vld.idx.msk [tilespmem:v52+s20+$0x0], $0xffff  }
0x1d8: {  	v27 =	vmul.f32 v29, v27;
	v34 =	vadd.f32 v37, v34;
	v32 =	vadd.f32 v36, v32;
	v29 =	vld.idx.msk [tilespmem:v39+s20+$0x0], $0xffff  }
0x1d9: {  	v37 =	vand.u32 v22, v51;
	v33 =	vadd.f32 v33, v35;
	v35 =	vadd.f32 v38, v41;
	v36 =	vld.idx.msk [tilespmem:v43+s20+$0x0], $0xffff  }
0x1da: {  	v28 =	vadd.f32 v28, v34;
	v34 =	vor.u32 s25, v23;
	s25 =	smov.u32 s31;
	v27 =	vadd.f32 v27, v32;
	v32 =	vld.idx.msk [tilespmem:v45+s20+$0x0], $0xffff  }
0x1db: {  	v31 =	vadd.f32 v31, v33;
	v33 =	vadd.f32 v44, v35;
	v35 =	vld.idx.msk [tilespmem:v46+s20+$0x0], $0xffff  }
0x1dc: {  	v27 =	vadd.f32 v27, v28;
	v28 =	vld.idx.msk [tilespmem:v42+s20+$0x0], $0xffff  }
0x1dd: {  	v31 =	vadd.f32 v40, v31;
	v30 =	vadd.f32 v30, v33;
	v33 =	vld.idx.msk [tilespmem:v47+s20+$0x0], $0xffff  }
0x1de: {  	v37 =	vld.idx.msk [tilespmem:v37+s20+$0x0], $0xffff  }
0x1df: {  	s0 =	sor.u32 $0x2E0, s26;
	[tilespmem:s25+$0x18440] =	vst v27;
	v27 =	vadd.f32 v29, v31;
	v29 =	vadd.f32 v36, v30;
	v30 =	vld.idx.msk [tilespmem:v34+s20+$0x0], $0xffff  }
0x1e0: {  	v31 =	vld.idx.msk [tilespmem:v24+s0+$0x0 ss:$0x1], $0xffff  }
0x1e1: {  	s3 =	sor.u32 $0x2C0, s26;
	v34 =	vld.idx.msk [tilespmem:v25+s0+$0x0 ss:$0x1], $0xffff;
	v27 =	vadd.f32 v32, v27;
	v29 =	vadd.f32 v35, v29  }
0x1e2: {  	v32 =	vld.idx.msk [tilespmem:v24+s3+$0x0 ss:$0x1], $0xffff  }
0x1e3: {  	s0 =	sor.u32 $0x280, s26;
	v35 =	vld.idx.msk [tilespmem:v25+s3+$0x0 ss:$0x1], $0xffff;
	v27 =	vadd.f32 v28, v27;
	v28 =	vadd.f32 v33, v29  }
0x1e4: {  	v29 =	vld.idx.msk [tilespmem:v24+s0+$0x0 ss:$0x1], $0xffff  }
0x1e5: {  	v33 =	vld.idx.msk [tilespmem:v25+s0+$0x0 ss:$0x1], $0xffff;
	s0 =	sor.u32 $0x290, s26;
	v27 =	vadd.f32 v37, v27;
	v28 =	vadd.f32 v30, v28  }
0x1e6: {  	v30 =	vld.idx.msk [tilespmem:v24+s0+$0x0 ss:$0x1], $0xffff  }
0x1e7: {  	s3 =	sshll.u32 s28, $0x4;
	s28 =	smov.u32 s29;
	v36 =	vld.idx.msk [tilespmem:v25+s0+$0x0 ss:$0x1], $0xffff;
	s0 =	sor.u32 $0x2A0, s26;
	v27 =	vadd.f32 v28, v27  }
0x1e8: {  	s3 =	sand.u32 $0x3FFFFFF0, s3;
	v28 =	vld.idx.msk [tilespmem:v24+s0+$0x0 ss:$0x1], $0xffff  }
0x1e9: {  	v37 =	vld.idx.msk [tilespmem:v25+s0+$0x0 ss:$0x1], $0xffff;
	s0 =	sor.u32 $0x2B0, s26;
	[tilespmem:v26+s3+$0x0 ss:$0x1] =	vst.idx.msk $0xffff, v27  }
0x1ea: {  	v27 =	vld.idx.msk [tilespmem:v24+s0+$0x0 ss:$0x1], $0xffff  }
0x1eb: {  	v38 =	vld.idx.msk [tilespmem:v25+s0+$0x0 ss:$0x1], $0xffff;
	s0 =	sor.u32 $0x2D0, s26  }
0x1ec: {  	v39 =	vld.idx.msk [tilespmem:v24+s0+$0x0 ss:$0x1], $0xffff  }
0x1ed: {  	v40 =	vld.idx.msk [tilespmem:v25+s0+$0x0 ss:$0x1], $0xffff;
	s0 =	sor.u32 $0x2F0, s26  }
0x1ee: {  	v41 =	vld.idx.msk [tilespmem:v24+s0+$0x0 ss:$0x1], $0xffff  }
0x1ef: {  	v42 =	vld.idx.msk [tilespmem:v25+s0+$0x0 ss:$0x1], $0xffff  }
0x1f0: {  	v29 =	vmul.f32 v33, v29;
	v30 =	vmul.f32 v36, v30  }
0x1f1: {  	v28 =	vmul.f32 v37, v28;
	v27 =	vmul.f32 v38, v27  }
0x1f2: {  	v32 =	vmul.f32 v35, v32  }
0x1f3: {  	v28 =	vadd.f32 v28, v29;
	v27 =	vadd.f32 v27, v30;
	v29 =	vmul.f32 v40, v39  }
0x1f4: {  	v30 =	vmul.f32 v34, v31  }
0x1f5: {  	v28 =	vadd.f32 v32, v28;
	v27 =	vadd.f32 v29, v27;
	v29 =	vmul.f32 v42, v41;
	_ =	sdelay $0x1  }
0x1f6: {  	v28 =	vadd.f32 v30, v28;
	v27 =	vadd.f32 v29, v27;
	_ =	sdelay $0x1  }
0x1f7: {  	v27 =	vadd.f32 v27, v28;
	_ =	sdelay $0x1  }
0x1f8: {  	s0 =	sor.u32 $0x360, s26;
	[tilespmem:s25+$0x18450] =	vst v27  }
0x1f9: {  	v27 =	vld.idx.msk [tilespmem:v24+s0+$0x0 ss:$0x1], $0xffff  }
0x1fa: {  	s3 =	sor.u32 $0x340, s26;
	v28 =	vld.idx.msk [tilespmem:v25+s0+$0x0 ss:$0x1], $0xffff  }
0x1fb: {  	v29 =	vld.idx.msk [tilespmem:v24+s3+$0x0 ss:$0x1], $0xffff  }
0x1fc: {  	s0 =	sor.u32 $0x300, s26;
	v30 =	vld.idx.msk [tilespmem:v25+s3+$0x0 ss:$0x1], $0xffff  }
0x1fd: {  	v31 =	vld.idx.msk [tilespmem:v24+s0+$0x0 ss:$0x1], $0xffff  }
.Ltmp0:
0x1fe: {  	v32 =	vld.idx.msk [tilespmem:v25+s0+$0x0 ss:$0x1], $0xffff;
	s0 =	sor.u32 $0x310, s26;
	(pc) =	sbr.rel @!p0 .LBB2_4-.Ltmp0, $4  }
0x1ff: {  	v33 =	vld.idx.msk [tilespmem:v24+s0+$0x0 ss:$0x1], $0xffff  }
0x200: {  	v34 =	vld.idx.msk [tilespmem:v25+s0+$0x0 ss:$0x1], $0xffff;
	s0 =	sor.u32 $0x320, s26  }
0x201: {  	v35 =	vld.idx.msk [tilespmem:v24+s0+$0x0 ss:$0x1], $0xffff  }
0x202: {  	s30 =	sor.u32 $0x330, s26;
	s29 =	sadd.s32 $0x1, s29;
	v36 =	vld.idx.msk [tilespmem:v25+s0+$0x0 ss:$0x1], $0xffff  }
0x203: {  	_ =	sdelay $0x3  }
0x204: {  	v37 =	vld.idx.msk [tilespmem:v24+s30+$0x0 ss:$0x1], $0xffff  }
0x205: {  	v38 =	vld.idx.msk [tilespmem:v25+s30+$0x0 ss:$0x1], $0xffff;
	s0 =	sor.u32 $0x350, s26  }
0x206: {  	v39 =	vld.idx.msk [tilespmem:v24+s0+$0x0 ss:$0x1], $0xffff  }
0x207: {  	s29 =	sor.u32 $0x370, s26;
	v40 =	vld.idx.msk [tilespmem:v25+s0+$0x0 ss:$0x1], $0xffff  }
0x208: {  	v41 =	vld.idx.msk [tilespmem:v24+s29+$0x0 ss:$0x1], $0xffff  }
0x209: {  	v31 =	vmul.f32 v32, v31;
	v42 =	vld.idx.msk [tilespmem:v25+s29+$0x0 ss:$0x1], $0xffff;
	v62 =	vmul.f32 v34, v33  }
0x20a: {  	v63 =	vmul.f32 v36, v35;
	v36 =	vmul.f32 v38, v37  }
0x20b: {  	v29 =	vmul.f32 v30, v29  }
0x20c: {  	v37 =	vadd.f32 v63, v31;
	v40 =	vmul.f32 v40, v39;
	v38 =	vadd.f32 v36, v62  }
0x20d: {  	v27 =	vmul.f32 v28, v27  }
0x20e: {  	v45 =	vmul.f32 v42, v41;
	v43 =	vadd.f32 v29, v37;
	v44 =	vadd.f32 v40, v38;
	_ =	sdelay $0x1  }
0x20f: {  	v27 =	vadd.f32 v27, v43;
	v46 =	vadd.f32 v45, v44;
	_ =	sdelay $0x1  }
0x210: {  	v27 =	vadd.f32 v46, v27;
	_ =	sdelay $0x1  }
0x211: {  	s30 =	sor.u32 $0x3E0, s26;
	[tilespmem:s25+$0x18460] =	vst v27  }
0x212: {  	v27 =	vld.idx.msk [tilespmem:v24+s30+$0x0 ss:$0x1], $0xffff  }
0x213: {  	s3 =	sor.u32 $0x3C0, s26;
	v47 =	vld.idx.msk [tilespmem:v25+s30+$0x0 ss:$0x1], $0xffff  }
0x214: {  	v48 =	vld.idx.msk [tilespmem:v24+s3+$0x0 ss:$0x1], $0xffff  }
0x215: {  	s31 =	sor.u32 $0x380, s26;
	v49 =	vld.idx.msk [tilespmem:v25+s3+$0x0 ss:$0x1], $0xffff  }
0x216: {  	v50 =	vld.idx.msk [tilespmem:v24+s31+$0x0 ss:$0x1], $0xffff  }
0x217: {  	s29 =	sor.u32 $0x3A0, s26;
	v51 =	vld.idx.msk [tilespmem:v25+s31+$0x0 ss:$0x1], $0xffff  }
0x218: {  	v54 =	vld.idx.msk [tilespmem:v24+s29+$0x0 ss:$0x1], $0xffff  }
0x219: {  	s3 =	sor.u32 $0x390, s26;
	v55 =	vld.idx.msk [tilespmem:v25+s29+$0x0 ss:$0x1], $0xffff  }
0x21a: {  	v52 =	vld.idx.msk [tilespmem:v24+s3+$0x0 ss:$0x1], $0xffff  }
0x21b: {  	s30 =	sor.u32 $0x3B0, s26;
	v53 =	vld.idx.msk [tilespmem:v25+s3+$0x0 ss:$0x1], $0xffff  }
0x21c: {  	v56 =	vld.idx.msk [tilespmem:v24+s30+$0x0 ss:$0x1], $0xffff  }
0x21d: {  	s31 =	sor.u32 $0x3D0, s26;
	v57 =	vld.idx.msk [tilespmem:v25+s30+$0x0 ss:$0x1], $0xffff  }
0x21e: {  	v58 =	vld.idx.msk [tilespmem:v24+s31+$0x0 ss:$0x1], $0xffff  }
0x21f: {  	v59 =	vld.idx.msk [tilespmem:v25+s31+$0x0 ss:$0x1], $0xffff;
	s3 =	sor.u32 $0x3F0, s26  }
0x220: {  	v60 =	vld.idx.msk [tilespmem:v24+s3+$0x0 ss:$0x1], $0xffff  }
0x221: {  	v61 =	vld.idx.msk [tilespmem:v25+s3+$0x0 ss:$0x1], $0xffff;
	v31 =	vmul.f32 v51, v50;
	v63 =	vmul.f32 v55, v54  }
0x222: {  	v62 =	vmul.f32 v53, v52;
	v36 =	vmul.f32 v57, v56  }
0x223: {  	v29 =	vmul.f32 v49, v48  }
0x224: {  	v40 =	vmul.f32 v59, v58;
	v37 =	vadd.f32 v63, v31;
	v38 =	vadd.f32 v36, v62  }
0x225: {  	v27 =	vmul.f32 v47, v27  }
0x226: {  	v45 =	vmul.f32 v61, v60;
	v43 =	vadd.f32 v29, v37;
	v44 =	vadd.f32 v40, v38;
	_ =	sdelay $0x1  }
0x227: {  	v27 =	vadd.f32 v27, v43;
	v46 =	vadd.f32 v45, v44;
	_ =	sdelay $0x1  }
0x228: {  	v27 =	vadd.f32 v46, v27;
	_ =	sdelay $0x1  }
0x229: {  	s29 =	sor.u32 $0x460, s26;
	[tilespmem:s25+$0x18470] =	vst v27  }
0x22a: {  	v27 =	vld.idx.msk [tilespmem:v24+s29+$0x0 ss:$0x1], $0xffff  }
0x22b: {  	s30 =	sor.u32 $0x440, s26;
	v47 =	vld.idx.msk [tilespmem:v25+s29+$0x0 ss:$0x1], $0xffff  }
0x22c: {  	v48 =	vld.idx.msk [tilespmem:v24+s30+$0x0 ss:$0x1], $0xffff  }
0x22d: {  	s31 =	sor.u32 $0x400, s26;
	v49 =	vld.idx.msk [tilespmem:v25+s30+$0x0 ss:$0x1], $0xffff  }
0x22e: {  	v50 =	vld.idx.msk [tilespmem:v24+s31+$0x0 ss:$0x1], $0xffff  }
0x22f: {  	s3 =	sor.u32 $0x410, s26;
	v51 =	vld.idx.msk [tilespmem:v25+s31+$0x0 ss:$0x1], $0xffff  }
0x230: {  	v52 =	vld.idx.msk [tilespmem:v24+s3+$0x0 ss:$0x1], $0xffff  }
0x231: {  	v53 =	vld.idx.msk [tilespmem:v25+s3+$0x0 ss:$0x1], $0xffff;
	s29 =	sor.u32 $0x420, s26  }
0x232: {  	v54 =	vld.idx.msk [tilespmem:v24+s29+$0x0 ss:$0x1], $0xffff  }
0x233: {  	s30 =	sor.u32 $0x430, s26;
	v55 =	vld.idx.msk [tilespmem:v25+s29+$0x0 ss:$0x1], $0xffff  }
0x234: {  	v56 =	vld.idx.msk [tilespmem:v24+s30+$0x0 ss:$0x1], $0xffff  }
0x235: {  	s31 =	sor.u32 $0x450, s26;
	v57 =	vld.idx.msk [tilespmem:v25+s30+$0x0 ss:$0x1], $0xffff  }
0x236: {  	v58 =	vld.idx.msk [tilespmem:v24+s31+$0x0 ss:$0x1], $0xffff  }
0x237: {  	s3 =	sor.u32 $0x470, s26;
	v59 =	vld.idx.msk [tilespmem:v25+s31+$0x0 ss:$0x1], $0xffff  }
0x238: {  	v60 =	vld.idx.msk [tilespmem:v24+s3+$0x0 ss:$0x1], $0xffff  }
0x239: {  	v61 =	vld.idx.msk [tilespmem:v25+s3+$0x0 ss:$0x1], $0xffff;
	v31 =	vmul.f32 v51, v50;
	v62 =	vmul.f32 v53, v52  }
0x23a: {  	v63 =	vmul.f32 v55, v54;
	v36 =	vmul.f32 v57, v56  }
0x23b: {  	v29 =	vmul.f32 v49, v48  }
0x23c: {  	v40 =	vmul.f32 v59, v58;
	v37 =	vadd.f32 v63, v31;
	v38 =	vadd.f32 v36, v62  }
0x23d: {  	v27 =	vmul.f32 v47, v27  }
0x23e: {  	v45 =	vmul.f32 v61, v60;
	v43 =	vadd.f32 v29, v37;
	v44 =	vadd.f32 v40, v38;
	_ =	sdelay $0x1  }
0x23f: {  	v27 =	vadd.f32 v27, v43;
	v46 =	vadd.f32 v45, v44;
	_ =	sdelay $0x1  }
0x240: {  	v27 =	vadd.f32 v46, v27;
	_ =	sdelay $0x1  }
0x241: {  	s29 =	sor.u32 $0x4E0, s26;
	[tilespmem:s25+$0x18480] =	vst v27  }
0x242: {  	v27 =	vld.idx.msk [tilespmem:v24+s29+$0x0 ss:$0x1], $0xffff  }
0x243: {  	s30 =	sor.u32 $0x4C0, s26;
	v47 =	vld.idx.msk [tilespmem:v25+s29+$0x0 ss:$0x1], $0xffff  }
0x244: {  	v48 =	vld.idx.msk [tilespmem:v24+s30+$0x0 ss:$0x1], $0xffff  }
0x245: {  	s31 =	sor.u32 $0x480, s26;
	v49 =	vld.idx.msk [tilespmem:v25+s30+$0x0 ss:$0x1], $0xffff  }
0x246: {  	v50 =	vld.idx.msk [tilespmem:v24+s31+$0x0 ss:$0x1], $0xffff  }
0x247: {  	s3 =	sor.u32 $0x490, s26;
	v51 =	vld.idx.msk [tilespmem:v25+s31+$0x0 ss:$0x1], $0xffff  }
0x248: {  	v52 =	vld.idx.msk [tilespmem:v24+s3+$0x0 ss:$0x1], $0xffff  }
0x249: {  	v53 =	vld.idx.msk [tilespmem:v25+s3+$0x0 ss:$0x1], $0xffff;
	s29 =	sor.u32 $0x4A0, s26  }
0x24a: {  	v54 =	vld.idx.msk [tilespmem:v24+s29+$0x0 ss:$0x1], $0xffff  }
0x24b: {  	s30 =	sor.u32 $0x4B0, s26;
	v55 =	vld.idx.msk [tilespmem:v25+s29+$0x0 ss:$0x1], $0xffff  }
0x24c: {  	v56 =	vld.idx.msk [tilespmem:v24+s30+$0x0 ss:$0x1], $0xffff  }
0x24d: {  	s31 =	sor.u32 $0x4D0, s26;
	v57 =	vld.idx.msk [tilespmem:v25+s30+$0x0 ss:$0x1], $0xffff  }
0x24e: {  	v58 =	vld.idx.msk [tilespmem:v24+s31+$0x0 ss:$0x1], $0xffff  }
0x24f: {  	s3 =	sor.u32 $0x4F0, s26;
	v59 =	vld.idx.msk [tilespmem:v25+s31+$0x0 ss:$0x1], $0xffff  }
0x250: {  	v60 =	vld.idx.msk [tilespmem:v24+s3+$0x0 ss:$0x1], $0xffff  }
0x251: {  	v61 =	vld.idx.msk [tilespmem:v25+s3+$0x0 ss:$0x1], $0xffff;
	v31 =	vmul.f32 v51, v50;
	v62 =	vmul.f32 v53, v52  }
0x252: {  	v63 =	vmul.f32 v55, v54;
	v36 =	vmul.f32 v57, v56  }
0x253: {  	v29 =	vmul.f32 v49, v48  }
0x254: {  	v40 =	vmul.f32 v59, v58;
	v37 =	vadd.f32 v63, v31;
	v38 =	vadd.f32 v36, v62  }
0x255: {  	v27 =	vmul.f32 v47, v27  }
0x256: {  	v45 =	vmul.f32 v61, v60;
	v43 =	vadd.f32 v29, v37;
	v44 =	vadd.f32 v40, v38;
	_ =	sdelay $0x1  }
0x257: {  	v27 =	vadd.f32 v27, v43;
	v46 =	vadd.f32 v45, v44;
	_ =	sdelay $0x1  }
0x258: {  	v27 =	vadd.f32 v46, v27;
	_ =	sdelay $0x1  }
0x259: {  	s29 =	sor.u32 $0x560, s26;
	[tilespmem:s25+$0x18490] =	vst v27  }
0x25a: {  	v27 =	vld.idx.msk [tilespmem:v24+s29+$0x0 ss:$0x1], $0xffff  }
0x25b: {  	s30 =	sor.u32 $0x540, s26;
	v47 =	vld.idx.msk [tilespmem:v25+s29+$0x0 ss:$0x1], $0xffff  }
0x25c: {  	v48 =	vld.idx.msk [tilespmem:v24+s30+$0x0 ss:$0x1], $0xffff  }
0x25d: {  	s31 =	sor.u32 $0x500, s26;
	v49 =	vld.idx.msk [tilespmem:v25+s30+$0x0 ss:$0x1], $0xffff  }
0x25e: {  	v50 =	vld.idx.msk [tilespmem:v24+s31+$0x0 ss:$0x1], $0xffff  }
0x25f: {  	s3 =	sor.u32 $0x510, s26;
	v51 =	vld.idx.msk [tilespmem:v25+s31+$0x0 ss:$0x1], $0xffff  }
0x260: {  	v52 =	vld.idx.msk [tilespmem:v24+s3+$0x0 ss:$0x1], $0xffff  }
0x261: {  	v53 =	vld.idx.msk [tilespmem:v25+s3+$0x0 ss:$0x1], $0xffff;
	s29 =	sor.u32 $0x520, s26  }
0x262: {  	v54 =	vld.idx.msk [tilespmem:v24+s29+$0x0 ss:$0x1], $0xffff  }
0x263: {  	s30 =	sor.u32 $0x530, s26;
	v55 =	vld.idx.msk [tilespmem:v25+s29+$0x0 ss:$0x1], $0xffff  }
0x264: {  	v56 =	vld.idx.msk [tilespmem:v24+s30+$0x0 ss:$0x1], $0xffff  }
0x265: {  	s31 =	sor.u32 $0x550, s26;
	v57 =	vld.idx.msk [tilespmem:v25+s30+$0x0 ss:$0x1], $0xffff  }
0x266: {  	v58 =	vld.idx.msk [tilespmem:v24+s31+$0x0 ss:$0x1], $0xffff  }
0x267: {  	s3 =	sor.u32 $0x570, s26;
	v59 =	vld.idx.msk [tilespmem:v25+s31+$0x0 ss:$0x1], $0xffff  }
0x268: {  	v60 =	vld.idx.msk [tilespmem:v24+s3+$0x0 ss:$0x1], $0xffff  }
0x269: {  	v61 =	vld.idx.msk [tilespmem:v25+s3+$0x0 ss:$0x1], $0xffff;
	v31 =	vmul.f32 v51, v50;
	v62 =	vmul.f32 v53, v52  }
0x26a: {  	v63 =	vmul.f32 v55, v54;
	v36 =	vmul.f32 v57, v56  }
0x26b: {  	v29 =	vmul.f32 v49, v48  }
0x26c: {  	v40 =	vmul.f32 v59, v58;
	v37 =	vadd.f32 v63, v31;
	v38 =	vadd.f32 v36, v62  }
0x26d: {  	v27 =	vmul.f32 v47, v27  }
0x26e: {  	v45 =	vmul.f32 v61, v60;
	v43 =	vadd.f32 v29, v37;
	v44 =	vadd.f32 v40, v38;
	_ =	sdelay $0x1  }
0x26f: {  	v27 =	vadd.f32 v27, v43;
	v46 =	vadd.f32 v45, v44;
	_ =	sdelay $0x1  }
0x270: {  	v27 =	vadd.f32 v46, v27;
	_ =	sdelay $0x1  }
0x271: {  	s29 =	sor.u32 $0x5E0, s26;
	[tilespmem:s25+$0x184A0] =	vst v27  }
0x272: {  	v27 =	vld.idx.msk [tilespmem:v24+s29+$0x0 ss:$0x1], $0xffff  }
0x273: {  	s30 =	sor.u32 $0x5C0, s26;
	v47 =	vld.idx.msk [tilespmem:v25+s29+$0x0 ss:$0x1], $0xffff  }
0x274: {  	v48 =	vld.idx.msk [tilespmem:v24+s30+$0x0 ss:$0x1], $0xffff  }
0x275: {  	s31 =	sor.u32 $0x580, s26;
	v49 =	vld.idx.msk [tilespmem:v25+s30+$0x0 ss:$0x1], $0xffff  }
0x276: {  	v50 =	vld.idx.msk [tilespmem:v24+s31+$0x0 ss:$0x1], $0xffff  }
0x277: {  	s3 =	sor.u32 $0x590, s26;
	v51 =	vld.idx.msk [tilespmem:v25+s31+$0x0 ss:$0x1], $0xffff  }
0x278: {  	v52 =	vld.idx.msk [tilespmem:v24+s3+$0x0 ss:$0x1], $0xffff  }
0x279: {  	v53 =	vld.idx.msk [tilespmem:v25+s3+$0x0 ss:$0x1], $0xffff;
	s29 =	sor.u32 $0x5A0, s26  }
0x27a: {  	v54 =	vld.idx.msk [tilespmem:v24+s29+$0x0 ss:$0x1], $0xffff  }
0x27b: {  	s30 =	sor.u32 $0x5B0, s26;
	v55 =	vld.idx.msk [tilespmem:v25+s29+$0x0 ss:$0x1], $0xffff  }
0x27c: {  	v56 =	vld.idx.msk [tilespmem:v24+s30+$0x0 ss:$0x1], $0xffff  }
0x27d: {  	s31 =	sor.u32 $0x5D0, s26;
	v57 =	vld.idx.msk [tilespmem:v25+s30+$0x0 ss:$0x1], $0xffff  }
0x27e: {  	v58 =	vld.idx.msk [tilespmem:v24+s31+$0x0 ss:$0x1], $0xffff  }
0x27f: {  	s3 =	sor.u32 $0x5F0, s26;
	v59 =	vld.idx.msk [tilespmem:v25+s31+$0x0 ss:$0x1], $0xffff  }
0x280: {  	v60 =	vld.idx.msk [tilespmem:v24+s3+$0x0 ss:$0x1], $0xffff  }
0x281: {  	v61 =	vld.idx.msk [tilespmem:v25+s3+$0x0 ss:$0x1], $0xffff;
	v31 =	vmul.f32 v51, v50;
	v62 =	vmul.f32 v53, v52  }
0x282: {  	v63 =	vmul.f32 v55, v54;
	v36 =	vmul.f32 v57, v56  }
0x283: {  	v29 =	vmul.f32 v49, v48  }
0x284: {  	v40 =	vmul.f32 v59, v58;
	v37 =	vadd.f32 v63, v31;
	v38 =	vadd.f32 v36, v62  }
0x285: {  	v27 =	vmul.f32 v47, v27  }
0x286: {  	v45 =	vmul.f32 v61, v60;
	v43 =	vadd.f32 v29, v37;
	v44 =	vadd.f32 v40, v38;
	_ =	sdelay $0x1  }
0x287: {  	v27 =	vadd.f32 v27, v43;
	v46 =	vadd.f32 v45, v44;
	_ =	sdelay $0x1  }
0x288: {  	v27 =	vadd.f32 v46, v27;
	_ =	sdelay $0x1  }
0x289: {  	s29 =	sor.u32 $0x660, s26;
	[tilespmem:s25+$0x184B0] =	vst v27  }
0x28a: {  	v27 =	vld.idx.msk [tilespmem:v24+s29+$0x0 ss:$0x1], $0xffff  }
0x28b: {  	s30 =	sor.u32 $0x640, s26;
	v47 =	vld.idx.msk [tilespmem:v25+s29+$0x0 ss:$0x1], $0xffff  }
0x28c: {  	v48 =	vld.idx.msk [tilespmem:v24+s30+$0x0 ss:$0x1], $0xffff  }
0x28d: {  	s31 =	sor.u32 $0x600, s26;
	v49 =	vld.idx.msk [tilespmem:v25+s30+$0x0 ss:$0x1], $0xffff  }
0x28e: {  	v50 =	vld.idx.msk [tilespmem:v24+s31+$0x0 ss:$0x1], $0xffff  }
0x28f: {  	s3 =	sor.u32 $0x610, s26;
	v51 =	vld.idx.msk [tilespmem:v25+s31+$0x0 ss:$0x1], $0xffff  }
0x290: {  	v52 =	vld.idx.msk [tilespmem:v24+s3+$0x0 ss:$0x1], $0xffff  }
0x291: {  	v53 =	vld.idx.msk [tilespmem:v25+s3+$0x0 ss:$0x1], $0xffff;
	s29 =	sor.u32 $0x620, s26  }
0x292: {  	v54 =	vld.idx.msk [tilespmem:v24+s29+$0x0 ss:$0x1], $0xffff  }
0x293: {  	s30 =	sor.u32 $0x630, s26;
	v55 =	vld.idx.msk [tilespmem:v25+s29+$0x0 ss:$0x1], $0xffff  }
0x294: {  	v56 =	vld.idx.msk [tilespmem:v24+s30+$0x0 ss:$0x1], $0xffff  }
0x295: {  	s31 =	sor.u32 $0x650, s26;
	v57 =	vld.idx.msk [tilespmem:v25+s30+$0x0 ss:$0x1], $0xffff  }
0x296: {  	v58 =	vld.idx.msk [tilespmem:v24+s31+$0x0 ss:$0x1], $0xffff  }
0x297: {  	s3 =	sor.u32 $0x670, s26;
	v59 =	vld.idx.msk [tilespmem:v25+s31+$0x0 ss:$0x1], $0xffff  }
0x298: {  	v60 =	vld.idx.msk [tilespmem:v24+s3+$0x0 ss:$0x1], $0xffff  }
0x299: {  	v61 =	vld.idx.msk [tilespmem:v25+s3+$0x0 ss:$0x1], $0xffff;
	v31 =	vmul.f32 v51, v50;
	v62 =	vmul.f32 v53, v52  }
0x29a: {  	v63 =	vmul.f32 v55, v54;
	v36 =	vmul.f32 v57, v56  }
0x29b: {  	v29 =	vmul.f32 v49, v48  }
0x29c: {  	v40 =	vmul.f32 v59, v58;
	v37 =	vadd.f32 v63, v31;
	v38 =	vadd.f32 v36, v62  }
0x29d: {  	v27 =	vmul.f32 v47, v27  }
0x29e: {  	v45 =	vmul.f32 v61, v60;
	v43 =	vadd.f32 v29, v37;
	v44 =	vadd.f32 v40, v38;
	_ =	sdelay $0x1  }
0x29f: {  	v27 =	vadd.f32 v27, v43;
	v46 =	vadd.f32 v45, v44;
	_ =	sdelay $0x1  }
0x2a0: {  	v27 =	vadd.f32 v46, v27;
	_ =	sdelay $0x1  }
0x2a1: {  	s29 =	sor.u32 $0x6E0, s26;
	[tilespmem:s25+$0x184C0] =	vst v27  }
0x2a2: {  	v27 =	vld.idx.msk [tilespmem:v24+s29+$0x0 ss:$0x1], $0xffff  }
0x2a3: {  	s30 =	sor.u32 $0x6C0, s26;
	v47 =	vld.idx.msk [tilespmem:v25+s29+$0x0 ss:$0x1], $0xffff  }
0x2a4: {  	v48 =	vld.idx.msk [tilespmem:v24+s30+$0x0 ss:$0x1], $0xffff  }
0x2a5: {  	s31 =	sor.u32 $0x680, s26;
	v49 =	vld.idx.msk [tilespmem:v25+s30+$0x0 ss:$0x1], $0xffff  }
0x2a6: {  	v50 =	vld.idx.msk [tilespmem:v24+s31+$0x0 ss:$0x1], $0xffff  }
0x2a7: {  	s3 =	sor.u32 $0x690, s26;
	v51 =	vld.idx.msk [tilespmem:v25+s31+$0x0 ss:$0x1], $0xffff  }
0x2a8: {  	v52 =	vld.idx.msk [tilespmem:v24+s3+$0x0 ss:$0x1], $0xffff  }
0x2a9: {  	v53 =	vld.idx.msk [tilespmem:v25+s3+$0x0 ss:$0x1], $0xffff;
	s29 =	sor.u32 $0x6A0, s26  }
0x2aa: {  	v54 =	vld.idx.msk [tilespmem:v24+s29+$0x0 ss:$0x1], $0xffff  }
0x2ab: {  	s30 =	sor.u32 $0x6B0, s26;
	v55 =	vld.idx.msk [tilespmem:v25+s29+$0x0 ss:$0x1], $0xffff  }
0x2ac: {  	v56 =	vld.idx.msk [tilespmem:v24+s30+$0x0 ss:$0x1], $0xffff  }
0x2ad: {  	s31 =	sor.u32 $0x6D0, s26;
	v57 =	vld.idx.msk [tilespmem:v25+s30+$0x0 ss:$0x1], $0xffff  }
0x2ae: {  	v58 =	vld.idx.msk [tilespmem:v24+s31+$0x0 ss:$0x1], $0xffff  }
0x2af: {  	s3 =	sor.u32 $0x6F0, s26;
	v59 =	vld.idx.msk [tilespmem:v25+s31+$0x0 ss:$0x1], $0xffff  }
0x2b0: {  	v60 =	vld.idx.msk [tilespmem:v24+s3+$0x0 ss:$0x1], $0xffff  }
0x2b1: {  	v61 =	vld.idx.msk [tilespmem:v25+s3+$0x0 ss:$0x1], $0xffff;
	v31 =	vmul.f32 v51, v50;
	v62 =	vmul.f32 v53, v52  }
0x2b2: {  	v63 =	vmul.f32 v55, v54;
	v36 =	vmul.f32 v57, v56  }
0x2b3: {  	v29 =	vmul.f32 v49, v48  }
0x2b4: {  	v39 =	vmul.f32 v59, v58;
	v37 =	vadd.f32 v63, v31;
	v38 =	vadd.f32 v36, v62  }
0x2b5: {  	v27 =	vmul.f32 v47, v27  }
0x2b6: {  	v44 =	vmul.f32 v61, v60;
	v40 =	vadd.f32 v29, v37;
	v43 =	vadd.f32 v39, v38;
	_ =	sdelay $0x1  }
0x2b7: {  	v27 =	vadd.f32 v27, v40;
	v45 =	vadd.f32 v44, v43;
	_ =	sdelay $0x1  }
0x2b8: {  	v27 =	vadd.f32 v45, v27;
	_ =	sdelay $0x1  }
0x2b9: {  	s29 =	sor.u32 $0x760, s26;
	[tilespmem:s25+$0x184D0] =	vst v27  }
0x2ba: {  	v27 =	vld.idx.msk [tilespmem:v24+s29+$0x0 ss:$0x1], $0xffff  }
0x2bb: {  	s30 =	sor.u32 $0x740, s26;
	v46 =	vld.idx.msk [tilespmem:v25+s29+$0x0 ss:$0x1], $0xffff  }
0x2bc: {  	v47 =	vld.idx.msk [tilespmem:v24+s30+$0x0 ss:$0x1], $0xffff  }
0x2bd: {  	s31 =	sor.u32 $0x700, s26;
	v48 =	vld.idx.msk [tilespmem:v25+s30+$0x0 ss:$0x1], $0xffff  }
0x2be: {  	v49 =	vld.idx.msk [tilespmem:v24+s31+$0x0 ss:$0x1], $0xffff  }
0x2bf: {  	v50 =	vld.idx.msk [tilespmem:v25+s31+$0x0 ss:$0x1], $0xffff;
	s29 =	sor.u32 $0x710, s26  }
0x2c0: {  	v51 =	vld.idx.msk [tilespmem:v24+s29+$0x0 ss:$0x1], $0xffff  }
0x2c1: {  	s30 =	sor.u32 $0x720, s26;
	v52 =	vld.idx.msk [tilespmem:v25+s29+$0x0 ss:$0x1], $0xffff  }
0x2c2: {  	v53 =	vld.idx.msk [tilespmem:v24+s30+$0x0 ss:$0x1], $0xffff  }
0x2c3: {  	s31 =	sor.u32 $0x730, s26;
	v54 =	vld.idx.msk [tilespmem:v25+s30+$0x0 ss:$0x1], $0xffff  }
0x2c4: {  	v55 =	vld.idx.msk [tilespmem:v24+s31+$0x0 ss:$0x1], $0xffff  }
0x2c5: {  	s3 =	sor.u32 $0x750, s26;
	v56 =	vld.idx.msk [tilespmem:v25+s31+$0x0 ss:$0x1], $0xffff  }
0x2c6: {  	v57 =	vld.idx.msk [tilespmem:v24+s3+$0x0 ss:$0x1], $0xffff  }
0x2c7: {  	v58 =	vld.idx.msk [tilespmem:v25+s3+$0x0 ss:$0x1], $0xffff;
	s29 =	sor.u32 $0x770, s26  }
0x2c8: {  	v59 =	vld.idx.msk [tilespmem:v24+s29+$0x0 ss:$0x1], $0xffff  }
0x2c9: {  	v60 =	vld.idx.msk [tilespmem:v25+s29+$0x0 ss:$0x1], $0xffff;
	v31 =	vmul.f32 v50, v49;
	v61 =	vmul.f32 v52, v51  }
0x2ca: {  	v62 =	vmul.f32 v54, v53;
	v63 =	vmul.f32 v56, v55  }
0x2cb: {  	v29 =	vmul.f32 v48, v47  }
0x2cc: {  	v38 =	vmul.f32 v58, v57;
	v36 =	vadd.f32 v62, v31;
	v37 =	vadd.f32 v63, v61  }
0x2cd: {  	v27 =	vmul.f32 v46, v27  }
0x2ce: {  	v42 =	vmul.f32 v60, v59;
	v39 =	vadd.f32 v29, v36;
	v40 =	vadd.f32 v38, v37;
	_ =	sdelay $0x1  }
0x2cf: {  	v27 =	vadd.f32 v27, v39;
	v43 =	vadd.f32 v42, v40;
	_ =	sdelay $0x1  }
0x2d0: {  	v27 =	vadd.f32 v43, v27;
	_ =	sdelay $0x1  }
0x2d1: {  	s30 =	sor.u32 $0x7E0, s26;
	[tilespmem:s25+$0x184E0] =	vst v27  }
0x2d2: {  	v27 =	vld.idx.msk [tilespmem:v24+s30+$0x0 ss:$0x1], $0xffff  }
0x2d3: {  	s31 =	sor.u32 $0x7C0, s26;
	v28 =	vld.idx.msk [tilespmem:v25+s30+$0x0 ss:$0x1], $0xffff  }
0x2d4: {  	v44 =	vld.idx.msk [tilespmem:v24+s31+$0x0 ss:$0x1], $0xffff  }
0x2d5: {  	s29 =	sor.u32 $0x780, s26;
	v45 =	vld.idx.msk [tilespmem:v25+s31+$0x0 ss:$0x1], $0xffff  }
0x2d6: {  	v46 =	vld.idx.msk [tilespmem:v24+s29+$0x0 ss:$0x1], $0xffff  }
0x2d7: {  	s3 =	sor.u32 $0x7B0, s26;
	v47 =	vld.idx.msk [tilespmem:v25+s29+$0x0 ss:$0x1], $0xffff  }
0x2d8: {  	v52 =	vld.idx.msk [tilespmem:v24+s3+$0x0 ss:$0x1], $0xffff  }
0x2d9: {  	s30 =	sor.u32 $0x790, s26;
	v53 =	vld.idx.msk [tilespmem:v25+s3+$0x0 ss:$0x1], $0xffff  }
0x2da: {  	v48 =	vld.idx.msk [tilespmem:v24+s30+$0x0 ss:$0x1], $0xffff  }
0x2db: {  	s31 =	sor.u32 $0x7A0, s26;
	v49 =	vld.idx.msk [tilespmem:v25+s30+$0x0 ss:$0x1], $0xffff  }
0x2dc: {  	v50 =	vld.idx.msk [tilespmem:v24+s31+$0x0 ss:$0x1], $0xffff  }
0x2dd: {  	s29 =	sor.u32 $0x7D0, s26;
	v51 =	vld.idx.msk [tilespmem:v25+s31+$0x0 ss:$0x1], $0xffff  }
0x2de: {  	v54 =	vld.idx.msk [tilespmem:v24+s29+$0x0 ss:$0x1], $0xffff  }
0x2df: {  	v55 =	vld.idx.msk [tilespmem:v25+s29+$0x0 ss:$0x1], $0xffff;
	s30 =	sor.u32 $0x7F0, s26  }
0x2e0: {  	v56 =	vld.idx.msk [tilespmem:v24+s30+$0x0 ss:$0x1], $0xffff  }
0x2e1: {  	v57 =	vld.idx.msk [tilespmem:v25+s30+$0x0 ss:$0x1], $0xffff;
	v31 =	vmul.f32 v47, v46;
	v60 =	vmul.f32 v53, v52  }
0x2e2: {  	v58 =	vmul.f32 v49, v48;
	v59 =	vmul.f32 v51, v50  }
0x2e3: {  	v29 =	vmul.f32 v45, v44  }
0x2e4: {  	v63 =	vmul.f32 v55, v54;
	v61 =	vadd.f32 v59, v31;
	v62 =	vadd.f32 v60, v58  }
0x2e5: {  	v27 =	vmul.f32 v28, v27  }
0x2e6: {  	v24 =	vmul.f32 v57, v56;
	v36 =	vadd.f32 v29, v61;
	v37 =	vadd.f32 v63, v62  }
0x2e7: {  	v38 =	vor.u32 s25, v0  }
0x2e8: {  	v25 =	vand.u32 v1, v38;
	v27 =	vadd.f32 v27, v36;
	v24 =	vadd.f32 v24, v37  }
0x2e9: {  	v39 =	vor.u32 s25, v2;
	v40 =	vor.u32 s25, v3  }
0x2ea: {  	v41 =	vand.u32 v4, v40;
	v24 =	vadd.f32 v24, v27  }
0x2eb: {  	v42 =	vor.u32 s25, v5;
	v43 =	vor.u32 s25, v6  }
0x2ec: {  	v44 =	vand.u32 v7, v43;
	[tilespmem:s25+$0x184F0] =	vst v24  }
0x2ed: {  	v45 =	vor.u32 s25, v8;
	v46 =	vor.u32 s25, v9;
	v25 =	vld.idx.msk [tilespmem:v25+s20+$0x0], $0xffff  }
0x2ee: {  	v31 =	vand.u32 v10, v46;
	v28 =	vld.idx.msk [tilespmem:v39+s20+$0x0], $0xffff  }
0x2ef: {  	v47 =	vor.u32 s25, v11;
	v48 =	vor.u32 s25, v12;
	v27 =	vld.idx.msk [tilespmem:v41+s20+$0x0], $0xffff  }
0x2f0: {  	v33 =	vand.u32 v13, v48;
	v29 =	vld.idx.msk [tilespmem:v42+s20+$0x0], $0xffff  }
0x2f1: {  	v49 =	vor.u32 s25, v15;
	v50 =	vor.u32 s25, v14;
	v24 =	vld.idx.msk [tilespmem:v44+s20+$0x0], $0xffff  }
0x2f2: {  	v34 =	vand.u32 v16, v49;
	v30 =	vld.idx.msk [tilespmem:v45+s20+$0x0], $0xffff  }
0x2f3: {  	v52 =	vor.u32 s25, v17;
	v51 =	vor.u32 s25, v18;
	v31 =	vld.idx.msk [tilespmem:v31+s20+$0x0], $0xffff  }
0x2f4: {  	v36 =	vand.u32 v19, v51;
	v32 =	vld.idx.msk [tilespmem:v47+s20+$0x0], $0xffff  }
0x2f5: {  	v54 =	vor.u32 s25, v20;
	v33 =	vld.idx.msk [tilespmem:v33+s20+$0x0], $0xffff;
	v25 =	vadd.f32 v27, v25;
	v55 =	vadd.f32 v29, v28  }
0x2f6: {  	v53 =	vor.u32 s25, v21;
	v58 =	vor.u32 s25, v23;
	v56 =	vld.idx.msk [tilespmem:v50+s20+$0x0], $0xffff  }
0x2f7: {  	v57 =	vand.u32 v22, v53;
	v34 =	vld.idx.msk [tilespmem:v34+s20+$0x0], $0xffff;
	v24 =	vadd.f32 v24, v25;
	v59 =	vadd.f32 v30, v55  }
0x2f8: {  	v60 =	vld.idx.msk [tilespmem:v52+s20+$0x0], $0xffff  }
0x2f9: {  	v61 =	vld.idx.msk [tilespmem:v36+s20+$0x0], $0xffff;
	v24 =	vadd.f32 v31, v24;
	v25 =	vadd.f32 v32, v59  }
0x2fa: {  	v62 =	vld.idx.msk [tilespmem:v54+s20+$0x0], $0xffff  }
0x2fb: {  	v63 =	vld.idx.msk [tilespmem:v58+s20+$0x0], $0xffff;
	v24 =	vadd.f32 v33, v24;
	v25 =	vadd.f32 v56, v25  }
0x2fc: {  	v29 =	vld.idx.msk [tilespmem:v57+s20+$0x0], $0xffff  }
0x2fd: {  	v24 =	vadd.f32 v34, v24;
	v25 =	vadd.f32 v60, v25;
	_ =	sdelay $0x1  }
0x2fe: {  	v24 =	vadd.f32 v61, v24;
	v25 =	vadd.f32 v62, v25;
	_ =	sdelay $0x1  }
0x2ff: {  	v24 =	vadd.f32 v29, v24;
	v25 =	vadd.f32 v63, v25;
	_ =	sdelay $0x1  }
0x300: {  	s31 =	sshll.u32 s28, $0x4;
	v24 =	vadd.f32 v25, v24  }
0x301: {  	s0 =	sand.u32 $0x3FFFFFF0, s31  }
0x302: {  	[tilespmem:v26+s0+$0x0 ss:$0x1] =	vst.idx.msk $0xffff, v24  }
0x303: {  	p0 =	seq.s32 s24, $0x4  }
.Ltmp1:
0x304: {  	_ = 	snop;
	(pc) =	sbr.rel @!p0 .LBB2_3-.Ltmp1, $1  }
0x305: {  	_ =	sdelay $0x3  }
0x306: {  	s23 =	sadd.s32 $0x1, s23  }
0x307: {  	p0 =	sne.s32 s23, s8  }
.Ltmp2:
0x308: {  	_ = 	snop;
	(pc) =	sbr.rel @p0 .LBB2_1-.Ltmp2, $4  }
0x309: {  	[hbm4b:s7+s4] =	stream.linear.scatter [tilespmem:s21], [sflag:$0x3], $0x200, $0x38;
	[tilespmem:$0x18E00] =	vst v63  }
0x30a: {  	_ =	swait.ge [sflag:s22], $0x200  }
0x30b: {  	[sflag:s22] =	ssyncset.done $0x0  }
0x30c: {  	[sflag:s22] =	ssyncadd.s32 $0xFFFFFE00  }
0x30d: {  	_ =	sfence.sel $0x180000  }
0x30e: {  	[bflag:$0x0] =	sbarrier.arrive $0xFFFF  }
0x30f: {  	_ =	strace $0x90000047  }
0x310: {  	s0 =	stileid.u32;
	[bflag:$0x2] =	sbarrier.arrive $0xFFFF  }
0x311: {  	p0 =	sne.s32 s0, $0x0;
	s0 =	rddreg [dreg:$0x5]  }
0x312: {  	s0 =	sadd.s32 @!p0 $0x100000, s0  }
0x313: {  	[sflag:s0] =	ssyncadd.tile.s32 @!p0 $0x1;
	_ =	shalt  }
.Lfunc_end2:
_tile_overlayer_lowered:
.L_overlay_start_2:
0x314: {  	(tag) =	ssettag $0x2  }
0x315: {  	s0 =	rddreg [dreg:$0x0];
	s2 =	stileid.u32  }
0x316: {  	s1 =	rddreg [dreg:$0x1];
	p0 =	sne.s32 s2, $0x0  }
0x317: {  	s3 =	rddreg [dreg:$0x2];
	[bflag:$0x3] =	sbarrier.arrive $0xFFFF;
	s2 =	simm.s32 @!p0 $0x1C03  }
0x318: {  	[timem:s3], [sflag:s2] =	dma.local @!p0 [hbm:s0], s1  }
0x319: {  	s0 =	simm.s32 @!p0 $0x3  }
0x31a: {  	_ =	swait.ge @!p0 [sflag:s0], s1  }
0x31b: {  	s1 =	ssub.s32 @!p0 $0x0, s1;
	[sflag:s0] =	ssyncset.done @!p0 $0x0  }
0x31c: {  	[sflag:s0] =	ssyncadd.s32 @!p0 s1  }
0x31d: {  	[bflag:$0x3] =	sbarrier.arrive $0xFFFF  }
0x31e: {  	_ =	shalt  }

</sc_bundles>
